<compile_context>
chip_gen: v7x
topology: tpu7x:2x2x1
jax: 0.10.2.dev20260603
libtpu: 0.0.44.dev20260713+nightly
codegen_flags: <defaults>
</compile_context>

<pallas_src>
import functools
import math

import jax
import jax.numpy as jnp
from jax import lax
from jax.experimental import pallas as pl
from jax.experimental.pallas import tpu as pltpu
from jax.experimental.pallas import tpu_sc as plsc

_SIZE = 100000
_PADDING_IDX = 0
_LABEL_SMOOTHING = 0.1
_SV = _LABEL_SMOOTHING / (_SIZE - 2)
_CONF = 1.0 - _LABEL_SMOOTHING
_C0 = (_SIZE - 2) * _SV * math.log(_SV) + _CONF * math.log(_CONF)

_N = 1024
_BLOCK_V = 2000
_NUM_BLOCKS = _SIZE // _BLOCK_V

_NC = 2
_NS = 16
_NW = _NC * _NS
_ROWS_PER_W = _N // _NW
_VECS_PER_W = _ROWS_PER_W // 16


def _tc_body(x_ref, t_ref, out_ref):
    k = pl.program_id(0)
    x = x_ref[...]
    t = t_ref[...]
    mask = (t != _PADDING_IDX).astype(jnp.float32)

    @pl.when(k == 0)
    def _first():
        csum = jnp.sum(x, axis=0, keepdims=True) - x[0:1, :]
        partial = jnp.sum(csum * mask, axis=(0, 1), keepdims=True)
        cnt = jnp.sum(mask, axis=(0, 1), keepdims=True)
        out_ref[0] = _C0 * cnt - _SV * partial

    @pl.when(k != 0)
    def _rest():
        csum = jnp.sum(x, axis=0, keepdims=True)
        partial = jnp.sum(csum * mask, axis=(0, 1), keepdims=True)
        out_ref[0] = -_SV * partial


def _tc_partials(xt, trow):
    return pl.pallas_call(
        _tc_body,
        grid=(_NUM_BLOCKS,),
        in_specs=[
            pl.BlockSpec((_BLOCK_V, _N), lambda k: (k, 0)),
            pl.BlockSpec((1, _N), lambda k: (0, 0)),
        ],
        out_specs=pl.BlockSpec((1, 1, 1), lambda k: (k, 0, 0)),
        out_shape=jax.ShapeDtypeStruct((_NUM_BLOCKS, 1, 1), jnp.float32),
        compiler_params=pltpu.CompilerParams(
            dimension_semantics=("parallel",),
        ),
    )(xt, trow)


def _sc_gather_body(x_hbm, tgt_hbm, out_hbm, t_v, tile_v, obuf_v, sem):
    wid = lax.axis_index("s") * _NC + lax.axis_index("c")
    base = wid * _ROWS_PER_W
    pltpu.sync_copy(tgt_hbm.at[pl.ds(base, _ROWS_PER_W)], t_v)
    copies = []
    scalars = []
    for c in range(_VECS_PER_W):
        t16 = t_v[pl.ds(c * 16, 16)]
        for l in range(16):
            r = c * 16 + l
            t_r = t16[l]
            trow0 = pl.multiple_of(t_r - jnp.bitwise_and(t_r, 7), 8)
            col0 = pl.multiple_of((base + r) - (base + r) % 128, 128)
            scalars.append(t_r)
            copies.append(pltpu.async_copy(
                x_hbm.at[pl.ds(trow0, 8), pl.ds(col0, 128)],
                tile_v.at[r], sem))
    for cp in copies:
        cp.wait()
    for r in range(_ROWS_PER_W):
        t_r = scalars[r]
        s_dyn = jnp.bitwise_and(t_r, 7)
        a = ((base + r) % 128) - ((base + r) % 16)
        obuf_v[r] = tile_v[r, s_dyn, pl.ds(a, 16)]
    pltpu.sync_copy(obuf_v, out_hbm.at[pl.ds(base, _ROWS_PER_W)])


def _sc_gather(xt, t32):
    tgt = t32.reshape(_N)
    mesh = plsc.VectorSubcoreMesh(core_axis_name="c", subcore_axis_name="s")
    f = functools.partial(
        pl.kernel,
        mesh=mesh,
        out_type=jax.ShapeDtypeStruct((_N, 16), jnp.float32),
        scratch_types=[
            pltpu.VMEM((_ROWS_PER_W,), jnp.int32),
            pltpu.VMEM((_ROWS_PER_W, 8, 128), jnp.float32),
            pltpu.VMEM((_ROWS_PER_W, 16), jnp.float32),
            pltpu.SemaphoreType.DMA,
        ],
    )(_sc_gather_body)
    return f(xt, tgt)


def _comb_body(g_ref, t_ref, out_ref):
    t = t_ref[...]
    mask = (t != _PADDING_IDX).astype(jnp.float32)
    g = g_ref[...]
    rows = jax.lax.broadcasted_iota(jnp.int32, g.shape, 0)
    lanes = jax.lax.broadcasted_iota(jnp.int32, g.shape, 1)
    sel = (lanes == rows % 16).astype(jnp.float32)
    o_t = jnp.sum(g * sel, axis=1, keepdims=True)
    out_ref[...] = (_SV - _CONF) * jnp.sum(
        o_t * mask, axis=(0, 1), keepdims=True)


def _combine(gathered, t32):
    return pl.pallas_call(
        _comb_body,
        grid=(1,),
        in_specs=[
            pl.BlockSpec((_N, 16), lambda k: (0, 0)),
            pl.BlockSpec((_N, 1), lambda k: (0, 0)),
        ],
        out_specs=pl.BlockSpec((1, 1), lambda k: (0, 0)),
        out_shape=jax.ShapeDtypeStruct((1, 1), jnp.float32),
    )(gathered, t32)


@jax.jit
def kernel(output, target):
    t32 = target.astype(jnp.int32)
    xt = output.T
    trow = t32.reshape(1, _N)
    gathered = _sc_gather(xt, t32)
    tc = _tc_partials(xt, trow)
    comb = _combine(gathered, t32)
    return jnp.sum(tc) + comb[0, 0]

# --- scband reference (transcript-rebuilt; emitter-appended) ---
"""Pipeline reference for scband-label-smoothing-22187801051472 (READ-ONLY COPY).

The authoritative reference and input builder live on the scoring server;
editing this copy changes nothing except your own understanding.
"""

import jax, jax.numpy as jnp
import numpy as np

SIZE = 100000
PADDING_IDX = 0
LABEL_SMOOTHING = 0.1
SMOOTHING_VALUE = LABEL_SMOOTHING / (SIZE - 2)
CONFIDENCE = 1.0 - LABEL_SMOOTHING


def setup_inputs(seed: int = 0) -> dict:
    key = jax.random.key(seed)
    k1, k2 = jax.random.split(key)
    # output: log-probabilities [N, vocab] (kl_div input is expected in log-space)
    output = jax.random.normal(k1, (1024, SIZE), dtype=jnp.float32)
    output = jax.nn.log_softmax(output, axis=-1)
    target = jax.random.randint(k2, (1024, 1), 0, SIZE, dtype=jnp.int64)
    return {"output": output, "target": target}


def reference(output, target):
    n = target.shape[0]
    real_size = output.shape[1]
    if real_size > SIZE:
        real_size -= SIZE
    else:
        real_size = 0
    # one_hot template: smoothing_value everywhere, 0 at padding_idx
    model_prob = jnp.full((n, SIZE), SMOOTHING_VALUE, dtype=jnp.float32)
    model_prob = model_prob.at[:, PADDING_IDX].set(0.0)
    if real_size > 0:
        ext = jnp.full((n, real_size), SMOOTHING_VALUE, dtype=jnp.float32)
        model_prob = jnp.concatenate([model_prob, ext], axis=-1)
    # scatter_(1, target, confidence): model_prob[i, target[i,0]] = confidence
    rows = jnp.arange(n)
    model_prob = model_prob.at[rows, target[:, 0]].set(CONFIDENCE)
    # masked_fill_(target == padding_idx, 0.0): zero entire row where target is pad
    model_prob = jnp.where(target == PADDING_IDX, 0.0, model_prob)
    # F.kl_div(output, model_prob, reduction='sum') = sum t*(log t - input), 0 where t==0
    kl = jnp.where(model_prob > 0, model_prob * (jnp.log(jnp.where(model_prob > 0, model_prob, 1.0)) - output), 0.0)
    return jnp.sum(kl)

if __name__ == "__main__":
    import jax
    _d = setup_inputs()
    print(jax.jit(kernel)(*tuple(_d.values())))

</pallas_src>

<mosaic_0001>
#map = affine_map<(d0, d1) -> (0, 0)>
#map1 = affine_map<(d0, d1) -> (0)>
module attributes {stable_mosaic.version = 14 : i64} {
  func.func @_sc_gather_body(%arg0: i32, %arg1: i32, %arg2: memref<100000x1024xf32, #tpu.memory_space<hbm>>, %arg3: memref<1024xi32, #tpu.memory_space<hbm>>, %arg4: memref<1024x16xf32, #tpu.memory_space<hbm>>, %arg5: memref<32xi32, #tpu.memory_space<vmem>>, %arg6: memref<32x8x128xf32, #tpu.memory_space<vmem>>, %arg7: memref<32x16xf32, #tpu.memory_space<vmem>>, %arg8: memref<!tpu.dma_semaphore, #tpu.memory_space<semaphore_mem>>) attributes {dimension_semantics = [#tpu.dimension_semantics<core_parallel>, #tpu.dimension_semantics<subcore_parallel>], iteration_bounds = array<i64: 2, 16>, scalar_prefetch = 0 : i64, scratch_operands = 4 : i64, tpu.core_type = #tpu.core_type<sc_vector_subcore>, window_params = [{transform_indices = #map}, {transform_indices = #map1}, {transform_indices = #map}]} {
    %mul3A = arith.constant 2 : i32
    %mul3A_0 = arith.muli %arg1, %mul3A : i32
    %add3A = arith.addi %mul3A_0, %arg0 : i32
    %mul3A_1 = arith.constant 32 : i32
    %mul3A_2 = arith.muli %add3A, %mul3A_1 : i32
    "tpu.region"() ({
      %run_scoped3A = tpu.sem_alloc : memref<!tpu.dma_semaphore, #tpu.memory_space<semaphore_mem>>
      %dma_start3A_3226 = tpu.memref_slice %arg3[%mul3A_2] : memref<1024xi32, #tpu.memory_space<hbm>> -> memref<32xi32, #tpu.memory_space<hbm>>
      %dma_start3A_3227 = tpu.memref_slice %arg3[%mul3A_2] : memref<1024xi32, #tpu.memory_space<hbm>> -> memref<32xi32, #tpu.memory_space<hbm>>
      tpu.enqueue_dma source(%dma_start3A_3227 : memref<32xi32, #tpu.memory_space<hbm>>) target(%arg5 : memref<32xi32, #tpu.memory_space<vmem>>) target_semaphore(%run_scoped3A : memref<!tpu.dma_semaphore, #tpu.memory_space<semaphore_mem>>)
      %dma_wait3A_3228 = tpu.memref_slice %arg3[%mul3A_2] : memref<1024xi32, #tpu.memory_space<hbm>> -> memref<32xi32, #tpu.memory_space<hbm>>
      %dma_wait3A_3229 = tpu.memref_slice %arg3[%mul3A_2] : memref<1024xi32, #tpu.memory_space<hbm>> -> memref<32xi32, #tpu.memory_space<hbm>>
      tpu.wait_dma2 semaphore(%run_scoped3A : memref<!tpu.dma_semaphore, #tpu.memory_space<semaphore_mem>>) src(%dma_wait3A_3229 : memref<32xi32, #tpu.memory_space<hbm>>) dst(%arg5 : memref<32xi32, #tpu.memory_space<vmem>>)
      tpu.yield
    }) : () -> ()
    %get3A = arith.constant 0 : index
    %get3A_3 = tpu.vector_load %arg5[%get3A] {strides = array<i32>} : memref<32xi32, #tpu.memory_space<vmem>>, vector<16xi32>,
    %get3A_4 = vector.shape_cast %get3A_3 : vector<16xi32> to vector<16xi32>
    %slice3A = vector.extract_strided_slice %get3A_4 {offsets = [0], sizes = [1], strides = [1]} : vector<16xi32> to vector<1xi32>
    %squeeze3A = vector.extract %slice3A[0] : i32 from vector<1xi32>
    %and3A = arith.constant 7 : i32
    %and3A_5 = arith.andi %squeeze3A, %and3A : i32
    %sub3A = arith.subi %squeeze3A, %and3A_5 : i32
    %multiple_of3A = tpu.assume_multiple %sub3A, 8 : i32
    %add3A_6 = arith.constant 0 : i32
    %add3A_7 = arith.addi %mul3A_2, %add3A_6 : i32
    %add3A_8 = arith.constant 0 : i32
    %add3A_9 = arith.addi %mul3A_2, %add3A_8 : i32
    %jit3A = arith.constant 128 : i32
    %eq3A = arith.constant 0 : i32
    %eq3A_10 = arith.cmpi eq, %jit3A, %eq3A : i32
    %jit3A_11 = arith.constant 1 : i32
    %select_n3A = arith.select %eq3A_10, %jit3A_11, %jit3A : i32
    %rem3A = arith.remsi %add3A_9, %select_n3A : i32
    %ne3A = arith.constant 0 : i32
    %ne3A_12 = arith.cmpi ne, %rem3A, %ne3A : i32
    %lt3A = arith.constant 0 : i32
    %lt3A_13 = arith.cmpi slt, %rem3A, %lt3A : i32
    %lt3A_14 = arith.constant 0 : i32
    %lt3A_15 = arith.cmpi slt, %select_n3A, %lt3A_14 : i32
    %ne3A_16 = arith.xori %lt3A_13, %lt3A_15 : i1
    %and3A_17 = arith.andi %ne3A_16, %ne3A_12 : i1
    %add3A_18 = arith.addi %rem3A, %select_n3A : i32
    %select_n3A_19 = arith.select %and3A_17, %add3A_18, %rem3A : i32
    %sub3A_20 = arith.subi %add3A_7, %select_n3A_19 : i32
    %multiple_of3A_21 = tpu.assume_multiple %sub3A_20, 128 : i32
    %dma_start3A = arith.constant 0 : i32
    %dma_start3A_22 = arith.constant 0 : i32
    %dma_start3A_23 = arith.constant 0 : i32
    %dma_start3A_24 = tpu.memref_slice %arg6[%dma_start3A, %dma_start3A_22, %dma_start3A_23] : memref<32x8x128xf32, #tpu.memory_space<vmem>> -> memref<1x8x128xf32, #tpu.memory_space<vmem>>
    %dma_start3A_25 = tpu.memref_squeeze %dma_start3A_24 : memref<1x8x128xf32, #tpu.memory_space<vmem>> -> memref<8x128xf32, #tpu.memory_space<vmem>>
    %dma_start3A_26 = tpu.memref_slice %arg2[%multiple_of3A, %multiple_of3A_21] : memref<100000x1024xf32, #tpu.memory_space<hbm>> -> memref<8x128xf32, #tpu.memory_space<hbm>>
    %dma_start3A_27 = arith.constant 0 : i32
    %dma_start3A_28 = arith.constant 0 : i32
    %dma_start3A_29 = tpu.memref_slice %arg6[%dma_start3A, %dma_start3A_27, %dma_start3A_28] : memref<32x8x128xf32, #tpu.memory_space<vmem>> -> memref<1x8x128xf32, #tpu.memory_space<vmem>>
    %dma_start3A_30 = tpu.memref_squeeze %dma_start3A_29 : memref<1x8x128xf32, #tpu.memory_space<vmem>> -> memref<8x128xf32, #tpu.memory_space<vmem>>
    %dma_start3A_31 = tpu.memref_slice %arg2[%multiple_of3A, %multiple_of3A_21] : memref<100000x1024xf32, #tpu.memory_space<hbm>> -> memref<8x128xf32, #tpu.memory_space<hbm>>
    tpu.enqueue_dma source(%dma_start3A_31 : memref<8x128xf32, #tpu.memory_space<hbm>>) target(%dma_start3A_30 : memref<8x128xf32, #tpu.memory_space<vmem>>) target_semaphore(%arg8 : memref<!tpu.dma_semaphore, #tpu.memory_space<semaphore_mem>>)
    %slice3A_32 = vector.extract_strided_slice %get3A_4 {offsets = [1], sizes = [1], strides = [1]} : vector<16xi32> to vector<1xi32>
    %squeeze3A_33 = vector.extract %slice3A_32[0] : i32 from vector<1xi32>
    %and3A_34 = arith.constant 7 : i32
    %and3A_35 = arith.andi %squeeze3A_33, %and3A_34 : i32
    %sub3A_36 = arith.subi %squeeze3A_33, %and3A_35 : i32
    %multiple_of3A_37 = tpu.assume_multiple %sub3A_36, 8 : i32
    %add3A_38 = arith.constant 1 : i32
    %add3A_39 = arith.addi %mul3A_2, %add3A_38 : i32
    %add3A_40 = arith.constant 1 : i32
    %add3A_41 = arith.addi %mul3A_2, %add3A_40 : i32
    %jit3A_42 = arith.constant 128 : i32
    %eq3A_43 = arith.constant 0 : i32
    %eq3A_44 = arith.cmpi eq, %jit3A_42, %eq3A_43 : i32
    %jit3A_45 = arith.constant 1 : i32
    %select_n3A_46 = arith.select %eq3A_44, %jit3A_45, %jit3A_42 : i32
    %rem3A_47 = arith.remsi %add3A_41, %select_n3A_46 : i32
    %ne3A_48 = arith.constant 0 : i32
    %ne3A_49 = arith.cmpi ne, %rem3A_47, %ne3A_48 : i32
    %lt3A_50 = arith.constant 0 : i32
    %lt3A_51 = arith.cmpi slt, %rem3A_47, %lt3A_50 : i32
    %lt3A_52 = arith.constant 0 : i32
    %lt3A_53 = arith.cmpi slt, %select_n3A_46, %lt3A_52 : i32
    %ne3A_54 = arith.xori %lt3A_51, %lt3A_53 : i1
    %and3A_55 = arith.andi %ne3A_54, %ne3A_49 : i1
    %add3A_56 = arith.addi %rem3A_47, %select_n3A_46 : i32
    %select_n3A_57 = arith.select %and3A_55, %add3A_56, %rem3A_47 : i32
    %sub3A_58 = arith.subi %add3A_39, %select_n3A_57 : i32
    %multiple_of3A_59 = tpu.assume_multiple %sub3A_58, 128 : i32
    %dma_start3A_60 = arith.constant 1 : i32
    %dma_start3A_61 = arith.constant 0 : i32
    %dma_start3A_62 = arith.constant 0 : i32
    %dma_start3A_63 = tpu.memref_slice %arg6[%dma_start3A_60, %dma_start3A_61, %dma_start3A_62] : memref<32x8x128xf32, #tpu.memory_space<vmem>> -> memref<1x8x128xf32, #tpu.memory_space<vmem>>
    %dma_start3A_64 = tpu.memref_squeeze %dma_start3A_63 : memref<1x8x128xf32, #tpu.memory_space<vmem>> -> memref<8x128xf32, #tpu.memory_space<vmem>>
    %dma_start3A_65 = tpu.memref_slice %arg2[%multiple_of3A_37, %multiple_of3A_59] : memref<100000x1024xf32, #tpu.memory_space<hbm>> -> memref<8x128xf32, #tpu.memory_space<hbm>>
    %dma_start3A_66 = arith.constant 0 : i32
    %dma_start3A_67 = arith.constant 0 : i32
    %dma_start3A_68 = tpu.memref_slice %arg6[%dma_start3A_60, %dma_start3A_66, %dma_start3A_67] : memref<32x8x128xf32, #tpu.memory_space<vmem>> -> memref<1x8x128xf32, #tpu.memory_space<vmem>>
    %dma_start3A_69 = tpu.memref_squeeze %dma_start3A_68 : memref<1x8x128xf32, #tpu.memory_space<vmem>> -> memref<8x128xf32, #tpu.memory_space<vmem>>
    %dma_start3A_70 = tpu.memref_slice %arg2[%multiple_of3A_37, %multiple_of3A_59] : memref<100000x1024xf32, #tpu.memory_space<hbm>> -> memref<8x128xf32, #tpu.memory_space<hbm>>
    tpu.enqueue_dma source(%dma_start3A_70 : memref<8x128xf32, #tpu.memory_space<hbm>>) target(%dma_start3A_69 : memref<8x128xf32, #tpu.memory_space<vmem>>) target_semaphore(%arg8 : memref<!tpu.dma_semaphore, #tpu.memory_space<semaphore_mem>>)
    %slice3A_71 = vector.extract_strided_slice %get3A_4 {offsets = [2], sizes = [1], strides = [1]} : vector<16xi32> to vector<1xi32>
    %squeeze3A_72 = vector.extract %slice3A_71[0] : i32 from vector<1xi32>
    %and3A_73 = arith.constant 7 : i32
    %and3A_74 = arith.andi %squeeze3A_72, %and3A_73 : i32
    %sub3A_75 = arith.subi %squeeze3A_72, %and3A_74 : i32
    %multiple_of3A_76 = tpu.assume_multiple %sub3A_75, 8 : i32
    %add3A_77 = arith.constant 2 : i32
    %add3A_78 = arith.addi %mul3A_2, %add3A_77 : i32
    %add3A_79 = arith.constant 2 : i32
    %add3A_80 = arith.addi %mul3A_2, %add3A_79 : i32
    %jit3A_81 = arith.constant 128 : i32
    %eq3A_82 = arith.constant 0 : i32
    %eq3A_83 = arith.cmpi eq, %jit3A_81, %eq3A_82 : i32
    %jit3A_84 = arith.constant 1 : i32
    %select_n3A_85 = arith.select %eq3A_83, %jit3A_84, %jit3A_81 : i32
    %rem3A_86 = arith.remsi %add3A_80, %select_n3A_85 : i32
    %ne3A_87 = arith.constant 0 : i32
    %ne3A_88 = arith.cmpi ne, %rem3A_86, %ne3A_87 : i32
    %lt3A_89 = arith.constant 0 : i32
    %lt3A_90 = arith.cmpi slt, %rem3A_86, %lt3A_89 : i32
    %lt3A_91 = arith.constant 0 : i32
    %lt3A_92 = arith.cmpi slt, %select_n3A_85, %lt3A_91 : i32
    %ne3A_93 = arith.xori %lt3A_90, %lt3A_92 : i1
    %and3A_94 = arith.andi %ne3A_93, %ne3A_88 : i1
    %add3A_95 = arith.addi %rem3A_86, %select_n3A_85 : i32
    %select_n3A_96 = arith.select %and3A_94, %add3A_95, %rem3A_86 : i32
    %sub3A_97 = arith.subi %add3A_78, %select_n3A_96 : i32
    %multiple_of3A_98 = tpu.assume_multiple %sub3A_97, 128 : i32
    %dma_start3A_99 = arith.constant 2 : i32
    %dma_start3A_100 = arith.constant 0 : i32
    %dma_start3A_101 = arith.constant 0 : i32
    %dma_start3A_102 = tpu.memref_slice %arg6[%dma_start3A_99, %dma_start3A_100, %dma_start3A_101] : memref<32x8x128xf32, #tpu.memory_space<vmem>> -> memref<1x8x128xf32, #tpu.memory_space<vmem>>
    %dma_start3A_103 = tpu.memref_squeeze %dma_start3A_102 : memref<1x8x128xf32, #tpu.memory_space<vmem>> -> memref<8x128xf32, #tpu.memory_space<vmem>>
    %dma_start3A_104 = tpu.memref_slice %arg2[%multiple_of3A_76, %multiple_of3A_98] : memref<100000x1024xf32, #tpu.memory_space<hbm>> -> memref<8x128xf32, #tpu.memory_space<hbm>>
    %dma_start3A_105 = arith.constant 0 : i32
    %dma_start3A_106 = arith.constant 0 : i32
    %dma_start3A_107 = tpu.memref_slice %arg6[%dma_start3A_99, %dma_start3A_105, %dma_start3A_106] : memref<32x8x128xf32, #tpu.memory_space<vmem>> -> memref<1x8x128xf32, #tpu.memory_space<vmem>>
    %dma_start3A_108 = tpu.memref_squeeze %dma_start3A_107 : memref<1x8x128xf32, #tpu.memory_space<vmem>> -> memref<8x128xf32, #tpu.memory_space<vmem>>
    %dma_start3A_109 = tpu.memref_slice %arg2[%multiple_of3A_76, %multiple_of3A_98] : memref<100000x1024xf32, #tpu.memory_space<hbm>> -> memref<8x128xf32, #tpu.memory_space<hbm>>
    tpu.enqueue_dma source(%dma_start3A_109 : memref<8x128xf32, #tpu.memory_space<hbm>>) target(%dma_start3A_108 : memref<8x128xf32, #tpu.memory_space<vmem>>) target_semaphore(%arg8 : memref<!tpu.dma_semaphore, #tpu.memory_space<semaphore_mem>>)
    %slice3A_110 = vector.extract_strided_slice %get3A_4 {offsets = [3], sizes = [1], strides = [1]} : vector<16xi32> to vector<1xi32>
    %squeeze3A_111 = vector.extract %slice3A_110[0] : i32 from vector<1xi32>
    %and3A_112 = arith.constant 7 : i32
    %and3A_113 = arith.andi %squeeze3A_111, %and3A_112 : i32
    %sub3A_114 = arith.subi %squeeze3A_111, %and3A_113 : i32
    %multiple_of3A_115 = tpu.assume_multiple %sub3A_114, 8 : i32
    %add3A_116 = arith.constant 3 : i32
    %add3A_117 = arith.addi %mul3A_2, %add3A_116 : i32
    %add3A_118 = arith.constant 3 : i32
    %add3A_119 = arith.addi %mul3A_2, %add3A_118 : i32
    %jit3A_120 = arith.constant 128 : i32
    %eq3A_121 = arith.constant 0 : i32
    %eq3A_122 = arith.cmpi eq, %jit3A_120, %eq3A_121 : i32
    %jit3A_123 = arith.constant 1 : i32
    %select_n3A_124 = arith.select %eq3A_122, %jit3A_123, %jit3A_120 : i32
    %rem3A_125 = arith.remsi %add3A_119, %select_n3A_124 : i32
    %ne3A_126 = arith.constant 0 : i32
    %ne3A_127 = arith.cmpi ne, %rem3A_125, %ne3A_126 : i32
    %lt3A_128 = arith.constant 0 : i32
    %lt3A_129 = arith.cmpi slt, %rem3A_125, %lt3A_128 : i32
    %lt3A_130 = arith.constant 0 : i32
    %lt3A_131 = arith.cmpi slt, %select_n3A_124, %lt3A_130 : i32
    %ne3A_132 = arith.xori %lt3A_129, %lt3A_131 : i1
    %and3A_133 = arith.andi %ne3A_132, %ne3A_127 : i1
    %add3A_134 = arith.addi %rem3A_125, %select_n3A_124 : i32
    %select_n3A_135 = arith.select %and3A_133, %add3A_134, %rem3A_125 : i32
    %sub3A_136 = arith.subi %add3A_117, %select_n3A_135 : i32
    %multiple_of3A_137 = tpu.assume_multiple %sub3A_136, 128 : i32
    %dma_start3A_138 = arith.constant 3 : i32
    %dma_start3A_139 = arith.constant 0 : i32
    %dma_start3A_140 = arith.constant 0 : i32
    %dma_start3A_141 = tpu.memref_slice %arg6[%dma_start3A_138, %dma_start3A_139, %dma_start3A_140] : memref<32x8x128xf32, #tpu.memory_space<vmem>> -> memref<1x8x128xf32, #tpu.memory_space<vmem>>
    %dma_start3A_142 = tpu.memref_squeeze %dma_start3A_141 : memref<1x8x128xf32, #tpu.memory_space<vmem>> -> memref<8x128xf32, #tpu.memory_space<vmem>>
    %dma_start3A_143 = tpu.memref_slice %arg2[%multiple_of3A_115, %multiple_of3A_137] : memref<100000x1024xf32, #tpu.memory_space<hbm>> -> memref<8x128xf32, #tpu.memory_space<hbm>>
    %dma_start3A_144 = arith.constant 0 : i32
    %dma_start3A_145 = arith.constant 0 : i32
    %dma_start3A_146 = tpu.memref_slice %arg6[%dma_start3A_138, %dma_start3A_144, %dma_start3A_145] : memref<32x8x128xf32, #tpu.memory_space<vmem>> -> memref<1x8x128xf32, #tpu.memory_space<vmem>>
    %dma_start3A_147 = tpu.memref_squeeze %dma_start3A_146 : memref<1x8x128xf32, #tpu.memory_space<vmem>> -> memref<8x128xf32, #tpu.memory_space<vmem>>
    %dma_start3A_148 = tpu.memref_slice %arg2[%multiple_of3A_115, %multiple_of3A_137] : memref<100000x1024xf32, #tpu.memory_space<hbm>> -> memref<8x128xf32, #tpu.memory_space<hbm>>
    tpu.enqueue_dma source(%dma_start3A_148 : memref<8x128xf32, #tpu.memory_space<hbm>>) target(%dma_start3A_147 : memref<8x128xf32, #tpu.memory_space<vmem>>) target_semaphore(%arg8 : memref<!tpu.dma_semaphore, #tpu.memory_space<semaphore_mem>>)
    %slice3A_149 = vector.extract_strided_slice %get3A_4 {offsets = [4], sizes = [1], strides = [1]} : vector<16xi32> to vector<1xi32>
    %squeeze3A_150 = vector.extract %slice3A_149[0] : i32 from vector<1xi32>
    %and3A_151 = arith.constant 7 : i32
    %and3A_152 = arith.andi %squeeze3A_150, %and3A_151 : i32
    %sub3A_153 = arith.subi %squeeze3A_150, %and3A_152 : i32
    %multiple_of3A_154 = tpu.assume_multiple %sub3A_153, 8 : i32
    %add3A_155 = arith.constant 4 : i32
    %add3A_156 = arith.addi %mul3A_2, %add3A_155 : i32
    %add3A_157 = arith.constant 4 : i32
    %add3A_158 = arith.addi %mul3A_2, %add3A_157 : i32
    %jit3A_159 = arith.constant 128 : i32
    %eq3A_160 = arith.constant 0 : i32
    %eq3A_161 = arith.cmpi eq, %jit3A_159, %eq3A_160 : i32
    %jit3A_162 = arith.constant 1 : i32
    %select_n3A_163 = arith.select %eq3A_161, %jit3A_162, %jit3A_159 : i32
    %rem3A_164 = arith.remsi %add3A_158, %select_n3A_163 : i32
    %ne3A_165 = arith.constant 0 : i32
    %ne3A_166 = arith.cmpi ne, %rem3A_164, %ne3A_165 : i32
    %lt3A_167 = arith.constant 0 : i32
    %lt3A_168 = arith.cmpi slt, %rem3A_164, %lt3A_167 : i32
    %lt3A_169 = arith.constant 0 : i32
    %lt3A_170 = arith.cmpi slt, %select_n3A_163, %lt3A_169 : i32
    %ne3A_171 = arith.xori %lt3A_168, %lt3A_170 : i1
    %and3A_172 = arith.andi %ne3A_171, %ne3A_166 : i1
    %add3A_173 = arith.addi %rem3A_164, %select_n3A_163 : i32
    %select_n3A_174 = arith.select %and3A_172, %add3A_173, %rem3A_164 : i32
    %sub3A_175 = arith.subi %add3A_156, %select_n3A_174 : i32
    %multiple_of3A_176 = tpu.assume_multiple %sub3A_175, 128 : i32
    %dma_start3A_177 = arith.constant 4 : i32
    %dma_start3A_178 = arith.constant 0 : i32
    %dma_start3A_179 = arith.constant 0 : i32
    %dma_start3A_180 = tpu.memref_slice %arg6[%dma_start3A_177, %dma_start3A_178, %dma_start3A_179] : memref<32x8x128xf32, #tpu.memory_space<vmem>> -> memref<1x8x128xf32, #tpu.memory_space<vmem>>
    %dma_start3A_181 = tpu.memref_squeeze %dma_start3A_180 : memref<1x8x128xf32, #tpu.memory_space<vmem>> -> memref<8x128xf32, #tpu.memory_space<vmem>>
    %dma_start3A_182 = tpu.memref_slice %arg2[%multiple_of3A_154, %multiple_of3A_176] : memref<100000x1024xf32, #tpu.memory_space<hbm>> -> memref<8x128xf32, #tpu.memory_space<hbm>>
    %dma_start3A_183 = arith.constant 0 : i32
    %dma_start3A_184 = arith.constant 0 : i32
    %dma_start3A_185 = tpu.memref_slice %arg6[%dma_start3A_177, %dma_start3A_183, %dma_start3A_184] : memref<32x8x128xf32, #tpu.memory_space<vmem>> -> memref<1x8x128xf32, #tpu.memory_space<vmem>>
    %dma_start3A_186 = tpu.memref_squeeze %dma_start3A_185 : memref<1x8x128xf32, #tpu.memory_space<vmem>> -> memref<8x128xf32, #tpu.memory_space<vmem>>
    %dma_start3A_187 = tpu.memref_slice %arg2[%multiple_of3A_154, %multiple_of3A_176] : memref<100000x1024xf32, #tpu.memory_space<hbm>> -> memref<8x128xf32, #tpu.memory_space<hbm>>
    tpu.enqueue_dma source(%dma_start3A_187 : memref<8x128xf32, #tpu.memory_space<hbm>>) target(%dma_start3A_186 : memref<8x128xf32, #tpu.memory_space<vmem>>) target_semaphore(%arg8 : memref<!tpu.dma_semaphore, #tpu.memory_space<semaphore_mem>>)
    %slice3A_188 = vector.extract_strided_slice %get3A_4 {offsets = [5], sizes = [1], strides = [1]} : vector<16xi32> to vector<1xi32>
    %squeeze3A_189 = vector.extract %slice3A_188[0] : i32 from vector<1xi32>
    %and3A_190 = arith.constant 7 : i32
    %and3A_191 = arith.andi %squeeze3A_189, %and3A_190 : i32
    %sub3A_192 = arith.subi %squeeze3A_189, %and3A_191 : i32
    %multiple_of3A_193 = tpu.assume_multiple %sub3A_192, 8 : i32
    %add3A_194 = arith.constant 5 : i32
    %add3A_195 = arith.addi %mul3A_2, %add3A_194 : i32
    %add3A_196 = arith.constant 5 : i32
    %add3A_197 = arith.addi %mul3A_2, %add3A_196 : i32
    %jit3A_198 = arith.constant 128 : i32
    %eq3A_199 = arith.constant 0 : i32
    %eq3A_200 = arith.cmpi eq, %jit3A_198, %eq3A_199 : i32
    %jit3A_201 = arith.constant 1 : i32
    %select_n3A_202 = arith.select %eq3A_200, %jit3A_201, %jit3A_198 : i32
    %rem3A_203 = arith.remsi %add3A_197, %select_n3A_202 : i32
    %ne3A_204 = arith.constant 0 : i32
    %ne3A_205 = arith.cmpi ne, %rem3A_203, %ne3A_204 : i32
    %lt3A_206 = arith.constant 0 : i32
    %lt3A_207 = arith.cmpi slt, %rem3A_203, %lt3A_206 : i32
    %lt3A_208 = arith.constant 0 : i32
    %lt3A_209 = arith.cmpi slt, %select_n3A_202, %lt3A_208 : i32
    %ne3A_210 = arith.xori %lt3A_207, %lt3A_209 : i1
    %and3A_211 = arith.andi %ne3A_210, %ne3A_205 : i1
    %add3A_212 = arith.addi %rem3A_203, %select_n3A_202 : i32
    %select_n3A_213 = arith.select %and3A_211, %add3A_212, %rem3A_203 : i32
    %sub3A_214 = arith.subi %add3A_195, %select_n3A_213 : i32
    %multiple_of3A_215 = tpu.assume_multiple %sub3A_214, 128 : i32
    %dma_start3A_216 = arith.constant 5 : i32
    %dma_start3A_217 = arith.constant 0 : i32
    %dma_start3A_218 = arith.constant 0 : i32
    %dma_start3A_219 = tpu.memref_slice %arg6[%dma_start3A_216, %dma_start3A_217, %dma_start3A_218] : memref<32x8x128xf32, #tpu.memory_space<vmem>> -> memref<1x8x128xf32, #tpu.memory_space<vmem>>
    %dma_start3A_220 = tpu.memref_squeeze %dma_start3A_219 : memref<1x8x128xf32, #tpu.memory_space<vmem>> -> memref<8x128xf32, #tpu.memory_space<vmem>>
    %dma_start3A_221 = tpu.memref_slice %arg2[%multiple_of3A_193, %multiple_of3A_215] : memref<100000x1024xf32, #tpu.memory_space<hbm>> -> memref<8x128xf32, #tpu.memory_space<hbm>>
    %dma_start3A_222 = arith.constant 0 : i32
    %dma_start3A_223 = arith.constant 0 : i32
    %dma_start3A_224 = tpu.memref_slice %arg6[%dma_start3A_216, %dma_start3A_222, %dma_start3A_223] : memref<32x8x128xf32, #tpu.memory_space<vmem>> -> memref<1x8x128xf32, #tpu.memory_space<vmem>>
    %dma_start3A_225 = tpu.memref_squeeze %dma_start3A_224 : memref<1x8x128xf32, #tpu.memory_space<vmem>> -> memref<8x128xf32, #tpu.memory_space<vmem>>
    %dma_start3A_226 = tpu.memref_slice %arg2[%multiple_of3A_193, %multiple_of3A_215] : memref<100000x1024xf32, #tpu.memory_space<hbm>> -> memref<8x128xf32, #tpu.memory_space<hbm>>
    tpu.enqueue_dma source(%dma_start3A_226 : memref<8x128xf32, #tpu.memory_space<hbm>>) target(%dma_start3A_225 : memref<8x128xf32, #tpu.memory_space<vmem>>) target_semaphore(%arg8 : memref<!tpu.dma_semaphore, #tpu.memory_space<semaphore_mem>>)
    %slice3A_227 = vector.extract_strided_slice %get3A_4 {offsets = [6], sizes = [1], strides = [1]} : vector<16xi32> to vector<1xi32>
    %squeeze3A_228 = vector.extract %slice3A_227[0] : i32 from vector<1xi32>
    %and3A_229 = arith.constant 7 : i32
    %and3A_230 = arith.andi %squeeze3A_228, %and3A_229 : i32
    %sub3A_231 = arith.subi %squeeze3A_228, %and3A_230 : i32
    %multiple_of3A_232 = tpu.assume_multiple %sub3A_231, 8 : i32
    %add3A_233 = arith.constant 6 : i32
    %add3A_234 = arith.addi %mul3A_2, %add3A_233 : i32
    %add3A_235 = arith.constant 6 : i32
    %add3A_236 = arith.addi %mul3A_2, %add3A_235 : i32
    %jit3A_237 = arith.constant 128 : i32
    %eq3A_238 = arith.constant 0 : i32
    %eq3A_239 = arith.cmpi eq, %jit3A_237, %eq3A_238 : i32
    %jit3A_240 = arith.constant 1 : i32
    %select_n3A_241 = arith.select %eq3A_239, %jit3A_240, %jit3A_237 : i32
    %rem3A_242 = arith.remsi %add3A_236, %select_n3A_241 : i32
    %ne3A_243 = arith.constant 0 : i32
    %ne3A_244 = arith.cmpi ne, %rem3A_242, %ne3A_243 : i32
    %lt3A_245 = arith.constant 0 : i32
    %lt3A_246 = arith.cmpi slt, %rem3A_242, %lt3A_245 : i32
    %lt3A_247 = arith.constant 0 : i32
    %lt3A_248 = arith.cmpi slt, %select_n3A_241, %lt3A_247 : i32
    %ne3A_249 = arith.xori %lt3A_246, %lt3A_248 : i1
    %and3A_250 = arith.andi %ne3A_249, %ne3A_244 : i1
    %add3A_251 = arith.addi %rem3A_242, %select_n3A_241 : i32
    %select_n3A_252 = arith.select %and3A_250, %add3A_251, %rem3A_242 : i32
    %sub3A_253 = arith.subi %add3A_234, %select_n3A_252 : i32
    %multiple_of3A_254 = tpu.assume_multiple %sub3A_253, 128 : i32
    %dma_start3A_255 = arith.constant 6 : i32
    %dma_start3A_256 = arith.constant 0 : i32
    %dma_start3A_257 = arith.constant 0 : i32
    %dma_start3A_258 = tpu.memref_slice %arg6[%dma_start3A_255, %dma_start3A_256, %dma_start3A_257] : memref<32x8x128xf32, #tpu.memory_space<vmem>> -> memref<1x8x128xf32, #tpu.memory_space<vmem>>
    %dma_start3A_259 = tpu.memref_squeeze %dma_start3A_258 : memref<1x8x128xf32, #tpu.memory_space<vmem>> -> memref<8x128xf32, #tpu.memory_space<vmem>>
    %dma_start3A_260 = tpu.memref_slice %arg2[%multiple_of3A_232, %multiple_of3A_254] : memref<100000x1024xf32, #tpu.memory_space<hbm>> -> memref<8x128xf32, #tpu.memory_space<hbm>>
    %dma_start3A_261 = arith.constant 0 : i32
    %dma_start3A_262 = arith.constant 0 : i32
    %dma_start3A_263 = tpu.memref_slice %arg6[%dma_start3A_255, %dma_start3A_261, %dma_start3A_262] : memref<32x8x128xf32, #tpu.memory_space<vmem>> -> memref<1x8x128xf32, #tpu.memory_space<vmem>>
    %dma_start3A_264 = tpu.memref_squeeze %dma_start3A_263 : memref<1x8x128xf32, #tpu.memory_space<vmem>> -> memref<8x128xf32, #tpu.memory_space<vmem>>
    %dma_start3A_265 = tpu.memref_slice %arg2[%multiple_of3A_232, %multiple_of3A_254] : memref<100000x1024xf32, #tpu.memory_space<hbm>> -> memref<8x128xf32, #tpu.memory_space<hbm>>
    tpu.enqueue_dma source(%dma_start3A_265 : memref<8x128xf32, #tpu.memory_space<hbm>>) target(%dma_start3A_264 : memref<8x128xf32, #tpu.memory_space<vmem>>) target_semaphore(%arg8 : memref<!tpu.dma_semaphore, #tpu.memory_space<semaphore_mem>>)
    %slice3A_266 = vector.extract_strided_slice %get3A_4 {offsets = [7], sizes = [1], strides = [1]} : vector<16xi32> to vector<1xi32>
    %squeeze3A_267 = vector.extract %slice3A_266[0] : i32 from vector<1xi32>
    %and3A_268 = arith.constant 7 : i32
    %and3A_269 = arith.andi %squeeze3A_267, %and3A_268 : i32
    %sub3A_270 = arith.subi %squeeze3A_267, %and3A_269 : i32
    %multiple_of3A_271 = tpu.assume_multiple %sub3A_270, 8 : i32
    %add3A_272 = arith.constant 7 : i32
    %add3A_273 = arith.addi %mul3A_2, %add3A_272 : i32
    %add3A_274 = arith.constant 7 : i32
    %add3A_275 = arith.addi %mul3A_2, %add3A_274 : i32
    %jit3A_276 = arith.constant 128 : i32
    %eq3A_277 = arith.constant 0 : i32
    %eq3A_278 = arith.cmpi eq, %jit3A_276, %eq3A_277 : i32
    %jit3A_279 = arith.constant 1 : i32
    %select_n3A_280 = arith.select %eq3A_278, %jit3A_279, %jit3A_276 : i32
    %rem3A_281 = arith.remsi %add3A_275, %select_n3A_280 : i32
    %ne3A_282 = arith.constant 0 : i32
    %ne3A_283 = arith.cmpi ne, %rem3A_281, %ne3A_282 : i32
    %lt3A_284 = arith.constant 0 : i32
    %lt3A_285 = arith.cmpi slt, %rem3A_281, %lt3A_284 : i32
    %lt3A_286 = arith.constant 0 : i32
    %lt3A_287 = arith.cmpi slt, %select_n3A_280, %lt3A_286 : i32
    %ne3A_288 = arith.xori %lt3A_285, %lt3A_287 : i1
    %and3A_289 = arith.andi %ne3A_288, %ne3A_283 : i1
    %add3A_290 = arith.addi %rem3A_281, %select_n3A_280 : i32
    %select_n3A_291 = arith.select %and3A_289, %add3A_290, %rem3A_281 : i32
    %sub3A_292 = arith.subi %add3A_273, %select_n3A_291 : i32
    %multiple_of3A_293 = tpu.assume_multiple %sub3A_292, 128 : i32
    %dma_start3A_294 = arith.constant 7 : i32
    %dma_start3A_295 = arith.constant 0 : i32
    %dma_start3A_296 = arith.constant 0 : i32
    %dma_start3A_297 = tpu.memref_slice %arg6[%dma_start3A_294, %dma_start3A_295, %dma_start3A_296] : memref<32x8x128xf32, #tpu.memory_space<vmem>> -> memref<1x8x128xf32, #tpu.memory_space<vmem>>
    %dma_start3A_298 = tpu.memref_squeeze %dma_start3A_297 : memref<1x8x128xf32, #tpu.memory_space<vmem>> -> memref<8x128xf32, #tpu.memory_space<vmem>>
    %dma_start3A_299 = tpu.memref_slice %arg2[%multiple_of3A_271, %multiple_of3A_293] : memref<100000x1024xf32, #tpu.memory_space<hbm>> -> memref<8x128xf32, #tpu.memory_space<hbm>>
    %dma_start3A_300 = arith.constant 0 : i32
    %dma_start3A_301 = arith.constant 0 : i32
    %dma_start3A_302 = tpu.memref_slice %arg6[%dma_start3A_294, %dma_start3A_300, %dma_start3A_301] : memref<32x8x128xf32, #tpu.memory_space<vmem>> -> memref<1x8x128xf32, #tpu.memory_space<vmem>>
    %dma_start3A_303 = tpu.memref_squeeze %dma_start3A_302 : memref<1x8x128xf32, #tpu.memory_space<vmem>> -> memref<8x128xf32, #tpu.memory_space<vmem>>
    %dma_start3A_304 = tpu.memref_slice %arg2[%multiple_of3A_271, %multiple_of3A_293] : memref<100000x1024xf32, #tpu.memory_space<hbm>> -> memref<8x128xf32, #tpu.memory_space<hbm>>
    tpu.enqueue_dma source(%dma_start3A_304 : memref<8x128xf32, #tpu.memory_space<hbm>>) target(%dma_start3A_303 : memref<8x128xf32, #tpu.memory_space<vmem>>) target_semaphore(%arg8 : memref<!tpu.dma_semaphore, #tpu.memory_space<semaphore_mem>>)
    %slice3A_305 = vector.extract_strided_slice %get3A_4 {offsets = [8], sizes = [1], strides = [1]} : vector<16xi32> to vector<1xi32>
    %squeeze3A_306 = vector.extract %slice3A_305[0] : i32 from vector<1xi32>
    %and3A_307 = arith.constant 7 : i32
    %and3A_308 = arith.andi %squeeze3A_306, %and3A_307 : i32
    %sub3A_309 = arith.subi %squeeze3A_306, %and3A_308 : i32
    %multiple_of3A_310 = tpu.assume_multiple %sub3A_309, 8 : i32
    %add3A_311 = arith.constant 8 : i32
    %add3A_312 = arith.addi %mul3A_2, %add3A_311 : i32
    %add3A_313 = arith.constant 8 : i32
    %add3A_314 = arith.addi %mul3A_2, %add3A_313 : i32
    %jit3A_315 = arith.constant 128 : i32
    %eq3A_316 = arith.constant 0 : i32
    %eq3A_317 = arith.cmpi eq, %jit3A_315, %eq3A_316 : i32
    %jit3A_318 = arith.constant 1 : i32
    %select_n3A_319 = arith.select %eq3A_317, %jit3A_318, %jit3A_315 : i32
    %rem3A_320 = arith.remsi %add3A_314, %select_n3A_319 : i32
    %ne3A_321 = arith.constant 0 : i32
    %ne3A_322 = arith.cmpi ne, %rem3A_320, %ne3A_321 : i32
    %lt3A_323 = arith.constant 0 : i32
    %lt3A_324 = arith.cmpi slt, %rem3A_320, %lt3A_323 : i32
    %lt3A_325 = arith.constant 0 : i32
    %lt3A_326 = arith.cmpi slt, %select_n3A_319, %lt3A_325 : i32
    %ne3A_327 = arith.xori %lt3A_324, %lt3A_326 : i1
    %and3A_328 = arith.andi %ne3A_327, %ne3A_322 : i1
    %add3A_329 = arith.addi %rem3A_320, %select_n3A_319 : i32
    %select_n3A_330 = arith.select %and3A_328, %add3A_329, %rem3A_320 : i32
    %sub3A_331 = arith.subi %add3A_312, %select_n3A_330 : i32
    %multiple_of3A_332 = tpu.assume_multiple %sub3A_331, 128 : i32
    %dma_start3A_333 = arith.constant 8 : i32
    %dma_start3A_334 = arith.constant 0 : i32
    %dma_start3A_335 = arith.constant 0 : i32
    %dma_start3A_336 = tpu.memref_slice %arg6[%dma_start3A_333, %dma_start3A_334, %dma_start3A_335] : memref<32x8x128xf32, #tpu.memory_space<vmem>> -> memref<1x8x128xf32, #tpu.memory_space<vmem>>
    %dma_start3A_337 = tpu.memref_squeeze %dma_start3A_336 : memref<1x8x128xf32, #tpu.memory_space<vmem>> -> memref<8x128xf32, #tpu.memory_space<vmem>>
    %dma_start3A_338 = tpu.memref_slice %arg2[%multiple_of3A_310, %multiple_of3A_332] : memref<100000x1024xf32, #tpu.memory_space<hbm>> -> memref<8x128xf32, #tpu.memory_space<hbm>>
    %dma_start3A_339 = arith.constant 0 : i32
    %dma_start3A_340 = arith.constant 0 : i32
    %dma_start3A_341 = tpu.memref_slice %arg6[%dma_start3A_333, %dma_start3A_339, %dma_start3A_340] : memref<32x8x128xf32, #tpu.memory_space<vmem>> -> memref<1x8x128xf32, #tpu.memory_space<vmem>>
    %dma_start3A_342 = tpu.memref_squeeze %dma_start3A_341 : memref<1x8x128xf32, #tpu.memory_space<vmem>> -> memref<8x128xf32, #tpu.memory_space<vmem>>
    %dma_start3A_343 = tpu.memref_slice %arg2[%multiple_of3A_310, %multiple_of3A_332] : memref<100000x1024xf32, #tpu.memory_space<hbm>> -> memref<8x128xf32, #tpu.memory_space<hbm>>
    tpu.enqueue_dma source(%dma_start3A_343 : memref<8x128xf32, #tpu.memory_space<hbm>>) target(%dma_start3A_342 : memref<8x128xf32, #tpu.memory_space<vmem>>) target_semaphore(%arg8 : memref<!tpu.dma_semaphore, #tpu.memory_space<semaphore_mem>>)
    %slice3A_344 = vector.extract_strided_slice %get3A_4 {offsets = [9], sizes = [1], strides = [1]} : vector<16xi32> to vector<1xi32>
    %squeeze3A_345 = vector.extract %slice3A_344[0] : i32 from vector<1xi32>
    %and3A_346 = arith.constant 7 : i32
    %and3A_347 = arith.andi %squeeze3A_345, %and3A_346 : i32
    %sub3A_348 = arith.subi %squeeze3A_345, %and3A_347 : i32
    %multiple_of3A_349 = tpu.assume_multiple %sub3A_348, 8 : i32
    %add3A_350 = arith.constant 9 : i32
    %add3A_351 = arith.addi %mul3A_2, %add3A_350 : i32
    %add3A_352 = arith.constant 9 : i32
    %add3A_353 = arith.addi %mul3A_2, %add3A_352 : i32
    %jit3A_354 = arith.constant 128 : i32
    %eq3A_355 = arith.constant 0 : i32
    %eq3A_356 = arith.cmpi eq, %jit3A_354, %eq3A_355 : i32
    %jit3A_357 = arith.constant 1 : i32
    %select_n3A_358 = arith.select %eq3A_356, %jit3A_357, %jit3A_354 : i32
    %rem3A_359 = arith.remsi %add3A_353, %select_n3A_358 : i32
    %ne3A_360 = arith.constant 0 : i32
    %ne3A_361 = arith.cmpi ne, %rem3A_359, %ne3A_360 : i32
    %lt3A_362 = arith.constant 0 : i32
    %lt3A_363 = arith.cmpi slt, %rem3A_359, %lt3A_362 : i32
    %lt3A_364 = arith.constant 0 : i32
    %lt3A_365 = arith.cmpi slt, %select_n3A_358, %lt3A_364 : i32
    %ne3A_366 = arith.xori %lt3A_363, %lt3A_365 : i1
    %and3A_367 = arith.andi %ne3A_366, %ne3A_361 : i1
    %add3A_368 = arith.addi %rem3A_359, %select_n3A_358 : i32
    %select_n3A_369 = arith.select %and3A_367, %add3A_368, %rem3A_359 : i32
    %sub3A_370 = arith.subi %add3A_351, %select_n3A_369 : i32
    %multiple_of3A_371 = tpu.assume_multiple %sub3A_370, 128 : i32
    %dma_start3A_372 = arith.constant 9 : i32
    %dma_start3A_373 = arith.constant 0 : i32
    %dma_start3A_374 = arith.constant 0 : i32
    %dma_start3A_375 = tpu.memref_slice %arg6[%dma_start3A_372, %dma_start3A_373, %dma_start3A_374] : memref<32x8x128xf32, #tpu.memory_space<vmem>> -> memref<1x8x128xf32, #tpu.memory_space<vmem>>
    %dma_start3A_376 = tpu.memref_squeeze %dma_start3A_375 : memref<1x8x128xf32, #tpu.memory_space<vmem>> -> memref<8x128xf32, #tpu.memory_space<vmem>>
    %dma_start3A_377 = tpu.memref_slice %arg2[%multiple_of3A_349, %multiple_of3A_371] : memref<100000x1024xf32, #tpu.memory_space<hbm>> -> memref<8x128xf32, #tpu.memory_space<hbm>>
    %dma_start3A_378 = arith.constant 0 : i32
    %dma_start3A_379 = arith.constant 0 : i32
    %dma_start3A_380 = tpu.memref_slice %arg6[%dma_start3A_372, %dma_start3A_378, %dma_start3A_379] : memref<32x8x128xf32, #tpu.memory_space<vmem>> -> memref<1x8x128xf32, #tpu.memory_space<vmem>>
    %dma_start3A_381 = tpu.memref_squeeze %dma_start3A_380 : memref<1x8x128xf32, #tpu.memory_space<vmem>> -> memref<8x128xf32, #tpu.memory_space<vmem>>
    %dma_start3A_382 = tpu.memref_slice %arg2[%multiple_of3A_349, %multiple_of3A_371] : memref<100000x1024xf32, #tpu.memory_space<hbm>> -> memref<8x128xf32, #tpu.memory_space<hbm>>
    tpu.enqueue_dma source(%dma_start3A_382 : memref<8x128xf32, #tpu.memory_space<hbm>>) target(%dma_start3A_381 : memref<8x128xf32, #tpu.memory_space<vmem>>) target_semaphore(%arg8 : memref<!tpu.dma_semaphore, #tpu.memory_space<semaphore_mem>>)
    %slice3A_383 = vector.extract_strided_slice %get3A_4 {offsets = [10], sizes = [1], strides = [1]} : vector<16xi32> to vector<1xi32>
    %squeeze3A_384 = vector.extract %slice3A_383[0] : i32 from vector<1xi32>
    %and3A_385 = arith.constant 7 : i32
    %and3A_386 = arith.andi %squeeze3A_384, %and3A_385 : i32
    %sub3A_387 = arith.subi %squeeze3A_384, %and3A_386 : i32
    %multiple_of3A_388 = tpu.assume_multiple %sub3A_387, 8 : i32
    %add3A_389 = arith.constant 10 : i32
    %add3A_390 = arith.addi %mul3A_2, %add3A_389 : i32
    %add3A_391 = arith.constant 10 : i32
    %add3A_392 = arith.addi %mul3A_2, %add3A_391 : i32
    %jit3A_393 = arith.constant 128 : i32
    %eq3A_394 = arith.constant 0 : i32
    %eq3A_395 = arith.cmpi eq, %jit3A_393, %eq3A_394 : i32
    %jit3A_396 = arith.constant 1 : i32
    %select_n3A_397 = arith.select %eq3A_395, %jit3A_396, %jit3A_393 : i32
    %rem3A_398 = arith.remsi %add3A_392, %select_n3A_397 : i32
    %ne3A_399 = arith.constant 0 : i32
    %ne3A_400 = arith.cmpi ne, %rem3A_398, %ne3A_399 : i32
    %lt3A_401 = arith.constant 0 : i32
    %lt3A_402 = arith.cmpi slt, %rem3A_398, %lt3A_401 : i32
    %lt3A_403 = arith.constant 0 : i32
    %lt3A_404 = arith.cmpi slt, %select_n3A_397, %lt3A_403 : i32
    %ne3A_405 = arith.xori %lt3A_402, %lt3A_404 : i1
    %and3A_406 = arith.andi %ne3A_405, %ne3A_400 : i1
    %add3A_407 = arith.addi %rem3A_398, %select_n3A_397 : i32
    %select_n3A_408 = arith.select %and3A_406, %add3A_407, %rem3A_398 : i32
    %sub3A_409 = arith.subi %add3A_390, %select_n3A_408 : i32
    %multiple_of3A_410 = tpu.assume_multiple %sub3A_409, 128 : i32
    %dma_start3A_411 = arith.constant 10 : i32
    %dma_start3A_412 = arith.constant 0 : i32
    %dma_start3A_413 = arith.constant 0 : i32
    %dma_start3A_414 = tpu.memref_slice %arg6[%dma_start3A_411, %dma_start3A_412, %dma_start3A_413] : memref<32x8x128xf32, #tpu.memory_space<vmem>> -> memref<1x8x128xf32, #tpu.memory_space<vmem>>
    %dma_start3A_415 = tpu.memref_squeeze %dma_start3A_414 : memref<1x8x128xf32, #tpu.memory_space<vmem>> -> memref<8x128xf32, #tpu.memory_space<vmem>>
    %dma_start3A_416 = tpu.memref_slice %arg2[%multiple_of3A_388, %multiple_of3A_410] : memref<100000x1024xf32, #tpu.memory_space<hbm>> -> memref<8x128xf32, #tpu.memory_space<hbm>>
    %dma_start3A_417 = arith.constant 0 : i32
    %dma_start3A_418 = arith.constant 0 : i32
    %dma_start3A_419 = tpu.memref_slice %arg6[%dma_start3A_411, %dma_start3A_417, %dma_start3A_418] : memref<32x8x128xf32, #tpu.memory_space<vmem>> -> memref<1x8x128xf32, #tpu.memory_space<vmem>>
    %dma_start3A_420 = tpu.memref_squeeze %dma_start3A_419 : memref<1x8x128xf32, #tpu.memory_space<vmem>> -> memref<8x128xf32, #tpu.memory_space<vmem>>
    %dma_start3A_421 = tpu.memref_slice %arg2[%multiple_of3A_388, %multiple_of3A_410] : memref<100000x1024xf32, #tpu.memory_space<hbm>> -> memref<8x128xf32, #tpu.memory_space<hbm>>
    tpu.enqueue_dma source(%dma_start3A_421 : memref<8x128xf32, #tpu.memory_space<hbm>>) target(%dma_start3A_420 : memref<8x128xf32, #tpu.memory_space<vmem>>) target_semaphore(%arg8 : memref<!tpu.dma_semaphore, #tpu.memory_space<semaphore_mem>>)
    %slice3A_422 = vector.extract_strided_slice %get3A_4 {offsets = [11], sizes = [1], strides = [1]} : vector<16xi32> to vector<1xi32>
    %squeeze3A_423 = vector.extract %slice3A_422[0] : i32 from vector<1xi32>
    %and3A_424 = arith.constant 7 : i32
    %and3A_425 = arith.andi %squeeze3A_423, %and3A_424 : i32
    %sub3A_426 = arith.subi %squeeze3A_423, %and3A_425 : i32
    %multiple_of3A_427 = tpu.assume_multiple %sub3A_426, 8 : i32
    %add3A_428 = arith.constant 11 : i32
    %add3A_429 = arith.addi %mul3A_2, %add3A_428 : i32
    %add3A_430 = arith.constant 11 : i32
    %add3A_431 = arith.addi %mul3A_2, %add3A_430 : i32
    %jit3A_432 = arith.constant 128 : i32
    %eq3A_433 = arith.constant 0 : i32
    %eq3A_434 = arith.cmpi eq, %jit3A_432, %eq3A_433 : i32
    %jit3A_435 = arith.constant 1 : i32
    %select_n3A_436 = arith.select %eq3A_434, %jit3A_435, %jit3A_432 : i32
    %rem3A_437 = arith.remsi %add3A_431, %select_n3A_436 : i32
    %ne3A_438 = arith.constant 0 : i32
    %ne3A_439 = arith.cmpi ne, %rem3A_437, %ne3A_438 : i32
    %lt3A_440 = arith.constant 0 : i32
    %lt3A_441 = arith.cmpi slt, %rem3A_437, %lt3A_440 : i32
    %lt3A_442 = arith.constant 0 : i32
    %lt3A_443 = arith.cmpi slt, %select_n3A_436, %lt3A_442 : i32
    %ne3A_444 = arith.xori %lt3A_441, %lt3A_443 : i1
    %and3A_445 = arith.andi %ne3A_444, %ne3A_439 : i1
    %add3A_446 = arith.addi %rem3A_437, %select_n3A_436 : i32
    %select_n3A_447 = arith.select %and3A_445, %add3A_446, %rem3A_437 : i32
    %sub3A_448 = arith.subi %add3A_429, %select_n3A_447 : i32
    %multiple_of3A_449 = tpu.assume_multiple %sub3A_448, 128 : i32
    %dma_start3A_450 = arith.constant 11 : i32
    %dma_start3A_451 = arith.constant 0 : i32
    %dma_start3A_452 = arith.constant 0 : i32
    %dma_start3A_453 = tpu.memref_slice %arg6[%dma_start3A_450, %dma_start3A_451, %dma_start3A_452] : memref<32x8x128xf32, #tpu.memory_space<vmem>> -> memref<1x8x128xf32, #tpu.memory_space<vmem>>
    %dma_start3A_454 = tpu.memref_squeeze %dma_start3A_453 : memref<1x8x128xf32, #tpu.memory_space<vmem>> -> memref<8x128xf32, #tpu.memory_space<vmem>>
    %dma_start3A_455 = tpu.memref_slice %arg2[%multiple_of3A_427, %multiple_of3A_449] : memref<100000x1024xf32, #tpu.memory_space<hbm>> -> memref<8x128xf32, #tpu.memory_space<hbm>>
    %dma_start3A_456 = arith.constant 0 : i32
    %dma_start3A_457 = arith.constant 0 : i32
    %dma_start3A_458 = tpu.memref_slice %arg6[%dma_start3A_450, %dma_start3A_456, %dma_start3A_457] : memref<32x8x128xf32, #tpu.memory_space<vmem>> -> memref<1x8x128xf32, #tpu.memory_space<vmem>>
    %dma_start3A_459 = tpu.memref_squeeze %dma_start3A_458 : memref<1x8x128xf32, #tpu.memory_space<vmem>> -> memref<8x128xf32, #tpu.memory_space<vmem>>
    %dma_start3A_460 = tpu.memref_slice %arg2[%multiple_of3A_427, %multiple_of3A_449] : memref<100000x1024xf32, #tpu.memory_space<hbm>> -> memref<8x128xf32, #tpu.memory_space<hbm>>
    tpu.enqueue_dma source(%dma_start3A_460 : memref<8x128xf32, #tpu.memory_space<hbm>>) target(%dma_start3A_459 : memref<8x128xf32, #tpu.memory_space<vmem>>) target_semaphore(%arg8 : memref<!tpu.dma_semaphore, #tpu.memory_space<semaphore_mem>>)
    %slice3A_461 = vector.extract_strided_slice %get3A_4 {offsets = [12], sizes = [1], strides = [1]} : vector<16xi32> to vector<1xi32>
    %squeeze3A_462 = vector.extract %slice3A_461[0] : i32 from vector<1xi32>
    %and3A_463 = arith.constant 7 : i32
    %and3A_464 = arith.andi %squeeze3A_462, %and3A_463 : i32
    %sub3A_465 = arith.subi %squeeze3A_462, %and3A_464 : i32
    %multiple_of3A_466 = tpu.assume_multiple %sub3A_465, 8 : i32
    %add3A_467 = arith.constant 12 : i32
    %add3A_468 = arith.addi %mul3A_2, %add3A_467 : i32
    %add3A_469 = arith.constant 12 : i32
    %add3A_470 = arith.addi %mul3A_2, %add3A_469 : i32
    %jit3A_471 = arith.constant 128 : i32
    %eq3A_472 = arith.constant 0 : i32
    %eq3A_473 = arith.cmpi eq, %jit3A_471, %eq3A_472 : i32
    %jit3A_474 = arith.constant 1 : i32
    %select_n3A_475 = arith.select %eq3A_473, %jit3A_474, %jit3A_471 : i32
    %rem3A_476 = arith.remsi %add3A_470, %select_n3A_475 : i32
    %ne3A_477 = arith.constant 0 : i32
    %ne3A_478 = arith.cmpi ne, %rem3A_476, %ne3A_477 : i32
    %lt3A_479 = arith.constant 0 : i32
    %lt3A_480 = arith.cmpi slt, %rem3A_476, %lt3A_479 : i32
    %lt3A_481 = arith.constant 0 : i32
    %lt3A_482 = arith.cmpi slt, %select_n3A_475, %lt3A_481 : i32
    %ne3A_483 = arith.xori %lt3A_480, %lt3A_482 : i1
    %and3A_484 = arith.andi %ne3A_483, %ne3A_478 : i1
    %add3A_485 = arith.addi %rem3A_476, %select_n3A_475 : i32
    %select_n3A_486 = arith.select %and3A_484, %add3A_485, %rem3A_476 : i32
    %sub3A_487 = arith.subi %add3A_468, %select_n3A_486 : i32
    %multiple_of3A_488 = tpu.assume_multiple %sub3A_487, 128 : i32
    %dma_start3A_489 = arith.constant 12 : i32
    %dma_start3A_490 = arith.constant 0 : i32
    %dma_start3A_491 = arith.constant 0 : i32
    %dma_start3A_492 = tpu.memref_slice %arg6[%dma_start3A_489, %dma_start3A_490, %dma_start3A_491] : memref<32x8x128xf32, #tpu.memory_space<vmem>> -> memref<1x8x128xf32, #tpu.memory_space<vmem>>
    %dma_start3A_493 = tpu.memref_squeeze %dma_start3A_492 : memref<1x8x128xf32, #tpu.memory_space<vmem>> -> memref<8x128xf32, #tpu.memory_space<vmem>>
    %dma_start3A_494 = tpu.memref_slice %arg2[%multiple_of3A_466, %multiple_of3A_488] : memref<100000x1024xf32, #tpu.memory_space<hbm>> -> memref<8x128xf32, #tpu.memory_space<hbm>>
    %dma_start3A_495 = arith.constant 0 : i32
    %dma_start3A_496 = arith.constant 0 : i32
    %dma_start3A_497 = tpu.memref_slice %arg6[%dma_start3A_489, %dma_start3A_495, %dma_start3A_496] : memref<32x8x128xf32, #tpu.memory_space<vmem>> -> memref<1x8x128xf32, #tpu.memory_space<vmem>>
    %dma_start3A_498 = tpu.memref_squeeze %dma_start3A_497 : memref<1x8x128xf32, #tpu.memory_space<vmem>> -> memref<8x128xf32, #tpu.memory_space<vmem>>
    %dma_start3A_499 = tpu.memref_slice %arg2[%multiple_of3A_466, %multiple_of3A_488] : memref<100000x1024xf32, #tpu.memory_space<hbm>> -> memref<8x128xf32, #tpu.memory_space<hbm>>
    tpu.enqueue_dma source(%dma_start3A_499 : memref<8x128xf32, #tpu.memory_space<hbm>>) target(%dma_start3A_498 : memref<8x128xf32, #tpu.memory_space<vmem>>) target_semaphore(%arg8 : memref<!tpu.dma_semaphore, #tpu.memory_space<semaphore_mem>>)
    %slice3A_500 = vector.extract_strided_slice %get3A_4 {offsets = [13], sizes = [1], strides = [1]} : vector<16xi32> to vector<1xi32>
    %squeeze3A_501 = vector.extract %slice3A_500[0] : i32 from vector<1xi32>
    %and3A_502 = arith.constant 7 : i32
    %and3A_503 = arith.andi %squeeze3A_501, %and3A_502 : i32
    %sub3A_504 = arith.subi %squeeze3A_501, %and3A_503 : i32
    %multiple_of3A_505 = tpu.assume_multiple %sub3A_504, 8 : i32
    %add3A_506 = arith.constant 13 : i32
    %add3A_507 = arith.addi %mul3A_2, %add3A_506 : i32
    %add3A_508 = arith.constant 13 : i32
    %add3A_509 = arith.addi %mul3A_2, %add3A_508 : i32
    %jit3A_510 = arith.constant 128 : i32
    %eq3A_511 = arith.constant 0 : i32
    %eq3A_512 = arith.cmpi eq, %jit3A_510, %eq3A_511 : i32
    %jit3A_513 = arith.constant 1 : i32
    %select_n3A_514 = arith.select %eq3A_512, %jit3A_513, %jit3A_510 : i32
    %rem3A_515 = arith.remsi %add3A_509, %select_n3A_514 : i32
    %ne3A_516 = arith.constant 0 : i32
    %ne3A_517 = arith.cmpi ne, %rem3A_515, %ne3A_516 : i32
    %lt3A_518 = arith.constant 0 : i32
    %lt3A_519 = arith.cmpi slt, %rem3A_515, %lt3A_518 : i32
    %lt3A_520 = arith.constant 0 : i32
    %lt3A_521 = arith.cmpi slt, %select_n3A_514, %lt3A_520 : i32
    %ne3A_522 = arith.xori %lt3A_519, %lt3A_521 : i1
    %and3A_523 = arith.andi %ne3A_522, %ne3A_517 : i1
    %add3A_524 = arith.addi %rem3A_515, %select_n3A_514 : i32
    %select_n3A_525 = arith.select %and3A_523, %add3A_524, %rem3A_515 : i32
    %sub3A_526 = arith.subi %add3A_507, %select_n3A_525 : i32
    %multiple_of3A_527 = tpu.assume_multiple %sub3A_526, 128 : i32
    %dma_start3A_528 = arith.constant 13 : i32
    %dma_start3A_529 = arith.constant 0 : i32
    %dma_start3A_530 = arith.constant 0 : i32
    %dma_start3A_531 = tpu.memref_slice %arg6[%dma_start3A_528, %dma_start3A_529, %dma_start3A_530] : memref<32x8x128xf32, #tpu.memory_space<vmem>> -> memref<1x8x128xf32, #tpu.memory_space<vmem>>
    %dma_start3A_532 = tpu.memref_squeeze %dma_start3A_531 : memref<1x8x128xf32, #tpu.memory_space<vmem>> -> memref<8x128xf32, #tpu.memory_space<vmem>>
    %dma_start3A_533 = tpu.memref_slice %arg2[%multiple_of3A_505, %multiple_of3A_527] : memref<100000x1024xf32, #tpu.memory_space<hbm>> -> memref<8x128xf32, #tpu.memory_space<hbm>>
    %dma_start3A_534 = arith.constant 0 : i32
    %dma_start3A_535 = arith.constant 0 : i32
    %dma_start3A_536 = tpu.memref_slice %arg6[%dma_start3A_528, %dma_start3A_534, %dma_start3A_535] : memref<32x8x128xf32, #tpu.memory_space<vmem>> -> memref<1x8x128xf32, #tpu.memory_space<vmem>>
    %dma_start3A_537 = tpu.memref_squeeze %dma_start3A_536 : memref<1x8x128xf32, #tpu.memory_space<vmem>> -> memref<8x128xf32, #tpu.memory_space<vmem>>
    %dma_start3A_538 = tpu.memref_slice %arg2[%multiple_of3A_505, %multiple_of3A_527] : memref<100000x1024xf32, #tpu.memory_space<hbm>> -> memref<8x128xf32, #tpu.memory_space<hbm>>
    tpu.enqueue_dma source(%dma_start3A_538 : memref<8x128xf32, #tpu.memory_space<hbm>>) target(%dma_start3A_537 : memref<8x128xf32, #tpu.memory_space<vmem>>) target_semaphore(%arg8 : memref<!tpu.dma_semaphore, #tpu.memory_space<semaphore_mem>>)
    %slice3A_539 = vector.extract_strided_slice %get3A_4 {offsets = [14], sizes = [1], strides = [1]} : vector<16xi32> to vector<1xi32>
    %squeeze3A_540 = vector.extract %slice3A_539[0] : i32 from vector<1xi32>
    %and3A_541 = arith.constant 7 : i32
    %and3A_542 = arith.andi %squeeze3A_540, %and3A_541 : i32
    %sub3A_543 = arith.subi %squeeze3A_540, %and3A_542 : i32
    %multiple_of3A_544 = tpu.assume_multiple %sub3A_543, 8 : i32
    %add3A_545 = arith.constant 14 : i32
    %add3A_546 = arith.addi %mul3A_2, %add3A_545 : i32
    %add3A_547 = arith.constant 14 : i32
    %add3A_548 = arith.addi %mul3A_2, %add3A_547 : i32
    %jit3A_549 = arith.constant 128 : i32
    %eq3A_550 = arith.constant 0 : i32
    %eq3A_551 = arith.cmpi eq, %jit3A_549, %eq3A_550 : i32
    %jit3A_552 = arith.constant 1 : i32
    %select_n3A_553 = arith.select %eq3A_551, %jit3A_552, %jit3A_549 : i32
    %rem3A_554 = arith.remsi %add3A_548, %select_n3A_553 : i32
    %ne3A_555 = arith.constant 0 : i32
    %ne3A_556 = arith.cmpi ne, %rem3A_554, %ne3A_555 : i32
    %lt3A_557 = arith.constant 0 : i32
    %lt3A_558 = arith.cmpi slt, %rem3A_554, %lt3A_557 : i32
    %lt3A_559 = arith.constant 0 : i32
    %lt3A_560 = arith.cmpi slt, %select_n3A_553, %lt3A_559 : i32
    %ne3A_561 = arith.xori %lt3A_558, %lt3A_560 : i1
    %and3A_562 = arith.andi %ne3A_561, %ne3A_556 : i1
    %add3A_563 = arith.addi %rem3A_554, %select_n3A_553 : i32
    %select_n3A_564 = arith.select %and3A_562, %add3A_563, %rem3A_554 : i32
    %sub3A_565 = arith.subi %add3A_546, %select_n3A_564 : i32
    %multiple_of3A_566 = tpu.assume_multiple %sub3A_565, 128 : i32
    %dma_start3A_567 = arith.constant 14 : i32
    %dma_start3A_568 = arith.constant 0 : i32
    %dma_start3A_569 = arith.constant 0 : i32
    %dma_start3A_570 = tpu.memref_slice %arg6[%dma_start3A_567, %dma_start3A_568, %dma_start3A_569] : memref<32x8x128xf32, #tpu.memory_space<vmem>> -> memref<1x8x128xf32, #tpu.memory_space<vmem>>
    %dma_start3A_571 = tpu.memref_squeeze %dma_start3A_570 : memref<1x8x128xf32, #tpu.memory_space<vmem>> -> memref<8x128xf32, #tpu.memory_space<vmem>>
    %dma_start3A_572 = tpu.memref_slice %arg2[%multiple_of3A_544, %multiple_of3A_566] : memref<100000x1024xf32, #tpu.memory_space<hbm>> -> memref<8x128xf32, #tpu.memory_space<hbm>>
    %dma_start3A_573 = arith.constant 0 : i32
    %dma_start3A_574 = arith.constant 0 : i32
    %dma_start3A_575 = tpu.memref_slice %arg6[%dma_start3A_567, %dma_start3A_573, %dma_start3A_574] : memref<32x8x128xf32, #tpu.memory_space<vmem>> -> memref<1x8x128xf32, #tpu.memory_space<vmem>>
    %dma_start3A_576 = tpu.memref_squeeze %dma_start3A_575 : memref<1x8x128xf32, #tpu.memory_space<vmem>> -> memref<8x128xf32, #tpu.memory_space<vmem>>
    %dma_start3A_577 = tpu.memref_slice %arg2[%multiple_of3A_544, %multiple_of3A_566] : memref<100000x1024xf32, #tpu.memory_space<hbm>> -> memref<8x128xf32, #tpu.memory_space<hbm>>
    tpu.enqueue_dma source(%dma_start3A_577 : memref<8x128xf32, #tpu.memory_space<hbm>>) target(%dma_start3A_576 : memref<8x128xf32, #tpu.memory_space<vmem>>) target_semaphore(%arg8 : memref<!tpu.dma_semaphore, #tpu.memory_space<semaphore_mem>>)
    %slice3A_578 = vector.extract_strided_slice %get3A_4 {offsets = [15], sizes = [1], strides = [1]} : vector<16xi32> to vector<1xi32>
    %squeeze3A_579 = vector.extract %slice3A_578[0] : i32 from vector<1xi32>
    %and3A_580 = arith.constant 7 : i32
    %and3A_581 = arith.andi %squeeze3A_579, %and3A_580 : i32
    %sub3A_582 = arith.subi %squeeze3A_579, %and3A_581 : i32
    %multiple_of3A_583 = tpu.assume_multiple %sub3A_582, 8 : i32
    %add3A_584 = arith.constant 15 : i32
    %add3A_585 = arith.addi %mul3A_2, %add3A_584 : i32
    %add3A_586 = arith.constant 15 : i32
    %add3A_587 = arith.addi %mul3A_2, %add3A_586 : i32
    %jit3A_588 = arith.constant 128 : i32
    %eq3A_589 = arith.constant 0 : i32
    %eq3A_590 = arith.cmpi eq, %jit3A_588, %eq3A_589 : i32
    %jit3A_591 = arith.constant 1 : i32
    %select_n3A_592 = arith.select %eq3A_590, %jit3A_591, %jit3A_588 : i32
    %rem3A_593 = arith.remsi %add3A_587, %select_n3A_592 : i32
    %ne3A_594 = arith.constant 0 : i32
    %ne3A_595 = arith.cmpi ne, %rem3A_593, %ne3A_594 : i32
    %lt3A_596 = arith.constant 0 : i32
    %lt3A_597 = arith.cmpi slt, %rem3A_593, %lt3A_596 : i32
    %lt3A_598 = arith.constant 0 : i32
    %lt3A_599 = arith.cmpi slt, %select_n3A_592, %lt3A_598 : i32
    %ne3A_600 = arith.xori %lt3A_597, %lt3A_599 : i1
    %and3A_601 = arith.andi %ne3A_600, %ne3A_595 : i1
    %add3A_602 = arith.addi %rem3A_593, %select_n3A_592 : i32
    %select_n3A_603 = arith.select %and3A_601, %add3A_602, %rem3A_593 : i32
    %sub3A_604 = arith.subi %add3A_585, %select_n3A_603 : i32
    %multiple_of3A_605 = tpu.assume_multiple %sub3A_604, 128 : i32
    %dma_start3A_606 = arith.constant 15 : i32
    %dma_start3A_607 = arith.constant 0 : i32
    %dma_start3A_608 = arith.constant 0 : i32
    %dma_start3A_609 = tpu.memref_slice %arg6[%dma_start3A_606, %dma_start3A_607, %dma_start3A_608] : memref<32x8x128xf32, #tpu.memory_space<vmem>> -> memref<1x8x128xf32, #tpu.memory_space<vmem>>
    %dma_start3A_610 = tpu.memref_squeeze %dma_start3A_609 : memref<1x8x128xf32, #tpu.memory_space<vmem>> -> memref<8x128xf32, #tpu.memory_space<vmem>>
    %dma_start3A_611 = tpu.memref_slice %arg2[%multiple_of3A_583, %multiple_of3A_605] : memref<100000x1024xf32, #tpu.memory_space<hbm>> -> memref<8x128xf32, #tpu.memory_space<hbm>>
    %dma_start3A_612 = arith.constant 0 : i32
    %dma_start3A_613 = arith.constant 0 : i32
    %dma_start3A_614 = tpu.memref_slice %arg6[%dma_start3A_606, %dma_start3A_612, %dma_start3A_613] : memref<32x8x128xf32, #tpu.memory_space<vmem>> -> memref<1x8x128xf32, #tpu.memory_space<vmem>>
    %dma_start3A_615 = tpu.memref_squeeze %dma_start3A_614 : memref<1x8x128xf32, #tpu.memory_space<vmem>> -> memref<8x128xf32, #tpu.memory_space<vmem>>
    %dma_start3A_616 = tpu.memref_slice %arg2[%multiple_of3A_583, %multiple_of3A_605] : memref<100000x1024xf32, #tpu.memory_space<hbm>> -> memref<8x128xf32, #tpu.memory_space<hbm>>
    tpu.enqueue_dma source(%dma_start3A_616 : memref<8x128xf32, #tpu.memory_space<hbm>>) target(%dma_start3A_615 : memref<8x128xf32, #tpu.memory_space<vmem>>) target_semaphore(%arg8 : memref<!tpu.dma_semaphore, #tpu.memory_space<semaphore_mem>>)
    %get3A_617 = arith.constant 16 : index
    %get3A_618 = tpu.vector_load %arg5[%get3A_617] {strides = array<i32>} : memref<32xi32, #tpu.memory_space<vmem>>, vector<16xi32>,
    %get3A_619 = vector.shape_cast %get3A_618 : vector<16xi32> to vector<16xi32>
    %slice3A_620 = vector.extract_strided_slice %get3A_619 {offsets = [0], sizes = [1], strides = [1]} : vector<16xi32> to vector<1xi32>
    %squeeze3A_621 = vector.extract %slice3A_620[0] : i32 from vector<1xi32>
    %and3A_622 = arith.constant 7 : i32
    %and3A_623 = arith.andi %squeeze3A_621, %and3A_622 : i32
    %sub3A_624 = arith.subi %squeeze3A_621, %and3A_623 : i32
    %multiple_of3A_625 = tpu.assume_multiple %sub3A_624, 8 : i32
    %add3A_626 = arith.constant 16 : i32
    %add3A_627 = arith.addi %mul3A_2, %add3A_626 : i32
    %add3A_628 = arith.constant 16 : i32
    %add3A_629 = arith.addi %mul3A_2, %add3A_628 : i32
    %jit3A_630 = arith.constant 128 : i32
    %eq3A_631 = arith.constant 0 : i32
    %eq3A_632 = arith.cmpi eq, %jit3A_630, %eq3A_631 : i32
    %jit3A_633 = arith.constant 1 : i32
    %select_n3A_634 = arith.select %eq3A_632, %jit3A_633, %jit3A_630 : i32
    %rem3A_635 = arith.remsi %add3A_629, %select_n3A_634 : i32
    %ne3A_636 = arith.constant 0 : i32
    %ne3A_637 = arith.cmpi ne, %rem3A_635, %ne3A_636 : i32
    %lt3A_638 = arith.constant 0 : i32
    %lt3A_639 = arith.cmpi slt, %rem3A_635, %lt3A_638 : i32
    %lt3A_640 = arith.constant 0 : i32
    %lt3A_641 = arith.cmpi slt, %select_n3A_634, %lt3A_640 : i32
    %ne3A_642 = arith.xori %lt3A_639, %lt3A_641 : i1
    %and3A_643 = arith.andi %ne3A_642, %ne3A_637 : i1
    %add3A_644 = arith.addi %rem3A_635, %select_n3A_634 : i32
    %select_n3A_645 = arith.select %and3A_643, %add3A_644, %rem3A_635 : i32
    %sub3A_646 = arith.subi %add3A_627, %select_n3A_645 : i32
    %multiple_of3A_647 = tpu.assume_multiple %sub3A_646, 128 : i32
    %dma_start3A_648 = arith.constant 16 : i32
    %dma_start3A_649 = arith.constant 0 : i32
    %dma_start3A_650 = arith.constant 0 : i32
    %dma_start3A_651 = tpu.memref_slice %arg6[%dma_start3A_648, %dma_start3A_649, %dma_start3A_650] : memref<32x8x128xf32, #tpu.memory_space<vmem>> -> memref<1x8x128xf32, #tpu.memory_space<vmem>>
    %dma_start3A_652 = tpu.memref_squeeze %dma_start3A_651 : memref<1x8x128xf32, #tpu.memory_space<vmem>> -> memref<8x128xf32, #tpu.memory_space<vmem>>
    %dma_start3A_653 = tpu.memref_slice %arg2[%multiple_of3A_625, %multiple_of3A_647] : memref<100000x1024xf32, #tpu.memory_space<hbm>> -> memref<8x128xf32, #tpu.memory_space<hbm>>
    %dma_start3A_654 = arith.constant 0 : i32
    %dma_start3A_655 = arith.constant 0 : i32
    %dma_start3A_656 = tpu.memref_slice %arg6[%dma_start3A_648, %dma_start3A_654, %dma_start3A_655] : memref<32x8x128xf32, #tpu.memory_space<vmem>> -> memref<1x8x128xf32, #tpu.memory_space<vmem>>
    %dma_start3A_657 = tpu.memref_squeeze %dma_start3A_656 : memref<1x8x128xf32, #tpu.memory_space<vmem>> -> memref<8x128xf32, #tpu.memory_space<vmem>>
    %dma_start3A_658 = tpu.memref_slice %arg2[%multiple_of3A_625, %multiple_of3A_647] : memref<100000x1024xf32, #tpu.memory_space<hbm>> -> memref<8x128xf32, #tpu.memory_space<hbm>>
    tpu.enqueue_dma source(%dma_start3A_658 : memref<8x128xf32, #tpu.memory_space<hbm>>) target(%dma_start3A_657 : memref<8x128xf32, #tpu.memory_space<vmem>>) target_semaphore(%arg8 : memref<!tpu.dma_semaphore, #tpu.memory_space<semaphore_mem>>)
    %slice3A_659 = vector.extract_strided_slice %get3A_619 {offsets = [1], sizes = [1], strides = [1]} : vector<16xi32> to vector<1xi32>
    %squeeze3A_660 = vector.extract %slice3A_659[0] : i32 from vector<1xi32>
    %and3A_661 = arith.constant 7 : i32
    %and3A_662 = arith.andi %squeeze3A_660, %and3A_661 : i32
    %sub3A_663 = arith.subi %squeeze3A_660, %and3A_662 : i32
    %multiple_of3A_664 = tpu.assume_multiple %sub3A_663, 8 : i32
    %add3A_665 = arith.constant 17 : i32
    %add3A_666 = arith.addi %mul3A_2, %add3A_665 : i32
    %add3A_667 = arith.constant 17 : i32
    %add3A_668 = arith.addi %mul3A_2, %add3A_667 : i32
    %jit3A_669 = arith.constant 128 : i32
    %eq3A_670 = arith.constant 0 : i32
    %eq3A_671 = arith.cmpi eq, %jit3A_669, %eq3A_670 : i32
    %jit3A_672 = arith.constant 1 : i32
    %select_n3A_673 = arith.select %eq3A_671, %jit3A_672, %jit3A_669 : i32
    %rem3A_674 = arith.remsi %add3A_668, %select_n3A_673 : i32
    %ne3A_675 = arith.constant 0 : i32
    %ne3A_676 = arith.cmpi ne, %rem3A_674, %ne3A_675 : i32
    %lt3A_677 = arith.constant 0 : i32
    %lt3A_678 = arith.cmpi slt, %rem3A_674, %lt3A_677 : i32
    %lt3A_679 = arith.constant 0 : i32
    %lt3A_680 = arith.cmpi slt, %select_n3A_673, %lt3A_679 : i32
    %ne3A_681 = arith.xori %lt3A_678, %lt3A_680 : i1
    %and3A_682 = arith.andi %ne3A_681, %ne3A_676 : i1
    %add3A_683 = arith.addi %rem3A_674, %select_n3A_673 : i32
    %select_n3A_684 = arith.select %and3A_682, %add3A_683, %rem3A_674 : i32
    %sub3A_685 = arith.subi %add3A_666, %select_n3A_684 : i32
    %multiple_of3A_686 = tpu.assume_multiple %sub3A_685, 128 : i32
    %dma_start3A_687 = arith.constant 17 : i32
    %dma_start3A_688 = arith.constant 0 : i32
    %dma_start3A_689 = arith.constant 0 : i32
    %dma_start3A_690 = tpu.memref_slice %arg6[%dma_start3A_687, %dma_start3A_688, %dma_start3A_689] : memref<32x8x128xf32, #tpu.memory_space<vmem>> -> memref<1x8x128xf32, #tpu.memory_space<vmem>>
    %dma_start3A_691 = tpu.memref_squeeze %dma_start3A_690 : memref<1x8x128xf32, #tpu.memory_space<vmem>> -> memref<8x128xf32, #tpu.memory_space<vmem>>
    %dma_start3A_692 = tpu.memref_slice %arg2[%multiple_of3A_664, %multiple_of3A_686] : memref<100000x1024xf32, #tpu.memory_space<hbm>> -> memref<8x128xf32, #tpu.memory_space<hbm>>
    %dma_start3A_693 = arith.constant 0 : i32
    %dma_start3A_694 = arith.constant 0 : i32
    %dma_start3A_695 = tpu.memref_slice %arg6[%dma_start3A_687, %dma_start3A_693, %dma_start3A_694] : memref<32x8x128xf32, #tpu.memory_space<vmem>> -> memref<1x8x128xf32, #tpu.memory_space<vmem>>
    %dma_start3A_696 = tpu.memref_squeeze %dma_start3A_695 : memref<1x8x128xf32, #tpu.memory_space<vmem>> -> memref<8x128xf32, #tpu.memory_space<vmem>>
    %dma_start3A_697 = tpu.memref_slice %arg2[%multiple_of3A_664, %multiple_of3A_686] : memref<100000x1024xf32, #tpu.memory_space<hbm>> -> memref<8x128xf32, #tpu.memory_space<hbm>>
    tpu.enqueue_dma source(%dma_start3A_697 : memref<8x128xf32, #tpu.memory_space<hbm>>) target(%dma_start3A_696 : memref<8x128xf32, #tpu.memory_space<vmem>>) target_semaphore(%arg8 : memref<!tpu.dma_semaphore, #tpu.memory_space<semaphore_mem>>)
    %slice3A_698 = vector.extract_strided_slice %get3A_619 {offsets = [2], sizes = [1], strides = [1]} : vector<16xi32> to vector<1xi32>
    %squeeze3A_699 = vector.extract %slice3A_698[0] : i32 from vector<1xi32>
    %and3A_700 = arith.constant 7 : i32
    %and3A_701 = arith.andi %squeeze3A_699, %and3A_700 : i32
    %sub3A_702 = arith.subi %squeeze3A_699, %and3A_701 : i32
    %multiple_of3A_703 = tpu.assume_multiple %sub3A_702, 8 : i32
    %add3A_704 = arith.constant 18 : i32
    %add3A_705 = arith.addi %mul3A_2, %add3A_704 : i32
    %add3A_706 = arith.constant 18 : i32
    %add3A_707 = arith.addi %mul3A_2, %add3A_706 : i32
    %jit3A_708 = arith.constant 128 : i32
    %eq3A_709 = arith.constant 0 : i32
    %eq3A_710 = arith.cmpi eq, %jit3A_708, %eq3A_709 : i32
    %jit3A_711 = arith.constant 1 : i32
    %select_n3A_712 = arith.select %eq3A_710, %jit3A_711, %jit3A_708 : i32
    %rem3A_713 = arith.remsi %add3A_707, %select_n3A_712 : i32
    %ne3A_714 = arith.constant 0 : i32
    %ne3A_715 = arith.cmpi ne, %rem3A_713, %ne3A_714 : i32
    %lt3A_716 = arith.constant 0 : i32
    %lt3A_717 = arith.cmpi slt, %rem3A_713, %lt3A_716 : i32
    %lt3A_718 = arith.constant 0 : i32
    %lt3A_719 = arith.cmpi slt, %select_n3A_712, %lt3A_718 : i32
    %ne3A_720 = arith.xori %lt3A_717, %lt3A_719 : i1
    %and3A_721 = arith.andi %ne3A_720, %ne3A_715 : i1
    %add3A_722 = arith.addi %rem3A_713, %select_n3A_712 : i32
    %select_n3A_723 = arith.select %and3A_721, %add3A_722, %rem3A_713 : i32
    %sub3A_724 = arith.subi %add3A_705, %select_n3A_723 : i32
    %multiple_of3A_725 = tpu.assume_multiple %sub3A_724, 128 : i32
    %dma_start3A_726 = arith.constant 18 : i32
    %dma_start3A_727 = arith.constant 0 : i32
    %dma_start3A_728 = arith.constant 0 : i32
    %dma_start3A_729 = tpu.memref_slice %arg6[%dma_start3A_726, %dma_start3A_727, %dma_start3A_728] : memref<32x8x128xf32, #tpu.memory_space<vmem>> -> memref<1x8x128xf32, #tpu.memory_space<vmem>>
    %dma_start3A_730 = tpu.memref_squeeze %dma_start3A_729 : memref<1x8x128xf32, #tpu.memory_space<vmem>> -> memref<8x128xf32, #tpu.memory_space<vmem>>
    %dma_start3A_731 = tpu.memref_slice %arg2[%multiple_of3A_703, %multiple_of3A_725] : memref<100000x1024xf32, #tpu.memory_space<hbm>> -> memref<8x128xf32, #tpu.memory_space<hbm>>
    %dma_start3A_732 = arith.constant 0 : i32
    %dma_start3A_733 = arith.constant 0 : i32
    %dma_start3A_734 = tpu.memref_slice %arg6[%dma_start3A_726, %dma_start3A_732, %dma_start3A_733] : memref<32x8x128xf32, #tpu.memory_space<vmem>> -> memref<1x8x128xf32, #tpu.memory_space<vmem>>
    %dma_start3A_735 = tpu.memref_squeeze %dma_start3A_734 : memref<1x8x128xf32, #tpu.memory_space<vmem>> -> memref<8x128xf32, #tpu.memory_space<vmem>>
    %dma_start3A_736 = tpu.memref_slice %arg2[%multiple_of3A_703, %multiple_of3A_725] : memref<100000x1024xf32, #tpu.memory_space<hbm>> -> memref<8x128xf32, #tpu.memory_space<hbm>>
    tpu.enqueue_dma source(%dma_start3A_736 : memref<8x128xf32, #tpu.memory_space<hbm>>) target(%dma_start3A_735 : memref<8x128xf32, #tpu.memory_space<vmem>>) target_semaphore(%arg8 : memref<!tpu.dma_semaphore, #tpu.memory_space<semaphore_mem>>)
    %slice3A_737 = vector.extract_strided_slice %get3A_619 {offsets = [3], sizes = [1], strides = [1]} : vector<16xi32> to vector<1xi32>
    %squeeze3A_738 = vector.extract %slice3A_737[0] : i32 from vector<1xi32>
    %and3A_739 = arith.constant 7 : i32
    %and3A_740 = arith.andi %squeeze3A_738, %and3A_739 : i32
    %sub3A_741 = arith.subi %squeeze3A_738, %and3A_740 : i32
    %multiple_of3A_742 = tpu.assume_multiple %sub3A_741, 8 : i32
    %add3A_743 = arith.constant 19 : i32
    %add3A_744 = arith.addi %mul3A_2, %add3A_743 : i32
    %add3A_745 = arith.constant 19 : i32
    %add3A_746 = arith.addi %mul3A_2, %add3A_745 : i32
    %jit3A_747 = arith.constant 128 : i32
    %eq3A_748 = arith.constant 0 : i32
    %eq3A_749 = arith.cmpi eq, %jit3A_747, %eq3A_748 : i32
    %jit3A_750 = arith.constant 1 : i32
    %select_n3A_751 = arith.select %eq3A_749, %jit3A_750, %jit3A_747 : i32
    %rem3A_752 = arith.remsi %add3A_746, %select_n3A_751 : i32
    %ne3A_753 = arith.constant 0 : i32
    %ne3A_754 = arith.cmpi ne, %rem3A_752, %ne3A_753 : i32
    %lt3A_755 = arith.constant 0 : i32
    %lt3A_756 = arith.cmpi slt, %rem3A_752, %lt3A_755 : i32
    %lt3A_757 = arith.constant 0 : i32
    %lt3A_758 = arith.cmpi slt, %select_n3A_751, %lt3A_757 : i32
    %ne3A_759 = arith.xori %lt3A_756, %lt3A_758 : i1
    %and3A_760 = arith.andi %ne3A_759, %ne3A_754 : i1
    %add3A_761 = arith.addi %rem3A_752, %select_n3A_751 : i32
    %select_n3A_762 = arith.select %and3A_760, %add3A_761, %rem3A_752 : i32
    %sub3A_763 = arith.subi %add3A_744, %select_n3A_762 : i32
    %multiple_of3A_764 = tpu.assume_multiple %sub3A_763, 128 : i32
    %dma_start3A_765 = arith.constant 19 : i32
    %dma_start3A_766 = arith.constant 0 : i32
    %dma_start3A_767 = arith.constant 0 : i32
    %dma_start3A_768 = tpu.memref_slice %arg6[%dma_start3A_765, %dma_start3A_766, %dma_start3A_767] : memref<32x8x128xf32, #tpu.memory_space<vmem>> -> memref<1x8x128xf32, #tpu.memory_space<vmem>>
    %dma_start3A_769 = tpu.memref_squeeze %dma_start3A_768 : memref<1x8x128xf32, #tpu.memory_space<vmem>> -> memref<8x128xf32, #tpu.memory_space<vmem>>
    %dma_start3A_770 = tpu.memref_slice %arg2[%multiple_of3A_742, %multiple_of3A_764] : memref<100000x1024xf32, #tpu.memory_space<hbm>> -> memref<8x128xf32, #tpu.memory_space<hbm>>
    %dma_start3A_771 = arith.constant 0 : i32
    %dma_start3A_772 = arith.constant 0 : i32
    %dma_start3A_773 = tpu.memref_slice %arg6[%dma_start3A_765, %dma_start3A_771, %dma_start3A_772] : memref<32x8x128xf32, #tpu.memory_space<vmem>> -> memref<1x8x128xf32, #tpu.memory_space<vmem>>
    %dma_start3A_774 = tpu.memref_squeeze %dma_start3A_773 : memref<1x8x128xf32, #tpu.memory_space<vmem>> -> memref<8x128xf32, #tpu.memory_space<vmem>>
    %dma_start3A_775 = tpu.memref_slice %arg2[%multiple_of3A_742, %multiple_of3A_764] : memref<100000x1024xf32, #tpu.memory_space<hbm>> -> memref<8x128xf32, #tpu.memory_space<hbm>>
    tpu.enqueue_dma source(%dma_start3A_775 : memref<8x128xf32, #tpu.memory_space<hbm>>) target(%dma_start3A_774 : memref<8x128xf32, #tpu.memory_space<vmem>>) target_semaphore(%arg8 : memref<!tpu.dma_semaphore, #tpu.memory_space<semaphore_mem>>)
    %slice3A_776 = vector.extract_strided_slice %get3A_619 {offsets = [4], sizes = [1], strides = [1]} : vector<16xi32> to vector<1xi32>
    %squeeze3A_777 = vector.extract %slice3A_776[0] : i32 from vector<1xi32>
    %and3A_778 = arith.constant 7 : i32
    %and3A_779 = arith.andi %squeeze3A_777, %and3A_778 : i32
    %sub3A_780 = arith.subi %squeeze3A_777, %and3A_779 : i32
    %multiple_of3A_781 = tpu.assume_multiple %sub3A_780, 8 : i32
    %add3A_782 = arith.constant 20 : i32
    %add3A_783 = arith.addi %mul3A_2, %add3A_782 : i32
    %add3A_784 = arith.constant 20 : i32
    %add3A_785 = arith.addi %mul3A_2, %add3A_784 : i32
    %jit3A_786 = arith.constant 128 : i32
    %eq3A_787 = arith.constant 0 : i32
    %eq3A_788 = arith.cmpi eq, %jit3A_786, %eq3A_787 : i32
    %jit3A_789 = arith.constant 1 : i32
    %select_n3A_790 = arith.select %eq3A_788, %jit3A_789, %jit3A_786 : i32
    %rem3A_791 = arith.remsi %add3A_785, %select_n3A_790 : i32
    %ne3A_792 = arith.constant 0 : i32
    %ne3A_793 = arith.cmpi ne, %rem3A_791, %ne3A_792 : i32
    %lt3A_794 = arith.constant 0 : i32
    %lt3A_795 = arith.cmpi slt, %rem3A_791, %lt3A_794 : i32
    %lt3A_796 = arith.constant 0 : i32
    %lt3A_797 = arith.cmpi slt, %select_n3A_790, %lt3A_796 : i32
    %ne3A_798 = arith.xori %lt3A_795, %lt3A_797 : i1
    %and3A_799 = arith.andi %ne3A_798, %ne3A_793 : i1
    %add3A_800 = arith.addi %rem3A_791, %select_n3A_790 : i32
    %select_n3A_801 = arith.select %and3A_799, %add3A_800, %rem3A_791 : i32
    %sub3A_802 = arith.subi %add3A_783, %select_n3A_801 : i32
    %multiple_of3A_803 = tpu.assume_multiple %sub3A_802, 128 : i32
    %dma_start3A_804 = arith.constant 20 : i32
    %dma_start3A_805 = arith.constant 0 : i32
    %dma_start3A_806 = arith.constant 0 : i32
    %dma_start3A_807 = tpu.memref_slice %arg6[%dma_start3A_804, %dma_start3A_805, %dma_start3A_806] : memref<32x8x128xf32, #tpu.memory_space<vmem>> -> memref<1x8x128xf32, #tpu.memory_space<vmem>>
    %dma_start3A_808 = tpu.memref_squeeze %dma_start3A_807 : memref<1x8x128xf32, #tpu.memory_space<vmem>> -> memref<8x128xf32, #tpu.memory_space<vmem>>
    %dma_start3A_809 = tpu.memref_slice %arg2[%multiple_of3A_781, %multiple_of3A_803] : memref<100000x1024xf32, #tpu.memory_space<hbm>> -> memref<8x128xf32, #tpu.memory_space<hbm>>
    %dma_start3A_810 = arith.constant 0 : i32
    %dma_start3A_811 = arith.constant 0 : i32
    %dma_start3A_812 = tpu.memref_slice %arg6[%dma_start3A_804, %dma_start3A_810, %dma_start3A_811] : memref<32x8x128xf32, #tpu.memory_space<vmem>> -> memref<1x8x128xf32, #tpu.memory_space<vmem>>
    %dma_start3A_813 = tpu.memref_squeeze %dma_start3A_812 : memref<1x8x128xf32, #tpu.memory_space<vmem>> -> memref<8x128xf32, #tpu.memory_space<vmem>>
    %dma_start3A_814 = tpu.memref_slice %arg2[%multiple_of3A_781, %multiple_of3A_803] : memref<100000x1024xf32, #tpu.memory_space<hbm>> -> memref<8x128xf32, #tpu.memory_space<hbm>>
    tpu.enqueue_dma source(%dma_start3A_814 : memref<8x128xf32, #tpu.memory_space<hbm>>) target(%dma_start3A_813 : memref<8x128xf32, #tpu.memory_space<vmem>>) target_semaphore(%arg8 : memref<!tpu.dma_semaphore, #tpu.memory_space<semaphore_mem>>)
    %slice3A_815 = vector.extract_strided_slice %get3A_619 {offsets = [5], sizes = [1], strides = [1]} : vector<16xi32> to vector<1xi32>
    %squeeze3A_816 = vector.extract %slice3A_815[0] : i32 from vector<1xi32>
    %and3A_817 = arith.constant 7 : i32
    %and3A_818 = arith.andi %squeeze3A_816, %and3A_817 : i32
    %sub3A_819 = arith.subi %squeeze3A_816, %and3A_818 : i32
    %multiple_of3A_820 = tpu.assume_multiple %sub3A_819, 8 : i32
    %add3A_821 = arith.constant 21 : i32
    %add3A_822 = arith.addi %mul3A_2, %add3A_821 : i32
    %add3A_823 = arith.constant 21 : i32
    %add3A_824 = arith.addi %mul3A_2, %add3A_823 : i32
    %jit3A_825 = arith.constant 128 : i32
    %eq3A_826 = arith.constant 0 : i32
    %eq3A_827 = arith.cmpi eq, %jit3A_825, %eq3A_826 : i32
    %jit3A_828 = arith.constant 1 : i32
    %select_n3A_829 = arith.select %eq3A_827, %jit3A_828, %jit3A_825 : i32
    %rem3A_830 = arith.remsi %add3A_824, %select_n3A_829 : i32
    %ne3A_831 = arith.constant 0 : i32
    %ne3A_832 = arith.cmpi ne, %rem3A_830, %ne3A_831 : i32
    %lt3A_833 = arith.constant 0 : i32
    %lt3A_834 = arith.cmpi slt, %rem3A_830, %lt3A_833 : i32
    %lt3A_835 = arith.constant 0 : i32
    %lt3A_836 = arith.cmpi slt, %select_n3A_829, %lt3A_835 : i32
    %ne3A_837 = arith.xori %lt3A_834, %lt3A_836 : i1
    %and3A_838 = arith.andi %ne3A_837, %ne3A_832 : i1
    %add3A_839 = arith.addi %rem3A_830, %select_n3A_829 : i32
    %select_n3A_840 = arith.select %and3A_838, %add3A_839, %rem3A_830 : i32
    %sub3A_841 = arith.subi %add3A_822, %select_n3A_840 : i32
    %multiple_of3A_842 = tpu.assume_multiple %sub3A_841, 128 : i32
    %dma_start3A_843 = arith.constant 21 : i32
    %dma_start3A_844 = arith.constant 0 : i32
    %dma_start3A_845 = arith.constant 0 : i32
    %dma_start3A_846 = tpu.memref_slice %arg6[%dma_start3A_843, %dma_start3A_844, %dma_start3A_845] : memref<32x8x128xf32, #tpu.memory_space<vmem>> -> memref<1x8x128xf32, #tpu.memory_space<vmem>>
    %dma_start3A_847 = tpu.memref_squeeze %dma_start3A_846 : memref<1x8x128xf32, #tpu.memory_space<vmem>> -> memref<8x128xf32, #tpu.memory_space<vmem>>
    %dma_start3A_848 = tpu.memref_slice %arg2[%multiple_of3A_820, %multiple_of3A_842] : memref<100000x1024xf32, #tpu.memory_space<hbm>> -> memref<8x128xf32, #tpu.memory_space<hbm>>
    %dma_start3A_849 = arith.constant 0 : i32
    %dma_start3A_850 = arith.constant 0 : i32
    %dma_start3A_851 = tpu.memref_slice %arg6[%dma_start3A_843, %dma_start3A_849, %dma_start3A_850] : memref<32x8x128xf32, #tpu.memory_space<vmem>> -> memref<1x8x128xf32, #tpu.memory_space<vmem>>
    %dma_start3A_852 = tpu.memref_squeeze %dma_start3A_851 : memref<1x8x128xf32, #tpu.memory_space<vmem>> -> memref<8x128xf32, #tpu.memory_space<vmem>>
    %dma_start3A_853 = tpu.memref_slice %arg2[%multiple_of3A_820, %multiple_of3A_842] : memref<100000x1024xf32, #tpu.memory_space<hbm>> -> memref<8x128xf32, #tpu.memory_space<hbm>>
    tpu.enqueue_dma source(%dma_start3A_853 : memref<8x128xf32, #tpu.memory_space<hbm>>) target(%dma_start3A_852 : memref<8x128xf32, #tpu.memory_space<vmem>>) target_semaphore(%arg8 : memref<!tpu.dma_semaphore, #tpu.memory_space<semaphore_mem>>)
    %slice3A_854 = vector.extract_strided_slice %get3A_619 {offsets = [6], sizes = [1], strides = [1]} : vector<16xi32> to vector<1xi32>
    %squeeze3A_855 = vector.extract %slice3A_854[0] : i32 from vector<1xi32>
    %and3A_856 = arith.constant 7 : i32
    %and3A_857 = arith.andi %squeeze3A_855, %and3A_856 : i32
    %sub3A_858 = arith.subi %squeeze3A_855, %and3A_857 : i32
    %multiple_of3A_859 = tpu.assume_multiple %sub3A_858, 8 : i32
    %add3A_860 = arith.constant 22 : i32
    %add3A_861 = arith.addi %mul3A_2, %add3A_860 : i32
    %add3A_862 = arith.constant 22 : i32
    %add3A_863 = arith.addi %mul3A_2, %add3A_862 : i32
    %jit3A_864 = arith.constant 128 : i32
    %eq3A_865 = arith.constant 0 : i32
    %eq3A_866 = arith.cmpi eq, %jit3A_864, %eq3A_865 : i32
    %jit3A_867 = arith.constant 1 : i32
    %select_n3A_868 = arith.select %eq3A_866, %jit3A_867, %jit3A_864 : i32
    %rem3A_869 = arith.remsi %add3A_863, %select_n3A_868 : i32
    %ne3A_870 = arith.constant 0 : i32
    %ne3A_871 = arith.cmpi ne, %rem3A_869, %ne3A_870 : i32
    %lt3A_872 = arith.constant 0 : i32
    %lt3A_873 = arith.cmpi slt, %rem3A_869, %lt3A_872 : i32
    %lt3A_874 = arith.constant 0 : i32
    %lt3A_875 = arith.cmpi slt, %select_n3A_868, %lt3A_874 : i32
    %ne3A_876 = arith.xori %lt3A_873, %lt3A_875 : i1
    %and3A_877 = arith.andi %ne3A_876, %ne3A_871 : i1
    %add3A_878 = arith.addi %rem3A_869, %select_n3A_868 : i32
    %select_n3A_879 = arith.select %and3A_877, %add3A_878, %rem3A_869 : i32
    %sub3A_880 = arith.subi %add3A_861, %select_n3A_879 : i32
    %multiple_of3A_881 = tpu.assume_multiple %sub3A_880, 128 : i32
    %dma_start3A_882 = arith.constant 22 : i32
    %dma_start3A_883 = arith.constant 0 : i32
    %dma_start3A_884 = arith.constant 0 : i32
    %dma_start3A_885 = tpu.memref_slice %arg6[%dma_start3A_882, %dma_start3A_883, %dma_start3A_884] : memref<32x8x128xf32, #tpu.memory_space<vmem>> -> memref<1x8x128xf32, #tpu.memory_space<vmem>>
    %dma_start3A_886 = tpu.memref_squeeze %dma_start3A_885 : memref<1x8x128xf32, #tpu.memory_space<vmem>> -> memref<8x128xf32, #tpu.memory_space<vmem>>
    %dma_start3A_887 = tpu.memref_slice %arg2[%multiple_of3A_859, %multiple_of3A_881] : memref<100000x1024xf32, #tpu.memory_space<hbm>> -> memref<8x128xf32, #tpu.memory_space<hbm>>
    %dma_start3A_888 = arith.constant 0 : i32
    %dma_start3A_889 = arith.constant 0 : i32
    %dma_start3A_890 = tpu.memref_slice %arg6[%dma_start3A_882, %dma_start3A_888, %dma_start3A_889] : memref<32x8x128xf32, #tpu.memory_space<vmem>> -> memref<1x8x128xf32, #tpu.memory_space<vmem>>
    %dma_start3A_891 = tpu.memref_squeeze %dma_start3A_890 : memref<1x8x128xf32, #tpu.memory_space<vmem>> -> memref<8x128xf32, #tpu.memory_space<vmem>>
    %dma_start3A_892 = tpu.memref_slice %arg2[%multiple_of3A_859, %multiple_of3A_881] : memref<100000x1024xf32, #tpu.memory_space<hbm>> -> memref<8x128xf32, #tpu.memory_space<hbm>>
    tpu.enqueue_dma source(%dma_start3A_892 : memref<8x128xf32, #tpu.memory_space<hbm>>) target(%dma_start3A_891 : memref<8x128xf32, #tpu.memory_space<vmem>>) target_semaphore(%arg8 : memref<!tpu.dma_semaphore, #tpu.memory_space<semaphore_mem>>)
    %slice3A_893 = vector.extract_strided_slice %get3A_619 {offsets = [7], sizes = [1], strides = [1]} : vector<16xi32> to vector<1xi32>
    %squeeze3A_894 = vector.extract %slice3A_893[0] : i32 from vector<1xi32>
    %and3A_895 = arith.constant 7 : i32
    %and3A_896 = arith.andi %squeeze3A_894, %and3A_895 : i32
    %sub3A_897 = arith.subi %squeeze3A_894, %and3A_896 : i32
    %multiple_of3A_898 = tpu.assume_multiple %sub3A_897, 8 : i32
    %add3A_899 = arith.constant 23 : i32
    %add3A_900 = arith.addi %mul3A_2, %add3A_899 : i32
    %add3A_901 = arith.constant 23 : i32
    %add3A_902 = arith.addi %mul3A_2, %add3A_901 : i32
    %jit3A_903 = arith.constant 128 : i32
    %eq3A_904 = arith.constant 0 : i32
    %eq3A_905 = arith.cmpi eq, %jit3A_903, %eq3A_904 : i32
    %jit3A_906 = arith.constant 1 : i32
    %select_n3A_907 = arith.select %eq3A_905, %jit3A_906, %jit3A_903 : i32
    %rem3A_908 = arith.remsi %add3A_902, %select_n3A_907 : i32
    %ne3A_909 = arith.constant 0 : i32
    %ne3A_910 = arith.cmpi ne, %rem3A_908, %ne3A_909 : i32
    %lt3A_911 = arith.constant 0 : i32
    %lt3A_912 = arith.cmpi slt, %rem3A_908, %lt3A_911 : i32
    %lt3A_913 = arith.constant 0 : i32
    %lt3A_914 = arith.cmpi slt, %select_n3A_907, %lt3A_913 : i32
    %ne3A_915 = arith.xori %lt3A_912, %lt3A_914 : i1
    %and3A_916 = arith.andi %ne3A_915, %ne3A_910 : i1
    %add3A_917 = arith.addi %rem3A_908, %select_n3A_907 : i32
    %select_n3A_918 = arith.select %and3A_916, %add3A_917, %rem3A_908 : i32
    %sub3A_919 = arith.subi %add3A_900, %select_n3A_918 : i32
    %multiple_of3A_920 = tpu.assume_multiple %sub3A_919, 128 : i32
    %dma_start3A_921 = arith.constant 23 : i32
    %dma_start3A_922 = arith.constant 0 : i32
    %dma_start3A_923 = arith.constant 0 : i32
    %dma_start3A_924 = tpu.memref_slice %arg6[%dma_start3A_921, %dma_start3A_922, %dma_start3A_923] : memref<32x8x128xf32, #tpu.memory_space<vmem>> -> memref<1x8x128xf32, #tpu.memory_space<vmem>>
    %dma_start3A_925 = tpu.memref_squeeze %dma_start3A_924 : memref<1x8x128xf32, #tpu.memory_space<vmem>> -> memref<8x128xf32, #tpu.memory_space<vmem>>
    %dma_start3A_926 = tpu.memref_slice %arg2[%multiple_of3A_898, %multiple_of3A_920] : memref<100000x1024xf32, #tpu.memory_space<hbm>> -> memref<8x128xf32, #tpu.memory_space<hbm>>
    %dma_start3A_927 = arith.constant 0 : i32
    %dma_start3A_928 = arith.constant 0 : i32
    %dma_start3A_929 = tpu.memref_slice %arg6[%dma_start3A_921, %dma_start3A_927, %dma_start3A_928] : memref<32x8x128xf32, #tpu.memory_space<vmem>> -> memref<1x8x128xf32, #tpu.memory_space<vmem>>
    %dma_start3A_930 = tpu.memref_squeeze %dma_start3A_929 : memref<1x8x128xf32, #tpu.memory_space<vmem>> -> memref<8x128xf32, #tpu.memory_space<vmem>>
    %dma_start3A_931 = tpu.memref_slice %arg2[%multiple_of3A_898, %multiple_of3A_920] : memref<100000x1024xf32, #tpu.memory_space<hbm>> -> memref<8x128xf32, #tpu.memory_space<hbm>>
    tpu.enqueue_dma source(%dma_start3A_931 : memref<8x128xf32, #tpu.memory_space<hbm>>) target(%dma_start3A_930 : memref<8x128xf32, #tpu.memory_space<vmem>>) target_semaphore(%arg8 : memref<!tpu.dma_semaphore, #tpu.memory_space<semaphore_mem>>)
    %slice3A_932 = vector.extract_strided_slice %get3A_619 {offsets = [8], sizes = [1], strides = [1]} : vector<16xi32> to vector<1xi32>
    %squeeze3A_933 = vector.extract %slice3A_932[0] : i32 from vector<1xi32>
    %and3A_934 = arith.constant 7 : i32
    %and3A_935 = arith.andi %squeeze3A_933, %and3A_934 : i32
    %sub3A_936 = arith.subi %squeeze3A_933, %and3A_935 : i32
    %multiple_of3A_937 = tpu.assume_multiple %sub3A_936, 8 : i32
    %add3A_938 = arith.constant 24 : i32
    %add3A_939 = arith.addi %mul3A_2, %add3A_938 : i32
    %add3A_940 = arith.constant 24 : i32
    %add3A_941 = arith.addi %mul3A_2, %add3A_940 : i32
    %jit3A_942 = arith.constant 128 : i32
    %eq3A_943 = arith.constant 0 : i32
    %eq3A_944 = arith.cmpi eq, %jit3A_942, %eq3A_943 : i32
    %jit3A_945 = arith.constant 1 : i32
    %select_n3A_946 = arith.select %eq3A_944, %jit3A_945, %jit3A_942 : i32
    %rem3A_947 = arith.remsi %add3A_941, %select_n3A_946 : i32
    %ne3A_948 = arith.constant 0 : i32
    %ne3A_949 = arith.cmpi ne, %rem3A_947, %ne3A_948 : i32
    %lt3A_950 = arith.constant 0 : i32
    %lt3A_951 = arith.cmpi slt, %rem3A_947, %lt3A_950 : i32
    %lt3A_952 = arith.constant 0 : i32
    %lt3A_953 = arith.cmpi slt, %select_n3A_946, %lt3A_952 : i32
    %ne3A_954 = arith.xori %lt3A_951, %lt3A_953 : i1
    %and3A_955 = arith.andi %ne3A_954, %ne3A_949 : i1
    %add3A_956 = arith.addi %rem3A_947, %select_n3A_946 : i32
    %select_n3A_957 = arith.select %and3A_955, %add3A_956, %rem3A_947 : i32
    %sub3A_958 = arith.subi %add3A_939, %select_n3A_957 : i32
    %multiple_of3A_959 = tpu.assume_multiple %sub3A_958, 128 : i32
    %dma_start3A_960 = arith.constant 24 : i32
    %dma_start3A_961 = arith.constant 0 : i32
    %dma_start3A_962 = arith.constant 0 : i32
    %dma_start3A_963 = tpu.memref_slice %arg6[%dma_start3A_960, %dma_start3A_961, %dma_start3A_962] : memref<32x8x128xf32, #tpu.memory_space<vmem>> -> memref<1x8x128xf32, #tpu.memory_space<vmem>>
    %dma_start3A_964 = tpu.memref_squeeze %dma_start3A_963 : memref<1x8x128xf32, #tpu.memory_space<vmem>> -> memref<8x128xf32, #tpu.memory_space<vmem>>
    %dma_start3A_965 = tpu.memref_slice %arg2[%multiple_of3A_937, %multiple_of3A_959] : memref<100000x1024xf32, #tpu.memory_space<hbm>> -> memref<8x128xf32, #tpu.memory_space<hbm>>
    %dma_start3A_966 = arith.constant 0 : i32
    %dma_start3A_967 = arith.constant 0 : i32
    %dma_start3A_968 = tpu.memref_slice %arg6[%dma_start3A_960, %dma_start3A_966, %dma_start3A_967] : memref<32x8x128xf32, #tpu.memory_space<vmem>> -> memref<1x8x128xf32, #tpu.memory_space<vmem>>
    %dma_start3A_969 = tpu.memref_squeeze %dma_start3A_968 : memref<1x8x128xf32, #tpu.memory_space<vmem>> -> memref<8x128xf32, #tpu.memory_space<vmem>>
    %dma_start3A_970 = tpu.memref_slice %arg2[%multiple_of3A_937, %multiple_of3A_959] : memref<100000x1024xf32, #tpu.memory_space<hbm>> -> memref<8x128xf32, #tpu.memory_space<hbm>>
    tpu.enqueue_dma source(%dma_start3A_970 : memref<8x128xf32, #tpu.memory_space<hbm>>) target(%dma_start3A_969 : memref<8x128xf32, #tpu.memory_space<vmem>>) target_semaphore(%arg8 : memref<!tpu.dma_semaphore, #tpu.memory_space<semaphore_mem>>)
    %slice3A_971 = vector.extract_strided_slice %get3A_619 {offsets = [9], sizes = [1], strides = [1]} : vector<16xi32> to vector<1xi32>
    %squeeze3A_972 = vector.extract %slice3A_971[0] : i32 from vector<1xi32>
    %and3A_973 = arith.constant 7 : i32
    %and3A_974 = arith.andi %squeeze3A_972, %and3A_973 : i32
    %sub3A_975 = arith.subi %squeeze3A_972, %and3A_974 : i32
    %multiple_of3A_976 = tpu.assume_multiple %sub3A_975, 8 : i32
    %add3A_977 = arith.constant 25 : i32
    %add3A_978 = arith.addi %mul3A_2, %add3A_977 : i32
    %add3A_979 = arith.constant 25 : i32
    %add3A_980 = arith.addi %mul3A_2, %add3A_979 : i32
    %jit3A_981 = arith.constant 128 : i32
    %eq3A_982 = arith.constant 0 : i32
    %eq3A_983 = arith.cmpi eq, %jit3A_981, %eq3A_982 : i32
    %jit3A_984 = arith.constant 1 : i32
    %select_n3A_985 = arith.select %eq3A_983, %jit3A_984, %jit3A_981 : i32
    %rem3A_986 = arith.remsi %add3A_980, %select_n3A_985 : i32
    %ne3A_987 = arith.constant 0 : i32
    %ne3A_988 = arith.cmpi ne, %rem3A_986, %ne3A_987 : i32
    %lt3A_989 = arith.constant 0 : i32
    %lt3A_990 = arith.cmpi slt, %rem3A_986, %lt3A_989 : i32
    %lt3A_991 = arith.constant 0 : i32
    %lt3A_992 = arith.cmpi slt, %select_n3A_985, %lt3A_991 : i32
    %ne3A_993 = arith.xori %lt3A_990, %lt3A_992 : i1
    %and3A_994 = arith.andi %ne3A_993, %ne3A_988 : i1
    %add3A_995 = arith.addi %rem3A_986, %select_n3A_985 : i32
    %select_n3A_996 = arith.select %and3A_994, %add3A_995, %rem3A_986 : i32
    %sub3A_997 = arith.subi %add3A_978, %select_n3A_996 : i32
    %multiple_of3A_998 = tpu.assume_multiple %sub3A_997, 128 : i32
    %dma_start3A_999 = arith.constant 25 : i32
    %dma_start3A_1000 = arith.constant 0 : i32
    %dma_start3A_1001 = arith.constant 0 : i32
    %dma_start3A_1002 = tpu.memref_slice %arg6[%dma_start3A_999, %dma_start3A_1000, %dma_start3A_1001] : memref<32x8x128xf32, #tpu.memory_space<vmem>> -> memref<1x8x128xf32, #tpu.memory_space<vmem>>
    %dma_start3A_1003 = tpu.memref_squeeze %dma_start3A_1002 : memref<1x8x128xf32, #tpu.memory_space<vmem>> -> memref<8x128xf32, #tpu.memory_space<vmem>>
    %dma_start3A_1004 = tpu.memref_slice %arg2[%multiple_of3A_976, %multiple_of3A_998] : memref<100000x1024xf32, #tpu.memory_space<hbm>> -> memref<8x128xf32, #tpu.memory_space<hbm>>
    %dma_start3A_1005 = arith.constant 0 : i32
    %dma_start3A_1006 = arith.constant 0 : i32
    %dma_start3A_1007 = tpu.memref_slice %arg6[%dma_start3A_999, %dma_start3A_1005, %dma_start3A_1006] : memref<32x8x128xf32, #tpu.memory_space<vmem>> -> memref<1x8x128xf32, #tpu.memory_space<vmem>>
    %dma_start3A_1008 = tpu.memref_squeeze %dma_start3A_1007 : memref<1x8x128xf32, #tpu.memory_space<vmem>> -> memref<8x128xf32, #tpu.memory_space<vmem>>
    %dma_start3A_1009 = tpu.memref_slice %arg2[%multiple_of3A_976, %multiple_of3A_998] : memref<100000x1024xf32, #tpu.memory_space<hbm>> -> memref<8x128xf32, #tpu.memory_space<hbm>>
    tpu.enqueue_dma source(%dma_start3A_1009 : memref<8x128xf32, #tpu.memory_space<hbm>>) target(%dma_start3A_1008 : memref<8x128xf32, #tpu.memory_space<vmem>>) target_semaphore(%arg8 : memref<!tpu.dma_semaphore, #tpu.memory_space<semaphore_mem>>)
    %slice3A_1010 = vector.extract_strided_slice %get3A_619 {offsets = [10], sizes = [1], strides = [1]} : vector<16xi32> to vector<1xi32>
    %squeeze3A_1011 = vector.extract %slice3A_1010[0] : i32 from vector<1xi32>
    %and3A_1012 = arith.constant 7 : i32
    %and3A_1013 = arith.andi %squeeze3A_1011, %and3A_1012 : i32
    %sub3A_1014 = arith.subi %squeeze3A_1011, %and3A_1013 : i32
    %multiple_of3A_1015 = tpu.assume_multiple %sub3A_1014, 8 : i32
    %add3A_1016 = arith.constant 26 : i32
    %add3A_1017 = arith.addi %mul3A_2, %add3A_1016 : i32
    %add3A_1018 = arith.constant 26 : i32
    %add3A_1019 = arith.addi %mul3A_2, %add3A_1018 : i32
    %jit3A_1020 = arith.constant 128 : i32
    %eq3A_1021 = arith.constant 0 : i32
    %eq3A_1022 = arith.cmpi eq, %jit3A_1020, %eq3A_1021 : i32
    %jit3A_1023 = arith.constant 1 : i32
    %select_n3A_1024 = arith.select %eq3A_1022, %jit3A_1023, %jit3A_1020 : i32
    %rem3A_1025 = arith.remsi %add3A_1019, %select_n3A_1024 : i32
    %ne3A_1026 = arith.constant 0 : i32
    %ne3A_1027 = arith.cmpi ne, %rem3A_1025, %ne3A_1026 : i32
    %lt3A_1028 = arith.constant 0 : i32
    %lt3A_1029 = arith.cmpi slt, %rem3A_1025, %lt3A_1028 : i32
    %lt3A_1030 = arith.constant 0 : i32
    %lt3A_1031 = arith.cmpi slt, %select_n3A_1024, %lt3A_1030 : i32
    %ne3A_1032 = arith.xori %lt3A_1029, %lt3A_1031 : i1
    %and3A_1033 = arith.andi %ne3A_1032, %ne3A_1027 : i1
    %add3A_1034 = arith.addi %rem3A_1025, %select_n3A_1024 : i32
    %select_n3A_1035 = arith.select %and3A_1033, %add3A_1034, %rem3A_1025 : i32
    %sub3A_1036 = arith.subi %add3A_1017, %select_n3A_1035 : i32
    %multiple_of3A_1037 = tpu.assume_multiple %sub3A_1036, 128 : i32
    %dma_start3A_1038 = arith.constant 26 : i32
    %dma_start3A_1039 = arith.constant 0 : i32
    %dma_start3A_1040 = arith.constant 0 : i32
    %dma_start3A_1041 = tpu.memref_slice %arg6[%dma_start3A_1038, %dma_start3A_1039, %dma_start3A_1040] : memref<32x8x128xf32, #tpu.memory_space<vmem>> -> memref<1x8x128xf32, #tpu.memory_space<vmem>>
    %dma_start3A_1042 = tpu.memref_squeeze %dma_start3A_1041 : memref<1x8x128xf32, #tpu.memory_space<vmem>> -> memref<8x128xf32, #tpu.memory_space<vmem>>
    %dma_start3A_1043 = tpu.memref_slice %arg2[%multiple_of3A_1015, %multiple_of3A_1037] : memref<100000x1024xf32, #tpu.memory_space<hbm>> -> memref<8x128xf32, #tpu.memory_space<hbm>>
    %dma_start3A_1044 = arith.constant 0 : i32
    %dma_start3A_1045 = arith.constant 0 : i32
    %dma_start3A_1046 = tpu.memref_slice %arg6[%dma_start3A_1038, %dma_start3A_1044, %dma_start3A_1045] : memref<32x8x128xf32, #tpu.memory_space<vmem>> -> memref<1x8x128xf32, #tpu.memory_space<vmem>>
    %dma_start3A_1047 = tpu.memref_squeeze %dma_start3A_1046 : memref<1x8x128xf32, #tpu.memory_space<vmem>> -> memref<8x128xf32, #tpu.memory_space<vmem>>
    %dma_start3A_1048 = tpu.memref_slice %arg2[%multiple_of3A_1015, %multiple_of3A_1037] : memref<100000x1024xf32, #tpu.memory_space<hbm>> -> memref<8x128xf32, #tpu.memory_space<hbm>>
    tpu.enqueue_dma source(%dma_start3A_1048 : memref<8x128xf32, #tpu.memory_space<hbm>>) target(%dma_start3A_1047 : memref<8x128xf32, #tpu.memory_space<vmem>>) target_semaphore(%arg8 : memref<!tpu.dma_semaphore, #tpu.memory_space<semaphore_mem>>)
    %slice3A_1049 = vector.extract_strided_slice %get3A_619 {offsets = [11], sizes = [1], strides = [1]} : vector<16xi32> to vector<1xi32>
    %squeeze3A_1050 = vector.extract %slice3A_1049[0] : i32 from vector<1xi32>
    %and3A_1051 = arith.constant 7 : i32
    %and3A_1052 = arith.andi %squeeze3A_1050, %and3A_1051 : i32
    %sub3A_1053 = arith.subi %squeeze3A_1050, %and3A_1052 : i32
    %multiple_of3A_1054 = tpu.assume_multiple %sub3A_1053, 8 : i32
    %add3A_1055 = arith.constant 27 : i32
    %add3A_1056 = arith.addi %mul3A_2, %add3A_1055 : i32
    %add3A_1057 = arith.constant 27 : i32
    %add3A_1058 = arith.addi %mul3A_2, %add3A_1057 : i32
    %jit3A_1059 = arith.constant 128 : i32
    %eq3A_1060 = arith.constant 0 : i32
    %eq3A_1061 = arith.cmpi eq, %jit3A_1059, %eq3A_1060 : i32
    %jit3A_1062 = arith.constant 1 : i32
    %select_n3A_1063 = arith.select %eq3A_1061, %jit3A_1062, %jit3A_1059 : i32
    %rem3A_1064 = arith.remsi %add3A_1058, %select_n3A_1063 : i32
    %ne3A_1065 = arith.constant 0 : i32
    %ne3A_1066 = arith.cmpi ne, %rem3A_1064, %ne3A_1065 : i32
    %lt3A_1067 = arith.constant 0 : i32
    %lt3A_1068 = arith.cmpi slt, %rem3A_1064, %lt3A_1067 : i32
    %lt3A_1069 = arith.constant 0 : i32
    %lt3A_1070 = arith.cmpi slt, %select_n3A_1063, %lt3A_1069 : i32
    %ne3A_1071 = arith.xori %lt3A_1068, %lt3A_1070 : i1
    %and3A_1072 = arith.andi %ne3A_1071, %ne3A_1066 : i1
    %add3A_1073 = arith.addi %rem3A_1064, %select_n3A_1063 : i32
    %select_n3A_1074 = arith.select %and3A_1072, %add3A_1073, %rem3A_1064 : i32
    %sub3A_1075 = arith.subi %add3A_1056, %select_n3A_1074 : i32
    %multiple_of3A_1076 = tpu.assume_multiple %sub3A_1075, 128 : i32
    %dma_start3A_1077 = arith.constant 27 : i32
    %dma_start3A_1078 = arith.constant 0 : i32
    %dma_start3A_1079 = arith.constant 0 : i32
    %dma_start3A_1080 = tpu.memref_slice %arg6[%dma_start3A_1077, %dma_start3A_1078, %dma_start3A_1079] : memref<32x8x128xf32, #tpu.memory_space<vmem>> -> memref<1x8x128xf32, #tpu.memory_space<vmem>>
    %dma_start3A_1081 = tpu.memref_squeeze %dma_start3A_1080 : memref<1x8x128xf32, #tpu.memory_space<vmem>> -> memref<8x128xf32, #tpu.memory_space<vmem>>
    %dma_start3A_1082 = tpu.memref_slice %arg2[%multiple_of3A_1054, %multiple_of3A_1076] : memref<100000x1024xf32, #tpu.memory_space<hbm>> -> memref<8x128xf32, #tpu.memory_space<hbm>>
    %dma_start3A_1083 = arith.constant 0 : i32
    %dma_start3A_1084 = arith.constant 0 : i32
    %dma_start3A_1085 = tpu.memref_slice %arg6[%dma_start3A_1077, %dma_start3A_1083, %dma_start3A_1084] : memref<32x8x128xf32, #tpu.memory_space<vmem>> -> memref<1x8x128xf32, #tpu.memory_space<vmem>>
    %dma_start3A_1086 = tpu.memref_squeeze %dma_start3A_1085 : memref<1x8x128xf32, #tpu.memory_space<vmem>> -> memref<8x128xf32, #tpu.memory_space<vmem>>
    %dma_start3A_1087 = tpu.memref_slice %arg2[%multiple_of3A_1054, %multiple_of3A_1076] : memref<100000x1024xf32, #tpu.memory_space<hbm>> -> memref<8x128xf32, #tpu.memory_space<hbm>>
    tpu.enqueue_dma source(%dma_start3A_1087 : memref<8x128xf32, #tpu.memory_space<hbm>>) target(%dma_start3A_1086 : memref<8x128xf32, #tpu.memory_space<vmem>>) target_semaphore(%arg8 : memref<!tpu.dma_semaphore, #tpu.memory_space<semaphore_mem>>)
    %slice3A_1088 = vector.extract_strided_slice %get3A_619 {offsets = [12], sizes = [1], strides = [1]} : vector<16xi32> to vector<1xi32>
    %squeeze3A_1089 = vector.extract %slice3A_1088[0] : i32 from vector<1xi32>
    %and3A_1090 = arith.constant 7 : i32
    %and3A_1091 = arith.andi %squeeze3A_1089, %and3A_1090 : i32
    %sub3A_1092 = arith.subi %squeeze3A_1089, %and3A_1091 : i32
    %multiple_of3A_1093 = tpu.assume_multiple %sub3A_1092, 8 : i32
    %add3A_1094 = arith.constant 28 : i32
    %add3A_1095 = arith.addi %mul3A_2, %add3A_1094 : i32
    %add3A_1096 = arith.constant 28 : i32
    %add3A_1097 = arith.addi %mul3A_2, %add3A_1096 : i32
    %jit3A_1098 = arith.constant 128 : i32
    %eq3A_1099 = arith.constant 0 : i32
    %eq3A_1100 = arith.cmpi eq, %jit3A_1098, %eq3A_1099 : i32
    %jit3A_1101 = arith.constant 1 : i32
    %select_n3A_1102 = arith.select %eq3A_1100, %jit3A_1101, %jit3A_1098 : i32
    %rem3A_1103 = arith.remsi %add3A_1097, %select_n3A_1102 : i32
    %ne3A_1104 = arith.constant 0 : i32
    %ne3A_1105 = arith.cmpi ne, %rem3A_1103, %ne3A_1104 : i32
    %lt3A_1106 = arith.constant 0 : i32
    %lt3A_1107 = arith.cmpi slt, %rem3A_1103, %lt3A_1106 : i32
    %lt3A_1108 = arith.constant 0 : i32
    %lt3A_1109 = arith.cmpi slt, %select_n3A_1102, %lt3A_1108 : i32
    %ne3A_1110 = arith.xori %lt3A_1107, %lt3A_1109 : i1
    %and3A_1111 = arith.andi %ne3A_1110, %ne3A_1105 : i1
    %add3A_1112 = arith.addi %rem3A_1103, %select_n3A_1102 : i32
    %select_n3A_1113 = arith.select %and3A_1111, %add3A_1112, %rem3A_1103 : i32
    %sub3A_1114 = arith.subi %add3A_1095, %select_n3A_1113 : i32
    %multiple_of3A_1115 = tpu.assume_multiple %sub3A_1114, 128 : i32
    %dma_start3A_1116 = arith.constant 28 : i32
    %dma_start3A_1117 = arith.constant 0 : i32
    %dma_start3A_1118 = arith.constant 0 : i32
    %dma_start3A_1119 = tpu.memref_slice %arg6[%dma_start3A_1116, %dma_start3A_1117, %dma_start3A_1118] : memref<32x8x128xf32, #tpu.memory_space<vmem>> -> memref<1x8x128xf32, #tpu.memory_space<vmem>>
    %dma_start3A_1120 = tpu.memref_squeeze %dma_start3A_1119 : memref<1x8x128xf32, #tpu.memory_space<vmem>> -> memref<8x128xf32, #tpu.memory_space<vmem>>
    %dma_start3A_1121 = tpu.memref_slice %arg2[%multiple_of3A_1093, %multiple_of3A_1115] : memref<100000x1024xf32, #tpu.memory_space<hbm>> -> memref<8x128xf32, #tpu.memory_space<hbm>>
    %dma_start3A_1122 = arith.constant 0 : i32
    %dma_start3A_1123 = arith.constant 0 : i32
    %dma_start3A_1124 = tpu.memref_slice %arg6[%dma_start3A_1116, %dma_start3A_1122, %dma_start3A_1123] : memref<32x8x128xf32, #tpu.memory_space<vmem>> -> memref<1x8x128xf32, #tpu.memory_space<vmem>>
    %dma_start3A_1125 = tpu.memref_squeeze %dma_start3A_1124 : memref<1x8x128xf32, #tpu.memory_space<vmem>> -> memref<8x128xf32, #tpu.memory_space<vmem>>
    %dma_start3A_1126 = tpu.memref_slice %arg2[%multiple_of3A_1093, %multiple_of3A_1115] : memref<100000x1024xf32, #tpu.memory_space<hbm>> -> memref<8x128xf32, #tpu.memory_space<hbm>>
    tpu.enqueue_dma source(%dma_start3A_1126 : memref<8x128xf32, #tpu.memory_space<hbm>>) target(%dma_start3A_1125 : memref<8x128xf32, #tpu.memory_space<vmem>>) target_semaphore(%arg8 : memref<!tpu.dma_semaphore, #tpu.memory_space<semaphore_mem>>)
    %slice3A_1127 = vector.extract_strided_slice %get3A_619 {offsets = [13], sizes = [1], strides = [1]} : vector<16xi32> to vector<1xi32>
    %squeeze3A_1128 = vector.extract %slice3A_1127[0] : i32 from vector<1xi32>
    %and3A_1129 = arith.constant 7 : i32
    %and3A_1130 = arith.andi %squeeze3A_1128, %and3A_1129 : i32
    %sub3A_1131 = arith.subi %squeeze3A_1128, %and3A_1130 : i32
    %multiple_of3A_1132 = tpu.assume_multiple %sub3A_1131, 8 : i32
    %add3A_1133 = arith.constant 29 : i32
    %add3A_1134 = arith.addi %mul3A_2, %add3A_1133 : i32
    %add3A_1135 = arith.constant 29 : i32
    %add3A_1136 = arith.addi %mul3A_2, %add3A_1135 : i32
    %jit3A_1137 = arith.constant 128 : i32
    %eq3A_1138 = arith.constant 0 : i32
    %eq3A_1139 = arith.cmpi eq, %jit3A_1137, %eq3A_1138 : i32
    %jit3A_1140 = arith.constant 1 : i32
    %select_n3A_1141 = arith.select %eq3A_1139, %jit3A_1140, %jit3A_1137 : i32
    %rem3A_1142 = arith.remsi %add3A_1136, %select_n3A_1141 : i32
    %ne3A_1143 = arith.constant 0 : i32
    %ne3A_1144 = arith.cmpi ne, %rem3A_1142, %ne3A_1143 : i32
    %lt3A_1145 = arith.constant 0 : i32
    %lt3A_1146 = arith.cmpi slt, %rem3A_1142, %lt3A_1145 : i32
    %lt3A_1147 = arith.constant 0 : i32
    %lt3A_1148 = arith.cmpi slt, %select_n3A_1141, %lt3A_1147 : i32
    %ne3A_1149 = arith.xori %lt3A_1146, %lt3A_1148 : i1
    %and3A_1150 = arith.andi %ne3A_1149, %ne3A_1144 : i1
    %add3A_1151 = arith.addi %rem3A_1142, %select_n3A_1141 : i32
    %select_n3A_1152 = arith.select %and3A_1150, %add3A_1151, %rem3A_1142 : i32
    %sub3A_1153 = arith.subi %add3A_1134, %select_n3A_1152 : i32
    %multiple_of3A_1154 = tpu.assume_multiple %sub3A_1153, 128 : i32
    %dma_start3A_1155 = arith.constant 29 : i32
    %dma_start3A_1156 = arith.constant 0 : i32
    %dma_start3A_1157 = arith.constant 0 : i32
    %dma_start3A_1158 = tpu.memref_slice %arg6[%dma_start3A_1155, %dma_start3A_1156, %dma_start3A_1157] : memref<32x8x128xf32, #tpu.memory_space<vmem>> -> memref<1x8x128xf32, #tpu.memory_space<vmem>>
    %dma_start3A_1159 = tpu.memref_squeeze %dma_start3A_1158 : memref<1x8x128xf32, #tpu.memory_space<vmem>> -> memref<8x128xf32, #tpu.memory_space<vmem>>
    %dma_start3A_1160 = tpu.memref_slice %arg2[%multiple_of3A_1132, %multiple_of3A_1154] : memref<100000x1024xf32, #tpu.memory_space<hbm>> -> memref<8x128xf32, #tpu.memory_space<hbm>>
    %dma_start3A_1161 = arith.constant 0 : i32
    %dma_start3A_1162 = arith.constant 0 : i32
    %dma_start3A_1163 = tpu.memref_slice %arg6[%dma_start3A_1155, %dma_start3A_1161, %dma_start3A_1162] : memref<32x8x128xf32, #tpu.memory_space<vmem>> -> memref<1x8x128xf32, #tpu.memory_space<vmem>>
    %dma_start3A_1164 = tpu.memref_squeeze %dma_start3A_1163 : memref<1x8x128xf32, #tpu.memory_space<vmem>> -> memref<8x128xf32, #tpu.memory_space<vmem>>
    %dma_start3A_1165 = tpu.memref_slice %arg2[%multiple_of3A_1132, %multiple_of3A_1154] : memref<100000x1024xf32, #tpu.memory_space<hbm>> -> memref<8x128xf32, #tpu.memory_space<hbm>>
    tpu.enqueue_dma source(%dma_start3A_1165 : memref<8x128xf32, #tpu.memory_space<hbm>>) target(%dma_start3A_1164 : memref<8x128xf32, #tpu.memory_space<vmem>>) target_semaphore(%arg8 : memref<!tpu.dma_semaphore, #tpu.memory_space<semaphore_mem>>)
    %slice3A_1166 = vector.extract_strided_slice %get3A_619 {offsets = [14], sizes = [1], strides = [1]} : vector<16xi32> to vector<1xi32>
    %squeeze3A_1167 = vector.extract %slice3A_1166[0] : i32 from vector<1xi32>
    %and3A_1168 = arith.constant 7 : i32
    %and3A_1169 = arith.andi %squeeze3A_1167, %and3A_1168 : i32
    %sub3A_1170 = arith.subi %squeeze3A_1167, %and3A_1169 : i32
    %multiple_of3A_1171 = tpu.assume_multiple %sub3A_1170, 8 : i32
    %add3A_1172 = arith.constant 30 : i32
    %add3A_1173 = arith.addi %mul3A_2, %add3A_1172 : i32
    %add3A_1174 = arith.constant 30 : i32
    %add3A_1175 = arith.addi %mul3A_2, %add3A_1174 : i32
    %jit3A_1176 = arith.constant 128 : i32
    %eq3A_1177 = arith.constant 0 : i32
    %eq3A_1178 = arith.cmpi eq, %jit3A_1176, %eq3A_1177 : i32
    %jit3A_1179 = arith.constant 1 : i32
    %select_n3A_1180 = arith.select %eq3A_1178, %jit3A_1179, %jit3A_1176 : i32
    %rem3A_1181 = arith.remsi %add3A_1175, %select_n3A_1180 : i32
    %ne3A_1182 = arith.constant 0 : i32
    %ne3A_1183 = arith.cmpi ne, %rem3A_1181, %ne3A_1182 : i32
    %lt3A_1184 = arith.constant 0 : i32
    %lt3A_1185 = arith.cmpi slt, %rem3A_1181, %lt3A_1184 : i32
    %lt3A_1186 = arith.constant 0 : i32
    %lt3A_1187 = arith.cmpi slt, %select_n3A_1180, %lt3A_1186 : i32
    %ne3A_1188 = arith.xori %lt3A_1185, %lt3A_1187 : i1
    %and3A_1189 = arith.andi %ne3A_1188, %ne3A_1183 : i1
    %add3A_1190 = arith.addi %rem3A_1181, %select_n3A_1180 : i32
    %select_n3A_1191 = arith.select %and3A_1189, %add3A_1190, %rem3A_1181 : i32
    %sub3A_1192 = arith.subi %add3A_1173, %select_n3A_1191 : i32
    %multiple_of3A_1193 = tpu.assume_multiple %sub3A_1192, 128 : i32
    %dma_start3A_1194 = arith.constant 30 : i32
    %dma_start3A_1195 = arith.constant 0 : i32
    %dma_start3A_1196 = arith.constant 0 : i32
    %dma_start3A_1197 = tpu.memref_slice %arg6[%dma_start3A_1194, %dma_start3A_1195, %dma_start3A_1196] : memref<32x8x128xf32, #tpu.memory_space<vmem>> -> memref<1x8x128xf32, #tpu.memory_space<vmem>>
    %dma_start3A_1198 = tpu.memref_squeeze %dma_start3A_1197 : memref<1x8x128xf32, #tpu.memory_space<vmem>> -> memref<8x128xf32, #tpu.memory_space<vmem>>
    %dma_start3A_1199 = tpu.memref_slice %arg2[%multiple_of3A_1171, %multiple_of3A_1193] : memref<100000x1024xf32, #tpu.memory_space<hbm>> -> memref<8x128xf32, #tpu.memory_space<hbm>>
    %dma_start3A_1200 = arith.constant 0 : i32
    %dma_start3A_1201 = arith.constant 0 : i32
    %dma_start3A_1202 = tpu.memref_slice %arg6[%dma_start3A_1194, %dma_start3A_1200, %dma_start3A_1201] : memref<32x8x128xf32, #tpu.memory_space<vmem>> -> memref<1x8x128xf32, #tpu.memory_space<vmem>>
    %dma_start3A_1203 = tpu.memref_squeeze %dma_start3A_1202 : memref<1x8x128xf32, #tpu.memory_space<vmem>> -> memref<8x128xf32, #tpu.memory_space<vmem>>
    %dma_start3A_1204 = tpu.memref_slice %arg2[%multiple_of3A_1171, %multiple_of3A_1193] : memref<100000x1024xf32, #tpu.memory_space<hbm>> -> memref<8x128xf32, #tpu.memory_space<hbm>>
    tpu.enqueue_dma source(%dma_start3A_1204 : memref<8x128xf32, #tpu.memory_space<hbm>>) target(%dma_start3A_1203 : memref<8x128xf32, #tpu.memory_space<vmem>>) target_semaphore(%arg8 : memref<!tpu.dma_semaphore, #tpu.memory_space<semaphore_mem>>)
    %slice3A_1205 = vector.extract_strided_slice %get3A_619 {offsets = [15], sizes = [1], strides = [1]} : vector<16xi32> to vector<1xi32>
    %squeeze3A_1206 = vector.extract %slice3A_1205[0] : i32 from vector<1xi32>
    %and3A_1207 = arith.constant 7 : i32
    %and3A_1208 = arith.andi %squeeze3A_1206, %and3A_1207 : i32
    %sub3A_1209 = arith.subi %squeeze3A_1206, %and3A_1208 : i32
    %multiple_of3A_1210 = tpu.assume_multiple %sub3A_1209, 8 : i32
    %add3A_1211 = arith.constant 31 : i32
    %add3A_1212 = arith.addi %mul3A_2, %add3A_1211 : i32
    %add3A_1213 = arith.constant 31 : i32
    %add3A_1214 = arith.addi %mul3A_2, %add3A_1213 : i32
    %jit3A_1215 = arith.constant 128 : i32
    %eq3A_1216 = arith.constant 0 : i32
    %eq3A_1217 = arith.cmpi eq, %jit3A_1215, %eq3A_1216 : i32
    %jit3A_1218 = arith.constant 1 : i32
    %select_n3A_1219 = arith.select %eq3A_1217, %jit3A_1218, %jit3A_1215 : i32
    %rem3A_1220 = arith.remsi %add3A_1214, %select_n3A_1219 : i32
    %ne3A_1221 = arith.constant 0 : i32
    %ne3A_1222 = arith.cmpi ne, %rem3A_1220, %ne3A_1221 : i32
    %lt3A_1223 = arith.constant 0 : i32
    %lt3A_1224 = arith.cmpi slt, %rem3A_1220, %lt3A_1223 : i32
    %lt3A_1225 = arith.constant 0 : i32
    %lt3A_1226 = arith.cmpi slt, %select_n3A_1219, %lt3A_1225 : i32
    %ne3A_1227 = arith.xori %lt3A_1224, %lt3A_1226 : i1
    %and3A_1228 = arith.andi %ne3A_1227, %ne3A_1222 : i1
    %add3A_1229 = arith.addi %rem3A_1220, %select_n3A_1219 : i32
    %select_n3A_1230 = arith.select %and3A_1228, %add3A_1229, %rem3A_1220 : i32
    %sub3A_1231 = arith.subi %add3A_1212, %select_n3A_1230 : i32
    %multiple_of3A_1232 = tpu.assume_multiple %sub3A_1231, 128 : i32
    %dma_start3A_1233 = arith.constant 31 : i32
    %dma_start3A_1234 = arith.constant 0 : i32
    %dma_start3A_1235 = arith.constant 0 : i32
    %dma_start3A_1236 = tpu.memref_slice %arg6[%dma_start3A_1233, %dma_start3A_1234, %dma_start3A_1235] : memref<32x8x128xf32, #tpu.memory_space<vmem>> -> memref<1x8x128xf32, #tpu.memory_space<vmem>>
    %dma_start3A_1237 = tpu.memref_squeeze %dma_start3A_1236 : memref<1x8x128xf32, #tpu.memory_space<vmem>> -> memref<8x128xf32, #tpu.memory_space<vmem>>
    %dma_start3A_1238 = tpu.memref_slice %arg2[%multiple_of3A_1210, %multiple_of3A_1232] : memref<100000x1024xf32, #tpu.memory_space<hbm>> -> memref<8x128xf32, #tpu.memory_space<hbm>>
    %dma_start3A_1239 = arith.constant 0 : i32
    %dma_start3A_1240 = arith.constant 0 : i32
    %dma_start3A_1241 = tpu.memref_slice %arg6[%dma_start3A_1233, %dma_start3A_1239, %dma_start3A_1240] : memref<32x8x128xf32, #tpu.memory_space<vmem>> -> memref<1x8x128xf32, #tpu.memory_space<vmem>>
    %dma_start3A_1242 = tpu.memref_squeeze %dma_start3A_1241 : memref<1x8x128xf32, #tpu.memory_space<vmem>> -> memref<8x128xf32, #tpu.memory_space<vmem>>
    %dma_start3A_1243 = tpu.memref_slice %arg2[%multiple_of3A_1210, %multiple_of3A_1232] : memref<100000x1024xf32, #tpu.memory_space<hbm>> -> memref<8x128xf32, #tpu.memory_space<hbm>>
    tpu.enqueue_dma source(%dma_start3A_1243 : memref<8x128xf32, #tpu.memory_space<hbm>>) target(%dma_start3A_1242 : memref<8x128xf32, #tpu.memory_space<vmem>>) target_semaphore(%arg8 : memref<!tpu.dma_semaphore, #tpu.memory_space<semaphore_mem>>)
    %dma_wait3A = arith.constant 0 : i32
    %dma_wait3A_1244 = arith.constant 0 : i32
    %dma_wait3A_1245 = arith.constant 0 : i32
    %dma_wait3A_1246 = tpu.memref_slice %arg6[%dma_wait3A, %dma_wait3A_1244, %dma_wait3A_1245] : memref<32x8x128xf32, #tpu.memory_space<vmem>> -> memref<1x8x128xf32, #tpu.memory_space<vmem>>
    %dma_wait3A_1247 = tpu.memref_squeeze %dma_wait3A_1246 : memref<1x8x128xf32, #tpu.memory_space<vmem>> -> memref<8x128xf32, #tpu.memory_space<vmem>>
    %dma_wait3A_1248 = tpu.memref_slice %arg2[%multiple_of3A, %multiple_of3A_21] : memref<100000x1024xf32, #tpu.memory_space<hbm>> -> memref<8x128xf32, #tpu.memory_space<hbm>>
    %dma_wait3A_1249 = arith.constant 0 : i32
    %dma_wait3A_1250 = arith.constant 0 : i32
    %dma_wait3A_1251 = tpu.memref_slice %arg6[%dma_wait3A, %dma_wait3A_1249, %dma_wait3A_1250] : memref<32x8x128xf32, #tpu.memory_space<vmem>> -> memref<1x8x128xf32, #tpu.memory_space<vmem>>
    %dma_wait3A_1252 = tpu.memref_squeeze %dma_wait3A_1251 : memref<1x8x128xf32, #tpu.memory_space<vmem>> -> memref<8x128xf32, #tpu.memory_space<vmem>>
    %dma_wait3A_1253 = tpu.memref_slice %arg2[%multiple_of3A, %multiple_of3A_21] : memref<100000x1024xf32, #tpu.memory_space<hbm>> -> memref<8x128xf32, #tpu.memory_space<hbm>>
    tpu.wait_dma2 semaphore(%arg8 : memref<!tpu.dma_semaphore, #tpu.memory_space<semaphore_mem>>) src(%dma_wait3A_1253 : memref<8x128xf32, #tpu.memory_space<hbm>>) dst(%dma_wait3A_1252 : memref<8x128xf32, #tpu.memory_space<vmem>>)
    %dma_wait3A_1254 = arith.constant 1 : i32
    %dma_wait3A_1255 = arith.constant 0 : i32
    %dma_wait3A_1256 = arith.constant 0 : i32
    %dma_wait3A_1257 = tpu.memref_slice %arg6[%dma_wait3A_1254, %dma_wait3A_1255, %dma_wait3A_1256] : memref<32x8x128xf32, #tpu.memory_space<vmem>> -> memref<1x8x128xf32, #tpu.memory_space<vmem>>
    %dma_wait3A_1258 = tpu.memref_squeeze %dma_wait3A_1257 : memref<1x8x128xf32, #tpu.memory_space<vmem>> -> memref<8x128xf32, #tpu.memory_space<vmem>>
    %dma_wait3A_1259 = tpu.memref_slice %arg2[%multiple_of3A_37, %multiple_of3A_59] : memref<100000x1024xf32, #tpu.memory_space<hbm>> -> memref<8x128xf32, #tpu.memory_space<hbm>>
    %dma_wait3A_1260 = arith.constant 0 : i32
    %dma_wait3A_1261 = arith.constant 0 : i32
    %dma_wait3A_1262 = tpu.memref_slice %arg6[%dma_wait3A_1254, %dma_wait3A_1260, %dma_wait3A_1261] : memref<32x8x128xf32, #tpu.memory_space<vmem>> -> memref<1x8x128xf32, #tpu.memory_space<vmem>>
    %dma_wait3A_1263 = tpu.memref_squeeze %dma_wait3A_1262 : memref<1x8x128xf32, #tpu.memory_space<vmem>> -> memref<8x128xf32, #tpu.memory_space<vmem>>
    %dma_wait3A_1264 = tpu.memref_slice %arg2[%multiple_of3A_37, %multiple_of3A_59] : memref<100000x1024xf32, #tpu.memory_space<hbm>> -> memref<8x128xf32, #tpu.memory_space<hbm>>
    tpu.wait_dma2 semaphore(%arg8 : memref<!tpu.dma_semaphore, #tpu.memory_space<semaphore_mem>>) src(%dma_wait3A_1264 : memref<8x128xf32, #tpu.memory_space<hbm>>) dst(%dma_wait3A_1263 : memref<8x128xf32, #tpu.memory_space<vmem>>)
    %dma_wait3A_1265 = arith.constant 2 : i32
    %dma_wait3A_1266 = arith.constant 0 : i32
    %dma_wait3A_1267 = arith.constant 0 : i32
    %dma_wait3A_1268 = tpu.memref_slice %arg6[%dma_wait3A_1265, %dma_wait3A_1266, %dma_wait3A_1267] : memref<32x8x128xf32, #tpu.memory_space<vmem>> -> memref<1x8x128xf32, #tpu.memory_space<vmem>>
    %dma_wait3A_1269 = tpu.memref_squeeze %dma_wait3A_1268 : memref<1x8x128xf32, #tpu.memory_space<vmem>> -> memref<8x128xf32, #tpu.memory_space<vmem>>
    %dma_wait3A_1270 = tpu.memref_slice %arg2[%multiple_of3A_76, %multiple_of3A_98] : memref<100000x1024xf32, #tpu.memory_space<hbm>> -> memref<8x128xf32, #tpu.memory_space<hbm>>
    %dma_wait3A_1271 = arith.constant 0 : i32
    %dma_wait3A_1272 = arith.constant 0 : i32
    %dma_wait3A_1273 = tpu.memref_slice %arg6[%dma_wait3A_1265, %dma_wait3A_1271, %dma_wait3A_1272] : memref<32x8x128xf32, #tpu.memory_space<vmem>> -> memref<1x8x128xf32, #tpu.memory_space<vmem>>
    %dma_wait3A_1274 = tpu.memref_squeeze %dma_wait3A_1273 : memref<1x8x128xf32, #tpu.memory_space<vmem>> -> memref<8x128xf32, #tpu.memory_space<vmem>>
    %dma_wait3A_1275 = tpu.memref_slice %arg2[%multiple_of3A_76, %multiple_of3A_98] : memref<100000x1024xf32, #tpu.memory_space<hbm>> -> memref<8x128xf32, #tpu.memory_space<hbm>>
    tpu.wait_dma2 semaphore(%arg8 : memref<!tpu.dma_semaphore, #tpu.memory_space<semaphore_mem>>) src(%dma_wait3A_1275 : memref<8x128xf32, #tpu.memory_space<hbm>>) dst(%dma_wait3A_1274 : memref<8x128xf32, #tpu.memory_space<vmem>>)
    %dma_wait3A_1276 = arith.constant 3 : i32
    %dma_wait3A_1277 = arith.constant 0 : i32
    %dma_wait3A_1278 = arith.constant 0 : i32
    %dma_wait3A_1279 = tpu.memref_slice %arg6[%dma_wait3A_1276, %dma_wait3A_1277, %dma_wait3A_1278] : memref<32x8x128xf32, #tpu.memory_space<vmem>> -> memref<1x8x128xf32, #tpu.memory_space<vmem>>
    %dma_wait3A_1280 = tpu.memref_squeeze %dma_wait3A_1279 : memref<1x8x128xf32, #tpu.memory_space<vmem>> -> memref<8x128xf32, #tpu.memory_space<vmem>>
    %dma_wait3A_1281 = tpu.memref_slice %arg2[%multiple_of3A_115, %multiple_of3A_137] : memref<100000x1024xf32, #tpu.memory_space<hbm>> -> memref<8x128xf32, #tpu.memory_space<hbm>>
    %dma_wait3A_1282 = arith.constant 0 : i32
    %dma_wait3A_1283 = arith.constant 0 : i32
    %dma_wait3A_1284 = tpu.memref_slice %arg6[%dma_wait3A_1276, %dma_wait3A_1282, %dma_wait3A_1283] : memref<32x8x128xf32, #tpu.memory_space<vmem>> -> memref<1x8x128xf32, #tpu.memory_space<vmem>>
    %dma_wait3A_1285 = tpu.memref_squeeze %dma_wait3A_1284 : memref<1x8x128xf32, #tpu.memory_space<vmem>> -> memref<8x128xf32, #tpu.memory_space<vmem>>
    %dma_wait3A_1286 = tpu.memref_slice %arg2[%multiple_of3A_115, %multiple_of3A_137] : memref<100000x1024xf32, #tpu.memory_space<hbm>> -> memref<8x128xf32, #tpu.memory_space<hbm>>
    tpu.wait_dma2 semaphore(%arg8 : memref<!tpu.dma_semaphore, #tpu.memory_space<semaphore_mem>>) src(%dma_wait3A_1286 : memref<8x128xf32, #tpu.memory_space<hbm>>) dst(%dma_wait3A_1285 : memref<8x128xf32, #tpu.memory_space<vmem>>)
    %dma_wait3A_1287 = arith.constant 4 : i32
    %dma_wait3A_1288 = arith.constant 0 : i32
    %dma_wait3A_1289 = arith.constant 0 : i32
    %dma_wait3A_1290 = tpu.memref_slice %arg6[%dma_wait3A_1287, %dma_wait3A_1288, %dma_wait3A_1289] : memref<32x8x128xf32, #tpu.memory_space<vmem>> -> memref<1x8x128xf32, #tpu.memory_space<vmem>>
    %dma_wait3A_1291 = tpu.memref_squeeze %dma_wait3A_1290 : memref<1x8x128xf32, #tpu.memory_space<vmem>> -> memref<8x128xf32, #tpu.memory_space<vmem>>
    %dma_wait3A_1292 = tpu.memref_slice %arg2[%multiple_of3A_154, %multiple_of3A_176] : memref<100000x1024xf32, #tpu.memory_space<hbm>> -> memref<8x128xf32, #tpu.memory_space<hbm>>
    %dma_wait3A_1293 = arith.constant 0 : i32
    %dma_wait3A_1294 = arith.constant 0 : i32
    %dma_wait3A_1295 = tpu.memref_slice %arg6[%dma_wait3A_1287, %dma_wait3A_1293, %dma_wait3A_1294] : memref<32x8x128xf32, #tpu.memory_space<vmem>> -> memref<1x8x128xf32, #tpu.memory_space<vmem>>
    %dma_wait3A_1296 = tpu.memref_squeeze %dma_wait3A_1295 : memref<1x8x128xf32, #tpu.memory_space<vmem>> -> memref<8x128xf32, #tpu.memory_space<vmem>>
    %dma_wait3A_1297 = tpu.memref_slice %arg2[%multiple_of3A_154, %multiple_of3A_176] : memref<100000x1024xf32, #tpu.memory_space<hbm>> -> memref<8x128xf32, #tpu.memory_space<hbm>>
    tpu.wait_dma2 semaphore(%arg8 : memref<!tpu.dma_semaphore, #tpu.memory_space<semaphore_mem>>) src(%dma_wait3A_1297 : memref<8x128xf32, #tpu.memory_space<hbm>>) dst(%dma_wait3A_1296 : memref<8x128xf32, #tpu.memory_space<vmem>>)
    %dma_wait3A_1298 = arith.constant 5 : i32
    %dma_wait3A_1299 = arith.constant 0 : i32
    %dma_wait3A_1300 = arith.constant 0 : i32
    %dma_wait3A_1301 = tpu.memref_slice %arg6[%dma_wait3A_1298, %dma_wait3A_1299, %dma_wait3A_1300] : memref<32x8x128xf32, #tpu.memory_space<vmem>> -> memref<1x8x128xf32, #tpu.memory_space<vmem>>
    %dma_wait3A_1302 = tpu.memref_squeeze %dma_wait3A_1301 : memref<1x8x128xf32, #tpu.memory_space<vmem>> -> memref<8x128xf32, #tpu.memory_space<vmem>>
    %dma_wait3A_1303 = tpu.memref_slice %arg2[%multiple_of3A_193, %multiple_of3A_215] : memref<100000x1024xf32, #tpu.memory_space<hbm>> -> memref<8x128xf32, #tpu.memory_space<hbm>>
    %dma_wait3A_1304 = arith.constant 0 : i32
    %dma_wait3A_1305 = arith.constant 0 : i32
    %dma_wait3A_1306 = tpu.memref_slice %arg6[%dma_wait3A_1298, %dma_wait3A_1304, %dma_wait3A_1305] : memref<32x8x128xf32, #tpu.memory_space<vmem>> -> memref<1x8x128xf32, #tpu.memory_space<vmem>>
    %dma_wait3A_1307 = tpu.memref_squeeze %dma_wait3A_1306 : memref<1x8x128xf32, #tpu.memory_space<vmem>> -> memref<8x128xf32, #tpu.memory_space<vmem>>
    %dma_wait3A_1308 = tpu.memref_slice %arg2[%multiple_of3A_193, %multiple_of3A_215] : memref<100000x1024xf32, #tpu.memory_space<hbm>> -> memref<8x128xf32, #tpu.memory_space<hbm>>
    tpu.wait_dma2 semaphore(%arg8 : memref<!tpu.dma_semaphore, #tpu.memory_space<semaphore_mem>>) src(%dma_wait3A_1308 : memref<8x128xf32, #tpu.memory_space<hbm>>) dst(%dma_wait3A_1307 : memref<8x128xf32, #tpu.memory_space<vmem>>)
    %dma_wait3A_1309 = arith.constant 6 : i32
    %dma_wait3A_1310 = arith.constant 0 : i32
    %dma_wait3A_1311 = arith.constant 0 : i32
    %dma_wait3A_1312 = tpu.memref_slice %arg6[%dma_wait3A_1309, %dma_wait3A_1310, %dma_wait3A_1311] : memref<32x8x128xf32, #tpu.memory_space<vmem>> -> memref<1x8x128xf32, #tpu.memory_space<vmem>>
    %dma_wait3A_1313 = tpu.memref_squeeze %dma_wait3A_1312 : memref<1x8x128xf32, #tpu.memory_space<vmem>> -> memref<8x128xf32, #tpu.memory_space<vmem>>
    %dma_wait3A_1314 = tpu.memref_slice %arg2[%multiple_of3A_232, %multiple_of3A_254] : memref<100000x1024xf32, #tpu.memory_space<hbm>> -> memref<8x128xf32, #tpu.memory_space<hbm>>
    %dma_wait3A_1315 = arith.constant 0 : i32
    %dma_wait3A_1316 = arith.constant 0 : i32
    %dma_wait3A_1317 = tpu.memref_slice %arg6[%dma_wait3A_1309, %dma_wait3A_1315, %dma_wait3A_1316] : memref<32x8x128xf32, #tpu.memory_space<vmem>> -> memref<1x8x128xf32, #tpu.memory_space<vmem>>
    %dma_wait3A_1318 = tpu.memref_squeeze %dma_wait3A_1317 : memref<1x8x128xf32, #tpu.memory_space<vmem>> -> memref<8x128xf32, #tpu.memory_space<vmem>>
    %dma_wait3A_1319 = tpu.memref_slice %arg2[%multiple_of3A_232, %multiple_of3A_254] : memref<100000x1024xf32, #tpu.memory_space<hbm>> -> memref<8x128xf32, #tpu.memory_space<hbm>>
    tpu.wait_dma2 semaphore(%arg8 : memref<!tpu.dma_semaphore, #tpu.memory_space<semaphore_mem>>) src(%dma_wait3A_1319 : memref<8x128xf32, #tpu.memory_space<hbm>>) dst(%dma_wait3A_1318 : memref<8x128xf32, #tpu.memory_space<vmem>>)
    %dma_wait3A_1320 = arith.constant 7 : i32
    %dma_wait3A_1321 = arith.constant 0 : i32
    %dma_wait3A_1322 = arith.constant 0 : i32
    %dma_wait3A_1323 = tpu.memref_slice %arg6[%dma_wait3A_1320, %dma_wait3A_1321, %dma_wait3A_1322] : memref<32x8x128xf32, #tpu.memory_space<vmem>> -> memref<1x8x128xf32, #tpu.memory_space<vmem>>
    %dma_wait3A_1324 = tpu.memref_squeeze %dma_wait3A_1323 : memref<1x8x128xf32, #tpu.memory_space<vmem>> -> memref<8x128xf32, #tpu.memory_space<vmem>>
    %dma_wait3A_1325 = tpu.memref_slice %arg2[%multiple_of3A_271, %multiple_of3A_293] : memref<100000x1024xf32, #tpu.memory_space<hbm>> -> memref<8x128xf32, #tpu.memory_space<hbm>>
    %dma_wait3A_1326 = arith.constant 0 : i32
    %dma_wait3A_1327 = arith.constant 0 : i32
    %dma_wait3A_1328 = tpu.memref_slice %arg6[%dma_wait3A_1320, %dma_wait3A_1326, %dma_wait3A_1327] : memref<32x8x128xf32, #tpu.memory_space<vmem>> -> memref<1x8x128xf32, #tpu.memory_space<vmem>>
    %dma_wait3A_1329 = tpu.memref_squeeze %dma_wait3A_1328 : memref<1x8x128xf32, #tpu.memory_space<vmem>> -> memref<8x128xf32, #tpu.memory_space<vmem>>
    %dma_wait3A_1330 = tpu.memref_slice %arg2[%multiple_of3A_271, %multiple_of3A_293] : memref<100000x1024xf32, #tpu.memory_space<hbm>> -> memref<8x128xf32, #tpu.memory_space<hbm>>
    tpu.wait_dma2 semaphore(%arg8 : memref<!tpu.dma_semaphore, #tpu.memory_space<semaphore_mem>>) src(%dma_wait3A_1330 : memref<8x128xf32, #tpu.memory_space<hbm>>) dst(%dma_wait3A_1329 : memref<8x128xf32, #tpu.memory_space<vmem>>)
    %dma_wait3A_1331 = arith.constant 8 : i32
    %dma_wait3A_1332 = arith.constant 0 : i32
    %dma_wait3A_1333 = arith.constant 0 : i32
    %dma_wait3A_1334 = tpu.memref_slice %arg6[%dma_wait3A_1331, %dma_wait3A_1332, %dma_wait3A_1333] : memref<32x8x128xf32, #tpu.memory_space<vmem>> -> memref<1x8x128xf32, #tpu.memory_space<vmem>>
    %dma_wait3A_1335 = tpu.memref_squeeze %dma_wait3A_1334 : memref<1x8x128xf32, #tpu.memory_space<vmem>> -> memref<8x128xf32, #tpu.memory_space<vmem>>
    %dma_wait3A_1336 = tpu.memref_slice %arg2[%multiple_of3A_310, %multiple_of3A_332] : memref<100000x1024xf32, #tpu.memory_space<hbm>> -> memref<8x128xf32, #tpu.memory_space<hbm>>
    %dma_wait3A_1337 = arith.constant 0 : i32
    %dma_wait3A_1338 = arith.constant 0 : i32
    %dma_wait3A_1339 = tpu.memref_slice %arg6[%dma_wait3A_1331, %dma_wait3A_1337, %dma_wait3A_1338] : memref<32x8x128xf32, #tpu.memory_space<vmem>> -> memref<1x8x128xf32, #tpu.memory_space<vmem>>
    %dma_wait3A_1340 = tpu.memref_squeeze %dma_wait3A_1339 : memref<1x8x128xf32, #tpu.memory_space<vmem>> -> memref<8x128xf32, #tpu.memory_space<vmem>>
    %dma_wait3A_1341 = tpu.memref_slice %arg2[%multiple_of3A_310, %multiple_of3A_332] : memref<100000x1024xf32, #tpu.memory_space<hbm>> -> memref<8x128xf32, #tpu.memory_space<hbm>>
    tpu.wait_dma2 semaphore(%arg8 : memref<!tpu.dma_semaphore, #tpu.memory_space<semaphore_mem>>) src(%dma_wait3A_1341 : memref<8x128xf32, #tpu.memory_space<hbm>>) dst(%dma_wait3A_1340 : memref<8x128xf32, #tpu.memory_space<vmem>>)
    %dma_wait3A_1342 = arith.constant 9 : i32
    %dma_wait3A_1343 = arith.constant 0 : i32
    %dma_wait3A_1344 = arith.constant 0 : i32
    %dma_wait3A_1345 = tpu.memref_slice %arg6[%dma_wait3A_1342, %dma_wait3A_1343, %dma_wait3A_1344] : memref<32x8x128xf32, #tpu.memory_space<vmem>> -> memref<1x8x128xf32, #tpu.memory_space<vmem>>
    %dma_wait3A_1346 = tpu.memref_squeeze %dma_wait3A_1345 : memref<1x8x128xf32, #tpu.memory_space<vmem>> -> memref<8x128xf32, #tpu.memory_space<vmem>>
    %dma_wait3A_1347 = tpu.memref_slice %arg2[%multiple_of3A_349, %multiple_of3A_371] : memref<100000x1024xf32, #tpu.memory_space<hbm>> -> memref<8x128xf32, #tpu.memory_space<hbm>>
    %dma_wait3A_1348 = arith.constant 0 : i32
    %dma_wait3A_1349 = arith.constant 0 : i32
    %dma_wait3A_1350 = tpu.memref_slice %arg6[%dma_wait3A_1342, %dma_wait3A_1348, %dma_wait3A_1349] : memref<32x8x128xf32, #tpu.memory_space<vmem>> -> memref<1x8x128xf32, #tpu.memory_space<vmem>>
    %dma_wait3A_1351 = tpu.memref_squeeze %dma_wait3A_1350 : memref<1x8x128xf32, #tpu.memory_space<vmem>> -> memref<8x128xf32, #tpu.memory_space<vmem>>
    %dma_wait3A_1352 = tpu.memref_slice %arg2[%multiple_of3A_349, %multiple_of3A_371] : memref<100000x1024xf32, #tpu.memory_space<hbm>> -> memref<8x128xf32, #tpu.memory_space<hbm>>
    tpu.wait_dma2 semaphore(%arg8 : memref<!tpu.dma_semaphore, #tpu.memory_space<semaphore_mem>>) src(%dma_wait3A_1352 : memref<8x128xf32, #tpu.memory_space<hbm>>) dst(%dma_wait3A_1351 : memref<8x128xf32, #tpu.memory_space<vmem>>)
    %dma_wait3A_1353 = arith.constant 10 : i32
    %dma_wait3A_1354 = arith.constant 0 : i32
    %dma_wait3A_1355 = arith.constant 0 : i32
    %dma_wait3A_1356 = tpu.memref_slice %arg6[%dma_wait3A_1353, %dma_wait3A_1354, %dma_wait3A_1355] : memref<32x8x128xf32, #tpu.memory_space<vmem>> -> memref<1x8x128xf32, #tpu.memory_space<vmem>>
    %dma_wait3A_1357 = tpu.memref_squeeze %dma_wait3A_1356 : memref<1x8x128xf32, #tpu.memory_space<vmem>> -> memref<8x128xf32, #tpu.memory_space<vmem>>
    %dma_wait3A_1358 = tpu.memref_slice %arg2[%multiple_of3A_388, %multiple_of3A_410] : memref<100000x1024xf32, #tpu.memory_space<hbm>> -> memref<8x128xf32, #tpu.memory_space<hbm>>
    %dma_wait3A_1359 = arith.constant 0 : i32
    %dma_wait3A_1360 = arith.constant 0 : i32
    %dma_wait3A_1361 = tpu.memref_slice %arg6[%dma_wait3A_1353, %dma_wait3A_1359, %dma_wait3A_1360] : memref<32x8x128xf32, #tpu.memory_space<vmem>> -> memref<1x8x128xf32, #tpu.memory_space<vmem>>
    %dma_wait3A_1362 = tpu.memref_squeeze %dma_wait3A_1361 : memref<1x8x128xf32, #tpu.memory_space<vmem>> -> memref<8x128xf32, #tpu.memory_space<vmem>>
    %dma_wait3A_1363 = tpu.memref_slice %arg2[%multiple_of3A_388, %multiple_of3A_410] : memref<100000x1024xf32, #tpu.memory_space<hbm>> -> memref<8x128xf32, #tpu.memory_space<hbm>>
    tpu.wait_dma2 semaphore(%arg8 : memref<!tpu.dma_semaphore, #tpu.memory_space<semaphore_mem>>) src(%dma_wait3A_1363 : memref<8x128xf32, #tpu.memory_space<hbm>>) dst(%dma_wait3A_1362 : memref<8x128xf32, #tpu.memory_space<vmem>>)
    %dma_wait3A_1364 = arith.constant 11 : i32
    %dma_wait3A_1365 = arith.constant 0 : i32
    %dma_wait3A_1366 = arith.constant 0 : i32
    %dma_wait3A_1367 = tpu.memref_slice %arg6[%dma_wait3A_1364, %dma_wait3A_1365, %dma_wait3A_1366] : memref<32x8x128xf32, #tpu.memory_space<vmem>> -> memref<1x8x128xf32, #tpu.memory_space<vmem>>
    %dma_wait3A_1368 = tpu.memref_squeeze %dma_wait3A_1367 : memref<1x8x128xf32, #tpu.memory_space<vmem>> -> memref<8x128xf32, #tpu.memory_space<vmem>>
    %dma_wait3A_1369 = tpu.memref_slice %arg2[%multiple_of3A_427, %multiple_of3A_449] : memref<100000x1024xf32, #tpu.memory_space<hbm>> -> memref<8x128xf32, #tpu.memory_space<hbm>>
    %dma_wait3A_1370 = arith.constant 0 : i32
    %dma_wait3A_1371 = arith.constant 0 : i32
    %dma_wait3A_1372 = tpu.memref_slice %arg6[%dma_wait3A_1364, %dma_wait3A_1370, %dma_wait3A_1371] : memref<32x8x128xf32, #tpu.memory_space<vmem>> -> memref<1x8x128xf32, #tpu.memory_space<vmem>>
    %dma_wait3A_1373 = tpu.memref_squeeze %dma_wait3A_1372 : memref<1x8x128xf32, #tpu.memory_space<vmem>> -> memref<8x128xf32, #tpu.memory_space<vmem>>
    %dma_wait3A_1374 = tpu.memref_slice %arg2[%multiple_of3A_427, %multiple_of3A_449] : memref<100000x1024xf32, #tpu.memory_space<hbm>> -> memref<8x128xf32, #tpu.memory_space<hbm>>
    tpu.wait_dma2 semaphore(%arg8 : memref<!tpu.dma_semaphore, #tpu.memory_space<semaphore_mem>>) src(%dma_wait3A_1374 : memref<8x128xf32, #tpu.memory_space<hbm>>) dst(%dma_wait3A_1373 : memref<8x128xf32, #tpu.memory_space<vmem>>)
    %dma_wait3A_1375 = arith.constant 12 : i32
    %dma_wait3A_1376 = arith.constant 0 : i32
    %dma_wait3A_1377 = arith.constant 0 : i32
    %dma_wait3A_1378 = tpu.memref_slice %arg6[%dma_wait3A_1375, %dma_wait3A_1376, %dma_wait3A_1377] : memref<32x8x128xf32, #tpu.memory_space<vmem>> -> memref<1x8x128xf32, #tpu.memory_space<vmem>>
    %dma_wait3A_1379 = tpu.memref_squeeze %dma_wait3A_1378 : memref<1x8x128xf32, #tpu.memory_space<vmem>> -> memref<8x128xf32, #tpu.memory_space<vmem>>
    %dma_wait3A_1380 = tpu.memref_slice %arg2[%multiple_of3A_466, %multiple_of3A_488] : memref<100000x1024xf32, #tpu.memory_space<hbm>> -> memref<8x128xf32, #tpu.memory_space<hbm>>
    %dma_wait3A_1381 = arith.constant 0 : i32
    %dma_wait3A_1382 = arith.constant 0 : i32
    %dma_wait3A_1383 = tpu.memref_slice %arg6[%dma_wait3A_1375, %dma_wait3A_1381, %dma_wait3A_1382] : memref<32x8x128xf32, #tpu.memory_space<vmem>> -> memref<1x8x128xf32, #tpu.memory_space<vmem>>
    %dma_wait3A_1384 = tpu.memref_squeeze %dma_wait3A_1383 : memref<1x8x128xf32, #tpu.memory_space<vmem>> -> memref<8x128xf32, #tpu.memory_space<vmem>>
    %dma_wait3A_1385 = tpu.memref_slice %arg2[%multiple_of3A_466, %multiple_of3A_488] : memref<100000x1024xf32, #tpu.memory_space<hbm>> -> memref<8x128xf32, #tpu.memory_space<hbm>>
    tpu.wait_dma2 semaphore(%arg8 : memref<!tpu.dma_semaphore, #tpu.memory_space<semaphore_mem>>) src(%dma_wait3A_1385 : memref<8x128xf32, #tpu.memory_space<hbm>>) dst(%dma_wait3A_1384 : memref<8x128xf32, #tpu.memory_space<vmem>>)
    %dma_wait3A_1386 = arith.constant 13 : i32
    %dma_wait3A_1387 = arith.constant 0 : i32
    %dma_wait3A_1388 = arith.constant 0 : i32
    %dma_wait3A_1389 = tpu.memref_slice %arg6[%dma_wait3A_1386, %dma_wait3A_1387, %dma_wait3A_1388] : memref<32x8x128xf32, #tpu.memory_space<vmem>> -> memref<1x8x128xf32, #tpu.memory_space<vmem>>
    %dma_wait3A_1390 = tpu.memref_squeeze %dma_wait3A_1389 : memref<1x8x128xf32, #tpu.memory_space<vmem>> -> memref<8x128xf32, #tpu.memory_space<vmem>>
    %dma_wait3A_1391 = tpu.memref_slice %arg2[%multiple_of3A_505, %multiple_of3A_527] : memref<100000x1024xf32, #tpu.memory_space<hbm>> -> memref<8x128xf32, #tpu.memory_space<hbm>>
    %dma_wait3A_1392 = arith.constant 0 : i32
    %dma_wait3A_1393 = arith.constant 0 : i32
    %dma_wait3A_1394 = tpu.memref_slice %arg6[%dma_wait3A_1386, %dma_wait3A_1392, %dma_wait3A_1393] : memref<32x8x128xf32, #tpu.memory_space<vmem>> -> memref<1x8x128xf32, #tpu.memory_space<vmem>>
    %dma_wait3A_1395 = tpu.memref_squeeze %dma_wait3A_1394 : memref<1x8x128xf32, #tpu.memory_space<vmem>> -> memref<8x128xf32, #tpu.memory_space<vmem>>
    %dma_wait3A_1396 = tpu.memref_slice %arg2[%multiple_of3A_505, %multiple_of3A_527] : memref<100000x1024xf32, #tpu.memory_space<hbm>> -> memref<8x128xf32, #tpu.memory_space<hbm>>
    tpu.wait_dma2 semaphore(%arg8 : memref<!tpu.dma_semaphore, #tpu.memory_space<semaphore_mem>>) src(%dma_wait3A_1396 : memref<8x128xf32, #tpu.memory_space<hbm>>) dst(%dma_wait3A_1395 : memref<8x128xf32, #tpu.memory_space<vmem>>)
    %dma_wait3A_1397 = arith.constant 14 : i32
    %dma_wait3A_1398 = arith.constant 0 : i32
    %dma_wait3A_1399 = arith.constant 0 : i32
    %dma_wait3A_1400 = tpu.memref_slice %arg6[%dma_wait3A_1397, %dma_wait3A_1398, %dma_wait3A_1399] : memref<32x8x128xf32, #tpu.memory_space<vmem>> -> memref<1x8x128xf32, #tpu.memory_space<vmem>>
    %dma_wait3A_1401 = tpu.memref_squeeze %dma_wait3A_1400 : memref<1x8x128xf32, #tpu.memory_space<vmem>> -> memref<8x128xf32, #tpu.memory_space<vmem>>
    %dma_wait3A_1402 = tpu.memref_slice %arg2[%multiple_of3A_544, %multiple_of3A_566] : memref<100000x1024xf32, #tpu.memory_space<hbm>> -> memref<8x128xf32, #tpu.memory_space<hbm>>
    %dma_wait3A_1403 = arith.constant 0 : i32
    %dma_wait3A_1404 = arith.constant 0 : i32
    %dma_wait3A_1405 = tpu.memref_slice %arg6[%dma_wait3A_1397, %dma_wait3A_1403, %dma_wait3A_1404] : memref<32x8x128xf32, #tpu.memory_space<vmem>> -> memref<1x8x128xf32, #tpu.memory_space<vmem>>
    %dma_wait3A_1406 = tpu.memref_squeeze %dma_wait3A_1405 : memref<1x8x128xf32, #tpu.memory_space<vmem>> -> memref<8x128xf32, #tpu.memory_space<vmem>>
    %dma_wait3A_1407 = tpu.memref_slice %arg2[%multiple_of3A_544, %multiple_of3A_566] : memref<100000x1024xf32, #tpu.memory_space<hbm>> -> memref<8x128xf32, #tpu.memory_space<hbm>>
    tpu.wait_dma2 semaphore(%arg8 : memref<!tpu.dma_semaphore, #tpu.memory_space<semaphore_mem>>) src(%dma_wait3A_1407 : memref<8x128xf32, #tpu.memory_space<hbm>>) dst(%dma_wait3A_1406 : memref<8x128xf32, #tpu.memory_space<vmem>>)
    %dma_wait3A_1408 = arith.constant 15 : i32
    %dma_wait3A_1409 = arith.constant 0 : i32
    %dma_wait3A_1410 = arith.constant 0 : i32
    %dma_wait3A_1411 = tpu.memref_slice %arg6[%dma_wait3A_1408, %dma_wait3A_1409, %dma_wait3A_1410] : memref<32x8x128xf32, #tpu.memory_space<vmem>> -> memref<1x8x128xf32, #tpu.memory_space<vmem>>
    %dma_wait3A_1412 = tpu.memref_squeeze %dma_wait3A_1411 : memref<1x8x128xf32, #tpu.memory_space<vmem>> -> memref<8x128xf32, #tpu.memory_space<vmem>>
    %dma_wait3A_1413 = tpu.memref_slice %arg2[%multiple_of3A_583, %multiple_of3A_605] : memref<100000x1024xf32, #tpu.memory_space<hbm>> -> memref<8x128xf32, #tpu.memory_space<hbm>>
    %dma_wait3A_1414 = arith.constant 0 : i32
    %dma_wait3A_1415 = arith.constant 0 : i32
    %dma_wait3A_1416 = tpu.memref_slice %arg6[%dma_wait3A_1408, %dma_wait3A_1414, %dma_wait3A_1415] : memref<32x8x128xf32, #tpu.memory_space<vmem>> -> memref<1x8x128xf32, #tpu.memory_space<vmem>>
    %dma_wait3A_1417 = tpu.memref_squeeze %dma_wait3A_1416 : memref<1x8x128xf32, #tpu.memory_space<vmem>> -> memref<8x128xf32, #tpu.memory_space<vmem>>
    %dma_wait3A_1418 = tpu.memref_slice %arg2[%multiple_of3A_583, %multiple_of3A_605] : memref<100000x1024xf32, #tpu.memory_space<hbm>> -> memref<8x128xf32, #tpu.memory_space<hbm>>
    tpu.wait_dma2 semaphore(%arg8 : memref<!tpu.dma_semaphore, #tpu.memory_space<semaphore_mem>>) src(%dma_wait3A_1418 : memref<8x128xf32, #tpu.memory_space<hbm>>) dst(%dma_wait3A_1417 : memref<8x128xf32, #tpu.memory_space<vmem>>)
    %dma_wait3A_1419 = arith.constant 16 : i32
    %dma_wait3A_1420 = arith.constant 0 : i32
    %dma_wait3A_1421 = arith.constant 0 : i32
    %dma_wait3A_1422 = tpu.memref_slice %arg6[%dma_wait3A_1419, %dma_wait3A_1420, %dma_wait3A_1421] : memref<32x8x128xf32, #tpu.memory_space<vmem>> -> memref<1x8x128xf32, #tpu.memory_space<vmem>>
    %dma_wait3A_1423 = tpu.memref_squeeze %dma_wait3A_1422 : memref<1x8x128xf32, #tpu.memory_space<vmem>> -> memref<8x128xf32, #tpu.memory_space<vmem>>
    %dma_wait3A_1424 = tpu.memref_slice %arg2[%multiple_of3A_625, %multiple_of3A_647] : memref<100000x1024xf32, #tpu.memory_space<hbm>> -> memref<8x128xf32, #tpu.memory_space<hbm>>
    %dma_wait3A_1425 = arith.constant 0 : i32
    %dma_wait3A_1426 = arith.constant 0 : i32
    %dma_wait3A_1427 = tpu.memref_slice %arg6[%dma_wait3A_1419, %dma_wait3A_1425, %dma_wait3A_1426] : memref<32x8x128xf32, #tpu.memory_space<vmem>> -> memref<1x8x128xf32, #tpu.memory_space<vmem>>
    %dma_wait3A_1428 = tpu.memref_squeeze %dma_wait3A_1427 : memref<1x8x128xf32, #tpu.memory_space<vmem>> -> memref<8x128xf32, #tpu.memory_space<vmem>>
    %dma_wait3A_1429 = tpu.memref_slice %arg2[%multiple_of3A_625, %multiple_of3A_647] : memref<100000x1024xf32, #tpu.memory_space<hbm>> -> memref<8x128xf32, #tpu.memory_space<hbm>>
    tpu.wait_dma2 semaphore(%arg8 : memref<!tpu.dma_semaphore, #tpu.memory_space<semaphore_mem>>) src(%dma_wait3A_1429 : memref<8x128xf32, #tpu.memory_space<hbm>>) dst(%dma_wait3A_1428 : memref<8x128xf32, #tpu.memory_space<vmem>>)
    %dma_wait3A_1430 = arith.constant 17 : i32
    %dma_wait3A_1431 = arith.constant 0 : i32
    %dma_wait3A_1432 = arith.constant 0 : i32
    %dma_wait3A_1433 = tpu.memref_slice %arg6[%dma_wait3A_1430, %dma_wait3A_1431, %dma_wait3A_1432] : memref<32x8x128xf32, #tpu.memory_space<vmem>> -> memref<1x8x128xf32, #tpu.memory_space<vmem>>
    %dma_wait3A_1434 = tpu.memref_squeeze %dma_wait3A_1433 : memref<1x8x128xf32, #tpu.memory_space<vmem>> -> memref<8x128xf32, #tpu.memory_space<vmem>>
    %dma_wait3A_1435 = tpu.memref_slice %arg2[%multiple_of3A_664, %multiple_of3A_686] : memref<100000x1024xf32, #tpu.memory_space<hbm>> -> memref<8x128xf32, #tpu.memory_space<hbm>>
    %dma_wait3A_1436 = arith.constant 0 : i32
    %dma_wait3A_1437 = arith.constant 0 : i32
    %dma_wait3A_1438 = tpu.memref_slice %arg6[%dma_wait3A_1430, %dma_wait3A_1436, %dma_wait3A_1437] : memref<32x8x128xf32, #tpu.memory_space<vmem>> -> memref<1x8x128xf32, #tpu.memory_space<vmem>>
    %dma_wait3A_1439 = tpu.memref_squeeze %dma_wait3A_1438 : memref<1x8x128xf32, #tpu.memory_space<vmem>> -> memref<8x128xf32, #tpu.memory_space<vmem>>
    %dma_wait3A_1440 = tpu.memref_slice %arg2[%multiple_of3A_664, %multiple_of3A_686] : memref<100000x1024xf32, #tpu.memory_space<hbm>> -> memref<8x128xf32, #tpu.memory_space<hbm>>
    tpu.wait_dma2 semaphore(%arg8 : memref<!tpu.dma_semaphore, #tpu.memory_space<semaphore_mem>>) src(%dma_wait3A_1440 : memref<8x128xf32, #tpu.memory_space<hbm>>) dst(%dma_wait3A_1439 : memref<8x128xf32, #tpu.memory_space<vmem>>)
    %dma_wait3A_1441 = arith.constant 18 : i32
    %dma_wait3A_1442 = arith.constant 0 : i32
    %dma_wait3A_1443 = arith.constant 0 : i32
    %dma_wait3A_1444 = tpu.memref_slice %arg6[%dma_wait3A_1441, %dma_wait3A_1442, %dma_wait3A_1443] : memref<32x8x128xf32, #tpu.memory_space<vmem>> -> memref<1x8x128xf32, #tpu.memory_space<vmem>>
    %dma_wait3A_1445 = tpu.memref_squeeze %dma_wait3A_1444 : memref<1x8x128xf32, #tpu.memory_space<vmem>> -> memref<8x128xf32, #tpu.memory_space<vmem>>
    %dma_wait3A_1446 = tpu.memref_slice %arg2[%multiple_of3A_703, %multiple_of3A_725] : memref<100000x1024xf32, #tpu.memory_space<hbm>> -> memref<8x128xf32, #tpu.memory_space<hbm>>
    %dma_wait3A_1447 = arith.constant 0 : i32
    %dma_wait3A_1448 = arith.constant 0 : i32
    %dma_wait3A_1449 = tpu.memref_slice %arg6[%dma_wait3A_1441, %dma_wait3A_1447, %dma_wait3A_1448] : memref<32x8x128xf32, #tpu.memory_space<vmem>> -> memref<1x8x128xf32, #tpu.memory_space<vmem>>
    %dma_wait3A_1450 = tpu.memref_squeeze %dma_wait3A_1449 : memref<1x8x128xf32, #tpu.memory_space<vmem>> -> memref<8x128xf32, #tpu.memory_space<vmem>>
    %dma_wait3A_1451 = tpu.memref_slice %arg2[%multiple_of3A_703, %multiple_of3A_725] : memref<100000x1024xf32, #tpu.memory_space<hbm>> -> memref<8x128xf32, #tpu.memory_space<hbm>>
    tpu.wait_dma2 semaphore(%arg8 : memref<!tpu.dma_semaphore, #tpu.memory_space<semaphore_mem>>) src(%dma_wait3A_1451 : memref<8x128xf32, #tpu.memory_space<hbm>>) dst(%dma_wait3A_1450 : memref<8x128xf32, #tpu.memory_space<vmem>>)
    %dma_wait3A_1452 = arith.constant 19 : i32
    %dma_wait3A_1453 = arith.constant 0 : i32
    %dma_wait3A_1454 = arith.constant 0 : i32
    %dma_wait3A_1455 = tpu.memref_slice %arg6[%dma_wait3A_1452, %dma_wait3A_1453, %dma_wait3A_1454] : memref<32x8x128xf32, #tpu.memory_space<vmem>> -> memref<1x8x128xf32, #tpu.memory_space<vmem>>
    %dma_wait3A_1456 = tpu.memref_squeeze %dma_wait3A_1455 : memref<1x8x128xf32, #tpu.memory_space<vmem>> -> memref<8x128xf32, #tpu.memory_space<vmem>>
    %dma_wait3A_1457 = tpu.memref_slice %arg2[%multiple_of3A_742, %multiple_of3A_764] : memref<100000x1024xf32, #tpu.memory_space<hbm>> -> memref<8x128xf32, #tpu.memory_space<hbm>>
    %dma_wait3A_1458 = arith.constant 0 : i32
    %dma_wait3A_1459 = arith.constant 0 : i32
    %dma_wait3A_1460 = tpu.memref_slice %arg6[%dma_wait3A_1452, %dma_wait3A_1458, %dma_wait3A_1459] : memref<32x8x128xf32, #tpu.memory_space<vmem>> -> memref<1x8x128xf32, #tpu.memory_space<vmem>>
    %dma_wait3A_1461 = tpu.memref_squeeze %dma_wait3A_1460 : memref<1x8x128xf32, #tpu.memory_space<vmem>> -> memref<8x128xf32, #tpu.memory_space<vmem>>
    %dma_wait3A_1462 = tpu.memref_slice %arg2[%multiple_of3A_742, %multiple_of3A_764] : memref<100000x1024xf32, #tpu.memory_space<hbm>> -> memref<8x128xf32, #tpu.memory_space<hbm>>
    tpu.wait_dma2 semaphore(%arg8 : memref<!tpu.dma_semaphore, #tpu.memory_space<semaphore_mem>>) src(%dma_wait3A_1462 : memref<8x128xf32, #tpu.memory_space<hbm>>) dst(%dma_wait3A_1461 : memref<8x128xf32, #tpu.memory_space<vmem>>)
    %dma_wait3A_1463 = arith.constant 20 : i32
    %dma_wait3A_1464 = arith.constant 0 : i32
    %dma_wait3A_1465 = arith.constant 0 : i32
    %dma_wait3A_1466 = tpu.memref_slice %arg6[%dma_wait3A_1463, %dma_wait3A_1464, %dma_wait3A_1465] : memref<32x8x128xf32, #tpu.memory_space<vmem>> -> memref<1x8x128xf32, #tpu.memory_space<vmem>>
    %dma_wait3A_1467 = tpu.memref_squeeze %dma_wait3A_1466 : memref<1x8x128xf32, #tpu.memory_space<vmem>> -> memref<8x128xf32, #tpu.memory_space<vmem>>
    %dma_wait3A_1468 = tpu.memref_slice %arg2[%multiple_of3A_781, %multiple_of3A_803] : memref<100000x1024xf32, #tpu.memory_space<hbm>> -> memref<8x128xf32, #tpu.memory_space<hbm>>
    %dma_wait3A_1469 = arith.constant 0 : i32
    %dma_wait3A_1470 = arith.constant 0 : i32
    %dma_wait3A_1471 = tpu.memref_slice %arg6[%dma_wait3A_1463, %dma_wait3A_1469, %dma_wait3A_1470] : memref<32x8x128xf32, #tpu.memory_space<vmem>> -> memref<1x8x128xf32, #tpu.memory_space<vmem>>
    %dma_wait3A_1472 = tpu.memref_squeeze %dma_wait3A_1471 : memref<1x8x128xf32, #tpu.memory_space<vmem>> -> memref<8x128xf32, #tpu.memory_space<vmem>>
    %dma_wait3A_1473 = tpu.memref_slice %arg2[%multiple_of3A_781, %multiple_of3A_803] : memref<100000x1024xf32, #tpu.memory_space<hbm>> -> memref<8x128xf32, #tpu.memory_space<hbm>>
    tpu.wait_dma2 semaphore(%arg8 : memref<!tpu.dma_semaphore, #tpu.memory_space<semaphore_mem>>) src(%dma_wait3A_1473 : memref<8x128xf32, #tpu.memory_space<hbm>>) dst(%dma_wait3A_1472 : memref<8x128xf32, #tpu.memory_space<vmem>>)
    %dma_wait3A_1474 = arith.constant 21 : i32
    %dma_wait3A_1475 = arith.constant 0 : i32
    %dma_wait3A_1476 = arith.constant 0 : i32
    %dma_wait3A_1477 = tpu.memref_slice %arg6[%dma_wait3A_1474, %dma_wait3A_1475, %dma_wait3A_1476] : memref<32x8x128xf32, #tpu.memory_space<vmem>> -> memref<1x8x128xf32, #tpu.memory_space<vmem>>
    %dma_wait3A_1478 = tpu.memref_squeeze %dma_wait3A_1477 : memref<1x8x128xf32, #tpu.memory_space<vmem>> -> memref<8x128xf32, #tpu.memory_space<vmem>>
    %dma_wait3A_1479 = tpu.memref_slice %arg2[%multiple_of3A_820, %multiple_of3A_842] : memref<100000x1024xf32, #tpu.memory_space<hbm>> -> memref<8x128xf32, #tpu.memory_space<hbm>>
    %dma_wait3A_1480 = arith.constant 0 : i32
    %dma_wait3A_1481 = arith.constant 0 : i32
    %dma_wait3A_1482 = tpu.memref_slice %arg6[%dma_wait3A_1474, %dma_wait3A_1480, %dma_wait3A_1481] : memref<32x8x128xf32, #tpu.memory_space<vmem>> -> memref<1x8x128xf32, #tpu.memory_space<vmem>>
    %dma_wait3A_1483 = tpu.memref_squeeze %dma_wait3A_1482 : memref<1x8x128xf32, #tpu.memory_space<vmem>> -> memref<8x128xf32, #tpu.memory_space<vmem>>
    %dma_wait3A_1484 = tpu.memref_slice %arg2[%multiple_of3A_820, %multiple_of3A_842] : memref<100000x1024xf32, #tpu.memory_space<hbm>> -> memref<8x128xf32, #tpu.memory_space<hbm>>
    tpu.wait_dma2 semaphore(%arg8 : memref<!tpu.dma_semaphore, #tpu.memory_space<semaphore_mem>>) src(%dma_wait3A_1484 : memref<8x128xf32, #tpu.memory_space<hbm>>) dst(%dma_wait3A_1483 : memref<8x128xf32, #tpu.memory_space<vmem>>)
    %dma_wait3A_1485 = arith.constant 22 : i32
    %dma_wait3A_1486 = arith.constant 0 : i32
    %dma_wait3A_1487 = arith.constant 0 : i32
    %dma_wait3A_1488 = tpu.memref_slice %arg6[%dma_wait3A_1485, %dma_wait3A_1486, %dma_wait3A_1487] : memref<32x8x128xf32, #tpu.memory_space<vmem>> -> memref<1x8x128xf32, #tpu.memory_space<vmem>>
    %dma_wait3A_1489 = tpu.memref_squeeze %dma_wait3A_1488 : memref<1x8x128xf32, #tpu.memory_space<vmem>> -> memref<8x128xf32, #tpu.memory_space<vmem>>
    %dma_wait3A_1490 = tpu.memref_slice %arg2[%multiple_of3A_859, %multiple_of3A_881] : memref<100000x1024xf32, #tpu.memory_space<hbm>> -> memref<8x128xf32, #tpu.memory_space<hbm>>
    %dma_wait3A_1491 = arith.constant 0 : i32
    %dma_wait3A_1492 = arith.constant 0 : i32
    %dma_wait3A_1493 = tpu.memref_slice %arg6[%dma_wait3A_1485, %dma_wait3A_1491, %dma_wait3A_1492] : memref<32x8x128xf32, #tpu.memory_space<vmem>> -> memref<1x8x128xf32, #tpu.memory_space<vmem>>
    %dma_wait3A_1494 = tpu.memref_squeeze %dma_wait3A_1493 : memref<1x8x128xf32, #tpu.memory_space<vmem>> -> memref<8x128xf32, #tpu.memory_space<vmem>>
    %dma_wait3A_1495 = tpu.memref_slice %arg2[%multiple_of3A_859, %multiple_of3A_881] : memref<100000x1024xf32, #tpu.memory_space<hbm>> -> memref<8x128xf32, #tpu.memory_space<hbm>>
    tpu.wait_dma2 semaphore(%arg8 : memref<!tpu.dma_semaphore, #tpu.memory_space<semaphore_mem>>) src(%dma_wait3A_1495 : memref<8x128xf32, #tpu.memory_space<hbm>>) dst(%dma_wait3A_1494 : memref<8x128xf32, #tpu.memory_space<vmem>>)
    %dma_wait3A_1496 = arith.constant 23 : i32
    %dma_wait3A_1497 = arith.constant 0 : i32
    %dma_wait3A_1498 = arith.constant 0 : i32
    %dma_wait3A_1499 = tpu.memref_slice %arg6[%dma_wait3A_1496, %dma_wait3A_1497, %dma_wait3A_1498] : memref<32x8x128xf32, #tpu.memory_space<vmem>> -> memref<1x8x128xf32, #tpu.memory_space<vmem>>
    %dma_wait3A_1500 = tpu.memref_squeeze %dma_wait3A_1499 : memref<1x8x128xf32, #tpu.memory_space<vmem>> -> memref<8x128xf32, #tpu.memory_space<vmem>>
    %dma_wait3A_1501 = tpu.memref_slice %arg2[%multiple_of3A_898, %multiple_of3A_920] : memref<100000x1024xf32, #tpu.memory_space<hbm>> -> memref<8x128xf32, #tpu.memory_space<hbm>>
    %dma_wait3A_1502 = arith.constant 0 : i32
    %dma_wait3A_1503 = arith.constant 0 : i32
    %dma_wait3A_1504 = tpu.memref_slice %arg6[%dma_wait3A_1496, %dma_wait3A_1502, %dma_wait3A_1503] : memref<32x8x128xf32, #tpu.memory_space<vmem>> -> memref<1x8x128xf32, #tpu.memory_space<vmem>>
    %dma_wait3A_1505 = tpu.memref_squeeze %dma_wait3A_1504 : memref<1x8x128xf32, #tpu.memory_space<vmem>> -> memref<8x128xf32, #tpu.memory_space<vmem>>
    %dma_wait3A_1506 = tpu.memref_slice %arg2[%multiple_of3A_898, %multiple_of3A_920] : memref<100000x1024xf32, #tpu.memory_space<hbm>> -> memref<8x128xf32, #tpu.memory_space<hbm>>
    tpu.wait_dma2 semaphore(%arg8 : memref<!tpu.dma_semaphore, #tpu.memory_space<semaphore_mem>>) src(%dma_wait3A_1506 : memref<8x128xf32, #tpu.memory_space<hbm>>) dst(%dma_wait3A_1505 : memref<8x128xf32, #tpu.memory_space<vmem>>)
    %dma_wait3A_1507 = arith.constant 24 : i32
    %dma_wait3A_1508 = arith.constant 0 : i32
    %dma_wait3A_1509 = arith.constant 0 : i32
    %dma_wait3A_1510 = tpu.memref_slice %arg6[%dma_wait3A_1507, %dma_wait3A_1508, %dma_wait3A_1509] : memref<32x8x128xf32, #tpu.memory_space<vmem>> -> memref<1x8x128xf32, #tpu.memory_space<vmem>>
    %dma_wait3A_1511 = tpu.memref_squeeze %dma_wait3A_1510 : memref<1x8x128xf32, #tpu.memory_space<vmem>> -> memref<8x128xf32, #tpu.memory_space<vmem>>
    %dma_wait3A_1512 = tpu.memref_slice %arg2[%multiple_of3A_937, %multiple_of3A_959] : memref<100000x1024xf32, #tpu.memory_space<hbm>> -> memref<8x128xf32, #tpu.memory_space<hbm>>
    %dma_wait3A_1513 = arith.constant 0 : i32
    %dma_wait3A_1514 = arith.constant 0 : i32
    %dma_wait3A_1515 = tpu.memref_slice %arg6[%dma_wait3A_1507, %dma_wait3A_1513, %dma_wait3A_1514] : memref<32x8x128xf32, #tpu.memory_space<vmem>> -> memref<1x8x128xf32, #tpu.memory_space<vmem>>
    %dma_wait3A_1516 = tpu.memref_squeeze %dma_wait3A_1515 : memref<1x8x128xf32, #tpu.memory_space<vmem>> -> memref<8x128xf32, #tpu.memory_space<vmem>>
    %dma_wait3A_1517 = tpu.memref_slice %arg2[%multiple_of3A_937, %multiple_of3A_959] : memref<100000x1024xf32, #tpu.memory_space<hbm>> -> memref<8x128xf32, #tpu.memory_space<hbm>>
    tpu.wait_dma2 semaphore(%arg8 : memref<!tpu.dma_semaphore, #tpu.memory_space<semaphore_mem>>) src(%dma_wait3A_1517 : memref<8x128xf32, #tpu.memory_space<hbm>>) dst(%dma_wait3A_1516 : memref<8x128xf32, #tpu.memory_space<vmem>>)
    %dma_wait3A_1518 = arith.constant 25 : i32
    %dma_wait3A_1519 = arith.constant 0 : i32
    %dma_wait3A_1520 = arith.constant 0 : i32
    %dma_wait3A_1521 = tpu.memref_slice %arg6[%dma_wait3A_1518, %dma_wait3A_1519, %dma_wait3A_1520] : memref<32x8x128xf32, #tpu.memory_space<vmem>> -> memref<1x8x128xf32, #tpu.memory_space<vmem>>
    %dma_wait3A_1522 = tpu.memref_squeeze %dma_wait3A_1521 : memref<1x8x128xf32, #tpu.memory_space<vmem>> -> memref<8x128xf32, #tpu.memory_space<vmem>>
    %dma_wait3A_1523 = tpu.memref_slice %arg2[%multiple_of3A_976, %multiple_of3A_998] : memref<100000x1024xf32, #tpu.memory_space<hbm>> -> memref<8x128xf32, #tpu.memory_space<hbm>>
    %dma_wait3A_1524 = arith.constant 0 : i32
    %dma_wait3A_1525 = arith.constant 0 : i32
    %dma_wait3A_1526 = tpu.memref_slice %arg6[%dma_wait3A_1518, %dma_wait3A_1524, %dma_wait3A_1525] : memref<32x8x128xf32, #tpu.memory_space<vmem>> -> memref<1x8x128xf32, #tpu.memory_space<vmem>>
    %dma_wait3A_1527 = tpu.memref_squeeze %dma_wait3A_1526 : memref<1x8x128xf32, #tpu.memory_space<vmem>> -> memref<8x128xf32, #tpu.memory_space<vmem>>
    %dma_wait3A_1528 = tpu.memref_slice %arg2[%multiple_of3A_976, %multiple_of3A_998] : memref<100000x1024xf32, #tpu.memory_space<hbm>> -> memref<8x128xf32, #tpu.memory_space<hbm>>
    tpu.wait_dma2 semaphore(%arg8 : memref<!tpu.dma_semaphore, #tpu.memory_space<semaphore_mem>>) src(%dma_wait3A_1528 : memref<8x128xf32, #tpu.memory_space<hbm>>) dst(%dma_wait3A_1527 : memref<8x128xf32, #tpu.memory_space<vmem>>)
    %dma_wait3A_1529 = arith.constant 26 : i32
    %dma_wait3A_1530 = arith.constant 0 : i32
    %dma_wait3A_1531 = arith.constant 0 : i32
    %dma_wait3A_1532 = tpu.memref_slice %arg6[%dma_wait3A_1529, %dma_wait3A_1530, %dma_wait3A_1531] : memref<32x8x128xf32, #tpu.memory_space<vmem>> -> memref<1x8x128xf32, #tpu.memory_space<vmem>>
    %dma_wait3A_1533 = tpu.memref_squeeze %dma_wait3A_1532 : memref<1x8x128xf32, #tpu.memory_space<vmem>> -> memref<8x128xf32, #tpu.memory_space<vmem>>
    %dma_wait3A_1534 = tpu.memref_slice %arg2[%multiple_of3A_1015, %multiple_of3A_1037] : memref<100000x1024xf32, #tpu.memory_space<hbm>> -> memref<8x128xf32, #tpu.memory_space<hbm>>
    %dma_wait3A_1535 = arith.constant 0 : i32
    %dma_wait3A_1536 = arith.constant 0 : i32
    %dma_wait3A_1537 = tpu.memref_slice %arg6[%dma_wait3A_1529, %dma_wait3A_1535, %dma_wait3A_1536] : memref<32x8x128xf32, #tpu.memory_space<vmem>> -> memref<1x8x128xf32, #tpu.memory_space<vmem>>
    %dma_wait3A_1538 = tpu.memref_squeeze %dma_wait3A_1537 : memref<1x8x128xf32, #tpu.memory_space<vmem>> -> memref<8x128xf32, #tpu.memory_space<vmem>>
    %dma_wait3A_1539 = tpu.memref_slice %arg2[%multiple_of3A_1015, %multiple_of3A_1037] : memref<100000x1024xf32, #tpu.memory_space<hbm>> -> memref<8x128xf32, #tpu.memory_space<hbm>>
    tpu.wait_dma2 semaphore(%arg8 : memref<!tpu.dma_semaphore, #tpu.memory_space<semaphore_mem>>) src(%dma_wait3A_1539 : memref<8x128xf32, #tpu.memory_space<hbm>>) dst(%dma_wait3A_1538 : memref<8x128xf32, #tpu.memory_space<vmem>>)
    %dma_wait3A_1540 = arith.constant 27 : i32
    %dma_wait3A_1541 = arith.constant 0 : i32
    %dma_wait3A_1542 = arith.constant 0 : i32
    %dma_wait3A_1543 = tpu.memref_slice %arg6[%dma_wait3A_1540, %dma_wait3A_1541, %dma_wait3A_1542] : memref<32x8x128xf32, #tpu.memory_space<vmem>> -> memref<1x8x128xf32, #tpu.memory_space<vmem>>
    %dma_wait3A_1544 = tpu.memref_squeeze %dma_wait3A_1543 : memref<1x8x128xf32, #tpu.memory_space<vmem>> -> memref<8x128xf32, #tpu.memory_space<vmem>>
    %dma_wait3A_1545 = tpu.memref_slice %arg2[%multiple_of3A_1054, %multiple_of3A_1076] : memref<100000x1024xf32, #tpu.memory_space<hbm>> -> memref<8x128xf32, #tpu.memory_space<hbm>>
    %dma_wait3A_1546 = arith.constant 0 : i32
    %dma_wait3A_1547 = arith.constant 0 : i32
    %dma_wait3A_1548 = tpu.memref_slice %arg6[%dma_wait3A_1540, %dma_wait3A_1546, %dma_wait3A_1547] : memref<32x8x128xf32, #tpu.memory_space<vmem>> -> memref<1x8x128xf32, #tpu.memory_space<vmem>>
    %dma_wait3A_1549 = tpu.memref_squeeze %dma_wait3A_1548 : memref<1x8x128xf32, #tpu.memory_space<vmem>> -> memref<8x128xf32, #tpu.memory_space<vmem>>
    %dma_wait3A_1550 = tpu.memref_slice %arg2[%multiple_of3A_1054, %multiple_of3A_1076] : memref<100000x1024xf32, #tpu.memory_space<hbm>> -> memref<8x128xf32, #tpu.memory_space<hbm>>
    tpu.wait_dma2 semaphore(%arg8 : memref<!tpu.dma_semaphore, #tpu.memory_space<semaphore_mem>>) src(%dma_wait3A_1550 : memref<8x128xf32, #tpu.memory_space<hbm>>) dst(%dma_wait3A_1549 : memref<8x128xf32, #tpu.memory_space<vmem>>)
    %dma_wait3A_1551 = arith.constant 28 : i32
    %dma_wait3A_1552 = arith.constant 0 : i32
    %dma_wait3A_1553 = arith.constant 0 : i32
    %dma_wait3A_1554 = tpu.memref_slice %arg6[%dma_wait3A_1551, %dma_wait3A_1552, %dma_wait3A_1553] : memref<32x8x128xf32, #tpu.memory_space<vmem>> -> memref<1x8x128xf32, #tpu.memory_space<vmem>>
    %dma_wait3A_1555 = tpu.memref_squeeze %dma_wait3A_1554 : memref<1x8x128xf32, #tpu.memory_space<vmem>> -> memref<8x128xf32, #tpu.memory_space<vmem>>
    %dma_wait3A_1556 = tpu.memref_slice %arg2[%multiple_of3A_1093, %multiple_of3A_1115] : memref<100000x1024xf32, #tpu.memory_space<hbm>> -> memref<8x128xf32, #tpu.memory_space<hbm>>
    %dma_wait3A_1557 = arith.constant 0 : i32
    %dma_wait3A_1558 = arith.constant 0 : i32
    %dma_wait3A_1559 = tpu.memref_slice %arg6[%dma_wait3A_1551, %dma_wait3A_1557, %dma_wait3A_1558] : memref<32x8x128xf32, #tpu.memory_space<vmem>> -> memref<1x8x128xf32, #tpu.memory_space<vmem>>
    %dma_wait3A_1560 = tpu.memref_squeeze %dma_wait3A_1559 : memref<1x8x128xf32, #tpu.memory_space<vmem>> -> memref<8x128xf32, #tpu.memory_space<vmem>>
    %dma_wait3A_1561 = tpu.memref_slice %arg2[%multiple_of3A_1093, %multiple_of3A_1115] : memref<100000x1024xf32, #tpu.memory_space<hbm>> -> memref<8x128xf32, #tpu.memory_space<hbm>>
    tpu.wait_dma2 semaphore(%arg8 : memref<!tpu.dma_semaphore, #tpu.memory_space<semaphore_mem>>) src(%dma_wait3A_1561 : memref<8x128xf32, #tpu.memory_space<hbm>>) dst(%dma_wait3A_1560 : memref<8x128xf32, #tpu.memory_space<vmem>>)
    %dma_wait3A_1562 = arith.constant 29 : i32
    %dma_wait3A_1563 = arith.constant 0 : i32
    %dma_wait3A_1564 = arith.constant 0 : i32
    %dma_wait3A_1565 = tpu.memref_slice %arg6[%dma_wait3A_1562, %dma_wait3A_1563, %dma_wait3A_1564] : memref<32x8x128xf32, #tpu.memory_space<vmem>> -> memref<1x8x128xf32, #tpu.memory_space<vmem>>
    %dma_wait3A_1566 = tpu.memref_squeeze %dma_wait3A_1565 : memref<1x8x128xf32, #tpu.memory_space<vmem>> -> memref<8x128xf32, #tpu.memory_space<vmem>>
    %dma_wait3A_1567 = tpu.memref_slice %arg2[%multiple_of3A_1132, %multiple_of3A_1154] : memref<100000x1024xf32, #tpu.memory_space<hbm>> -> memref<8x128xf32, #tpu.memory_space<hbm>>
    %dma_wait3A_1568 = arith.constant 0 : i32
    %dma_wait3A_1569 = arith.constant 0 : i32
    %dma_wait3A_1570 = tpu.memref_slice %arg6[%dma_wait3A_1562, %dma_wait3A_1568, %dma_wait3A_1569] : memref<32x8x128xf32, #tpu.memory_space<vmem>> -> memref<1x8x128xf32, #tpu.memory_space<vmem>>
    %dma_wait3A_1571 = tpu.memref_squeeze %dma_wait3A_1570 : memref<1x8x128xf32, #tpu.memory_space<vmem>> -> memref<8x128xf32, #tpu.memory_space<vmem>>
    %dma_wait3A_1572 = tpu.memref_slice %arg2[%multiple_of3A_1132, %multiple_of3A_1154] : memref<100000x1024xf32, #tpu.memory_space<hbm>> -> memref<8x128xf32, #tpu.memory_space<hbm>>
    tpu.wait_dma2 semaphore(%arg8 : memref<!tpu.dma_semaphore, #tpu.memory_space<semaphore_mem>>) src(%dma_wait3A_1572 : memref<8x128xf32, #tpu.memory_space<hbm>>) dst(%dma_wait3A_1571 : memref<8x128xf32, #tpu.memory_space<vmem>>)
    %dma_wait3A_1573 = arith.constant 30 : i32
    %dma_wait3A_1574 = arith.constant 0 : i32
    %dma_wait3A_1575 = arith.constant 0 : i32
    %dma_wait3A_1576 = tpu.memref_slice %arg6[%dma_wait3A_1573, %dma_wait3A_1574, %dma_wait3A_1575] : memref<32x8x128xf32, #tpu.memory_space<vmem>> -> memref<1x8x128xf32, #tpu.memory_space<vmem>>
    %dma_wait3A_1577 = tpu.memref_squeeze %dma_wait3A_1576 : memref<1x8x128xf32, #tpu.memory_space<vmem>> -> memref<8x128xf32, #tpu.memory_space<vmem>>
    %dma_wait3A_1578 = tpu.memref_slice %arg2[%multiple_of3A_1171, %multiple_of3A_1193] : memref<100000x1024xf32, #tpu.memory_space<hbm>> -> memref<8x128xf32, #tpu.memory_space<hbm>>
    %dma_wait3A_1579 = arith.constant 0 : i32
    %dma_wait3A_1580 = arith.constant 0 : i32
    %dma_wait3A_1581 = tpu.memref_slice %arg6[%dma_wait3A_1573, %dma_wait3A_1579, %dma_wait3A_1580] : memref<32x8x128xf32, #tpu.memory_space<vmem>> -> memref<1x8x128xf32, #tpu.memory_space<vmem>>
    %dma_wait3A_1582 = tpu.memref_squeeze %dma_wait3A_1581 : memref<1x8x128xf32, #tpu.memory_space<vmem>> -> memref<8x128xf32, #tpu.memory_space<vmem>>
    %dma_wait3A_1583 = tpu.memref_slice %arg2[%multiple_of3A_1171, %multiple_of3A_1193] : memref<100000x1024xf32, #tpu.memory_space<hbm>> -> memref<8x128xf32, #tpu.memory_space<hbm>>
    tpu.wait_dma2 semaphore(%arg8 : memref<!tpu.dma_semaphore, #tpu.memory_space<semaphore_mem>>) src(%dma_wait3A_1583 : memref<8x128xf32, #tpu.memory_space<hbm>>) dst(%dma_wait3A_1582 : memref<8x128xf32, #tpu.memory_space<vmem>>)
    %dma_wait3A_1584 = arith.constant 31 : i32
    %dma_wait3A_1585 = arith.constant 0 : i32
    %dma_wait3A_1586 = arith.constant 0 : i32
    %dma_wait3A_1587 = tpu.memref_slice %arg6[%dma_wait3A_1584, %dma_wait3A_1585, %dma_wait3A_1586] : memref<32x8x128xf32, #tpu.memory_space<vmem>> -> memref<1x8x128xf32, #tpu.memory_space<vmem>>
    %dma_wait3A_1588 = tpu.memref_squeeze %dma_wait3A_1587 : memref<1x8x128xf32, #tpu.memory_space<vmem>> -> memref<8x128xf32, #tpu.memory_space<vmem>>
    %dma_wait3A_1589 = tpu.memref_slice %arg2[%multiple_of3A_1210, %multiple_of3A_1232] : memref<100000x1024xf32, #tpu.memory_space<hbm>> -> memref<8x128xf32, #tpu.memory_space<hbm>>
    %dma_wait3A_1590 = arith.constant 0 : i32
    %dma_wait3A_1591 = arith.constant 0 : i32
    %dma_wait3A_1592 = tpu.memref_slice %arg6[%dma_wait3A_1584, %dma_wait3A_1590, %dma_wait3A_1591] : memref<32x8x128xf32, #tpu.memory_space<vmem>> -> memref<1x8x128xf32, #tpu.memory_space<vmem>>
    %dma_wait3A_1593 = tpu.memref_squeeze %dma_wait3A_1592 : memref<1x8x128xf32, #tpu.memory_space<vmem>> -> memref<8x128xf32, #tpu.memory_space<vmem>>
    %dma_wait3A_1594 = tpu.memref_slice %arg2[%multiple_of3A_1210, %multiple_of3A_1232] : memref<100000x1024xf32, #tpu.memory_space<hbm>> -> memref<8x128xf32, #tpu.memory_space<hbm>>
    tpu.wait_dma2 semaphore(%arg8 : memref<!tpu.dma_semaphore, #tpu.memory_space<semaphore_mem>>) src(%dma_wait3A_1594 : memref<8x128xf32, #tpu.memory_space<hbm>>) dst(%dma_wait3A_1593 : memref<8x128xf32, #tpu.memory_space<vmem>>)
    %and3A_1595 = arith.constant 7 : i32
    %and3A_1596 = arith.andi %squeeze3A, %and3A_1595 : i32
    %add3A_1597 = arith.constant 0 : i32
    %add3A_1598 = arith.addi %mul3A_2, %add3A_1597 : i32
    %jit3A_1599 = arith.constant 128 : i32
    %eq3A_1600 = arith.constant 0 : i32
    %eq3A_1601 = arith.cmpi eq, %jit3A_1599, %eq3A_1600 : i32
    %jit3A_1602 = arith.constant 1 : i32
    %select_n3A_1603 = arith.select %eq3A_1601, %jit3A_1602, %jit3A_1599 : i32
    %rem3A_1604 = arith.remsi %add3A_1598, %select_n3A_1603 : i32
    %ne3A_1605 = arith.constant 0 : i32
    %ne3A_1606 = arith.cmpi ne, %rem3A_1604, %ne3A_1605 : i32
    %lt3A_1607 = arith.constant 0 : i32
    %lt3A_1608 = arith.cmpi slt, %rem3A_1604, %lt3A_1607 : i32
    %lt3A_1609 = arith.constant 0 : i32
    %lt3A_1610 = arith.cmpi slt, %select_n3A_1603, %lt3A_1609 : i32
    %ne3A_1611 = arith.xori %lt3A_1608, %lt3A_1610 : i1
    %and3A_1612 = arith.andi %ne3A_1611, %ne3A_1606 : i1
    %add3A_1613 = arith.addi %rem3A_1604, %select_n3A_1603 : i32
    %select_n3A_1614 = arith.select %and3A_1612, %add3A_1613, %rem3A_1604 : i32
    %add3A_1615 = arith.constant 0 : i32
    %add3A_1616 = arith.addi %mul3A_2, %add3A_1615 : i32
    %jit3A_1617 = arith.constant 16 : i32
    %eq3A_1618 = arith.constant 0 : i32
    %eq3A_1619 = arith.cmpi eq, %jit3A_1617, %eq3A_1618 : i32
    %jit3A_1620 = arith.constant 1 : i32
    %select_n3A_1621 = arith.select %eq3A_1619, %jit3A_1620, %jit3A_1617 : i32
    %rem3A_1622 = arith.remsi %add3A_1616, %select_n3A_1621 : i32
    %ne3A_1623 = arith.constant 0 : i32
    %ne3A_1624 = arith.cmpi ne, %rem3A_1622, %ne3A_1623 : i32
    %lt3A_1625 = arith.constant 0 : i32
    %lt3A_1626 = arith.cmpi slt, %rem3A_1622, %lt3A_1625 : i32
    %lt3A_1627 = arith.constant 0 : i32
    %lt3A_1628 = arith.cmpi slt, %select_n3A_1621, %lt3A_1627 : i32
    %ne3A_1629 = arith.xori %lt3A_1626, %lt3A_1628 : i1
    %and3A_1630 = arith.andi %ne3A_1629, %ne3A_1624 : i1
    %add3A_1631 = arith.addi %rem3A_1622, %select_n3A_1621 : i32
    %select_n3A_1632 = arith.select %and3A_1630, %add3A_1631, %rem3A_1622 : i32
    %sub3A_1633 = arith.subi %select_n3A_1614, %select_n3A_1632 : i32
    %get3A_1634 = arith.constant 0 : i32
    %get3A_1635 = arith.index_cast %get3A_1634 : i32 to index
    %get3A_1636 = arith.index_cast %and3A_1596 : i32 to index
    %get3A_1637 = arith.index_cast %sub3A_1633 : i32 to index
    %get3A_1638 = tpu.vector_load %arg6[%get3A_1635, %get3A_1636, %get3A_1637] {strides = array<i32>} : memref<32x8x128xf32, #tpu.memory_space<vmem>>, vector<1x1x16xf32>,
    %get3A_1639 = vector.shape_cast %get3A_1638 : vector<1x1x16xf32> to vector<16xf32>
    %swap3A = arith.constant 0 : i32
    %swap3A_1640 = arith.index_cast %swap3A : i32 to index
    %swap3A_1641 = arith.constant 0 : index
    %swap3A_1642 = tpu.vector_load %arg7[%swap3A_1640, %swap3A_1641] {strides = array<i32>} : memref<32x16xf32, #tpu.memory_space<vmem>>, vector<1x16xf32>,
    %swap3A_1643 = vector.shape_cast %swap3A_1642 : vector<1x16xf32> to vector<16xf32>
    %swap3A_1644 = vector.shape_cast %get3A_1639 : vector<16xf32> to vector<1x16xf32>
    tpu.vector_store %arg7[%swap3A_1640, %swap3A_1641], %swap3A_1644 {strides = array<i32>} : memref<32x16xf32, #tpu.memory_space<vmem>>, vector<1x16xf32>,
    %and3A_1645 = arith.constant 7 : i32
    %and3A_1646 = arith.andi %squeeze3A_33, %and3A_1645 : i32
    %add3A_1647 = arith.constant 1 : i32
    %add3A_1648 = arith.addi %mul3A_2, %add3A_1647 : i32
    %jit3A_1649 = arith.constant 128 : i32
    %eq3A_1650 = arith.constant 0 : i32
    %eq3A_1651 = arith.cmpi eq, %jit3A_1649, %eq3A_1650 : i32
    %jit3A_1652 = arith.constant 1 : i32
    %select_n3A_1653 = arith.select %eq3A_1651, %jit3A_1652, %jit3A_1649 : i32
    %rem3A_1654 = arith.remsi %add3A_1648, %select_n3A_1653 : i32
    %ne3A_1655 = arith.constant 0 : i32
    %ne3A_1656 = arith.cmpi ne, %rem3A_1654, %ne3A_1655 : i32
    %lt3A_1657 = arith.constant 0 : i32
    %lt3A_1658 = arith.cmpi slt, %rem3A_1654, %lt3A_1657 : i32
    %lt3A_1659 = arith.constant 0 : i32
    %lt3A_1660 = arith.cmpi slt, %select_n3A_1653, %lt3A_1659 : i32
    %ne3A_1661 = arith.xori %lt3A_1658, %lt3A_1660 : i1
    %and3A_1662 = arith.andi %ne3A_1661, %ne3A_1656 : i1
    %add3A_1663 = arith.addi %rem3A_1654, %select_n3A_1653 : i32
    %select_n3A_1664 = arith.select %and3A_1662, %add3A_1663, %rem3A_1654 : i32
    %add3A_1665 = arith.constant 1 : i32
    %add3A_1666 = arith.addi %mul3A_2, %add3A_1665 : i32
    %jit3A_1667 = arith.constant 16 : i32
    %eq3A_1668 = arith.constant 0 : i32
    %eq3A_1669 = arith.cmpi eq, %jit3A_1667, %eq3A_1668 : i32
    %jit3A_1670 = arith.constant 1 : i32
    %select_n3A_1671 = arith.select %eq3A_1669, %jit3A_1670, %jit3A_1667 : i32
    %rem3A_1672 = arith.remsi %add3A_1666, %select_n3A_1671 : i32
    %ne3A_1673 = arith.constant 0 : i32
    %ne3A_1674 = arith.cmpi ne, %rem3A_1672, %ne3A_1673 : i32
    %lt3A_1675 = arith.constant 0 : i32
    %lt3A_1676 = arith.cmpi slt, %rem3A_1672, %lt3A_1675 : i32
    %lt3A_1677 = arith.constant 0 : i32
    %lt3A_1678 = arith.cmpi slt, %select_n3A_1671, %lt3A_1677 : i32
    %ne3A_1679 = arith.xori %lt3A_1676, %lt3A_1678 : i1
    %and3A_1680 = arith.andi %ne3A_1679, %ne3A_1674 : i1
    %add3A_1681 = arith.addi %rem3A_1672, %select_n3A_1671 : i32
    %select_n3A_1682 = arith.select %and3A_1680, %add3A_1681, %rem3A_1672 : i32
    %sub3A_1683 = arith.subi %select_n3A_1664, %select_n3A_1682 : i32
    %get3A_1684 = arith.constant 1 : i32
    %get3A_1685 = arith.index_cast %get3A_1684 : i32 to index
    %get3A_1686 = arith.index_cast %and3A_1646 : i32 to index
    %get3A_1687 = arith.index_cast %sub3A_1683 : i32 to index
    %get3A_1688 = tpu.vector_load %arg6[%get3A_1685, %get3A_1686, %get3A_1687] {strides = array<i32>} : memref<32x8x128xf32, #tpu.memory_space<vmem>>, vector<1x1x16xf32>,
    %get3A_1689 = vector.shape_cast %get3A_1688 : vector<1x1x16xf32> to vector<16xf32>
    %swap3A_1690 = arith.constant 1 : i32
    %swap3A_1691 = arith.index_cast %swap3A_1690 : i32 to index
    %swap3A_1692 = arith.constant 0 : index
    %swap3A_1693 = tpu.vector_load %arg7[%swap3A_1691, %swap3A_1692] {strides = array<i32>} : memref<32x16xf32, #tpu.memory_space<vmem>>, vector<1x16xf32>,
    %swap3A_1694 = vector.shape_cast %swap3A_1693 : vector<1x16xf32> to vector<16xf32>
    %swap3A_1695 = vector.shape_cast %get3A_1689 : vector<16xf32> to vector<1x16xf32>
    tpu.vector_store %arg7[%swap3A_1691, %swap3A_1692], %swap3A_1695 {strides = array<i32>} : memref<32x16xf32, #tpu.memory_space<vmem>>, vector<1x16xf32>,
    %and3A_1696 = arith.constant 7 : i32
    %and3A_1697 = arith.andi %squeeze3A_72, %and3A_1696 : i32
    %add3A_1698 = arith.constant 2 : i32
    %add3A_1699 = arith.addi %mul3A_2, %add3A_1698 : i32
    %jit3A_1700 = arith.constant 128 : i32
    %eq3A_1701 = arith.constant 0 : i32
    %eq3A_1702 = arith.cmpi eq, %jit3A_1700, %eq3A_1701 : i32
    %jit3A_1703 = arith.constant 1 : i32
    %select_n3A_1704 = arith.select %eq3A_1702, %jit3A_1703, %jit3A_1700 : i32
    %rem3A_1705 = arith.remsi %add3A_1699, %select_n3A_1704 : i32
    %ne3A_1706 = arith.constant 0 : i32
    %ne3A_1707 = arith.cmpi ne, %rem3A_1705, %ne3A_1706 : i32
    %lt3A_1708 = arith.constant 0 : i32
    %lt3A_1709 = arith.cmpi slt, %rem3A_1705, %lt3A_1708 : i32
    %lt3A_1710 = arith.constant 0 : i32
    %lt3A_1711 = arith.cmpi slt, %select_n3A_1704, %lt3A_1710 : i32
    %ne3A_1712 = arith.xori %lt3A_1709, %lt3A_1711 : i1
    %and3A_1713 = arith.andi %ne3A_1712, %ne3A_1707 : i1
    %add3A_1714 = arith.addi %rem3A_1705, %select_n3A_1704 : i32
    %select_n3A_1715 = arith.select %and3A_1713, %add3A_1714, %rem3A_1705 : i32
    %add3A_1716 = arith.constant 2 : i32
    %add3A_1717 = arith.addi %mul3A_2, %add3A_1716 : i32
    %jit3A_1718 = arith.constant 16 : i32
    %eq3A_1719 = arith.constant 0 : i32
    %eq3A_1720 = arith.cmpi eq, %jit3A_1718, %eq3A_1719 : i32
    %jit3A_1721 = arith.constant 1 : i32
    %select_n3A_1722 = arith.select %eq3A_1720, %jit3A_1721, %jit3A_1718 : i32
    %rem3A_1723 = arith.remsi %add3A_1717, %select_n3A_1722 : i32
    %ne3A_1724 = arith.constant 0 : i32
    %ne3A_1725 = arith.cmpi ne, %rem3A_1723, %ne3A_1724 : i32
    %lt3A_1726 = arith.constant 0 : i32
    %lt3A_1727 = arith.cmpi slt, %rem3A_1723, %lt3A_1726 : i32
    %lt3A_1728 = arith.constant 0 : i32
    %lt3A_1729 = arith.cmpi slt, %select_n3A_1722, %lt3A_1728 : i32
    %ne3A_1730 = arith.xori %lt3A_1727, %lt3A_1729 : i1
    %and3A_1731 = arith.andi %ne3A_1730, %ne3A_1725 : i1
    %add3A_1732 = arith.addi %rem3A_1723, %select_n3A_1722 : i32
    %select_n3A_1733 = arith.select %and3A_1731, %add3A_1732, %rem3A_1723 : i32
    %sub3A_1734 = arith.subi %select_n3A_1715, %select_n3A_1733 : i32
    %get3A_1735 = arith.constant 2 : i32
    %get3A_1736 = arith.index_cast %get3A_1735 : i32 to index
    %get3A_1737 = arith.index_cast %and3A_1697 : i32 to index
    %get3A_1738 = arith.index_cast %sub3A_1734 : i32 to index
    %get3A_1739 = tpu.vector_load %arg6[%get3A_1736, %get3A_1737, %get3A_1738] {strides = array<i32>} : memref<32x8x128xf32, #tpu.memory_space<vmem>>, vector<1x1x16xf32>,
    %get3A_1740 = vector.shape_cast %get3A_1739 : vector<1x1x16xf32> to vector<16xf32>
    %swap3A_1741 = arith.constant 2 : i32
    %swap3A_1742 = arith.index_cast %swap3A_1741 : i32 to index
    %swap3A_1743 = arith.constant 0 : index
    %swap3A_1744 = tpu.vector_load %arg7[%swap3A_1742, %swap3A_1743] {strides = array<i32>} : memref<32x16xf32, #tpu.memory_space<vmem>>, vector<1x16xf32>,
    %swap3A_1745 = vector.shape_cast %swap3A_1744 : vector<1x16xf32> to vector<16xf32>
    %swap3A_1746 = vector.shape_cast %get3A_1740 : vector<16xf32> to vector<1x16xf32>
    tpu.vector_store %arg7[%swap3A_1742, %swap3A_1743], %swap3A_1746 {strides = array<i32>} : memref<32x16xf32, #tpu.memory_space<vmem>>, vector<1x16xf32>,
    %and3A_1747 = arith.constant 7 : i32
    %and3A_1748 = arith.andi %squeeze3A_111, %and3A_1747 : i32
    %add3A_1749 = arith.constant 3 : i32
    %add3A_1750 = arith.addi %mul3A_2, %add3A_1749 : i32
    %jit3A_1751 = arith.constant 128 : i32
    %eq3A_1752 = arith.constant 0 : i32
    %eq3A_1753 = arith.cmpi eq, %jit3A_1751, %eq3A_1752 : i32
    %jit3A_1754 = arith.constant 1 : i32
    %select_n3A_1755 = arith.select %eq3A_1753, %jit3A_1754, %jit3A_1751 : i32
    %rem3A_1756 = arith.remsi %add3A_1750, %select_n3A_1755 : i32
    %ne3A_1757 = arith.constant 0 : i32
    %ne3A_1758 = arith.cmpi ne, %rem3A_1756, %ne3A_1757 : i32
    %lt3A_1759 = arith.constant 0 : i32
    %lt3A_1760 = arith.cmpi slt, %rem3A_1756, %lt3A_1759 : i32
    %lt3A_1761 = arith.constant 0 : i32
    %lt3A_1762 = arith.cmpi slt, %select_n3A_1755, %lt3A_1761 : i32
    %ne3A_1763 = arith.xori %lt3A_1760, %lt3A_1762 : i1
    %and3A_1764 = arith.andi %ne3A_1763, %ne3A_1758 : i1
    %add3A_1765 = arith.addi %rem3A_1756, %select_n3A_1755 : i32
    %select_n3A_1766 = arith.select %and3A_1764, %add3A_1765, %rem3A_1756 : i32
    %add3A_1767 = arith.constant 3 : i32
    %add3A_1768 = arith.addi %mul3A_2, %add3A_1767 : i32
    %jit3A_1769 = arith.constant 16 : i32
    %eq3A_1770 = arith.constant 0 : i32
    %eq3A_1771 = arith.cmpi eq, %jit3A_1769, %eq3A_1770 : i32
    %jit3A_1772 = arith.constant 1 : i32
    %select_n3A_1773 = arith.select %eq3A_1771, %jit3A_1772, %jit3A_1769 : i32
    %rem3A_1774 = arith.remsi %add3A_1768, %select_n3A_1773 : i32
    %ne3A_1775 = arith.constant 0 : i32
    %ne3A_1776 = arith.cmpi ne, %rem3A_1774, %ne3A_1775 : i32
    %lt3A_1777 = arith.constant 0 : i32
    %lt3A_1778 = arith.cmpi slt, %rem3A_1774, %lt3A_1777 : i32
    %lt3A_1779 = arith.constant 0 : i32
    %lt3A_1780 = arith.cmpi slt, %select_n3A_1773, %lt3A_1779 : i32
    %ne3A_1781 = arith.xori %lt3A_1778, %lt3A_1780 : i1
    %and3A_1782 = arith.andi %ne3A_1781, %ne3A_1776 : i1
    %add3A_1783 = arith.addi %rem3A_1774, %select_n3A_1773 : i32
    %select_n3A_1784 = arith.select %and3A_1782, %add3A_1783, %rem3A_1774 : i32
    %sub3A_1785 = arith.subi %select_n3A_1766, %select_n3A_1784 : i32
    %get3A_1786 = arith.constant 3 : i32
    %get3A_1787 = arith.index_cast %get3A_1786 : i32 to index
    %get3A_1788 = arith.index_cast %and3A_1748 : i32 to index
    %get3A_1789 = arith.index_cast %sub3A_1785 : i32 to index
    %get3A_1790 = tpu.vector_load %arg6[%get3A_1787, %get3A_1788, %get3A_1789] {strides = array<i32>} : memref<32x8x128xf32, #tpu.memory_space<vmem>>, vector<1x1x16xf32>,
    %get3A_1791 = vector.shape_cast %get3A_1790 : vector<1x1x16xf32> to vector<16xf32>
    %swap3A_1792 = arith.constant 3 : i32
    %swap3A_1793 = arith.index_cast %swap3A_1792 : i32 to index
    %swap3A_1794 = arith.constant 0 : index
    %swap3A_1795 = tpu.vector_load %arg7[%swap3A_1793, %swap3A_1794] {strides = array<i32>} : memref<32x16xf32, #tpu.memory_space<vmem>>, vector<1x16xf32>,
    %swap3A_1796 = vector.shape_cast %swap3A_1795 : vector<1x16xf32> to vector<16xf32>
    %swap3A_1797 = vector.shape_cast %get3A_1791 : vector<16xf32> to vector<1x16xf32>
    tpu.vector_store %arg7[%swap3A_1793, %swap3A_1794], %swap3A_1797 {strides = array<i32>} : memref<32x16xf32, #tpu.memory_space<vmem>>, vector<1x16xf32>,
    %and3A_1798 = arith.constant 7 : i32
    %and3A_1799 = arith.andi %squeeze3A_150, %and3A_1798 : i32
    %add3A_1800 = arith.constant 4 : i32
    %add3A_1801 = arith.addi %mul3A_2, %add3A_1800 : i32
    %jit3A_1802 = arith.constant 128 : i32
    %eq3A_1803 = arith.constant 0 : i32
    %eq3A_1804 = arith.cmpi eq, %jit3A_1802, %eq3A_1803 : i32
    %jit3A_1805 = arith.constant 1 : i32
    %select_n3A_1806 = arith.select %eq3A_1804, %jit3A_1805, %jit3A_1802 : i32
    %rem3A_1807 = arith.remsi %add3A_1801, %select_n3A_1806 : i32
    %ne3A_1808 = arith.constant 0 : i32
    %ne3A_1809 = arith.cmpi ne, %rem3A_1807, %ne3A_1808 : i32
    %lt3A_1810 = arith.constant 0 : i32
    %lt3A_1811 = arith.cmpi slt, %rem3A_1807, %lt3A_1810 : i32
    %lt3A_1812 = arith.constant 0 : i32
    %lt3A_1813 = arith.cmpi slt, %select_n3A_1806, %lt3A_1812 : i32
    %ne3A_1814 = arith.xori %lt3A_1811, %lt3A_1813 : i1
    %and3A_1815 = arith.andi %ne3A_1814, %ne3A_1809 : i1
    %add3A_1816 = arith.addi %rem3A_1807, %select_n3A_1806 : i32
    %select_n3A_1817 = arith.select %and3A_1815, %add3A_1816, %rem3A_1807 : i32
    %add3A_1818 = arith.constant 4 : i32
    %add3A_1819 = arith.addi %mul3A_2, %add3A_1818 : i32
    %jit3A_1820 = arith.constant 16 : i32
    %eq3A_1821 = arith.constant 0 : i32
    %eq3A_1822 = arith.cmpi eq, %jit3A_1820, %eq3A_1821 : i32
    %jit3A_1823 = arith.constant 1 : i32
    %select_n3A_1824 = arith.select %eq3A_1822, %jit3A_1823, %jit3A_1820 : i32
    %rem3A_1825 = arith.remsi %add3A_1819, %select_n3A_1824 : i32
    %ne3A_1826 = arith.constant 0 : i32
    %ne3A_1827 = arith.cmpi ne, %rem3A_1825, %ne3A_1826 : i32
    %lt3A_1828 = arith.constant 0 : i32
    %lt3A_1829 = arith.cmpi slt, %rem3A_1825, %lt3A_1828 : i32
    %lt3A_1830 = arith.constant 0 : i32
    %lt3A_1831 = arith.cmpi slt, %select_n3A_1824, %lt3A_1830 : i32
    %ne3A_1832 = arith.xori %lt3A_1829, %lt3A_1831 : i1
    %and3A_1833 = arith.andi %ne3A_1832, %ne3A_1827 : i1
    %add3A_1834 = arith.addi %rem3A_1825, %select_n3A_1824 : i32
    %select_n3A_1835 = arith.select %and3A_1833, %add3A_1834, %rem3A_1825 : i32
    %sub3A_1836 = arith.subi %select_n3A_1817, %select_n3A_1835 : i32
    %get3A_1837 = arith.constant 4 : i32
    %get3A_1838 = arith.index_cast %get3A_1837 : i32 to index
    %get3A_1839 = arith.index_cast %and3A_1799 : i32 to index
    %get3A_1840 = arith.index_cast %sub3A_1836 : i32 to index
    %get3A_1841 = tpu.vector_load %arg6[%get3A_1838, %get3A_1839, %get3A_1840] {strides = array<i32>} : memref<32x8x128xf32, #tpu.memory_space<vmem>>, vector<1x1x16xf32>,
    %get3A_1842 = vector.shape_cast %get3A_1841 : vector<1x1x16xf32> to vector<16xf32>
    %swap3A_1843 = arith.constant 4 : i32
    %swap3A_1844 = arith.index_cast %swap3A_1843 : i32 to index
    %swap3A_1845 = arith.constant 0 : index
    %swap3A_1846 = tpu.vector_load %arg7[%swap3A_1844, %swap3A_1845] {strides = array<i32>} : memref<32x16xf32, #tpu.memory_space<vmem>>, vector<1x16xf32>,
    %swap3A_1847 = vector.shape_cast %swap3A_1846 : vector<1x16xf32> to vector<16xf32>
    %swap3A_1848 = vector.shape_cast %get3A_1842 : vector<16xf32> to vector<1x16xf32>
    tpu.vector_store %arg7[%swap3A_1844, %swap3A_1845], %swap3A_1848 {strides = array<i32>} : memref<32x16xf32, #tpu.memory_space<vmem>>, vector<1x16xf32>,
    %and3A_1849 = arith.constant 7 : i32
    %and3A_1850 = arith.andi %squeeze3A_189, %and3A_1849 : i32
    %add3A_1851 = arith.constant 5 : i32
    %add3A_1852 = arith.addi %mul3A_2, %add3A_1851 : i32
    %jit3A_1853 = arith.constant 128 : i32
    %eq3A_1854 = arith.constant 0 : i32
    %eq3A_1855 = arith.cmpi eq, %jit3A_1853, %eq3A_1854 : i32
    %jit3A_1856 = arith.constant 1 : i32
    %select_n3A_1857 = arith.select %eq3A_1855, %jit3A_1856, %jit3A_1853 : i32
    %rem3A_1858 = arith.remsi %add3A_1852, %select_n3A_1857 : i32
    %ne3A_1859 = arith.constant 0 : i32
    %ne3A_1860 = arith.cmpi ne, %rem3A_1858, %ne3A_1859 : i32
    %lt3A_1861 = arith.constant 0 : i32
    %lt3A_1862 = arith.cmpi slt, %rem3A_1858, %lt3A_1861 : i32
    %lt3A_1863 = arith.constant 0 : i32
    %lt3A_1864 = arith.cmpi slt, %select_n3A_1857, %lt3A_1863 : i32
    %ne3A_1865 = arith.xori %lt3A_1862, %lt3A_1864 : i1
    %and3A_1866 = arith.andi %ne3A_1865, %ne3A_1860 : i1
    %add3A_1867 = arith.addi %rem3A_1858, %select_n3A_1857 : i32
    %select_n3A_1868 = arith.select %and3A_1866, %add3A_1867, %rem3A_1858 : i32
    %add3A_1869 = arith.constant 5 : i32
    %add3A_1870 = arith.addi %mul3A_2, %add3A_1869 : i32
    %jit3A_1871 = arith.constant 16 : i32
    %eq3A_1872 = arith.constant 0 : i32
    %eq3A_1873 = arith.cmpi eq, %jit3A_1871, %eq3A_1872 : i32
    %jit3A_1874 = arith.constant 1 : i32
    %select_n3A_1875 = arith.select %eq3A_1873, %jit3A_1874, %jit3A_1871 : i32
    %rem3A_1876 = arith.remsi %add3A_1870, %select_n3A_1875 : i32
    %ne3A_1877 = arith.constant 0 : i32
    %ne3A_1878 = arith.cmpi ne, %rem3A_1876, %ne3A_1877 : i32
    %lt3A_1879 = arith.constant 0 : i32
    %lt3A_1880 = arith.cmpi slt, %rem3A_1876, %lt3A_1879 : i32
    %lt3A_1881 = arith.constant 0 : i32
    %lt3A_1882 = arith.cmpi slt, %select_n3A_1875, %lt3A_1881 : i32
    %ne3A_1883 = arith.xori %lt3A_1880, %lt3A_1882 : i1
    %and3A_1884 = arith.andi %ne3A_1883, %ne3A_1878 : i1
    %add3A_1885 = arith.addi %rem3A_1876, %select_n3A_1875 : i32
    %select_n3A_1886 = arith.select %and3A_1884, %add3A_1885, %rem3A_1876 : i32
    %sub3A_1887 = arith.subi %select_n3A_1868, %select_n3A_1886 : i32
    %get3A_1888 = arith.constant 5 : i32
    %get3A_1889 = arith.index_cast %get3A_1888 : i32 to index
    %get3A_1890 = arith.index_cast %and3A_1850 : i32 to index
    %get3A_1891 = arith.index_cast %sub3A_1887 : i32 to index
    %get3A_1892 = tpu.vector_load %arg6[%get3A_1889, %get3A_1890, %get3A_1891] {strides = array<i32>} : memref<32x8x128xf32, #tpu.memory_space<vmem>>, vector<1x1x16xf32>,
    %get3A_1893 = vector.shape_cast %get3A_1892 : vector<1x1x16xf32> to vector<16xf32>
    %swap3A_1894 = arith.constant 5 : i32
    %swap3A_1895 = arith.index_cast %swap3A_1894 : i32 to index
    %swap3A_1896 = arith.constant 0 : index
    %swap3A_1897 = tpu.vector_load %arg7[%swap3A_1895, %swap3A_1896] {strides = array<i32>} : memref<32x16xf32, #tpu.memory_space<vmem>>, vector<1x16xf32>,
    %swap3A_1898 = vector.shape_cast %swap3A_1897 : vector<1x16xf32> to vector<16xf32>
    %swap3A_1899 = vector.shape_cast %get3A_1893 : vector<16xf32> to vector<1x16xf32>
    tpu.vector_store %arg7[%swap3A_1895, %swap3A_1896], %swap3A_1899 {strides = array<i32>} : memref<32x16xf32, #tpu.memory_space<vmem>>, vector<1x16xf32>,
    %and3A_1900 = arith.constant 7 : i32
    %and3A_1901 = arith.andi %squeeze3A_228, %and3A_1900 : i32
    %add3A_1902 = arith.constant 6 : i32
    %add3A_1903 = arith.addi %mul3A_2, %add3A_1902 : i32
    %jit3A_1904 = arith.constant 128 : i32
    %eq3A_1905 = arith.constant 0 : i32
    %eq3A_1906 = arith.cmpi eq, %jit3A_1904, %eq3A_1905 : i32
    %jit3A_1907 = arith.constant 1 : i32
    %select_n3A_1908 = arith.select %eq3A_1906, %jit3A_1907, %jit3A_1904 : i32
    %rem3A_1909 = arith.remsi %add3A_1903, %select_n3A_1908 : i32
    %ne3A_1910 = arith.constant 0 : i32
    %ne3A_1911 = arith.cmpi ne, %rem3A_1909, %ne3A_1910 : i32
    %lt3A_1912 = arith.constant 0 : i32
    %lt3A_1913 = arith.cmpi slt, %rem3A_1909, %lt3A_1912 : i32
    %lt3A_1914 = arith.constant 0 : i32
    %lt3A_1915 = arith.cmpi slt, %select_n3A_1908, %lt3A_1914 : i32
    %ne3A_1916 = arith.xori %lt3A_1913, %lt3A_1915 : i1
    %and3A_1917 = arith.andi %ne3A_1916, %ne3A_1911 : i1
    %add3A_1918 = arith.addi %rem3A_1909, %select_n3A_1908 : i32
    %select_n3A_1919 = arith.select %and3A_1917, %add3A_1918, %rem3A_1909 : i32
    %add3A_1920 = arith.constant 6 : i32
    %add3A_1921 = arith.addi %mul3A_2, %add3A_1920 : i32
    %jit3A_1922 = arith.constant 16 : i32
    %eq3A_1923 = arith.constant 0 : i32
    %eq3A_1924 = arith.cmpi eq, %jit3A_1922, %eq3A_1923 : i32
    %jit3A_1925 = arith.constant 1 : i32
    %select_n3A_1926 = arith.select %eq3A_1924, %jit3A_1925, %jit3A_1922 : i32
    %rem3A_1927 = arith.remsi %add3A_1921, %select_n3A_1926 : i32
    %ne3A_1928 = arith.constant 0 : i32
    %ne3A_1929 = arith.cmpi ne, %rem3A_1927, %ne3A_1928 : i32
    %lt3A_1930 = arith.constant 0 : i32
    %lt3A_1931 = arith.cmpi slt, %rem3A_1927, %lt3A_1930 : i32
    %lt3A_1932 = arith.constant 0 : i32
    %lt3A_1933 = arith.cmpi slt, %select_n3A_1926, %lt3A_1932 : i32
    %ne3A_1934 = arith.xori %lt3A_1931, %lt3A_1933 : i1
    %and3A_1935 = arith.andi %ne3A_1934, %ne3A_1929 : i1
    %add3A_1936 = arith.addi %rem3A_1927, %select_n3A_1926 : i32
    %select_n3A_1937 = arith.select %and3A_1935, %add3A_1936, %rem3A_1927 : i32
    %sub3A_1938 = arith.subi %select_n3A_1919, %select_n3A_1937 : i32
    %get3A_1939 = arith.constant 6 : i32
    %get3A_1940 = arith.index_cast %get3A_1939 : i32 to index
    %get3A_1941 = arith.index_cast %and3A_1901 : i32 to index
    %get3A_1942 = arith.index_cast %sub3A_1938 : i32 to index
    %get3A_1943 = tpu.vector_load %arg6[%get3A_1940, %get3A_1941, %get3A_1942] {strides = array<i32>} : memref<32x8x128xf32, #tpu.memory_space<vmem>>, vector<1x1x16xf32>,
    %get3A_1944 = vector.shape_cast %get3A_1943 : vector<1x1x16xf32> to vector<16xf32>
    %swap3A_1945 = arith.constant 6 : i32
    %swap3A_1946 = arith.index_cast %swap3A_1945 : i32 to index
    %swap3A_1947 = arith.constant 0 : index
    %swap3A_1948 = tpu.vector_load %arg7[%swap3A_1946, %swap3A_1947] {strides = array<i32>} : memref<32x16xf32, #tpu.memory_space<vmem>>, vector<1x16xf32>,
    %swap3A_1949 = vector.shape_cast %swap3A_1948 : vector<1x16xf32> to vector<16xf32>
    %swap3A_1950 = vector.shape_cast %get3A_1944 : vector<16xf32> to vector<1x16xf32>
    tpu.vector_store %arg7[%swap3A_1946, %swap3A_1947], %swap3A_1950 {strides = array<i32>} : memref<32x16xf32, #tpu.memory_space<vmem>>, vector<1x16xf32>,
    %and3A_1951 = arith.constant 7 : i32
    %and3A_1952 = arith.andi %squeeze3A_267, %and3A_1951 : i32
    %add3A_1953 = arith.constant 7 : i32
    %add3A_1954 = arith.addi %mul3A_2, %add3A_1953 : i32
    %jit3A_1955 = arith.constant 128 : i32
    %eq3A_1956 = arith.constant 0 : i32
    %eq3A_1957 = arith.cmpi eq, %jit3A_1955, %eq3A_1956 : i32
    %jit3A_1958 = arith.constant 1 : i32
    %select_n3A_1959 = arith.select %eq3A_1957, %jit3A_1958, %jit3A_1955 : i32
    %rem3A_1960 = arith.remsi %add3A_1954, %select_n3A_1959 : i32
    %ne3A_1961 = arith.constant 0 : i32
    %ne3A_1962 = arith.cmpi ne, %rem3A_1960, %ne3A_1961 : i32
    %lt3A_1963 = arith.constant 0 : i32
    %lt3A_1964 = arith.cmpi slt, %rem3A_1960, %lt3A_1963 : i32
    %lt3A_1965 = arith.constant 0 : i32
    %lt3A_1966 = arith.cmpi slt, %select_n3A_1959, %lt3A_1965 : i32
    %ne3A_1967 = arith.xori %lt3A_1964, %lt3A_1966 : i1
    %and3A_1968 = arith.andi %ne3A_1967, %ne3A_1962 : i1
    %add3A_1969 = arith.addi %rem3A_1960, %select_n3A_1959 : i32
    %select_n3A_1970 = arith.select %and3A_1968, %add3A_1969, %rem3A_1960 : i32
    %add3A_1971 = arith.constant 7 : i32
    %add3A_1972 = arith.addi %mul3A_2, %add3A_1971 : i32
    %jit3A_1973 = arith.constant 16 : i32
    %eq3A_1974 = arith.constant 0 : i32
    %eq3A_1975 = arith.cmpi eq, %jit3A_1973, %eq3A_1974 : i32
    %jit3A_1976 = arith.constant 1 : i32
    %select_n3A_1977 = arith.select %eq3A_1975, %jit3A_1976, %jit3A_1973 : i32
    %rem3A_1978 = arith.remsi %add3A_1972, %select_n3A_1977 : i32
    %ne3A_1979 = arith.constant 0 : i32
    %ne3A_1980 = arith.cmpi ne, %rem3A_1978, %ne3A_1979 : i32
    %lt3A_1981 = arith.constant 0 : i32
    %lt3A_1982 = arith.cmpi slt, %rem3A_1978, %lt3A_1981 : i32
    %lt3A_1983 = arith.constant 0 : i32
    %lt3A_1984 = arith.cmpi slt, %select_n3A_1977, %lt3A_1983 : i32
    %ne3A_1985 = arith.xori %lt3A_1982, %lt3A_1984 : i1
    %and3A_1986 = arith.andi %ne3A_1985, %ne3A_1980 : i1
    %add3A_1987 = arith.addi %rem3A_1978, %select_n3A_1977 : i32
    %select_n3A_1988 = arith.select %and3A_1986, %add3A_1987, %rem3A_1978 : i32
    %sub3A_1989 = arith.subi %select_n3A_1970, %select_n3A_1988 : i32
    %get3A_1990 = arith.constant 7 : i32
    %get3A_1991 = arith.index_cast %get3A_1990 : i32 to index
    %get3A_1992 = arith.index_cast %and3A_1952 : i32 to index
    %get3A_1993 = arith.index_cast %sub3A_1989 : i32 to index
    %get3A_1994 = tpu.vector_load %arg6[%get3A_1991, %get3A_1992, %get3A_1993] {strides = array<i32>} : memref<32x8x128xf32, #tpu.memory_space<vmem>>, vector<1x1x16xf32>,
    %get3A_1995 = vector.shape_cast %get3A_1994 : vector<1x1x16xf32> to vector<16xf32>
    %swap3A_1996 = arith.constant 7 : i32
    %swap3A_1997 = arith.index_cast %swap3A_1996 : i32 to index
    %swap3A_1998 = arith.constant 0 : index
    %swap3A_1999 = tpu.vector_load %arg7[%swap3A_1997, %swap3A_1998] {strides = array<i32>} : memref<32x16xf32, #tpu.memory_space<vmem>>, vector<1x16xf32>,
    %swap3A_2000 = vector.shape_cast %swap3A_1999 : vector<1x16xf32> to vector<16xf32>
    %swap3A_2001 = vector.shape_cast %get3A_1995 : vector<16xf32> to vector<1x16xf32>
    tpu.vector_store %arg7[%swap3A_1997, %swap3A_1998], %swap3A_2001 {strides = array<i32>} : memref<32x16xf32, #tpu.memory_space<vmem>>, vector<1x16xf32>,
    %and3A_2002 = arith.constant 7 : i32
    %and3A_2003 = arith.andi %squeeze3A_306, %and3A_2002 : i32
    %add3A_2004 = arith.constant 8 : i32
    %add3A_2005 = arith.addi %mul3A_2, %add3A_2004 : i32
    %jit3A_2006 = arith.constant 128 : i32
    %eq3A_2007 = arith.constant 0 : i32
    %eq3A_2008 = arith.cmpi eq, %jit3A_2006, %eq3A_2007 : i32
    %jit3A_2009 = arith.constant 1 : i32
    %select_n3A_2010 = arith.select %eq3A_2008, %jit3A_2009, %jit3A_2006 : i32
    %rem3A_2011 = arith.remsi %add3A_2005, %select_n3A_2010 : i32
    %ne3A_2012 = arith.constant 0 : i32
    %ne3A_2013 = arith.cmpi ne, %rem3A_2011, %ne3A_2012 : i32
    %lt3A_2014 = arith.constant 0 : i32
    %lt3A_2015 = arith.cmpi slt, %rem3A_2011, %lt3A_2014 : i32
    %lt3A_2016 = arith.constant 0 : i32
    %lt3A_2017 = arith.cmpi slt, %select_n3A_2010, %lt3A_2016 : i32
    %ne3A_2018 = arith.xori %lt3A_2015, %lt3A_2017 : i1
    %and3A_2019 = arith.andi %ne3A_2018, %ne3A_2013 : i1
    %add3A_2020 = arith.addi %rem3A_2011, %select_n3A_2010 : i32
    %select_n3A_2021 = arith.select %and3A_2019, %add3A_2020, %rem3A_2011 : i32
    %add3A_2022 = arith.constant 8 : i32
    %add3A_2023 = arith.addi %mul3A_2, %add3A_2022 : i32
    %jit3A_2024 = arith.constant 16 : i32
    %eq3A_2025 = arith.constant 0 : i32
    %eq3A_2026 = arith.cmpi eq, %jit3A_2024, %eq3A_2025 : i32
    %jit3A_2027 = arith.constant 1 : i32
    %select_n3A_2028 = arith.select %eq3A_2026, %jit3A_2027, %jit3A_2024 : i32
    %rem3A_2029 = arith.remsi %add3A_2023, %select_n3A_2028 : i32
    %ne3A_2030 = arith.constant 0 : i32
    %ne3A_2031 = arith.cmpi ne, %rem3A_2029, %ne3A_2030 : i32
    %lt3A_2032 = arith.constant 0 : i32
    %lt3A_2033 = arith.cmpi slt, %rem3A_2029, %lt3A_2032 : i32
    %lt3A_2034 = arith.constant 0 : i32
    %lt3A_2035 = arith.cmpi slt, %select_n3A_2028, %lt3A_2034 : i32
    %ne3A_2036 = arith.xori %lt3A_2033, %lt3A_2035 : i1
    %and3A_2037 = arith.andi %ne3A_2036, %ne3A_2031 : i1
    %add3A_2038 = arith.addi %rem3A_2029, %select_n3A_2028 : i32
    %select_n3A_2039 = arith.select %and3A_2037, %add3A_2038, %rem3A_2029 : i32
    %sub3A_2040 = arith.subi %select_n3A_2021, %select_n3A_2039 : i32
    %get3A_2041 = arith.constant 8 : i32
    %get3A_2042 = arith.index_cast %get3A_2041 : i32 to index
    %get3A_2043 = arith.index_cast %and3A_2003 : i32 to index
    %get3A_2044 = arith.index_cast %sub3A_2040 : i32 to index
    %get3A_2045 = tpu.vector_load %arg6[%get3A_2042, %get3A_2043, %get3A_2044] {strides = array<i32>} : memref<32x8x128xf32, #tpu.memory_space<vmem>>, vector<1x1x16xf32>,
    %get3A_2046 = vector.shape_cast %get3A_2045 : vector<1x1x16xf32> to vector<16xf32>
    %swap3A_2047 = arith.constant 8 : i32
    %swap3A_2048 = arith.index_cast %swap3A_2047 : i32 to index
    %swap3A_2049 = arith.constant 0 : index
    %swap3A_2050 = tpu.vector_load %arg7[%swap3A_2048, %swap3A_2049] {strides = array<i32>} : memref<32x16xf32, #tpu.memory_space<vmem>>, vector<1x16xf32>,
    %swap3A_2051 = vector.shape_cast %swap3A_2050 : vector<1x16xf32> to vector<16xf32>
    %swap3A_2052 = vector.shape_cast %get3A_2046 : vector<16xf32> to vector<1x16xf32>
    tpu.vector_store %arg7[%swap3A_2048, %swap3A_2049], %swap3A_2052 {strides = array<i32>} : memref<32x16xf32, #tpu.memory_space<vmem>>, vector<1x16xf32>,
    %and3A_2053 = arith.constant 7 : i32
    %and3A_2054 = arith.andi %squeeze3A_345, %and3A_2053 : i32
    %add3A_2055 = arith.constant 9 : i32
    %add3A_2056 = arith.addi %mul3A_2, %add3A_2055 : i32
    %jit3A_2057 = arith.constant 128 : i32
    %eq3A_2058 = arith.constant 0 : i32
    %eq3A_2059 = arith.cmpi eq, %jit3A_2057, %eq3A_2058 : i32
    %jit3A_2060 = arith.constant 1 : i32
    %select_n3A_2061 = arith.select %eq3A_2059, %jit3A_2060, %jit3A_2057 : i32
    %rem3A_2062 = arith.remsi %add3A_2056, %select_n3A_2061 : i32
    %ne3A_2063 = arith.constant 0 : i32
    %ne3A_2064 = arith.cmpi ne, %rem3A_2062, %ne3A_2063 : i32
    %lt3A_2065 = arith.constant 0 : i32
    %lt3A_2066 = arith.cmpi slt, %rem3A_2062, %lt3A_2065 : i32
    %lt3A_2067 = arith.constant 0 : i32
    %lt3A_2068 = arith.cmpi slt, %select_n3A_2061, %lt3A_2067 : i32
    %ne3A_2069 = arith.xori %lt3A_2066, %lt3A_2068 : i1
    %and3A_2070 = arith.andi %ne3A_2069, %ne3A_2064 : i1
    %add3A_2071 = arith.addi %rem3A_2062, %select_n3A_2061 : i32
    %select_n3A_2072 = arith.select %and3A_2070, %add3A_2071, %rem3A_2062 : i32
    %add3A_2073 = arith.constant 9 : i32
    %add3A_2074 = arith.addi %mul3A_2, %add3A_2073 : i32
    %jit3A_2075 = arith.constant 16 : i32
    %eq3A_2076 = arith.constant 0 : i32
    %eq3A_2077 = arith.cmpi eq, %jit3A_2075, %eq3A_2076 : i32
    %jit3A_2078 = arith.constant 1 : i32
    %select_n3A_2079 = arith.select %eq3A_2077, %jit3A_2078, %jit3A_2075 : i32
    %rem3A_2080 = arith.remsi %add3A_2074, %select_n3A_2079 : i32
    %ne3A_2081 = arith.constant 0 : i32
    %ne3A_2082 = arith.cmpi ne, %rem3A_2080, %ne3A_2081 : i32
    %lt3A_2083 = arith.constant 0 : i32
    %lt3A_2084 = arith.cmpi slt, %rem3A_2080, %lt3A_2083 : i32
    %lt3A_2085 = arith.constant 0 : i32
    %lt3A_2086 = arith.cmpi slt, %select_n3A_2079, %lt3A_2085 : i32
    %ne3A_2087 = arith.xori %lt3A_2084, %lt3A_2086 : i1
    %and3A_2088 = arith.andi %ne3A_2087, %ne3A_2082 : i1
    %add3A_2089 = arith.addi %rem3A_2080, %select_n3A_2079 : i32
    %select_n3A_2090 = arith.select %and3A_2088, %add3A_2089, %rem3A_2080 : i32
    %sub3A_2091 = arith.subi %select_n3A_2072, %select_n3A_2090 : i32
    %get3A_2092 = arith.constant 9 : i32
    %get3A_2093 = arith.index_cast %get3A_2092 : i32 to index
    %get3A_2094 = arith.index_cast %and3A_2054 : i32 to index
    %get3A_2095 = arith.index_cast %sub3A_2091 : i32 to index
    %get3A_2096 = tpu.vector_load %arg6[%get3A_2093, %get3A_2094, %get3A_2095] {strides = array<i32>} : memref<32x8x128xf32, #tpu.memory_space<vmem>>, vector<1x1x16xf32>,
    %get3A_2097 = vector.shape_cast %get3A_2096 : vector<1x1x16xf32> to vector<16xf32>
    %swap3A_2098 = arith.constant 9 : i32
    %swap3A_2099 = arith.index_cast %swap3A_2098 : i32 to index
    %swap3A_2100 = arith.constant 0 : index
    %swap3A_2101 = tpu.vector_load %arg7[%swap3A_2099, %swap3A_2100] {strides = array<i32>} : memref<32x16xf32, #tpu.memory_space<vmem>>, vector<1x16xf32>,
    %swap3A_2102 = vector.shape_cast %swap3A_2101 : vector<1x16xf32> to vector<16xf32>
    %swap3A_2103 = vector.shape_cast %get3A_2097 : vector<16xf32> to vector<1x16xf32>
    tpu.vector_store %arg7[%swap3A_2099, %swap3A_2100], %swap3A_2103 {strides = array<i32>} : memref<32x16xf32, #tpu.memory_space<vmem>>, vector<1x16xf32>,
    %and3A_2104 = arith.constant 7 : i32
    %and3A_2105 = arith.andi %squeeze3A_384, %and3A_2104 : i32
    %add3A_2106 = arith.constant 10 : i32
    %add3A_2107 = arith.addi %mul3A_2, %add3A_2106 : i32
    %jit3A_2108 = arith.constant 128 : i32
    %eq3A_2109 = arith.constant 0 : i32
    %eq3A_2110 = arith.cmpi eq, %jit3A_2108, %eq3A_2109 : i32
    %jit3A_2111 = arith.constant 1 : i32
    %select_n3A_2112 = arith.select %eq3A_2110, %jit3A_2111, %jit3A_2108 : i32
    %rem3A_2113 = arith.remsi %add3A_2107, %select_n3A_2112 : i32
    %ne3A_2114 = arith.constant 0 : i32
    %ne3A_2115 = arith.cmpi ne, %rem3A_2113, %ne3A_2114 : i32
    %lt3A_2116 = arith.constant 0 : i32
    %lt3A_2117 = arith.cmpi slt, %rem3A_2113, %lt3A_2116 : i32
    %lt3A_2118 = arith.constant 0 : i32
    %lt3A_2119 = arith.cmpi slt, %select_n3A_2112, %lt3A_2118 : i32
    %ne3A_2120 = arith.xori %lt3A_2117, %lt3A_2119 : i1
    %and3A_2121 = arith.andi %ne3A_2120, %ne3A_2115 : i1
    %add3A_2122 = arith.addi %rem3A_2113, %select_n3A_2112 : i32
    %select_n3A_2123 = arith.select %and3A_2121, %add3A_2122, %rem3A_2113 : i32
    %add3A_2124 = arith.constant 10 : i32
    %add3A_2125 = arith.addi %mul3A_2, %add3A_2124 : i32
    %jit3A_2126 = arith.constant 16 : i32
    %eq3A_2127 = arith.constant 0 : i32
    %eq3A_2128 = arith.cmpi eq, %jit3A_2126, %eq3A_2127 : i32
    %jit3A_2129 = arith.constant 1 : i32
    %select_n3A_2130 = arith.select %eq3A_2128, %jit3A_2129, %jit3A_2126 : i32
    %rem3A_2131 = arith.remsi %add3A_2125, %select_n3A_2130 : i32
    %ne3A_2132 = arith.constant 0 : i32
    %ne3A_2133 = arith.cmpi ne, %rem3A_2131, %ne3A_2132 : i32
    %lt3A_2134 = arith.constant 0 : i32
    %lt3A_2135 = arith.cmpi slt, %rem3A_2131, %lt3A_2134 : i32
    %lt3A_2136 = arith.constant 0 : i32
    %lt3A_2137 = arith.cmpi slt, %select_n3A_2130, %lt3A_2136 : i32
    %ne3A_2138 = arith.xori %lt3A_2135, %lt3A_2137 : i1
    %and3A_2139 = arith.andi %ne3A_2138, %ne3A_2133 : i1
    %add3A_2140 = arith.addi %rem3A_2131, %select_n3A_2130 : i32
    %select_n3A_2141 = arith.select %and3A_2139, %add3A_2140, %rem3A_2131 : i32
    %sub3A_2142 = arith.subi %select_n3A_2123, %select_n3A_2141 : i32
    %get3A_2143 = arith.constant 10 : i32
    %get3A_2144 = arith.index_cast %get3A_2143 : i32 to index
    %get3A_2145 = arith.index_cast %and3A_2105 : i32 to index
    %get3A_2146 = arith.index_cast %sub3A_2142 : i32 to index
    %get3A_2147 = tpu.vector_load %arg6[%get3A_2144, %get3A_2145, %get3A_2146] {strides = array<i32>} : memref<32x8x128xf32, #tpu.memory_space<vmem>>, vector<1x1x16xf32>,
    %get3A_2148 = vector.shape_cast %get3A_2147 : vector<1x1x16xf32> to vector<16xf32>
    %swap3A_2149 = arith.constant 10 : i32
    %swap3A_2150 = arith.index_cast %swap3A_2149 : i32 to index
    %swap3A_2151 = arith.constant 0 : index
    %swap3A_2152 = tpu.vector_load %arg7[%swap3A_2150, %swap3A_2151] {strides = array<i32>} : memref<32x16xf32, #tpu.memory_space<vmem>>, vector<1x16xf32>,
    %swap3A_2153 = vector.shape_cast %swap3A_2152 : vector<1x16xf32> to vector<16xf32>
    %swap3A_2154 = vector.shape_cast %get3A_2148 : vector<16xf32> to vector<1x16xf32>
    tpu.vector_store %arg7[%swap3A_2150, %swap3A_2151], %swap3A_2154 {strides = array<i32>} : memref<32x16xf32, #tpu.memory_space<vmem>>, vector<1x16xf32>,
    %and3A_2155 = arith.constant 7 : i32
    %and3A_2156 = arith.andi %squeeze3A_423, %and3A_2155 : i32
    %add3A_2157 = arith.constant 11 : i32
    %add3A_2158 = arith.addi %mul3A_2, %add3A_2157 : i32
    %jit3A_2159 = arith.constant 128 : i32
    %eq3A_2160 = arith.constant 0 : i32
    %eq3A_2161 = arith.cmpi eq, %jit3A_2159, %eq3A_2160 : i32
    %jit3A_2162 = arith.constant 1 : i32
    %select_n3A_2163 = arith.select %eq3A_2161, %jit3A_2162, %jit3A_2159 : i32
    %rem3A_2164 = arith.remsi %add3A_2158, %select_n3A_2163 : i32
    %ne3A_2165 = arith.constant 0 : i32
    %ne3A_2166 = arith.cmpi ne, %rem3A_2164, %ne3A_2165 : i32
    %lt3A_2167 = arith.constant 0 : i32
    %lt3A_2168 = arith.cmpi slt, %rem3A_2164, %lt3A_2167 : i32
    %lt3A_2169 = arith.constant 0 : i32
    %lt3A_2170 = arith.cmpi slt, %select_n3A_2163, %lt3A_2169 : i32
    %ne3A_2171 = arith.xori %lt3A_2168, %lt3A_2170 : i1
    %and3A_2172 = arith.andi %ne3A_2171, %ne3A_2166 : i1
    %add3A_2173 = arith.addi %rem3A_2164, %select_n3A_2163 : i32
    %select_n3A_2174 = arith.select %and3A_2172, %add3A_2173, %rem3A_2164 : i32
    %add3A_2175 = arith.constant 11 : i32
    %add3A_2176 = arith.addi %mul3A_2, %add3A_2175 : i32
    %jit3A_2177 = arith.constant 16 : i32
    %eq3A_2178 = arith.constant 0 : i32
    %eq3A_2179 = arith.cmpi eq, %jit3A_2177, %eq3A_2178 : i32
    %jit3A_2180 = arith.constant 1 : i32
    %select_n3A_2181 = arith.select %eq3A_2179, %jit3A_2180, %jit3A_2177 : i32
    %rem3A_2182 = arith.remsi %add3A_2176, %select_n3A_2181 : i32
    %ne3A_2183 = arith.constant 0 : i32
    %ne3A_2184 = arith.cmpi ne, %rem3A_2182, %ne3A_2183 : i32
    %lt3A_2185 = arith.constant 0 : i32
    %lt3A_2186 = arith.cmpi slt, %rem3A_2182, %lt3A_2185 : i32
    %lt3A_2187 = arith.constant 0 : i32
    %lt3A_2188 = arith.cmpi slt, %select_n3A_2181, %lt3A_2187 : i32
    %ne3A_2189 = arith.xori %lt3A_2186, %lt3A_2188 : i1
    %and3A_2190 = arith.andi %ne3A_2189, %ne3A_2184 : i1
    %add3A_2191 = arith.addi %rem3A_2182, %select_n3A_2181 : i32
    %select_n3A_2192 = arith.select %and3A_2190, %add3A_2191, %rem3A_2182 : i32
    %sub3A_2193 = arith.subi %select_n3A_2174, %select_n3A_2192 : i32
    %get3A_2194 = arith.constant 11 : i32
    %get3A_2195 = arith.index_cast %get3A_2194 : i32 to index
    %get3A_2196 = arith.index_cast %and3A_2156 : i32 to index
    %get3A_2197 = arith.index_cast %sub3A_2193 : i32 to index
    %get3A_2198 = tpu.vector_load %arg6[%get3A_2195, %get3A_2196, %get3A_2197] {strides = array<i32>} : memref<32x8x128xf32, #tpu.memory_space<vmem>>, vector<1x1x16xf32>,
    %get3A_2199 = vector.shape_cast %get3A_2198 : vector<1x1x16xf32> to vector<16xf32>
    %swap3A_2200 = arith.constant 11 : i32
    %swap3A_2201 = arith.index_cast %swap3A_2200 : i32 to index
    %swap3A_2202 = arith.constant 0 : index
    %swap3A_2203 = tpu.vector_load %arg7[%swap3A_2201, %swap3A_2202] {strides = array<i32>} : memref<32x16xf32, #tpu.memory_space<vmem>>, vector<1x16xf32>,
    %swap3A_2204 = vector.shape_cast %swap3A_2203 : vector<1x16xf32> to vector<16xf32>
    %swap3A_2205 = vector.shape_cast %get3A_2199 : vector<16xf32> to vector<1x16xf32>
    tpu.vector_store %arg7[%swap3A_2201, %swap3A_2202], %swap3A_2205 {strides = array<i32>} : memref<32x16xf32, #tpu.memory_space<vmem>>, vector<1x16xf32>,
    %and3A_2206 = arith.constant 7 : i32
    %and3A_2207 = arith.andi %squeeze3A_462, %and3A_2206 : i32
    %add3A_2208 = arith.constant 12 : i32
    %add3A_2209 = arith.addi %mul3A_2, %add3A_2208 : i32
    %jit3A_2210 = arith.constant 128 : i32
    %eq3A_2211 = arith.constant 0 : i32
    %eq3A_2212 = arith.cmpi eq, %jit3A_2210, %eq3A_2211 : i32
    %jit3A_2213 = arith.constant 1 : i32
    %select_n3A_2214 = arith.select %eq3A_2212, %jit3A_2213, %jit3A_2210 : i32
    %rem3A_2215 = arith.remsi %add3A_2209, %select_n3A_2214 : i32
    %ne3A_2216 = arith.constant 0 : i32
    %ne3A_2217 = arith.cmpi ne, %rem3A_2215, %ne3A_2216 : i32
    %lt3A_2218 = arith.constant 0 : i32
    %lt3A_2219 = arith.cmpi slt, %rem3A_2215, %lt3A_2218 : i32
    %lt3A_2220 = arith.constant 0 : i32
    %lt3A_2221 = arith.cmpi slt, %select_n3A_2214, %lt3A_2220 : i32
    %ne3A_2222 = arith.xori %lt3A_2219, %lt3A_2221 : i1
    %and3A_2223 = arith.andi %ne3A_2222, %ne3A_2217 : i1
    %add3A_2224 = arith.addi %rem3A_2215, %select_n3A_2214 : i32
    %select_n3A_2225 = arith.select %and3A_2223, %add3A_2224, %rem3A_2215 : i32
    %add3A_2226 = arith.constant 12 : i32
    %add3A_2227 = arith.addi %mul3A_2, %add3A_2226 : i32
    %jit3A_2228 = arith.constant 16 : i32
    %eq3A_2229 = arith.constant 0 : i32
    %eq3A_2230 = arith.cmpi eq, %jit3A_2228, %eq3A_2229 : i32
    %jit3A_2231 = arith.constant 1 : i32
    %select_n3A_2232 = arith.select %eq3A_2230, %jit3A_2231, %jit3A_2228 : i32
    %rem3A_2233 = arith.remsi %add3A_2227, %select_n3A_2232 : i32
    %ne3A_2234 = arith.constant 0 : i32
    %ne3A_2235 = arith.cmpi ne, %rem3A_2233, %ne3A_2234 : i32
    %lt3A_2236 = arith.constant 0 : i32
    %lt3A_2237 = arith.cmpi slt, %rem3A_2233, %lt3A_2236 : i32
    %lt3A_2238 = arith.constant 0 : i32
    %lt3A_2239 = arith.cmpi slt, %select_n3A_2232, %lt3A_2238 : i32
    %ne3A_2240 = arith.xori %lt3A_2237, %lt3A_2239 : i1
    %and3A_2241 = arith.andi %ne3A_2240, %ne3A_2235 : i1
    %add3A_2242 = arith.addi %rem3A_2233, %select_n3A_2232 : i32
    %select_n3A_2243 = arith.select %and3A_2241, %add3A_2242, %rem3A_2233 : i32
    %sub3A_2244 = arith.subi %select_n3A_2225, %select_n3A_2243 : i32
    %get3A_2245 = arith.constant 12 : i32
    %get3A_2246 = arith.index_cast %get3A_2245 : i32 to index
    %get3A_2247 = arith.index_cast %and3A_2207 : i32 to index
    %get3A_2248 = arith.index_cast %sub3A_2244 : i32 to index
    %get3A_2249 = tpu.vector_load %arg6[%get3A_2246, %get3A_2247, %get3A_2248] {strides = array<i32>} : memref<32x8x128xf32, #tpu.memory_space<vmem>>, vector<1x1x16xf32>,
    %get3A_2250 = vector.shape_cast %get3A_2249 : vector<1x1x16xf32> to vector<16xf32>
    %swap3A_2251 = arith.constant 12 : i32
    %swap3A_2252 = arith.index_cast %swap3A_2251 : i32 to index
    %swap3A_2253 = arith.constant 0 : index
    %swap3A_2254 = tpu.vector_load %arg7[%swap3A_2252, %swap3A_2253] {strides = array<i32>} : memref<32x16xf32, #tpu.memory_space<vmem>>, vector<1x16xf32>,
    %swap3A_2255 = vector.shape_cast %swap3A_2254 : vector<1x16xf32> to vector<16xf32>
    %swap3A_2256 = vector.shape_cast %get3A_2250 : vector<16xf32> to vector<1x16xf32>
    tpu.vector_store %arg7[%swap3A_2252, %swap3A_2253], %swap3A_2256 {strides = array<i32>} : memref<32x16xf32, #tpu.memory_space<vmem>>, vector<1x16xf32>,
    %and3A_2257 = arith.constant 7 : i32
    %and3A_2258 = arith.andi %squeeze3A_501, %and3A_2257 : i32
    %add3A_2259 = arith.constant 13 : i32
    %add3A_2260 = arith.addi %mul3A_2, %add3A_2259 : i32
    %jit3A_2261 = arith.constant 128 : i32
    %eq3A_2262 = arith.constant 0 : i32
    %eq3A_2263 = arith.cmpi eq, %jit3A_2261, %eq3A_2262 : i32
    %jit3A_2264 = arith.constant 1 : i32
    %select_n3A_2265 = arith.select %eq3A_2263, %jit3A_2264, %jit3A_2261 : i32
    %rem3A_2266 = arith.remsi %add3A_2260, %select_n3A_2265 : i32
    %ne3A_2267 = arith.constant 0 : i32
    %ne3A_2268 = arith.cmpi ne, %rem3A_2266, %ne3A_2267 : i32
    %lt3A_2269 = arith.constant 0 : i32
    %lt3A_2270 = arith.cmpi slt, %rem3A_2266, %lt3A_2269 : i32
    %lt3A_2271 = arith.constant 0 : i32
    %lt3A_2272 = arith.cmpi slt, %select_n3A_2265, %lt3A_2271 : i32
    %ne3A_2273 = arith.xori %lt3A_2270, %lt3A_2272 : i1
    %and3A_2274 = arith.andi %ne3A_2273, %ne3A_2268 : i1
    %add3A_2275 = arith.addi %rem3A_2266, %select_n3A_2265 : i32
    %select_n3A_2276 = arith.select %and3A_2274, %add3A_2275, %rem3A_2266 : i32
    %add3A_2277 = arith.constant 13 : i32
    %add3A_2278 = arith.addi %mul3A_2, %add3A_2277 : i32
    %jit3A_2279 = arith.constant 16 : i32
    %eq3A_2280 = arith.constant 0 : i32
    %eq3A_2281 = arith.cmpi eq, %jit3A_2279, %eq3A_2280 : i32
    %jit3A_2282 = arith.constant 1 : i32
    %select_n3A_2283 = arith.select %eq3A_2281, %jit3A_2282, %jit3A_2279 : i32
    %rem3A_2284 = arith.remsi %add3A_2278, %select_n3A_2283 : i32
    %ne3A_2285 = arith.constant 0 : i32
    %ne3A_2286 = arith.cmpi ne, %rem3A_2284, %ne3A_2285 : i32
    %lt3A_2287 = arith.constant 0 : i32
    %lt3A_2288 = arith.cmpi slt, %rem3A_2284, %lt3A_2287 : i32
    %lt3A_2289 = arith.constant 0 : i32
    %lt3A_2290 = arith.cmpi slt, %select_n3A_2283, %lt3A_2289 : i32
    %ne3A_2291 = arith.xori %lt3A_2288, %lt3A_2290 : i1
    %and3A_2292 = arith.andi %ne3A_2291, %ne3A_2286 : i1
    %add3A_2293 = arith.addi %rem3A_2284, %select_n3A_2283 : i32
    %select_n3A_2294 = arith.select %and3A_2292, %add3A_2293, %rem3A_2284 : i32
    %sub3A_2295 = arith.subi %select_n3A_2276, %select_n3A_2294 : i32
    %get3A_2296 = arith.constant 13 : i32
    %get3A_2297 = arith.index_cast %get3A_2296 : i32 to index
    %get3A_2298 = arith.index_cast %and3A_2258 : i32 to index
    %get3A_2299 = arith.index_cast %sub3A_2295 : i32 to index
    %get3A_2300 = tpu.vector_load %arg6[%get3A_2297, %get3A_2298, %get3A_2299] {strides = array<i32>} : memref<32x8x128xf32, #tpu.memory_space<vmem>>, vector<1x1x16xf32>,
    %get3A_2301 = vector.shape_cast %get3A_2300 : vector<1x1x16xf32> to vector<16xf32>
    %swap3A_2302 = arith.constant 13 : i32
    %swap3A_2303 = arith.index_cast %swap3A_2302 : i32 to index
    %swap3A_2304 = arith.constant 0 : index
    %swap3A_2305 = tpu.vector_load %arg7[%swap3A_2303, %swap3A_2304] {strides = array<i32>} : memref<32x16xf32, #tpu.memory_space<vmem>>, vector<1x16xf32>,
    %swap3A_2306 = vector.shape_cast %swap3A_2305 : vector<1x16xf32> to vector<16xf32>
    %swap3A_2307 = vector.shape_cast %get3A_2301 : vector<16xf32> to vector<1x16xf32>
    tpu.vector_store %arg7[%swap3A_2303, %swap3A_2304], %swap3A_2307 {strides = array<i32>} : memref<32x16xf32, #tpu.memory_space<vmem>>, vector<1x16xf32>,
    %and3A_2308 = arith.constant 7 : i32
    %and3A_2309 = arith.andi %squeeze3A_540, %and3A_2308 : i32
    %add3A_2310 = arith.constant 14 : i32
    %add3A_2311 = arith.addi %mul3A_2, %add3A_2310 : i32
    %jit3A_2312 = arith.constant 128 : i32
    %eq3A_2313 = arith.constant 0 : i32
    %eq3A_2314 = arith.cmpi eq, %jit3A_2312, %eq3A_2313 : i32
    %jit3A_2315 = arith.constant 1 : i32
    %select_n3A_2316 = arith.select %eq3A_2314, %jit3A_2315, %jit3A_2312 : i32
    %rem3A_2317 = arith.remsi %add3A_2311, %select_n3A_2316 : i32
    %ne3A_2318 = arith.constant 0 : i32
    %ne3A_2319 = arith.cmpi ne, %rem3A_2317, %ne3A_2318 : i32
    %lt3A_2320 = arith.constant 0 : i32
    %lt3A_2321 = arith.cmpi slt, %rem3A_2317, %lt3A_2320 : i32
    %lt3A_2322 = arith.constant 0 : i32
    %lt3A_2323 = arith.cmpi slt, %select_n3A_2316, %lt3A_2322 : i32
    %ne3A_2324 = arith.xori %lt3A_2321, %lt3A_2323 : i1
    %and3A_2325 = arith.andi %ne3A_2324, %ne3A_2319 : i1
    %add3A_2326 = arith.addi %rem3A_2317, %select_n3A_2316 : i32
    %select_n3A_2327 = arith.select %and3A_2325, %add3A_2326, %rem3A_2317 : i32
    %add3A_2328 = arith.constant 14 : i32
    %add3A_2329 = arith.addi %mul3A_2, %add3A_2328 : i32
    %jit3A_2330 = arith.constant 16 : i32
    %eq3A_2331 = arith.constant 0 : i32
    %eq3A_2332 = arith.cmpi eq, %jit3A_2330, %eq3A_2331 : i32
    %jit3A_2333 = arith.constant 1 : i32
    %select_n3A_2334 = arith.select %eq3A_2332, %jit3A_2333, %jit3A_2330 : i32
    %rem3A_2335 = arith.remsi %add3A_2329, %select_n3A_2334 : i32
    %ne3A_2336 = arith.constant 0 : i32
    %ne3A_2337 = arith.cmpi ne, %rem3A_2335, %ne3A_2336 : i32
    %lt3A_2338 = arith.constant 0 : i32
    %lt3A_2339 = arith.cmpi slt, %rem3A_2335, %lt3A_2338 : i32
    %lt3A_2340 = arith.constant 0 : i32
    %lt3A_2341 = arith.cmpi slt, %select_n3A_2334, %lt3A_2340 : i32
    %ne3A_2342 = arith.xori %lt3A_2339, %lt3A_2341 : i1
    %and3A_2343 = arith.andi %ne3A_2342, %ne3A_2337 : i1
    %add3A_2344 = arith.addi %rem3A_2335, %select_n3A_2334 : i32
    %select_n3A_2345 = arith.select %and3A_2343, %add3A_2344, %rem3A_2335 : i32
    %sub3A_2346 = arith.subi %select_n3A_2327, %select_n3A_2345 : i32
    %get3A_2347 = arith.constant 14 : i32
    %get3A_2348 = arith.index_cast %get3A_2347 : i32 to index
    %get3A_2349 = arith.index_cast %and3A_2309 : i32 to index
    %get3A_2350 = arith.index_cast %sub3A_2346 : i32 to index
    %get3A_2351 = tpu.vector_load %arg6[%get3A_2348, %get3A_2349, %get3A_2350] {strides = array<i32>} : memref<32x8x128xf32, #tpu.memory_space<vmem>>, vector<1x1x16xf32>,
    %get3A_2352 = vector.shape_cast %get3A_2351 : vector<1x1x16xf32> to vector<16xf32>
    %swap3A_2353 = arith.constant 14 : i32
    %swap3A_2354 = arith.index_cast %swap3A_2353 : i32 to index
    %swap3A_2355 = arith.constant 0 : index
    %swap3A_2356 = tpu.vector_load %arg7[%swap3A_2354, %swap3A_2355] {strides = array<i32>} : memref<32x16xf32, #tpu.memory_space<vmem>>, vector<1x16xf32>,
    %swap3A_2357 = vector.shape_cast %swap3A_2356 : vector<1x16xf32> to vector<16xf32>
    %swap3A_2358 = vector.shape_cast %get3A_2352 : vector<16xf32> to vector<1x16xf32>
    tpu.vector_store %arg7[%swap3A_2354, %swap3A_2355], %swap3A_2358 {strides = array<i32>} : memref<32x16xf32, #tpu.memory_space<vmem>>, vector<1x16xf32>,
    %and3A_2359 = arith.constant 7 : i32
    %and3A_2360 = arith.andi %squeeze3A_579, %and3A_2359 : i32
    %add3A_2361 = arith.constant 15 : i32
    %add3A_2362 = arith.addi %mul3A_2, %add3A_2361 : i32
    %jit3A_2363 = arith.constant 128 : i32
    %eq3A_2364 = arith.constant 0 : i32
    %eq3A_2365 = arith.cmpi eq, %jit3A_2363, %eq3A_2364 : i32
    %jit3A_2366 = arith.constant 1 : i32
    %select_n3A_2367 = arith.select %eq3A_2365, %jit3A_2366, %jit3A_2363 : i32
    %rem3A_2368 = arith.remsi %add3A_2362, %select_n3A_2367 : i32
    %ne3A_2369 = arith.constant 0 : i32
    %ne3A_2370 = arith.cmpi ne, %rem3A_2368, %ne3A_2369 : i32
    %lt3A_2371 = arith.constant 0 : i32
    %lt3A_2372 = arith.cmpi slt, %rem3A_2368, %lt3A_2371 : i32
    %lt3A_2373 = arith.constant 0 : i32
    %lt3A_2374 = arith.cmpi slt, %select_n3A_2367, %lt3A_2373 : i32
    %ne3A_2375 = arith.xori %lt3A_2372, %lt3A_2374 : i1
    %and3A_2376 = arith.andi %ne3A_2375, %ne3A_2370 : i1
    %add3A_2377 = arith.addi %rem3A_2368, %select_n3A_2367 : i32
    %select_n3A_2378 = arith.select %and3A_2376, %add3A_2377, %rem3A_2368 : i32
    %add3A_2379 = arith.constant 15 : i32
    %add3A_2380 = arith.addi %mul3A_2, %add3A_2379 : i32
    %jit3A_2381 = arith.constant 16 : i32
    %eq3A_2382 = arith.constant 0 : i32
    %eq3A_2383 = arith.cmpi eq, %jit3A_2381, %eq3A_2382 : i32
    %jit3A_2384 = arith.constant 1 : i32
    %select_n3A_2385 = arith.select %eq3A_2383, %jit3A_2384, %jit3A_2381 : i32
    %rem3A_2386 = arith.remsi %add3A_2380, %select_n3A_2385 : i32
    %ne3A_2387 = arith.constant 0 : i32
    %ne3A_2388 = arith.cmpi ne, %rem3A_2386, %ne3A_2387 : i32
    %lt3A_2389 = arith.constant 0 : i32
    %lt3A_2390 = arith.cmpi slt, %rem3A_2386, %lt3A_2389 : i32
    %lt3A_2391 = arith.constant 0 : i32
    %lt3A_2392 = arith.cmpi slt, %select_n3A_2385, %lt3A_2391 : i32
    %ne3A_2393 = arith.xori %lt3A_2390, %lt3A_2392 : i1
    %and3A_2394 = arith.andi %ne3A_2393, %ne3A_2388 : i1
    %add3A_2395 = arith.addi %rem3A_2386, %select_n3A_2385 : i32
    %select_n3A_2396 = arith.select %and3A_2394, %add3A_2395, %rem3A_2386 : i32
    %sub3A_2397 = arith.subi %select_n3A_2378, %select_n3A_2396 : i32
    %get3A_2398 = arith.constant 15 : i32
    %get3A_2399 = arith.index_cast %get3A_2398 : i32 to index
    %get3A_2400 = arith.index_cast %and3A_2360 : i32 to index
    %get3A_2401 = arith.index_cast %sub3A_2397 : i32 to index
    %get3A_2402 = tpu.vector_load %arg6[%get3A_2399, %get3A_2400, %get3A_2401] {strides = array<i32>} : memref<32x8x128xf32, #tpu.memory_space<vmem>>, vector<1x1x16xf32>,
    %get3A_2403 = vector.shape_cast %get3A_2402 : vector<1x1x16xf32> to vector<16xf32>
    %swap3A_2404 = arith.constant 15 : i32
    %swap3A_2405 = arith.index_cast %swap3A_2404 : i32 to index
    %swap3A_2406 = arith.constant 0 : index
    %swap3A_2407 = tpu.vector_load %arg7[%swap3A_2405, %swap3A_2406] {strides = array<i32>} : memref<32x16xf32, #tpu.memory_space<vmem>>, vector<1x16xf32>,
    %swap3A_2408 = vector.shape_cast %swap3A_2407 : vector<1x16xf32> to vector<16xf32>
    %swap3A_2409 = vector.shape_cast %get3A_2403 : vector<16xf32> to vector<1x16xf32>
    tpu.vector_store %arg7[%swap3A_2405, %swap3A_2406], %swap3A_2409 {strides = array<i32>} : memref<32x16xf32, #tpu.memory_space<vmem>>, vector<1x16xf32>,
    %and3A_2410 = arith.constant 7 : i32
    %and3A_2411 = arith.andi %squeeze3A_621, %and3A_2410 : i32
    %add3A_2412 = arith.constant 16 : i32
    %add3A_2413 = arith.addi %mul3A_2, %add3A_2412 : i32
    %jit3A_2414 = arith.constant 128 : i32
    %eq3A_2415 = arith.constant 0 : i32
    %eq3A_2416 = arith.cmpi eq, %jit3A_2414, %eq3A_2415 : i32
    %jit3A_2417 = arith.constant 1 : i32
    %select_n3A_2418 = arith.select %eq3A_2416, %jit3A_2417, %jit3A_2414 : i32
    %rem3A_2419 = arith.remsi %add3A_2413, %select_n3A_2418 : i32
    %ne3A_2420 = arith.constant 0 : i32
    %ne3A_2421 = arith.cmpi ne, %rem3A_2419, %ne3A_2420 : i32
    %lt3A_2422 = arith.constant 0 : i32
    %lt3A_2423 = arith.cmpi slt, %rem3A_2419, %lt3A_2422 : i32
    %lt3A_2424 = arith.constant 0 : i32
    %lt3A_2425 = arith.cmpi slt, %select_n3A_2418, %lt3A_2424 : i32
    %ne3A_2426 = arith.xori %lt3A_2423, %lt3A_2425 : i1
    %and3A_2427 = arith.andi %ne3A_2426, %ne3A_2421 : i1
    %add3A_2428 = arith.addi %rem3A_2419, %select_n3A_2418 : i32
    %select_n3A_2429 = arith.select %and3A_2427, %add3A_2428, %rem3A_2419 : i32
    %add3A_2430 = arith.constant 16 : i32
    %add3A_2431 = arith.addi %mul3A_2, %add3A_2430 : i32
    %jit3A_2432 = arith.constant 16 : i32
    %eq3A_2433 = arith.constant 0 : i32
    %eq3A_2434 = arith.cmpi eq, %jit3A_2432, %eq3A_2433 : i32
    %jit3A_2435 = arith.constant 1 : i32
    %select_n3A_2436 = arith.select %eq3A_2434, %jit3A_2435, %jit3A_2432 : i32
    %rem3A_2437 = arith.remsi %add3A_2431, %select_n3A_2436 : i32
    %ne3A_2438 = arith.constant 0 : i32
    %ne3A_2439 = arith.cmpi ne, %rem3A_2437, %ne3A_2438 : i32
    %lt3A_2440 = arith.constant 0 : i32
    %lt3A_2441 = arith.cmpi slt, %rem3A_2437, %lt3A_2440 : i32
    %lt3A_2442 = arith.constant 0 : i32
    %lt3A_2443 = arith.cmpi slt, %select_n3A_2436, %lt3A_2442 : i32
    %ne3A_2444 = arith.xori %lt3A_2441, %lt3A_2443 : i1
    %and3A_2445 = arith.andi %ne3A_2444, %ne3A_2439 : i1
    %add3A_2446 = arith.addi %rem3A_2437, %select_n3A_2436 : i32
    %select_n3A_2447 = arith.select %and3A_2445, %add3A_2446, %rem3A_2437 : i32
    %sub3A_2448 = arith.subi %select_n3A_2429, %select_n3A_2447 : i32
    %get3A_2449 = arith.constant 16 : i32
    %get3A_2450 = arith.index_cast %get3A_2449 : i32 to index
    %get3A_2451 = arith.index_cast %and3A_2411 : i32 to index
    %get3A_2452 = arith.index_cast %sub3A_2448 : i32 to index
    %get3A_2453 = tpu.vector_load %arg6[%get3A_2450, %get3A_2451, %get3A_2452] {strides = array<i32>} : memref<32x8x128xf32, #tpu.memory_space<vmem>>, vector<1x1x16xf32>,
    %get3A_2454 = vector.shape_cast %get3A_2453 : vector<1x1x16xf32> to vector<16xf32>
    %swap3A_2455 = arith.constant 16 : i32
    %swap3A_2456 = arith.index_cast %swap3A_2455 : i32 to index
    %swap3A_2457 = arith.constant 0 : index
    %swap3A_2458 = tpu.vector_load %arg7[%swap3A_2456, %swap3A_2457] {strides = array<i32>} : memref<32x16xf32, #tpu.memory_space<vmem>>, vector<1x16xf32>,
    %swap3A_2459 = vector.shape_cast %swap3A_2458 : vector<1x16xf32> to vector<16xf32>
    %swap3A_2460 = vector.shape_cast %get3A_2454 : vector<16xf32> to vector<1x16xf32>
    tpu.vector_store %arg7[%swap3A_2456, %swap3A_2457], %swap3A_2460 {strides = array<i32>} : memref<32x16xf32, #tpu.memory_space<vmem>>, vector<1x16xf32>,
    %and3A_2461 = arith.constant 7 : i32
    %and3A_2462 = arith.andi %squeeze3A_660, %and3A_2461 : i32
    %add3A_2463 = arith.constant 17 : i32
    %add3A_2464 = arith.addi %mul3A_2, %add3A_2463 : i32
    %jit3A_2465 = arith.constant 128 : i32
    %eq3A_2466 = arith.constant 0 : i32
    %eq3A_2467 = arith.cmpi eq, %jit3A_2465, %eq3A_2466 : i32
    %jit3A_2468 = arith.constant 1 : i32
    %select_n3A_2469 = arith.select %eq3A_2467, %jit3A_2468, %jit3A_2465 : i32
    %rem3A_2470 = arith.remsi %add3A_2464, %select_n3A_2469 : i32
    %ne3A_2471 = arith.constant 0 : i32
    %ne3A_2472 = arith.cmpi ne, %rem3A_2470, %ne3A_2471 : i32
    %lt3A_2473 = arith.constant 0 : i32
    %lt3A_2474 = arith.cmpi slt, %rem3A_2470, %lt3A_2473 : i32
    %lt3A_2475 = arith.constant 0 : i32
    %lt3A_2476 = arith.cmpi slt, %select_n3A_2469, %lt3A_2475 : i32
    %ne3A_2477 = arith.xori %lt3A_2474, %lt3A_2476 : i1
    %and3A_2478 = arith.andi %ne3A_2477, %ne3A_2472 : i1
    %add3A_2479 = arith.addi %rem3A_2470, %select_n3A_2469 : i32
    %select_n3A_2480 = arith.select %and3A_2478, %add3A_2479, %rem3A_2470 : i32
    %add3A_2481 = arith.constant 17 : i32
    %add3A_2482 = arith.addi %mul3A_2, %add3A_2481 : i32
    %jit3A_2483 = arith.constant 16 : i32
    %eq3A_2484 = arith.constant 0 : i32
    %eq3A_2485 = arith.cmpi eq, %jit3A_2483, %eq3A_2484 : i32
    %jit3A_2486 = arith.constant 1 : i32
    %select_n3A_2487 = arith.select %eq3A_2485, %jit3A_2486, %jit3A_2483 : i32
    %rem3A_2488 = arith.remsi %add3A_2482, %select_n3A_2487 : i32
    %ne3A_2489 = arith.constant 0 : i32
    %ne3A_2490 = arith.cmpi ne, %rem3A_2488, %ne3A_2489 : i32
    %lt3A_2491 = arith.constant 0 : i32
    %lt3A_2492 = arith.cmpi slt, %rem3A_2488, %lt3A_2491 : i32
    %lt3A_2493 = arith.constant 0 : i32
    %lt3A_2494 = arith.cmpi slt, %select_n3A_2487, %lt3A_2493 : i32
    %ne3A_2495 = arith.xori %lt3A_2492, %lt3A_2494 : i1
    %and3A_2496 = arith.andi %ne3A_2495, %ne3A_2490 : i1
    %add3A_2497 = arith.addi %rem3A_2488, %select_n3A_2487 : i32
    %select_n3A_2498 = arith.select %and3A_2496, %add3A_2497, %rem3A_2488 : i32
    %sub3A_2499 = arith.subi %select_n3A_2480, %select_n3A_2498 : i32
    %get3A_2500 = arith.constant 17 : i32
    %get3A_2501 = arith.index_cast %get3A_2500 : i32 to index
    %get3A_2502 = arith.index_cast %and3A_2462 : i32 to index
    %get3A_2503 = arith.index_cast %sub3A_2499 : i32 to index
    %get3A_2504 = tpu.vector_load %arg6[%get3A_2501, %get3A_2502, %get3A_2503] {strides = array<i32>} : memref<32x8x128xf32, #tpu.memory_space<vmem>>, vector<1x1x16xf32>,
    %get3A_2505 = vector.shape_cast %get3A_2504 : vector<1x1x16xf32> to vector<16xf32>
    %swap3A_2506 = arith.constant 17 : i32
    %swap3A_2507 = arith.index_cast %swap3A_2506 : i32 to index
    %swap3A_2508 = arith.constant 0 : index
    %swap3A_2509 = tpu.vector_load %arg7[%swap3A_2507, %swap3A_2508] {strides = array<i32>} : memref<32x16xf32, #tpu.memory_space<vmem>>, vector<1x16xf32>,
    %swap3A_2510 = vector.shape_cast %swap3A_2509 : vector<1x16xf32> to vector<16xf32>
    %swap3A_2511 = vector.shape_cast %get3A_2505 : vector<16xf32> to vector<1x16xf32>
    tpu.vector_store %arg7[%swap3A_2507, %swap3A_2508], %swap3A_2511 {strides = array<i32>} : memref<32x16xf32, #tpu.memory_space<vmem>>, vector<1x16xf32>,
    %and3A_2512 = arith.constant 7 : i32
    %and3A_2513 = arith.andi %squeeze3A_699, %and3A_2512 : i32
    %add3A_2514 = arith.constant 18 : i32
    %add3A_2515 = arith.addi %mul3A_2, %add3A_2514 : i32
    %jit3A_2516 = arith.constant 128 : i32
    %eq3A_2517 = arith.constant 0 : i32
    %eq3A_2518 = arith.cmpi eq, %jit3A_2516, %eq3A_2517 : i32
    %jit3A_2519 = arith.constant 1 : i32
    %select_n3A_2520 = arith.select %eq3A_2518, %jit3A_2519, %jit3A_2516 : i32
    %rem3A_2521 = arith.remsi %add3A_2515, %select_n3A_2520 : i32
    %ne3A_2522 = arith.constant 0 : i32
    %ne3A_2523 = arith.cmpi ne, %rem3A_2521, %ne3A_2522 : i32
    %lt3A_2524 = arith.constant 0 : i32
    %lt3A_2525 = arith.cmpi slt, %rem3A_2521, %lt3A_2524 : i32
    %lt3A_2526 = arith.constant 0 : i32
    %lt3A_2527 = arith.cmpi slt, %select_n3A_2520, %lt3A_2526 : i32
    %ne3A_2528 = arith.xori %lt3A_2525, %lt3A_2527 : i1
    %and3A_2529 = arith.andi %ne3A_2528, %ne3A_2523 : i1
    %add3A_2530 = arith.addi %rem3A_2521, %select_n3A_2520 : i32
    %select_n3A_2531 = arith.select %and3A_2529, %add3A_2530, %rem3A_2521 : i32
    %add3A_2532 = arith.constant 18 : i32
    %add3A_2533 = arith.addi %mul3A_2, %add3A_2532 : i32
    %jit3A_2534 = arith.constant 16 : i32
    %eq3A_2535 = arith.constant 0 : i32
    %eq3A_2536 = arith.cmpi eq, %jit3A_2534, %eq3A_2535 : i32
    %jit3A_2537 = arith.constant 1 : i32
    %select_n3A_2538 = arith.select %eq3A_2536, %jit3A_2537, %jit3A_2534 : i32
    %rem3A_2539 = arith.remsi %add3A_2533, %select_n3A_2538 : i32
    %ne3A_2540 = arith.constant 0 : i32
    %ne3A_2541 = arith.cmpi ne, %rem3A_2539, %ne3A_2540 : i32
    %lt3A_2542 = arith.constant 0 : i32
    %lt3A_2543 = arith.cmpi slt, %rem3A_2539, %lt3A_2542 : i32
    %lt3A_2544 = arith.constant 0 : i32
    %lt3A_2545 = arith.cmpi slt, %select_n3A_2538, %lt3A_2544 : i32
    %ne3A_2546 = arith.xori %lt3A_2543, %lt3A_2545 : i1
    %and3A_2547 = arith.andi %ne3A_2546, %ne3A_2541 : i1
    %add3A_2548 = arith.addi %rem3A_2539, %select_n3A_2538 : i32
    %select_n3A_2549 = arith.select %and3A_2547, %add3A_2548, %rem3A_2539 : i32
    %sub3A_2550 = arith.subi %select_n3A_2531, %select_n3A_2549 : i32
    %get3A_2551 = arith.constant 18 : i32
    %get3A_2552 = arith.index_cast %get3A_2551 : i32 to index
    %get3A_2553 = arith.index_cast %and3A_2513 : i32 to index
    %get3A_2554 = arith.index_cast %sub3A_2550 : i32 to index
    %get3A_2555 = tpu.vector_load %arg6[%get3A_2552, %get3A_2553, %get3A_2554] {strides = array<i32>} : memref<32x8x128xf32, #tpu.memory_space<vmem>>, vector<1x1x16xf32>,
    %get3A_2556 = vector.shape_cast %get3A_2555 : vector<1x1x16xf32> to vector<16xf32>
    %swap3A_2557 = arith.constant 18 : i32
    %swap3A_2558 = arith.index_cast %swap3A_2557 : i32 to index
    %swap3A_2559 = arith.constant 0 : index
    %swap3A_2560 = tpu.vector_load %arg7[%swap3A_2558, %swap3A_2559] {strides = array<i32>} : memref<32x16xf32, #tpu.memory_space<vmem>>, vector<1x16xf32>,
    %swap3A_2561 = vector.shape_cast %swap3A_2560 : vector<1x16xf32> to vector<16xf32>
    %swap3A_2562 = vector.shape_cast %get3A_2556 : vector<16xf32> to vector<1x16xf32>
    tpu.vector_store %arg7[%swap3A_2558, %swap3A_2559], %swap3A_2562 {strides = array<i32>} : memref<32x16xf32, #tpu.memory_space<vmem>>, vector<1x16xf32>,
    %and3A_2563 = arith.constant 7 : i32
    %and3A_2564 = arith.andi %squeeze3A_738, %and3A_2563 : i32
    %add3A_2565 = arith.constant 19 : i32
    %add3A_2566 = arith.addi %mul3A_2, %add3A_2565 : i32
    %jit3A_2567 = arith.constant 128 : i32
    %eq3A_2568 = arith.constant 0 : i32
    %eq3A_2569 = arith.cmpi eq, %jit3A_2567, %eq3A_2568 : i32
    %jit3A_2570 = arith.constant 1 : i32
    %select_n3A_2571 = arith.select %eq3A_2569, %jit3A_2570, %jit3A_2567 : i32
    %rem3A_2572 = arith.remsi %add3A_2566, %select_n3A_2571 : i32
    %ne3A_2573 = arith.constant 0 : i32
    %ne3A_2574 = arith.cmpi ne, %rem3A_2572, %ne3A_2573 : i32
    %lt3A_2575 = arith.constant 0 : i32
    %lt3A_2576 = arith.cmpi slt, %rem3A_2572, %lt3A_2575 : i32
    %lt3A_2577 = arith.constant 0 : i32
    %lt3A_2578 = arith.cmpi slt, %select_n3A_2571, %lt3A_2577 : i32
    %ne3A_2579 = arith.xori %lt3A_2576, %lt3A_2578 : i1
    %and3A_2580 = arith.andi %ne3A_2579, %ne3A_2574 : i1
    %add3A_2581 = arith.addi %rem3A_2572, %select_n3A_2571 : i32
    %select_n3A_2582 = arith.select %and3A_2580, %add3A_2581, %rem3A_2572 : i32
    %add3A_2583 = arith.constant 19 : i32
    %add3A_2584 = arith.addi %mul3A_2, %add3A_2583 : i32
    %jit3A_2585 = arith.constant 16 : i32
    %eq3A_2586 = arith.constant 0 : i32
    %eq3A_2587 = arith.cmpi eq, %jit3A_2585, %eq3A_2586 : i32
    %jit3A_2588 = arith.constant 1 : i32
    %select_n3A_2589 = arith.select %eq3A_2587, %jit3A_2588, %jit3A_2585 : i32
    %rem3A_2590 = arith.remsi %add3A_2584, %select_n3A_2589 : i32
    %ne3A_2591 = arith.constant 0 : i32
    %ne3A_2592 = arith.cmpi ne, %rem3A_2590, %ne3A_2591 : i32
    %lt3A_2593 = arith.constant 0 : i32
    %lt3A_2594 = arith.cmpi slt, %rem3A_2590, %lt3A_2593 : i32
    %lt3A_2595 = arith.constant 0 : i32
    %lt3A_2596 = arith.cmpi slt, %select_n3A_2589, %lt3A_2595 : i32
    %ne3A_2597 = arith.xori %lt3A_2594, %lt3A_2596 : i1
    %and3A_2598 = arith.andi %ne3A_2597, %ne3A_2592 : i1
    %add3A_2599 = arith.addi %rem3A_2590, %select_n3A_2589 : i32
    %select_n3A_2600 = arith.select %and3A_2598, %add3A_2599, %rem3A_2590 : i32
    %sub3A_2601 = arith.subi %select_n3A_2582, %select_n3A_2600 : i32
    %get3A_2602 = arith.constant 19 : i32
    %get3A_2603 = arith.index_cast %get3A_2602 : i32 to index
    %get3A_2604 = arith.index_cast %and3A_2564 : i32 to index
    %get3A_2605 = arith.index_cast %sub3A_2601 : i32 to index
    %get3A_2606 = tpu.vector_load %arg6[%get3A_2603, %get3A_2604, %get3A_2605] {strides = array<i32>} : memref<32x8x128xf32, #tpu.memory_space<vmem>>, vector<1x1x16xf32>,
    %get3A_2607 = vector.shape_cast %get3A_2606 : vector<1x1x16xf32> to vector<16xf32>
    %swap3A_2608 = arith.constant 19 : i32
    %swap3A_2609 = arith.index_cast %swap3A_2608 : i32 to index
    %swap3A_2610 = arith.constant 0 : index
    %swap3A_2611 = tpu.vector_load %arg7[%swap3A_2609, %swap3A_2610] {strides = array<i32>} : memref<32x16xf32, #tpu.memory_space<vmem>>, vector<1x16xf32>,
    %swap3A_2612 = vector.shape_cast %swap3A_2611 : vector<1x16xf32> to vector<16xf32>
    %swap3A_2613 = vector.shape_cast %get3A_2607 : vector<16xf32> to vector<1x16xf32>
    tpu.vector_store %arg7[%swap3A_2609, %swap3A_2610], %swap3A_2613 {strides = array<i32>} : memref<32x16xf32, #tpu.memory_space<vmem>>, vector<1x16xf32>,
    %and3A_2614 = arith.constant 7 : i32
    %and3A_2615 = arith.andi %squeeze3A_777, %and3A_2614 : i32
    %add3A_2616 = arith.constant 20 : i32
    %add3A_2617 = arith.addi %mul3A_2, %add3A_2616 : i32
    %jit3A_2618 = arith.constant 128 : i32
    %eq3A_2619 = arith.constant 0 : i32
    %eq3A_2620 = arith.cmpi eq, %jit3A_2618, %eq3A_2619 : i32
    %jit3A_2621 = arith.constant 1 : i32
    %select_n3A_2622 = arith.select %eq3A_2620, %jit3A_2621, %jit3A_2618 : i32
    %rem3A_2623 = arith.remsi %add3A_2617, %select_n3A_2622 : i32
    %ne3A_2624 = arith.constant 0 : i32
    %ne3A_2625 = arith.cmpi ne, %rem3A_2623, %ne3A_2624 : i32
    %lt3A_2626 = arith.constant 0 : i32
    %lt3A_2627 = arith.cmpi slt, %rem3A_2623, %lt3A_2626 : i32
    %lt3A_2628 = arith.constant 0 : i32
    %lt3A_2629 = arith.cmpi slt, %select_n3A_2622, %lt3A_2628 : i32
    %ne3A_2630 = arith.xori %lt3A_2627, %lt3A_2629 : i1
    %and3A_2631 = arith.andi %ne3A_2630, %ne3A_2625 : i1
    %add3A_2632 = arith.addi %rem3A_2623, %select_n3A_2622 : i32
    %select_n3A_2633 = arith.select %and3A_2631, %add3A_2632, %rem3A_2623 : i32
    %add3A_2634 = arith.constant 20 : i32
    %add3A_2635 = arith.addi %mul3A_2, %add3A_2634 : i32
    %jit3A_2636 = arith.constant 16 : i32
    %eq3A_2637 = arith.constant 0 : i32
    %eq3A_2638 = arith.cmpi eq, %jit3A_2636, %eq3A_2637 : i32
    %jit3A_2639 = arith.constant 1 : i32
    %select_n3A_2640 = arith.select %eq3A_2638, %jit3A_2639, %jit3A_2636 : i32
    %rem3A_2641 = arith.remsi %add3A_2635, %select_n3A_2640 : i32
    %ne3A_2642 = arith.constant 0 : i32
    %ne3A_2643 = arith.cmpi ne, %rem3A_2641, %ne3A_2642 : i32
    %lt3A_2644 = arith.constant 0 : i32
    %lt3A_2645 = arith.cmpi slt, %rem3A_2641, %lt3A_2644 : i32
    %lt3A_2646 = arith.constant 0 : i32
    %lt3A_2647 = arith.cmpi slt, %select_n3A_2640, %lt3A_2646 : i32
    %ne3A_2648 = arith.xori %lt3A_2645, %lt3A_2647 : i1
    %and3A_2649 = arith.andi %ne3A_2648, %ne3A_2643 : i1
    %add3A_2650 = arith.addi %rem3A_2641, %select_n3A_2640 : i32
    %select_n3A_2651 = arith.select %and3A_2649, %add3A_2650, %rem3A_2641 : i32
    %sub3A_2652 = arith.subi %select_n3A_2633, %select_n3A_2651 : i32
    %get3A_2653 = arith.constant 20 : i32
    %get3A_2654 = arith.index_cast %get3A_2653 : i32 to index
    %get3A_2655 = arith.index_cast %and3A_2615 : i32 to index
    %get3A_2656 = arith.index_cast %sub3A_2652 : i32 to index
    %get3A_2657 = tpu.vector_load %arg6[%get3A_2654, %get3A_2655, %get3A_2656] {strides = array<i32>} : memref<32x8x128xf32, #tpu.memory_space<vmem>>, vector<1x1x16xf32>,
    %get3A_2658 = vector.shape_cast %get3A_2657 : vector<1x1x16xf32> to vector<16xf32>
    %swap3A_2659 = arith.constant 20 : i32
    %swap3A_2660 = arith.index_cast %swap3A_2659 : i32 to index
    %swap3A_2661 = arith.constant 0 : index
    %swap3A_2662 = tpu.vector_load %arg7[%swap3A_2660, %swap3A_2661] {strides = array<i32>} : memref<32x16xf32, #tpu.memory_space<vmem>>, vector<1x16xf32>,
    %swap3A_2663 = vector.shape_cast %swap3A_2662 : vector<1x16xf32> to vector<16xf32>
    %swap3A_2664 = vector.shape_cast %get3A_2658 : vector<16xf32> to vector<1x16xf32>
    tpu.vector_store %arg7[%swap3A_2660, %swap3A_2661], %swap3A_2664 {strides = array<i32>} : memref<32x16xf32, #tpu.memory_space<vmem>>, vector<1x16xf32>,
    %and3A_2665 = arith.constant 7 : i32
    %and3A_2666 = arith.andi %squeeze3A_816, %and3A_2665 : i32
    %add3A_2667 = arith.constant 21 : i32
    %add3A_2668 = arith.addi %mul3A_2, %add3A_2667 : i32
    %jit3A_2669 = arith.constant 128 : i32
    %eq3A_2670 = arith.constant 0 : i32
    %eq3A_2671 = arith.cmpi eq, %jit3A_2669, %eq3A_2670 : i32
    %jit3A_2672 = arith.constant 1 : i32
    %select_n3A_2673 = arith.select %eq3A_2671, %jit3A_2672, %jit3A_2669 : i32
    %rem3A_2674 = arith.remsi %add3A_2668, %select_n3A_2673 : i32
    %ne3A_2675 = arith.constant 0 : i32
    %ne3A_2676 = arith.cmpi ne, %rem3A_2674, %ne3A_2675 : i32
    %lt3A_2677 = arith.constant 0 : i32
    %lt3A_2678 = arith.cmpi slt, %rem3A_2674, %lt3A_2677 : i32
    %lt3A_2679 = arith.constant 0 : i32
    %lt3A_2680 = arith.cmpi slt, %select_n3A_2673, %lt3A_2679 : i32
    %ne3A_2681 = arith.xori %lt3A_2678, %lt3A_2680 : i1
    %and3A_2682 = arith.andi %ne3A_2681, %ne3A_2676 : i1
    %add3A_2683 = arith.addi %rem3A_2674, %select_n3A_2673 : i32
    %select_n3A_2684 = arith.select %and3A_2682, %add3A_2683, %rem3A_2674 : i32
    %add3A_2685 = arith.constant 21 : i32
    %add3A_2686 = arith.addi %mul3A_2, %add3A_2685 : i32
    %jit3A_2687 = arith.constant 16 : i32
    %eq3A_2688 = arith.constant 0 : i32
    %eq3A_2689 = arith.cmpi eq, %jit3A_2687, %eq3A_2688 : i32
    %jit3A_2690 = arith.constant 1 : i32
    %select_n3A_2691 = arith.select %eq3A_2689, %jit3A_2690, %jit3A_2687 : i32
    %rem3A_2692 = arith.remsi %add3A_2686, %select_n3A_2691 : i32
    %ne3A_2693 = arith.constant 0 : i32
    %ne3A_2694 = arith.cmpi ne, %rem3A_2692, %ne3A_2693 : i32
    %lt3A_2695 = arith.constant 0 : i32
    %lt3A_2696 = arith.cmpi slt, %rem3A_2692, %lt3A_2695 : i32
    %lt3A_2697 = arith.constant 0 : i32
    %lt3A_2698 = arith.cmpi slt, %select_n3A_2691, %lt3A_2697 : i32
    %ne3A_2699 = arith.xori %lt3A_2696, %lt3A_2698 : i1
    %and3A_2700 = arith.andi %ne3A_2699, %ne3A_2694 : i1
    %add3A_2701 = arith.addi %rem3A_2692, %select_n3A_2691 : i32
    %select_n3A_2702 = arith.select %and3A_2700, %add3A_2701, %rem3A_2692 : i32
    %sub3A_2703 = arith.subi %select_n3A_2684, %select_n3A_2702 : i32
    %get3A_2704 = arith.constant 21 : i32
    %get3A_2705 = arith.index_cast %get3A_2704 : i32 to index
    %get3A_2706 = arith.index_cast %and3A_2666 : i32 to index
    %get3A_2707 = arith.index_cast %sub3A_2703 : i32 to index
    %get3A_2708 = tpu.vector_load %arg6[%get3A_2705, %get3A_2706, %get3A_2707] {strides = array<i32>} : memref<32x8x128xf32, #tpu.memory_space<vmem>>, vector<1x1x16xf32>,
    %get3A_2709 = vector.shape_cast %get3A_2708 : vector<1x1x16xf32> to vector<16xf32>
    %swap3A_2710 = arith.constant 21 : i32
    %swap3A_2711 = arith.index_cast %swap3A_2710 : i32 to index
    %swap3A_2712 = arith.constant 0 : index
    %swap3A_2713 = tpu.vector_load %arg7[%swap3A_2711, %swap3A_2712] {strides = array<i32>} : memref<32x16xf32, #tpu.memory_space<vmem>>, vector<1x16xf32>,
    %swap3A_2714 = vector.shape_cast %swap3A_2713 : vector<1x16xf32> to vector<16xf32>
    %swap3A_2715 = vector.shape_cast %get3A_2709 : vector<16xf32> to vector<1x16xf32>
    tpu.vector_store %arg7[%swap3A_2711, %swap3A_2712], %swap3A_2715 {strides = array<i32>} : memref<32x16xf32, #tpu.memory_space<vmem>>, vector<1x16xf32>,
    %and3A_2716 = arith.constant 7 : i32
    %and3A_2717 = arith.andi %squeeze3A_855, %and3A_2716 : i32
    %add3A_2718 = arith.constant 22 : i32
    %add3A_2719 = arith.addi %mul3A_2, %add3A_2718 : i32
    %jit3A_2720 = arith.constant 128 : i32
    %eq3A_2721 = arith.constant 0 : i32
    %eq3A_2722 = arith.cmpi eq, %jit3A_2720, %eq3A_2721 : i32
    %jit3A_2723 = arith.constant 1 : i32
    %select_n3A_2724 = arith.select %eq3A_2722, %jit3A_2723, %jit3A_2720 : i32
    %rem3A_2725 = arith.remsi %add3A_2719, %select_n3A_2724 : i32
    %ne3A_2726 = arith.constant 0 : i32
    %ne3A_2727 = arith.cmpi ne, %rem3A_2725, %ne3A_2726 : i32
    %lt3A_2728 = arith.constant 0 : i32
    %lt3A_2729 = arith.cmpi slt, %rem3A_2725, %lt3A_2728 : i32
    %lt3A_2730 = arith.constant 0 : i32
    %lt3A_2731 = arith.cmpi slt, %select_n3A_2724, %lt3A_2730 : i32
    %ne3A_2732 = arith.xori %lt3A_2729, %lt3A_2731 : i1
    %and3A_2733 = arith.andi %ne3A_2732, %ne3A_2727 : i1
    %add3A_2734 = arith.addi %rem3A_2725, %select_n3A_2724 : i32
    %select_n3A_2735 = arith.select %and3A_2733, %add3A_2734, %rem3A_2725 : i32
    %add3A_2736 = arith.constant 22 : i32
    %add3A_2737 = arith.addi %mul3A_2, %add3A_2736 : i32
    %jit3A_2738 = arith.constant 16 : i32
    %eq3A_2739 = arith.constant 0 : i32
    %eq3A_2740 = arith.cmpi eq, %jit3A_2738, %eq3A_2739 : i32
    %jit3A_2741 = arith.constant 1 : i32
    %select_n3A_2742 = arith.select %eq3A_2740, %jit3A_2741, %jit3A_2738 : i32
    %rem3A_2743 = arith.remsi %add3A_2737, %select_n3A_2742 : i32
    %ne3A_2744 = arith.constant 0 : i32
    %ne3A_2745 = arith.cmpi ne, %rem3A_2743, %ne3A_2744 : i32
    %lt3A_2746 = arith.constant 0 : i32
    %lt3A_2747 = arith.cmpi slt, %rem3A_2743, %lt3A_2746 : i32
    %lt3A_2748 = arith.constant 0 : i32
    %lt3A_2749 = arith.cmpi slt, %select_n3A_2742, %lt3A_2748 : i32
    %ne3A_2750 = arith.xori %lt3A_2747, %lt3A_2749 : i1
    %and3A_2751 = arith.andi %ne3A_2750, %ne3A_2745 : i1
    %add3A_2752 = arith.addi %rem3A_2743, %select_n3A_2742 : i32
    %select_n3A_2753 = arith.select %and3A_2751, %add3A_2752, %rem3A_2743 : i32
    %sub3A_2754 = arith.subi %select_n3A_2735, %select_n3A_2753 : i32
    %get3A_2755 = arith.constant 22 : i32
    %get3A_2756 = arith.index_cast %get3A_2755 : i32 to index
    %get3A_2757 = arith.index_cast %and3A_2717 : i32 to index
    %get3A_2758 = arith.index_cast %sub3A_2754 : i32 to index
    %get3A_2759 = tpu.vector_load %arg6[%get3A_2756, %get3A_2757, %get3A_2758] {strides = array<i32>} : memref<32x8x128xf32, #tpu.memory_space<vmem>>, vector<1x1x16xf32>,
    %get3A_2760 = vector.shape_cast %get3A_2759 : vector<1x1x16xf32> to vector<16xf32>
    %swap3A_2761 = arith.constant 22 : i32
    %swap3A_2762 = arith.index_cast %swap3A_2761 : i32 to index
    %swap3A_2763 = arith.constant 0 : index
    %swap3A_2764 = tpu.vector_load %arg7[%swap3A_2762, %swap3A_2763] {strides = array<i32>} : memref<32x16xf32, #tpu.memory_space<vmem>>, vector<1x16xf32>,
    %swap3A_2765 = vector.shape_cast %swap3A_2764 : vector<1x16xf32> to vector<16xf32>
    %swap3A_2766 = vector.shape_cast %get3A_2760 : vector<16xf32> to vector<1x16xf32>
    tpu.vector_store %arg7[%swap3A_2762, %swap3A_2763], %swap3A_2766 {strides = array<i32>} : memref<32x16xf32, #tpu.memory_space<vmem>>, vector<1x16xf32>,
    %and3A_2767 = arith.constant 7 : i32
    %and3A_2768 = arith.andi %squeeze3A_894, %and3A_2767 : i32
    %add3A_2769 = arith.constant 23 : i32
    %add3A_2770 = arith.addi %mul3A_2, %add3A_2769 : i32
    %jit3A_2771 = arith.constant 128 : i32
    %eq3A_2772 = arith.constant 0 : i32
    %eq3A_2773 = arith.cmpi eq, %jit3A_2771, %eq3A_2772 : i32
    %jit3A_2774 = arith.constant 1 : i32
    %select_n3A_2775 = arith.select %eq3A_2773, %jit3A_2774, %jit3A_2771 : i32
    %rem3A_2776 = arith.remsi %add3A_2770, %select_n3A_2775 : i32
    %ne3A_2777 = arith.constant 0 : i32
    %ne3A_2778 = arith.cmpi ne, %rem3A_2776, %ne3A_2777 : i32
    %lt3A_2779 = arith.constant 0 : i32
    %lt3A_2780 = arith.cmpi slt, %rem3A_2776, %lt3A_2779 : i32
    %lt3A_2781 = arith.constant 0 : i32
    %lt3A_2782 = arith.cmpi slt, %select_n3A_2775, %lt3A_2781 : i32
    %ne3A_2783 = arith.xori %lt3A_2780, %lt3A_2782 : i1
    %and3A_2784 = arith.andi %ne3A_2783, %ne3A_2778 : i1
    %add3A_2785 = arith.addi %rem3A_2776, %select_n3A_2775 : i32
    %select_n3A_2786 = arith.select %and3A_2784, %add3A_2785, %rem3A_2776 : i32
    %add3A_2787 = arith.constant 23 : i32
    %add3A_2788 = arith.addi %mul3A_2, %add3A_2787 : i32
    %jit3A_2789 = arith.constant 16 : i32
    %eq3A_2790 = arith.constant 0 : i32
    %eq3A_2791 = arith.cmpi eq, %jit3A_2789, %eq3A_2790 : i32
    %jit3A_2792 = arith.constant 1 : i32
    %select_n3A_2793 = arith.select %eq3A_2791, %jit3A_2792, %jit3A_2789 : i32
    %rem3A_2794 = arith.remsi %add3A_2788, %select_n3A_2793 : i32
    %ne3A_2795 = arith.constant 0 : i32
    %ne3A_2796 = arith.cmpi ne, %rem3A_2794, %ne3A_2795 : i32
    %lt3A_2797 = arith.constant 0 : i32
    %lt3A_2798 = arith.cmpi slt, %rem3A_2794, %lt3A_2797 : i32
    %lt3A_2799 = arith.constant 0 : i32
    %lt3A_2800 = arith.cmpi slt, %select_n3A_2793, %lt3A_2799 : i32
    %ne3A_2801 = arith.xori %lt3A_2798, %lt3A_2800 : i1
    %and3A_2802 = arith.andi %ne3A_2801, %ne3A_2796 : i1
    %add3A_2803 = arith.addi %rem3A_2794, %select_n3A_2793 : i32
    %select_n3A_2804 = arith.select %and3A_2802, %add3A_2803, %rem3A_2794 : i32
    %sub3A_2805 = arith.subi %select_n3A_2786, %select_n3A_2804 : i32
    %get3A_2806 = arith.constant 23 : i32
    %get3A_2807 = arith.index_cast %get3A_2806 : i32 to index
    %get3A_2808 = arith.index_cast %and3A_2768 : i32 to index
    %get3A_2809 = arith.index_cast %sub3A_2805 : i32 to index
    %get3A_2810 = tpu.vector_load %arg6[%get3A_2807, %get3A_2808, %get3A_2809] {strides = array<i32>} : memref<32x8x128xf32, #tpu.memory_space<vmem>>, vector<1x1x16xf32>,
    %get3A_2811 = vector.shape_cast %get3A_2810 : vector<1x1x16xf32> to vector<16xf32>
    %swap3A_2812 = arith.constant 23 : i32
    %swap3A_2813 = arith.index_cast %swap3A_2812 : i32 to index
    %swap3A_2814 = arith.constant 0 : index
    %swap3A_2815 = tpu.vector_load %arg7[%swap3A_2813, %swap3A_2814] {strides = array<i32>} : memref<32x16xf32, #tpu.memory_space<vmem>>, vector<1x16xf32>,
    %swap3A_2816 = vector.shape_cast %swap3A_2815 : vector<1x16xf32> to vector<16xf32>
    %swap3A_2817 = vector.shape_cast %get3A_2811 : vector<16xf32> to vector<1x16xf32>
    tpu.vector_store %arg7[%swap3A_2813, %swap3A_2814], %swap3A_2817 {strides = array<i32>} : memref<32x16xf32, #tpu.memory_space<vmem>>, vector<1x16xf32>,
    %and3A_2818 = arith.constant 7 : i32
    %and3A_2819 = arith.andi %squeeze3A_933, %and3A_2818 : i32
    %add3A_2820 = arith.constant 24 : i32
    %add3A_2821 = arith.addi %mul3A_2, %add3A_2820 : i32
    %jit3A_2822 = arith.constant 128 : i32
    %eq3A_2823 = arith.constant 0 : i32
    %eq3A_2824 = arith.cmpi eq, %jit3A_2822, %eq3A_2823 : i32
    %jit3A_2825 = arith.constant 1 : i32
    %select_n3A_2826 = arith.select %eq3A_2824, %jit3A_2825, %jit3A_2822 : i32
    %rem3A_2827 = arith.remsi %add3A_2821, %select_n3A_2826 : i32
    %ne3A_2828 = arith.constant 0 : i32
    %ne3A_2829 = arith.cmpi ne, %rem3A_2827, %ne3A_2828 : i32
    %lt3A_2830 = arith.constant 0 : i32
    %lt3A_2831 = arith.cmpi slt, %rem3A_2827, %lt3A_2830 : i32
    %lt3A_2832 = arith.constant 0 : i32
    %lt3A_2833 = arith.cmpi slt, %select_n3A_2826, %lt3A_2832 : i32
    %ne3A_2834 = arith.xori %lt3A_2831, %lt3A_2833 : i1
    %and3A_2835 = arith.andi %ne3A_2834, %ne3A_2829 : i1
    %add3A_2836 = arith.addi %rem3A_2827, %select_n3A_2826 : i32
    %select_n3A_2837 = arith.select %and3A_2835, %add3A_2836, %rem3A_2827 : i32
    %add3A_2838 = arith.constant 24 : i32
    %add3A_2839 = arith.addi %mul3A_2, %add3A_2838 : i32
    %jit3A_2840 = arith.constant 16 : i32
    %eq3A_2841 = arith.constant 0 : i32
    %eq3A_2842 = arith.cmpi eq, %jit3A_2840, %eq3A_2841 : i32
    %jit3A_2843 = arith.constant 1 : i32
    %select_n3A_2844 = arith.select %eq3A_2842, %jit3A_2843, %jit3A_2840 : i32
    %rem3A_2845 = arith.remsi %add3A_2839, %select_n3A_2844 : i32
    %ne3A_2846 = arith.constant 0 : i32
    %ne3A_2847 = arith.cmpi ne, %rem3A_2845, %ne3A_2846 : i32
    %lt3A_2848 = arith.constant 0 : i32
    %lt3A_2849 = arith.cmpi slt, %rem3A_2845, %lt3A_2848 : i32
    %lt3A_2850 = arith.constant 0 : i32
    %lt3A_2851 = arith.cmpi slt, %select_n3A_2844, %lt3A_2850 : i32
    %ne3A_2852 = arith.xori %lt3A_2849, %lt3A_2851 : i1
    %and3A_2853 = arith.andi %ne3A_2852, %ne3A_2847 : i1
    %add3A_2854 = arith.addi %rem3A_2845, %select_n3A_2844 : i32
    %select_n3A_2855 = arith.select %and3A_2853, %add3A_2854, %rem3A_2845 : i32
    %sub3A_2856 = arith.subi %select_n3A_2837, %select_n3A_2855 : i32
    %get3A_2857 = arith.constant 24 : i32
    %get3A_2858 = arith.index_cast %get3A_2857 : i32 to index
    %get3A_2859 = arith.index_cast %and3A_2819 : i32 to index
    %get3A_2860 = arith.index_cast %sub3A_2856 : i32 to index
    %get3A_2861 = tpu.vector_load %arg6[%get3A_2858, %get3A_2859, %get3A_2860] {strides = array<i32>} : memref<32x8x128xf32, #tpu.memory_space<vmem>>, vector<1x1x16xf32>,
    %get3A_2862 = vector.shape_cast %get3A_2861 : vector<1x1x16xf32> to vector<16xf32>
    %swap3A_2863 = arith.constant 24 : i32
    %swap3A_2864 = arith.index_cast %swap3A_2863 : i32 to index
    %swap3A_2865 = arith.constant 0 : index
    %swap3A_2866 = tpu.vector_load %arg7[%swap3A_2864, %swap3A_2865] {strides = array<i32>} : memref<32x16xf32, #tpu.memory_space<vmem>>, vector<1x16xf32>,
    %swap3A_2867 = vector.shape_cast %swap3A_2866 : vector<1x16xf32> to vector<16xf32>
    %swap3A_2868 = vector.shape_cast %get3A_2862 : vector<16xf32> to vector<1x16xf32>
    tpu.vector_store %arg7[%swap3A_2864, %swap3A_2865], %swap3A_2868 {strides = array<i32>} : memref<32x16xf32, #tpu.memory_space<vmem>>, vector<1x16xf32>,
    %and3A_2869 = arith.constant 7 : i32
    %and3A_2870 = arith.andi %squeeze3A_972, %and3A_2869 : i32
    %add3A_2871 = arith.constant 25 : i32
    %add3A_2872 = arith.addi %mul3A_2, %add3A_2871 : i32
    %jit3A_2873 = arith.constant 128 : i32
    %eq3A_2874 = arith.constant 0 : i32
    %eq3A_2875 = arith.cmpi eq, %jit3A_2873, %eq3A_2874 : i32
    %jit3A_2876 = arith.constant 1 : i32
    %select_n3A_2877 = arith.select %eq3A_2875, %jit3A_2876, %jit3A_2873 : i32
    %rem3A_2878 = arith.remsi %add3A_2872, %select_n3A_2877 : i32
    %ne3A_2879 = arith.constant 0 : i32
    %ne3A_2880 = arith.cmpi ne, %rem3A_2878, %ne3A_2879 : i32
    %lt3A_2881 = arith.constant 0 : i32
    %lt3A_2882 = arith.cmpi slt, %rem3A_2878, %lt3A_2881 : i32
    %lt3A_2883 = arith.constant 0 : i32
    %lt3A_2884 = arith.cmpi slt, %select_n3A_2877, %lt3A_2883 : i32
    %ne3A_2885 = arith.xori %lt3A_2882, %lt3A_2884 : i1
    %and3A_2886 = arith.andi %ne3A_2885, %ne3A_2880 : i1
    %add3A_2887 = arith.addi %rem3A_2878, %select_n3A_2877 : i32
    %select_n3A_2888 = arith.select %and3A_2886, %add3A_2887, %rem3A_2878 : i32
    %add3A_2889 = arith.constant 25 : i32
    %add3A_2890 = arith.addi %mul3A_2, %add3A_2889 : i32
    %jit3A_2891 = arith.constant 16 : i32
    %eq3A_2892 = arith.constant 0 : i32
    %eq3A_2893 = arith.cmpi eq, %jit3A_2891, %eq3A_2892 : i32
    %jit3A_2894 = arith.constant 1 : i32
    %select_n3A_2895 = arith.select %eq3A_2893, %jit3A_2894, %jit3A_2891 : i32
    %rem3A_2896 = arith.remsi %add3A_2890, %select_n3A_2895 : i32
    %ne3A_2897 = arith.constant 0 : i32
    %ne3A_2898 = arith.cmpi ne, %rem3A_2896, %ne3A_2897 : i32
    %lt3A_2899 = arith.constant 0 : i32
    %lt3A_2900 = arith.cmpi slt, %rem3A_2896, %lt3A_2899 : i32
    %lt3A_2901 = arith.constant 0 : i32
    %lt3A_2902 = arith.cmpi slt, %select_n3A_2895, %lt3A_2901 : i32
    %ne3A_2903 = arith.xori %lt3A_2900, %lt3A_2902 : i1
    %and3A_2904 = arith.andi %ne3A_2903, %ne3A_2898 : i1
    %add3A_2905 = arith.addi %rem3A_2896, %select_n3A_2895 : i32
    %select_n3A_2906 = arith.select %and3A_2904, %add3A_2905, %rem3A_2896 : i32
    %sub3A_2907 = arith.subi %select_n3A_2888, %select_n3A_2906 : i32
    %get3A_2908 = arith.constant 25 : i32
    %get3A_2909 = arith.index_cast %get3A_2908 : i32 to index
    %get3A_2910 = arith.index_cast %and3A_2870 : i32 to index
    %get3A_2911 = arith.index_cast %sub3A_2907 : i32 to index
    %get3A_2912 = tpu.vector_load %arg6[%get3A_2909, %get3A_2910, %get3A_2911] {strides = array<i32>} : memref<32x8x128xf32, #tpu.memory_space<vmem>>, vector<1x1x16xf32>,
    %get3A_2913 = vector.shape_cast %get3A_2912 : vector<1x1x16xf32> to vector<16xf32>
    %swap3A_2914 = arith.constant 25 : i32
    %swap3A_2915 = arith.index_cast %swap3A_2914 : i32 to index
    %swap3A_2916 = arith.constant 0 : index
    %swap3A_2917 = tpu.vector_load %arg7[%swap3A_2915, %swap3A_2916] {strides = array<i32>} : memref<32x16xf32, #tpu.memory_space<vmem>>, vector<1x16xf32>,
    %swap3A_2918 = vector.shape_cast %swap3A_2917 : vector<1x16xf32> to vector<16xf32>
    %swap3A_2919 = vector.shape_cast %get3A_2913 : vector<16xf32> to vector<1x16xf32>
    tpu.vector_store %arg7[%swap3A_2915, %swap3A_2916], %swap3A_2919 {strides = array<i32>} : memref<32x16xf32, #tpu.memory_space<vmem>>, vector<1x16xf32>,
    %and3A_2920 = arith.constant 7 : i32
    %and3A_2921 = arith.andi %squeeze3A_1011, %and3A_2920 : i32
    %add3A_2922 = arith.constant 26 : i32
    %add3A_2923 = arith.addi %mul3A_2, %add3A_2922 : i32
    %jit3A_2924 = arith.constant 128 : i32
    %eq3A_2925 = arith.constant 0 : i32
    %eq3A_2926 = arith.cmpi eq, %jit3A_2924, %eq3A_2925 : i32
    %jit3A_2927 = arith.constant 1 : i32
    %select_n3A_2928 = arith.select %eq3A_2926, %jit3A_2927, %jit3A_2924 : i32
    %rem3A_2929 = arith.remsi %add3A_2923, %select_n3A_2928 : i32
    %ne3A_2930 = arith.constant 0 : i32
    %ne3A_2931 = arith.cmpi ne, %rem3A_2929, %ne3A_2930 : i32
    %lt3A_2932 = arith.constant 0 : i32
    %lt3A_2933 = arith.cmpi slt, %rem3A_2929, %lt3A_2932 : i32
    %lt3A_2934 = arith.constant 0 : i32
    %lt3A_2935 = arith.cmpi slt, %select_n3A_2928, %lt3A_2934 : i32
    %ne3A_2936 = arith.xori %lt3A_2933, %lt3A_2935 : i1
    %and3A_2937 = arith.andi %ne3A_2936, %ne3A_2931 : i1
    %add3A_2938 = arith.addi %rem3A_2929, %select_n3A_2928 : i32
    %select_n3A_2939 = arith.select %and3A_2937, %add3A_2938, %rem3A_2929 : i32
    %add3A_2940 = arith.constant 26 : i32
    %add3A_2941 = arith.addi %mul3A_2, %add3A_2940 : i32
    %jit3A_2942 = arith.constant 16 : i32
    %eq3A_2943 = arith.constant 0 : i32
    %eq3A_2944 = arith.cmpi eq, %jit3A_2942, %eq3A_2943 : i32
    %jit3A_2945 = arith.constant 1 : i32
    %select_n3A_2946 = arith.select %eq3A_2944, %jit3A_2945, %jit3A_2942 : i32
    %rem3A_2947 = arith.remsi %add3A_2941, %select_n3A_2946 : i32
    %ne3A_2948 = arith.constant 0 : i32
    %ne3A_2949 = arith.cmpi ne, %rem3A_2947, %ne3A_2948 : i32
    %lt3A_2950 = arith.constant 0 : i32
    %lt3A_2951 = arith.cmpi slt, %rem3A_2947, %lt3A_2950 : i32
    %lt3A_2952 = arith.constant 0 : i32
    %lt3A_2953 = arith.cmpi slt, %select_n3A_2946, %lt3A_2952 : i32
    %ne3A_2954 = arith.xori %lt3A_2951, %lt3A_2953 : i1
    %and3A_2955 = arith.andi %ne3A_2954, %ne3A_2949 : i1
    %add3A_2956 = arith.addi %rem3A_2947, %select_n3A_2946 : i32
    %select_n3A_2957 = arith.select %and3A_2955, %add3A_2956, %rem3A_2947 : i32
    %sub3A_2958 = arith.subi %select_n3A_2939, %select_n3A_2957 : i32
    %get3A_2959 = arith.constant 26 : i32
    %get3A_2960 = arith.index_cast %get3A_2959 : i32 to index
    %get3A_2961 = arith.index_cast %and3A_2921 : i32 to index
    %get3A_2962 = arith.index_cast %sub3A_2958 : i32 to index
    %get3A_2963 = tpu.vector_load %arg6[%get3A_2960, %get3A_2961, %get3A_2962] {strides = array<i32>} : memref<32x8x128xf32, #tpu.memory_space<vmem>>, vector<1x1x16xf32>,
    %get3A_2964 = vector.shape_cast %get3A_2963 : vector<1x1x16xf32> to vector<16xf32>
    %swap3A_2965 = arith.constant 26 : i32
    %swap3A_2966 = arith.index_cast %swap3A_2965 : i32 to index
    %swap3A_2967 = arith.constant 0 : index
    %swap3A_2968 = tpu.vector_load %arg7[%swap3A_2966, %swap3A_2967] {strides = array<i32>} : memref<32x16xf32, #tpu.memory_space<vmem>>, vector<1x16xf32>,
    %swap3A_2969 = vector.shape_cast %swap3A_2968 : vector<1x16xf32> to vector<16xf32>
    %swap3A_2970 = vector.shape_cast %get3A_2964 : vector<16xf32> to vector<1x16xf32>
    tpu.vector_store %arg7[%swap3A_2966, %swap3A_2967], %swap3A_2970 {strides = array<i32>} : memref<32x16xf32, #tpu.memory_space<vmem>>, vector<1x16xf32>,
    %and3A_2971 = arith.constant 7 : i32
    %and3A_2972 = arith.andi %squeeze3A_1050, %and3A_2971 : i32
    %add3A_2973 = arith.constant 27 : i32
    %add3A_2974 = arith.addi %mul3A_2, %add3A_2973 : i32
    %jit3A_2975 = arith.constant 128 : i32
    %eq3A_2976 = arith.constant 0 : i32
    %eq3A_2977 = arith.cmpi eq, %jit3A_2975, %eq3A_2976 : i32
    %jit3A_2978 = arith.constant 1 : i32
    %select_n3A_2979 = arith.select %eq3A_2977, %jit3A_2978, %jit3A_2975 : i32
    %rem3A_2980 = arith.remsi %add3A_2974, %select_n3A_2979 : i32
    %ne3A_2981 = arith.constant 0 : i32
    %ne3A_2982 = arith.cmpi ne, %rem3A_2980, %ne3A_2981 : i32
    %lt3A_2983 = arith.constant 0 : i32
    %lt3A_2984 = arith.cmpi slt, %rem3A_2980, %lt3A_2983 : i32
    %lt3A_2985 = arith.constant 0 : i32
    %lt3A_2986 = arith.cmpi slt, %select_n3A_2979, %lt3A_2985 : i32
    %ne3A_2987 = arith.xori %lt3A_2984, %lt3A_2986 : i1
    %and3A_2988 = arith.andi %ne3A_2987, %ne3A_2982 : i1
    %add3A_2989 = arith.addi %rem3A_2980, %select_n3A_2979 : i32
    %select_n3A_2990 = arith.select %and3A_2988, %add3A_2989, %rem3A_2980 : i32
    %add3A_2991 = arith.constant 27 : i32
    %add3A_2992 = arith.addi %mul3A_2, %add3A_2991 : i32
    %jit3A_2993 = arith.constant 16 : i32
    %eq3A_2994 = arith.constant 0 : i32
    %eq3A_2995 = arith.cmpi eq, %jit3A_2993, %eq3A_2994 : i32
    %jit3A_2996 = arith.constant 1 : i32
    %select_n3A_2997 = arith.select %eq3A_2995, %jit3A_2996, %jit3A_2993 : i32
    %rem3A_2998 = arith.remsi %add3A_2992, %select_n3A_2997 : i32
    %ne3A_2999 = arith.constant 0 : i32
    %ne3A_3000 = arith.cmpi ne, %rem3A_2998, %ne3A_2999 : i32
    %lt3A_3001 = arith.constant 0 : i32
    %lt3A_3002 = arith.cmpi slt, %rem3A_2998, %lt3A_3001 : i32
    %lt3A_3003 = arith.constant 0 : i32
    %lt3A_3004 = arith.cmpi slt, %select_n3A_2997, %lt3A_3003 : i32
    %ne3A_3005 = arith.xori %lt3A_3002, %lt3A_3004 : i1
    %and3A_3006 = arith.andi %ne3A_3005, %ne3A_3000 : i1
    %add3A_3007 = arith.addi %rem3A_2998, %select_n3A_2997 : i32
    %select_n3A_3008 = arith.select %and3A_3006, %add3A_3007, %rem3A_2998 : i32
    %sub3A_3009 = arith.subi %select_n3A_2990, %select_n3A_3008 : i32
    %get3A_3010 = arith.constant 27 : i32
    %get3A_3011 = arith.index_cast %get3A_3010 : i32 to index
    %get3A_3012 = arith.index_cast %and3A_2972 : i32 to index
    %get3A_3013 = arith.index_cast %sub3A_3009 : i32 to index
    %get3A_3014 = tpu.vector_load %arg6[%get3A_3011, %get3A_3012, %get3A_3013] {strides = array<i32>} : memref<32x8x128xf32, #tpu.memory_space<vmem>>, vector<1x1x16xf32>,
    %get3A_3015 = vector.shape_cast %get3A_3014 : vector<1x1x16xf32> to vector<16xf32>
    %swap3A_3016 = arith.constant 27 : i32
    %swap3A_3017 = arith.index_cast %swap3A_3016 : i32 to index
    %swap3A_3018 = arith.constant 0 : index
    %swap3A_3019 = tpu.vector_load %arg7[%swap3A_3017, %swap3A_3018] {strides = array<i32>} : memref<32x16xf32, #tpu.memory_space<vmem>>, vector<1x16xf32>,
    %swap3A_3020 = vector.shape_cast %swap3A_3019 : vector<1x16xf32> to vector<16xf32>
    %swap3A_3021 = vector.shape_cast %get3A_3015 : vector<16xf32> to vector<1x16xf32>
    tpu.vector_store %arg7[%swap3A_3017, %swap3A_3018], %swap3A_3021 {strides = array<i32>} : memref<32x16xf32, #tpu.memory_space<vmem>>, vector<1x16xf32>,
    %and3A_3022 = arith.constant 7 : i32
    %and3A_3023 = arith.andi %squeeze3A_1089, %and3A_3022 : i32
    %add3A_3024 = arith.constant 28 : i32
    %add3A_3025 = arith.addi %mul3A_2, %add3A_3024 : i32
    %jit3A_3026 = arith.constant 128 : i32
    %eq3A_3027 = arith.constant 0 : i32
    %eq3A_3028 = arith.cmpi eq, %jit3A_3026, %eq3A_3027 : i32
    %jit3A_3029 = arith.constant 1 : i32
    %select_n3A_3030 = arith.select %eq3A_3028, %jit3A_3029, %jit3A_3026 : i32
    %rem3A_3031 = arith.remsi %add3A_3025, %select_n3A_3030 : i32
    %ne3A_3032 = arith.constant 0 : i32
    %ne3A_3033 = arith.cmpi ne, %rem3A_3031, %ne3A_3032 : i32
    %lt3A_3034 = arith.constant 0 : i32
    %lt3A_3035 = arith.cmpi slt, %rem3A_3031, %lt3A_3034 : i32
    %lt3A_3036 = arith.constant 0 : i32
    %lt3A_3037 = arith.cmpi slt, %select_n3A_3030, %lt3A_3036 : i32
    %ne3A_3038 = arith.xori %lt3A_3035, %lt3A_3037 : i1
    %and3A_3039 = arith.andi %ne3A_3038, %ne3A_3033 : i1
    %add3A_3040 = arith.addi %rem3A_3031, %select_n3A_3030 : i32
    %select_n3A_3041 = arith.select %and3A_3039, %add3A_3040, %rem3A_3031 : i32
    %add3A_3042 = arith.constant 28 : i32
    %add3A_3043 = arith.addi %mul3A_2, %add3A_3042 : i32
    %jit3A_3044 = arith.constant 16 : i32
    %eq3A_3045 = arith.constant 0 : i32
    %eq3A_3046 = arith.cmpi eq, %jit3A_3044, %eq3A_3045 : i32
    %jit3A_3047 = arith.constant 1 : i32
    %select_n3A_3048 = arith.select %eq3A_3046, %jit3A_3047, %jit3A_3044 : i32
    %rem3A_3049 = arith.remsi %add3A_3043, %select_n3A_3048 : i32
    %ne3A_3050 = arith.constant 0 : i32
    %ne3A_3051 = arith.cmpi ne, %rem3A_3049, %ne3A_3050 : i32
    %lt3A_3052 = arith.constant 0 : i32
    %lt3A_3053 = arith.cmpi slt, %rem3A_3049, %lt3A_3052 : i32
    %lt3A_3054 = arith.constant 0 : i32
    %lt3A_3055 = arith.cmpi slt, %select_n3A_3048, %lt3A_3054 : i32
    %ne3A_3056 = arith.xori %lt3A_3053, %lt3A_3055 : i1
    %and3A_3057 = arith.andi %ne3A_3056, %ne3A_3051 : i1
    %add3A_3058 = arith.addi %rem3A_3049, %select_n3A_3048 : i32
    %select_n3A_3059 = arith.select %and3A_3057, %add3A_3058, %rem3A_3049 : i32
    %sub3A_3060 = arith.subi %select_n3A_3041, %select_n3A_3059 : i32
    %get3A_3061 = arith.constant 28 : i32
    %get3A_3062 = arith.index_cast %get3A_3061 : i32 to index
    %get3A_3063 = arith.index_cast %and3A_3023 : i32 to index
    %get3A_3064 = arith.index_cast %sub3A_3060 : i32 to index
    %get3A_3065 = tpu.vector_load %arg6[%get3A_3062, %get3A_3063, %get3A_3064] {strides = array<i32>} : memref<32x8x128xf32, #tpu.memory_space<vmem>>, vector<1x1x16xf32>,
    %get3A_3066 = vector.shape_cast %get3A_3065 : vector<1x1x16xf32> to vector<16xf32>
    %swap3A_3067 = arith.constant 28 : i32
    %swap3A_3068 = arith.index_cast %swap3A_3067 : i32 to index
    %swap3A_3069 = arith.constant 0 : index
    %swap3A_3070 = tpu.vector_load %arg7[%swap3A_3068, %swap3A_3069] {strides = array<i32>} : memref<32x16xf32, #tpu.memory_space<vmem>>, vector<1x16xf32>,
    %swap3A_3071 = vector.shape_cast %swap3A_3070 : vector<1x16xf32> to vector<16xf32>
    %swap3A_3072 = vector.shape_cast %get3A_3066 : vector<16xf32> to vector<1x16xf32>
    tpu.vector_store %arg7[%swap3A_3068, %swap3A_3069], %swap3A_3072 {strides = array<i32>} : memref<32x16xf32, #tpu.memory_space<vmem>>, vector<1x16xf32>,
    %and3A_3073 = arith.constant 7 : i32
    %and3A_3074 = arith.andi %squeeze3A_1128, %and3A_3073 : i32
    %add3A_3075 = arith.constant 29 : i32
    %add3A_3076 = arith.addi %mul3A_2, %add3A_3075 : i32
    %jit3A_3077 = arith.constant 128 : i32
    %eq3A_3078 = arith.constant 0 : i32
    %eq3A_3079 = arith.cmpi eq, %jit3A_3077, %eq3A_3078 : i32
    %jit3A_3080 = arith.constant 1 : i32
    %select_n3A_3081 = arith.select %eq3A_3079, %jit3A_3080, %jit3A_3077 : i32
    %rem3A_3082 = arith.remsi %add3A_3076, %select_n3A_3081 : i32
    %ne3A_3083 = arith.constant 0 : i32
    %ne3A_3084 = arith.cmpi ne, %rem3A_3082, %ne3A_3083 : i32
    %lt3A_3085 = arith.constant 0 : i32
    %lt3A_3086 = arith.cmpi slt, %rem3A_3082, %lt3A_3085 : i32
    %lt3A_3087 = arith.constant 0 : i32
    %lt3A_3088 = arith.cmpi slt, %select_n3A_3081, %lt3A_3087 : i32
    %ne3A_3089 = arith.xori %lt3A_3086, %lt3A_3088 : i1
    %and3A_3090 = arith.andi %ne3A_3089, %ne3A_3084 : i1
    %add3A_3091 = arith.addi %rem3A_3082, %select_n3A_3081 : i32
    %select_n3A_3092 = arith.select %and3A_3090, %add3A_3091, %rem3A_3082 : i32
    %add3A_3093 = arith.constant 29 : i32
    %add3A_3094 = arith.addi %mul3A_2, %add3A_3093 : i32
    %jit3A_3095 = arith.constant 16 : i32
    %eq3A_3096 = arith.constant 0 : i32
    %eq3A_3097 = arith.cmpi eq, %jit3A_3095, %eq3A_3096 : i32
    %jit3A_3098 = arith.constant 1 : i32
    %select_n3A_3099 = arith.select %eq3A_3097, %jit3A_3098, %jit3A_3095 : i32
    %rem3A_3100 = arith.remsi %add3A_3094, %select_n3A_3099 : i32
    %ne3A_3101 = arith.constant 0 : i32
    %ne3A_3102 = arith.cmpi ne, %rem3A_3100, %ne3A_3101 : i32
    %lt3A_3103 = arith.constant 0 : i32
    %lt3A_3104 = arith.cmpi slt, %rem3A_3100, %lt3A_3103 : i32
    %lt3A_3105 = arith.constant 0 : i32
    %lt3A_3106 = arith.cmpi slt, %select_n3A_3099, %lt3A_3105 : i32
    %ne3A_3107 = arith.xori %lt3A_3104, %lt3A_3106 : i1
    %and3A_3108 = arith.andi %ne3A_3107, %ne3A_3102 : i1
    %add3A_3109 = arith.addi %rem3A_3100, %select_n3A_3099 : i32
    %select_n3A_3110 = arith.select %and3A_3108, %add3A_3109, %rem3A_3100 : i32
    %sub3A_3111 = arith.subi %select_n3A_3092, %select_n3A_3110 : i32
    %get3A_3112 = arith.constant 29 : i32
    %get3A_3113 = arith.index_cast %get3A_3112 : i32 to index
    %get3A_3114 = arith.index_cast %and3A_3074 : i32 to index
    %get3A_3115 = arith.index_cast %sub3A_3111 : i32 to index
    %get3A_3116 = tpu.vector_load %arg6[%get3A_3113, %get3A_3114, %get3A_3115] {strides = array<i32>} : memref<32x8x128xf32, #tpu.memory_space<vmem>>, vector<1x1x16xf32>,
    %get3A_3117 = vector.shape_cast %get3A_3116 : vector<1x1x16xf32> to vector<16xf32>
    %swap3A_3118 = arith.constant 29 : i32
    %swap3A_3119 = arith.index_cast %swap3A_3118 : i32 to index
    %swap3A_3120 = arith.constant 0 : index
    %swap3A_3121 = tpu.vector_load %arg7[%swap3A_3119, %swap3A_3120] {strides = array<i32>} : memref<32x16xf32, #tpu.memory_space<vmem>>, vector<1x16xf32>,
    %swap3A_3122 = vector.shape_cast %swap3A_3121 : vector<1x16xf32> to vector<16xf32>
    %swap3A_3123 = vector.shape_cast %get3A_3117 : vector<16xf32> to vector<1x16xf32>
    tpu.vector_store %arg7[%swap3A_3119, %swap3A_3120], %swap3A_3123 {strides = array<i32>} : memref<32x16xf32, #tpu.memory_space<vmem>>, vector<1x16xf32>,
    %and3A_3124 = arith.constant 7 : i32
    %and3A_3125 = arith.andi %squeeze3A_1167, %and3A_3124 : i32
    %add3A_3126 = arith.constant 30 : i32
    %add3A_3127 = arith.addi %mul3A_2, %add3A_3126 : i32
    %jit3A_3128 = arith.constant 128 : i32
    %eq3A_3129 = arith.constant 0 : i32
    %eq3A_3130 = arith.cmpi eq, %jit3A_3128, %eq3A_3129 : i32
    %jit3A_3131 = arith.constant 1 : i32
    %select_n3A_3132 = arith.select %eq3A_3130, %jit3A_3131, %jit3A_3128 : i32
    %rem3A_3133 = arith.remsi %add3A_3127, %select_n3A_3132 : i32
    %ne3A_3134 = arith.constant 0 : i32
    %ne3A_3135 = arith.cmpi ne, %rem3A_3133, %ne3A_3134 : i32
    %lt3A_3136 = arith.constant 0 : i32
    %lt3A_3137 = arith.cmpi slt, %rem3A_3133, %lt3A_3136 : i32
    %lt3A_3138 = arith.constant 0 : i32
    %lt3A_3139 = arith.cmpi slt, %select_n3A_3132, %lt3A_3138 : i32
    %ne3A_3140 = arith.xori %lt3A_3137, %lt3A_3139 : i1
    %and3A_3141 = arith.andi %ne3A_3140, %ne3A_3135 : i1
    %add3A_3142 = arith.addi %rem3A_3133, %select_n3A_3132 : i32
    %select_n3A_3143 = arith.select %and3A_3141, %add3A_3142, %rem3A_3133 : i32
    %add3A_3144 = arith.constant 30 : i32
    %add3A_3145 = arith.addi %mul3A_2, %add3A_3144 : i32
    %jit3A_3146 = arith.constant 16 : i32
    %eq3A_3147 = arith.constant 0 : i32
    %eq3A_3148 = arith.cmpi eq, %jit3A_3146, %eq3A_3147 : i32
    %jit3A_3149 = arith.constant 1 : i32
    %select_n3A_3150 = arith.select %eq3A_3148, %jit3A_3149, %jit3A_3146 : i32
    %rem3A_3151 = arith.remsi %add3A_3145, %select_n3A_3150 : i32
    %ne3A_3152 = arith.constant 0 : i32
    %ne3A_3153 = arith.cmpi ne, %rem3A_3151, %ne3A_3152 : i32
    %lt3A_3154 = arith.constant 0 : i32
    %lt3A_3155 = arith.cmpi slt, %rem3A_3151, %lt3A_3154 : i32
    %lt3A_3156 = arith.constant 0 : i32
    %lt3A_3157 = arith.cmpi slt, %select_n3A_3150, %lt3A_3156 : i32
    %ne3A_3158 = arith.xori %lt3A_3155, %lt3A_3157 : i1
    %and3A_3159 = arith.andi %ne3A_3158, %ne3A_3153 : i1
    %add3A_3160 = arith.addi %rem3A_3151, %select_n3A_3150 : i32
    %select_n3A_3161 = arith.select %and3A_3159, %add3A_3160, %rem3A_3151 : i32
    %sub3A_3162 = arith.subi %select_n3A_3143, %select_n3A_3161 : i32
    %get3A_3163 = arith.constant 30 : i32
    %get3A_3164 = arith.index_cast %get3A_3163 : i32 to index
    %get3A_3165 = arith.index_cast %and3A_3125 : i32 to index
    %get3A_3166 = arith.index_cast %sub3A_3162 : i32 to index
    %get3A_3167 = tpu.vector_load %arg6[%get3A_3164, %get3A_3165, %get3A_3166] {strides = array<i32>} : memref<32x8x128xf32, #tpu.memory_space<vmem>>, vector<1x1x16xf32>,
    %get3A_3168 = vector.shape_cast %get3A_3167 : vector<1x1x16xf32> to vector<16xf32>
    %swap3A_3169 = arith.constant 30 : i32
    %swap3A_3170 = arith.index_cast %swap3A_3169 : i32 to index
    %swap3A_3171 = arith.constant 0 : index
    %swap3A_3172 = tpu.vector_load %arg7[%swap3A_3170, %swap3A_3171] {strides = array<i32>} : memref<32x16xf32, #tpu.memory_space<vmem>>, vector<1x16xf32>,
    %swap3A_3173 = vector.shape_cast %swap3A_3172 : vector<1x16xf32> to vector<16xf32>
    %swap3A_3174 = vector.shape_cast %get3A_3168 : vector<16xf32> to vector<1x16xf32>
    tpu.vector_store %arg7[%swap3A_3170, %swap3A_3171], %swap3A_3174 {strides = array<i32>} : memref<32x16xf32, #tpu.memory_space<vmem>>, vector<1x16xf32>,
    %and3A_3175 = arith.constant 7 : i32
    %and3A_3176 = arith.andi %squeeze3A_1206, %and3A_3175 : i32
    %add3A_3177 = arith.constant 31 : i32
    %add3A_3178 = arith.addi %mul3A_2, %add3A_3177 : i32
    %jit3A_3179 = arith.constant 128 : i32
    %eq3A_3180 = arith.constant 0 : i32
    %eq3A_3181 = arith.cmpi eq, %jit3A_3179, %eq3A_3180 : i32
    %jit3A_3182 = arith.constant 1 : i32
    %select_n3A_3183 = arith.select %eq3A_3181, %jit3A_3182, %jit3A_3179 : i32
    %rem3A_3184 = arith.remsi %add3A_3178, %select_n3A_3183 : i32
    %ne3A_3185 = arith.constant 0 : i32
    %ne3A_3186 = arith.cmpi ne, %rem3A_3184, %ne3A_3185 : i32
    %lt3A_3187 = arith.constant 0 : i32
    %lt3A_3188 = arith.cmpi slt, %rem3A_3184, %lt3A_3187 : i32
    %lt3A_3189 = arith.constant 0 : i32
    %lt3A_3190 = arith.cmpi slt, %select_n3A_3183, %lt3A_3189 : i32
    %ne3A_3191 = arith.xori %lt3A_3188, %lt3A_3190 : i1
    %and3A_3192 = arith.andi %ne3A_3191, %ne3A_3186 : i1
    %add3A_3193 = arith.addi %rem3A_3184, %select_n3A_3183 : i32
    %select_n3A_3194 = arith.select %and3A_3192, %add3A_3193, %rem3A_3184 : i32
    %add3A_3195 = arith.constant 31 : i32
    %add3A_3196 = arith.addi %mul3A_2, %add3A_3195 : i32
    %jit3A_3197 = arith.constant 16 : i32
    %eq3A_3198 = arith.constant 0 : i32
    %eq3A_3199 = arith.cmpi eq, %jit3A_3197, %eq3A_3198 : i32
    %jit3A_3200 = arith.constant 1 : i32
    %select_n3A_3201 = arith.select %eq3A_3199, %jit3A_3200, %jit3A_3197 : i32
    %rem3A_3202 = arith.remsi %add3A_3196, %select_n3A_3201 : i32
    %ne3A_3203 = arith.constant 0 : i32
    %ne3A_3204 = arith.cmpi ne, %rem3A_3202, %ne3A_3203 : i32
    %lt3A_3205 = arith.constant 0 : i32
    %lt3A_3206 = arith.cmpi slt, %rem3A_3202, %lt3A_3205 : i32
    %lt3A_3207 = arith.constant 0 : i32
    %lt3A_3208 = arith.cmpi slt, %select_n3A_3201, %lt3A_3207 : i32
    %ne3A_3209 = arith.xori %lt3A_3206, %lt3A_3208 : i1
    %and3A_3210 = arith.andi %ne3A_3209, %ne3A_3204 : i1
    %add3A_3211 = arith.addi %rem3A_3202, %select_n3A_3201 : i32
    %select_n3A_3212 = arith.select %and3A_3210, %add3A_3211, %rem3A_3202 : i32
    %sub3A_3213 = arith.subi %select_n3A_3194, %select_n3A_3212 : i32
    %get3A_3214 = arith.constant 31 : i32
    %get3A_3215 = arith.index_cast %get3A_3214 : i32 to index
    %get3A_3216 = arith.index_cast %and3A_3176 : i32 to index
    %get3A_3217 = arith.index_cast %sub3A_3213 : i32 to index
    %get3A_3218 = tpu.vector_load %arg6[%get3A_3215, %get3A_3216, %get3A_3217] {strides = array<i32>} : memref<32x8x128xf32, #tpu.memory_space<vmem>>, vector<1x1x16xf32>,
    %get3A_3219 = vector.shape_cast %get3A_3218 : vector<1x1x16xf32> to vector<16xf32>
    %swap3A_3220 = arith.constant 31 : i32
    %swap3A_3221 = arith.index_cast %swap3A_3220 : i32 to index
    %swap3A_3222 = arith.constant 0 : index
    %swap3A_3223 = tpu.vector_load %arg7[%swap3A_3221, %swap3A_3222] {strides = array<i32>} : memref<32x16xf32, #tpu.memory_space<vmem>>, vector<1x16xf32>,
    %swap3A_3224 = vector.shape_cast %swap3A_3223 : vector<1x16xf32> to vector<16xf32>
    %swap3A_3225 = vector.shape_cast %get3A_3219 : vector<16xf32> to vector<1x16xf32>
    tpu.vector_store %arg7[%swap3A_3221, %swap3A_3222], %swap3A_3225 {strides = array<i32>} : memref<32x16xf32, #tpu.memory_space<vmem>>, vector<1x16xf32>,
    "tpu.region"() ({
      %run_scoped3A = tpu.sem_alloc : memref<!tpu.dma_semaphore, #tpu.memory_space<semaphore_mem>>
      %dma_start3A_3226 = arith.constant 0 : i32
      %dma_start3A_3227 = tpu.memref_slice %arg4[%mul3A_2, %dma_start3A_3226] : memref<1024x16xf32, #tpu.memory_space<hbm>> -> memref<32x16xf32, #tpu.memory_space<hbm>>
      %dma_start3A_3228 = arith.constant 0 : i32
      %dma_start3A_3229 = tpu.memref_slice %arg4[%mul3A_2, %dma_start3A_3228] : memref<1024x16xf32, #tpu.memory_space<hbm>> -> memref<32x16xf32, #tpu.memory_space<hbm>>
      tpu.enqueue_dma source(%arg7 : memref<32x16xf32, #tpu.memory_space<vmem>>) target(%dma_start3A_3229 : memref<32x16xf32, #tpu.memory_space<hbm>>) target_semaphore(%run_scoped3A : memref<!tpu.dma_semaphore, #tpu.memory_space<semaphore_mem>>)
      %dma_wait3A_3230 = arith.constant 0 : i32
      %dma_wait3A_3231 = tpu.memref_slice %arg4[%mul3A_2, %dma_wait3A_3230] : memref<1024x16xf32, #tpu.memory_space<hbm>> -> memref<32x16xf32, #tpu.memory_space<hbm>>
      %dma_wait3A_3232 = arith.constant 0 : i32
      %dma_wait3A_3233 = tpu.memref_slice %arg4[%mul3A_2, %dma_wait3A_3232] : memref<1024x16xf32, #tpu.memory_space<hbm>> -> memref<32x16xf32, #tpu.memory_space<hbm>>
      tpu.wait_dma2 semaphore(%run_scoped3A : memref<!tpu.dma_semaphore, #tpu.memory_space<semaphore_mem>>) src(%arg7 : memref<32x16xf32, #tpu.memory_space<vmem>>) dst(%dma_wait3A_3233 : memref<32x16xf32, #tpu.memory_space<hbm>>)
      tpu.yield
    }) : () -> ()
    return
  }
}

module attributes {stable_mosaic.version = 14 : i64} {
  func.func @_comb_body(%arg0: i32, %arg1: memref<1024x16xf32, #tpu.memory_space<vmem>>, %arg2: memref<1024x1xi32, #tpu.memory_space<vmem>>, %arg3: memref<1x1xf32, #tpu.memory_space<vmem>>) attributes {dimension_semantics = [#tpu.dimension_semantics<arbitrary>], iteration_bounds = array<i64: 1>, scalar_prefetch = 0 : i64, scratch_operands = 0 : i64, tpu.core_type = #tpu.core_type<tc>, window_params = [{pipeline_mode = #tpu.pipeline_mode<synchronous>, transform_indices = @transform_0, window_bounds = array<i64: 1024, 16>}, {pipeline_mode = #tpu.pipeline_mode<synchronous>, transform_indices = @transform_1, window_bounds = array<i64: 1024, 1>}, {pipeline_mode = #tpu.pipeline_mode<synchronous>, transform_indices = @transform_2, window_bounds = array<i64: 1, 1>}]} {
    %get3A = arith.constant 0 : index
    %get3A_0 = arith.constant 0 : index
    %get3A_1 = vector.load %arg2[%get3A, %get3A_0] : memref<1024x1xi32, #tpu.memory_space<vmem>>, vector<1024x1xi32>
    %ne3A = arith.constant 0 : i32
    %ne3A_2 = vector.broadcast %ne3A : i32 to vector<1024x1xi32>
    %ne3A_3 = arith.cmpi ne, %get3A_1, %ne3A_2 : vector<1024x1xi32>
    %convert_element_type3A = arith.extui %ne3A_3 : vector<1024x1xi1> to vector<1024x1xi32>
    %convert_element_type3A_4 = arith.sitofp %convert_element_type3A : vector<1024x1xi32> to vector<1024x1xf32>
    %get3A_5 = arith.constant 0 : index
    %get3A_6 = arith.constant 0 : index
    %get3A_7 = vector.load %arg1[%get3A_5, %get3A_6] : memref<1024x16xf32, #tpu.memory_space<vmem>>, vector<1024x16xf32>
    %iota3A = tpu.iota {dimensions = array<i32: 0>} : vector<1024x16xi32>
    %iota3A_8 = tpu.iota {dimensions = array<i32: 1>} : vector<1024x16xi32>
    %jit3A = arith.constant 16 : i32
    %eq3A = arith.constant 0 : i32
    %eq3A_9 = arith.cmpi eq, %jit3A, %eq3A : i32
    %jit3A_10 = arith.constant 1 : i32
    %select_n3A = arith.select %eq3A_9, %jit3A_10, %jit3A : i32
    %rem3A = vector.broadcast %select_n3A : i32 to vector<1024x16xi32>
    %rem3A_11 = arith.remsi %iota3A, %rem3A : vector<1024x16xi32>
    %ne3A_12 = arith.constant 0 : i32
    %ne3A_13 = vector.broadcast %ne3A_12 : i32 to vector<1024x16xi32>
    %ne3A_14 = arith.cmpi ne, %rem3A_11, %ne3A_13 : vector<1024x16xi32>
    %lt3A = arith.constant 0 : i32
    %lt3A_15 = vector.broadcast %lt3A : i32 to vector<1024x16xi32>
    %lt3A_16 = arith.cmpi slt, %rem3A_11, %lt3A_15 : vector<1024x16xi32>
    %lt3A_17 = arith.constant 0 : i32
    %lt3A_18 = arith.cmpi slt, %select_n3A, %lt3A_17 : i32
    %ne3A_19 = vector.broadcast %lt3A_18 : i1 to vector<1024x16xi1>
    %ne3A_20 = vector.broadcast %ne3A_19 : vector<1024x16xi1> to vector<1024x16xi1>
    %ne3A_21 = arith.xori %lt3A_16, %ne3A_20 : vector<1024x16xi1>
    %and3A = arith.andi %ne3A_21, %ne3A_14 : vector<1024x16xi1>
    %add3A = vector.broadcast %select_n3A : i32 to vector<1024x16xi32>
    %add3A_22 = arith.addi %rem3A_11, %add3A : vector<1024x16xi32>
    %select_n3A_23 = arith.select %and3A, %add3A_22, %rem3A_11 : vector<1024x16xi1>, vector<1024x16xi32>
    %eq3A_24 = arith.cmpi eq, %iota3A_8, %select_n3A_23 : vector<1024x16xi32>
    %convert_element_type3A_25 = arith.extui %eq3A_24 : vector<1024x16xi1> to vector<1024x16xi32>
    %convert_element_type3A_26 = arith.sitofp %convert_element_type3A_25 : vector<1024x16xi32> to vector<1024x16xf32>
    %mul3A = arith.mulf %get3A_7, %convert_element_type3A_26 : vector<1024x16xf32>
    %reduce_sum3A = arith.constant dense<0.000000e+00> : vector<1024xf32>
    %reduce_sum3A_27 = vector.multi_reduction <add>, %mul3A, %reduce_sum3A [1] : vector<1024x16xf32> to vector<1024xf32>
    %broadcast_in_dim3A = vector.shape_cast %reduce_sum3A_27 : vector<1024xf32> to vector<1024x1xf32>
    %mul3A_28 = arith.mulf %broadcast_in_dim3A, %convert_element_type3A_4 : vector<1024x1xf32>
    %reduce_sum3A_29 = vector.shape_cast %mul3A_28 : vector<1024x1xf32> to vector<1x1024x1xf32>
    %reduce_sum3A_30 = arith.constant dense<0.000000e+00> : vector<1xf32>
    %reduce_sum3A_31 = vector.multi_reduction <add>, %reduce_sum3A_29, %reduce_sum3A_30 [1, 2] : vector<1x1024x1xf32> to vector<1xf32>
    %reduce_sum3A_32 = vector.shape_cast %reduce_sum3A_31 : vector<1xf32> to vector<1x1x1xf32>
    %reduce_sum3A_33 = vector.extract %reduce_sum3A_32[0, 0, 0] : f32 from vector<1x1x1xf32>
    %broadcast_in_dim3A_34 = vector.broadcast %reduce_sum3A_33 : f32 to vector<1x1xf32>
    %mul3A_35 = arith.constant -8.999990e-01 : f32
    %mul3A_36 = vector.broadcast %mul3A_35 : f32 to vector<1x1xf32>
    %mul3A_37 = arith.mulf %mul3A_36, %broadcast_in_dim3A_34 : vector<1x1xf32>
    %swap3A = arith.constant 0 : index
    %swap3A_38 = arith.constant 0 : index
    %swap3A_39 = vector.load %arg3[%swap3A, %swap3A_38] : memref<1x1xf32, #tpu.memory_space<vmem>>, vector<1x1xf32>
    tpu.vector_store %arg3[%swap3A, %swap3A_38], %mul3A_37 {strides = array<i32>} : memref<1x1xf32, #tpu.memory_space<vmem>>, vector<1x1xf32>,
    return
  }
  func.func @transform_0(%arg0: i32) -> (i32, i32) {
    %c0_i32 = arith.constant 0 : i32
    %c0_i32_0 = arith.constant 0 : i32
    %c0_i32_1 = arith.constant 0 : i32
    return %c0_i32, %c0_i32_0 : i32, i32
  }
  func.func @transform_1(%arg0: i32) -> (i32, i32) {
    %c0_i32 = arith.constant 0 : i32
    %c0_i32_0 = arith.constant 0 : i32
    %c0_i32_1 = arith.constant 0 : i32
    return %c0_i32, %c0_i32_0 : i32, i32
  }
  func.func @transform_2(%arg0: i32) -> (i32, i32) {
    %c0_i32 = arith.constant 0 : i32
    %c0_i32_0 = arith.constant 0 : i32
    %c0_i32_1 = arith.constant 0 : i32
    return %c0_i32, %c0_i32_0 : i32, i32
  }
}

module attributes {stable_mosaic.version = 14 : i64} {
  func.func @_tc_body(%arg0: i32, %arg1: memref<2000x1024xf32, #tpu.memory_space<vmem>>, %arg2: memref<1x1024xi32, #tpu.memory_space<vmem>>, %arg3: memref<1x1x1xf32, #tpu.memory_space<vmem>>) attributes {dimension_semantics = [#tpu.dimension_semantics<parallel>], iteration_bounds = array<i64: 50>, scalar_prefetch = 0 : i64, scratch_operands = 0 : i64, tpu.core_type = #tpu.core_type<tc>, window_params = [{transform_indices = @transform_0, window_bounds = array<i64: 2000, 1024>}, {pipeline_mode = #tpu.pipeline_mode<synchronous>, transform_indices = @transform_1, window_bounds = array<i64: 1, 1024>}, {transform_indices = @transform_2, window_bounds = array<i64: 1, 1, 1>}]} {
    %get3A = arith.constant 0 : index
    %get3A_0 = arith.constant 0 : index
    %get3A_1 = vector.load %arg1[%get3A, %get3A_0] : memref<2000x1024xf32, #tpu.memory_space<vmem>>, vector<2000x1024xf32>
    %get3A_2 = arith.constant 0 : index
    %get3A_3 = arith.constant 0 : index
    %get3A_4 = vector.load %arg2[%get3A_2, %get3A_3] : memref<1x1024xi32, #tpu.memory_space<vmem>>, vector<1x1024xi32>
    %ne3A = arith.constant 0 : i32
    %ne3A_5 = vector.broadcast %ne3A : i32 to vector<1x1024xi32>
    %ne3A_6 = arith.cmpi ne, %get3A_4, %ne3A_5 : vector<1x1024xi32>
    %convert_element_type3A = arith.extui %ne3A_6 : vector<1x1024xi1> to vector<1x1024xi32>
    %convert_element_type3A_7 = arith.sitofp %convert_element_type3A : vector<1x1024xi32> to vector<1x1024xf32>
    %eq3A = arith.constant 0 : i32
    %eq3A_8 = arith.cmpi eq, %arg0, %eq3A : i32
    %convert_element_type3A_9 = arith.extui %eq3A_8 : i1 to i32
    %cond3A = arith.constant 0 : i32
    %cond3A_10 = arith.cmpi ne, %convert_element_type3A_9, %cond3A : i32
    scf.if %cond3A_10 {
      %reduce_sum3A = arith.constant dense<0.000000e+00> : vector<1024xf32>
      %reduce_sum3A_16 = vector.multi_reduction <add>, %get3A_1, %reduce_sum3A [0] : vector<2000x1024xf32> to vector<1024xf32>
      %broadcast_in_dim3A = vector.shape_cast %reduce_sum3A_16 : vector<1024xf32> to vector<1x1024xf32>
      %slice3A = vector.extract_strided_slice %get3A_1 {offsets = [0, 0], sizes = [1, 1024], strides = [1, 1]} : vector<2000x1024xf32> to vector<1x1024xf32>
      %sub3A = arith.subf %broadcast_in_dim3A, %slice3A : vector<1x1024xf32>
      %mul3A = arith.mulf %sub3A, %convert_element_type3A_7 : vector<1x1024xf32>
      %reduce_sum3A_17 = vector.shape_cast %mul3A : vector<1x1024xf32> to vector<1x1x1024xf32>
      %reduce_sum3A_18 = arith.constant dense<0.000000e+00> : vector<1xf32>
      %reduce_sum3A_19 = vector.multi_reduction <add>, %reduce_sum3A_17, %reduce_sum3A_18 [1, 2] : vector<1x1x1024xf32> to vector<1xf32>
      %reduce_sum3A_20 = vector.shape_cast %reduce_sum3A_19 : vector<1xf32> to vector<1x1x1xf32>
      %reduce_sum3A_21 = vector.extract %reduce_sum3A_20[0, 0, 0] : f32 from vector<1x1x1xf32>
      %broadcast_in_dim3A_22 = vector.broadcast %reduce_sum3A_21 : f32 to vector<1x1xf32>
      %reduce_sum3A_23 = vector.shape_cast %convert_element_type3A_7 : vector<1x1024xf32> to vector<1x1x1024xf32>
      %reduce_sum3A_24 = arith.constant dense<0.000000e+00> : vector<1xf32>
      %reduce_sum3A_25 = vector.multi_reduction <add>, %reduce_sum3A_23, %reduce_sum3A_24 [1, 2] : vector<1x1x1024xf32> to vector<1xf32>
      %reduce_sum3A_26 = vector.shape_cast %reduce_sum3A_25 : vector<1xf32> to vector<1x1x1xf32>
      %reduce_sum3A_27 = vector.extract %reduce_sum3A_26[0, 0, 0] : f32 from vector<1x1x1xf32>
      %broadcast_in_dim3A_28 = vector.broadcast %reduce_sum3A_27 : f32 to vector<1x1xf32>
      %mul3A_29 = arith.constant -1.47637355 : f32
      %mul3A_30 = vector.broadcast %mul3A_29 : f32 to vector<1x1xf32>
      %mul3A_31 = arith.mulf %mul3A_30, %broadcast_in_dim3A_28 : vector<1x1xf32>
      %mul3A_32 = arith.constant 1.000020e-06 : f32
      %mul3A_33 = vector.broadcast %mul3A_32 : f32 to vector<1x1xf32>
      %mul3A_34 = arith.mulf %mul3A_33, %broadcast_in_dim3A_22 : vector<1x1xf32>
      %sub3A_35 = arith.subf %mul3A_31, %mul3A_34 : vector<1x1xf32>
      %swap3A = arith.constant 0 : index
      %swap3A_36 = arith.constant 0 : index
      %swap3A_37 = arith.constant 0 : index
      %swap3A_38 = vector.load %arg3[%swap3A, %swap3A_36, %swap3A_37] : memref<1x1x1xf32, #tpu.memory_space<vmem>>, vector<1x1x1xf32>
      %swap3A_39 = vector.shape_cast %swap3A_38 : vector<1x1x1xf32> to vector<1x1xf32>
      %swap3A_40 = vector.shape_cast %sub3A_35 : vector<1x1xf32> to vector<1x1x1xf32>
      tpu.vector_store %arg3[%swap3A, %swap3A_36, %swap3A_37], %swap3A_40 {strides = array<i32>} : memref<1x1x1xf32, #tpu.memory_space<vmem>>, vector<1x1x1xf32>,
    } else {
    }
    %ne3A_11 = arith.constant 0 : i32
    %ne3A_12 = arith.cmpi ne, %arg0, %ne3A_11 : i32
    %convert_element_type3A_13 = arith.extui %ne3A_12 : i1 to i32
    %cond3A_14 = arith.constant 0 : i32
    %cond3A_15 = arith.cmpi ne, %convert_element_type3A_13, %cond3A_14 : i32
    scf.if %cond3A_15 {
      %reduce_sum3A = arith.constant dense<0.000000e+00> : vector<1024xf32>
      %reduce_sum3A_16 = vector.multi_reduction <add>, %get3A_1, %reduce_sum3A [0] : vector<2000x1024xf32> to vector<1024xf32>
      %broadcast_in_dim3A = vector.shape_cast %reduce_sum3A_16 : vector<1024xf32> to vector<1x1024xf32>
      %mul3A = arith.mulf %broadcast_in_dim3A, %convert_element_type3A_7 : vector<1x1024xf32>
      %reduce_sum3A_17 = vector.shape_cast %mul3A : vector<1x1024xf32> to vector<1x1x1024xf32>
      %reduce_sum3A_18 = arith.constant dense<0.000000e+00> : vector<1xf32>
      %reduce_sum3A_19 = vector.multi_reduction <add>, %reduce_sum3A_17, %reduce_sum3A_18 [1, 2] : vector<1x1x1024xf32> to vector<1xf32>
      %reduce_sum3A_20 = vector.shape_cast %reduce_sum3A_19 : vector<1xf32> to vector<1x1x1xf32>
      %reduce_sum3A_21 = vector.extract %reduce_sum3A_20[0, 0, 0] : f32 from vector<1x1x1xf32>
      %broadcast_in_dim3A_22 = vector.broadcast %reduce_sum3A_21 : f32 to vector<1x1xf32>
      %mul3A_23 = arith.constant -1.000020e-06 : f32
      %mul3A_24 = vector.broadcast %mul3A_23 : f32 to vector<1x1xf32>
      %mul3A_25 = arith.mulf %mul3A_24, %broadcast_in_dim3A_22 : vector<1x1xf32>
      %swap3A = arith.constant 0 : index
      %swap3A_26 = arith.constant 0 : index
      %swap3A_27 = arith.constant 0 : index
      %swap3A_28 = vector.load %arg3[%swap3A, %swap3A_26, %swap3A_27] : memref<1x1x1xf32, #tpu.memory_space<vmem>>, vector<1x1x1xf32>
      %swap3A_29 = vector.shape_cast %swap3A_28 : vector<1x1x1xf32> to vector<1x1xf32>
      %swap3A_30 = vector.shape_cast %mul3A_25 : vector<1x1xf32> to vector<1x1x1xf32>
      tpu.vector_store %arg3[%swap3A, %swap3A_26, %swap3A_27], %swap3A_30 {strides = array<i32>} : memref<1x1x1xf32, #tpu.memory_space<vmem>>, vector<1x1x1xf32>,
    } else {
    }
    return
  }
  func.func @transform_0(%arg0: i32) -> (i32, i32) {
    %c0_i32 = arith.constant 0 : i32
    %c0_i32_0 = arith.constant 0 : i32
    return %arg0, %c0_i32 : i32, i32
  }
  func.func @transform_1(%arg0: i32) -> (i32, i32) {
    %c0_i32 = arith.constant 0 : i32
    %c0_i32_0 = arith.constant 0 : i32
    %c0_i32_1 = arith.constant 0 : i32
    return %c0_i32, %c0_i32_0 : i32, i32
  }
  func.func @transform_2(%arg0: i32) -> (i32, i32, i32) {
    %c0_i32 = arith.constant 0 : i32
    %c0_i32_0 = arith.constant 0 : i32
    %c0_i32_1 = arith.constant 0 : i32
    return %arg0, %c0_i32, %c0_i32_0 : i32, i32, i32
  }
}

</mosaic_0001>

<sc_bundles>
// kernel: kernel.5.cloned.1.call-start
scs
__scs_entry_jumppad:
0x0: {  	(pc) =	sbr.rel $0x88, $3  }
0x1: {  	(tag) =	ssettag $0x0;
	lr =	simm.s32 $0x1  }
0x2: {  	[smem:$0x3F9F] =	sst lr;
	_ =	strace $0xD0000000  }
0x3: {  	_ = 	snop  }
0x4: {  	_ = 	snop  }
0x5: {  	_ = 	snop  }
0x6: {  	_ = 	snop  }
0x7: {  	_ = 	snop  }
__scs_overlays_trampoline_lowered:
0x8: {  	[smem:$0x3FAE] =	sst s0  }
0x9: {  	[smem:$0x3FAF] =	sst s1  }
0xa: {  	[smem:$0x3FB0] =	sst s2  }
0xb: {  	[smem:$0x3FB1] =	sst s3  }
0xc: {  	[smem:$0x3FB2] =	sst s4  }
0xd: {  	[smem:$0x3FB3] =	sst s5  }
0xe: {  	[smem:$0x3FB4] =	sst s6  }
0xf: {  	[smem:$0x3FB5] =	sst s7  }
0x10: {  	[smem:$0x3FB6] =	sst s8  }
0x11: {  	[smem:$0x3FB7] =	sst s9;
	s0 =	simm.s32 @!p0 $0x0  }
0x12: {  	s1 =	sld [smem:$0x3F9D];
	s0 =	simm.s32 @p0 $0x1  }
0x13: {  	[smem:$0x3FB8] =	sst s0;
	s0 =	simm.s32 @!p1 $0x0  }
0x14: {  	s2 =	sld [smem:$0x3F9C];
	s0 =	simm.s32 @p1 $0x1  }
0x15: {  	[smem:$0x3FB9] =	sst s0;
	s0 =	simm.s32 @!p2 $0x0  }
0x16: {  	s3 =	sld [smem:$0x3FDB];
	s0 =	simm.s32 @p2 $0x1  }
0x17: {  	s4 =	simm.s32 $0x1BF5;
	[smem:$0x3FBB] =	sst s0  }
0x18: {  	s0 =	sld [smem:$0x3F9E];
	_ =	swait.ge [sflag:s4], $0x0  }
0x19: {  	s7 =	sld [smem:$0x3F9F]  }
0x1a: {  	s8 =	sadd.s32 $0xFFFFE003, lr  }
0x1b: {  	s9 =	sadd.s32 $0xFFFFFEF7, lr;
	s5 =	simm.s32 $0xFFFFFFFF;
	p2 =	slt.u32 s8, $0xFFFFF086  }
0x1c: {  	p1 =	slt.u32 s9, $0xF7A;
	s5 =	simm.s32 @!p2 $0x0  }
0x1d: {  	s5 =	simm.s32 @p1 $0x1;
	p0 =	seq.s32 s7, s2  }
0x1e: {  	s7 =	smul.u32 @!p0 $0xF7A, s2;
	p2 =	seq.s32 @!p0 s5, $0x0  }
0x1f: {  	s9 =	smul.u32 $0xF7A, s1;
	s8 =	simm.s32 @!p0 $0x1BF5;
	p2 =	por !p2, p0  }
0x20: {  	[sflag:s8] =	ssyncset.s32 @!p0 $0xFFFFF086;
	s6 =	sadd.s32 @!p0 s3, s7;
	s7 =	simm.s32 @!p0 $0x108  }
0x21: {  	s3 =	sadd.s32 s3, s9;
	s6 =	sadd.s32 @!p0 $0x88, s6;
	s7 =	simm.s32 @p2 $0x1082  }
0x22: {  	[simem:s7], [sflag:s8] =	dma.local @!p0 [hbm:s6], $0xF7A  }
0x23: {  	s9 =	sor.u32 $0xD0000000, s2;
	s6 =	simm.s32 $0x108;
	_ =	swait.ge @!p0 [sflag:s8], $0x0  }
0x24: {  	s3 =	sadd.s32 $0x88, s3;
	s6 =	simm.s32 @!p1 $0x1082;
	[sflag:s4] =	ssyncset.s32 $0xFFFFF086  }
0x25: {  	[simem:s6], [sflag:s4] =	dma.local [hbm:s3], $0xF7A  }
0x26: {  	[smem:$0x3F9F] =	sst s1;
	(tag) =	ssettag s2;
	_ =	strace s9  }
0x27: {  	s1 =	sld [smem:$0x3FAF]  }
0x28: {  	s2 =	sld [smem:$0x3FB0]  }
0x29: {  	s4 =	sld [smem:$0x3FB2]  }
0x2a: {  	p0 =	seq.s32 s5, $0x0;
	s5 =	sld [smem:$0x3FB3]  }
0x2b: {  	s6 =	sld [smem:$0x3FB4]  }
0x2c: {  	s7 =	sld [smem:$0x3FB5]  }
0x2d: {  	s3 =	simm.s32 $0x108;
	s8 =	sld [smem:$0x3FB6]  }
0x2e: {  	s3 =	simm.s32 @!p0 $0x1082;
	s9 =	sld [smem:$0x3FB7]  }
0x2f: {  	lr =	sadd.s32 s0, s3;
	s0 =	sld [smem:$0x3FAE]  }
0x30: {  	s3 =	sld [smem:$0x3FB1]  }
0x31: {  	[smem:$0x3FBA] =	sst s10  }
0x32: {  	s10 =	sld [smem:$0x3FB8];
	_ =	sdelay $0x3  }
0x33: {  	p0 =	seq.s32 s10, $0x1;
	s10 =	sld [smem:$0x3FBA];
	_ =	sdelay $0x3  }
0x34: {  	[smem:$0x3FBA] =	sst s10  }
0x35: {  	s10 =	sld [smem:$0x3FB9];
	_ =	sdelay $0x3  }
0x36: {  	p1 =	seq.s32 s10, $0x1;
	s10 =	sld [smem:$0x3FBA];
	_ =	sdelay $0x3  }
0x37: {  	[smem:$0x3FBA] =	sst s10  }
0x38: {  	s10 =	sld [smem:$0x3FBB]  }
0x39: {  	_ = 	snop;
	(pc) =	sbr.ind lr, $3  }
0x3a: {  	_ = 	snop  }
0x3b: {  	_ = 	snop  }
0x3c: {  	p2 =	seq.s32 s10, $0x1;
	s10 =	sld [smem:$0x3FBA]  }
0x3d: {  	_ =	shalt  }
0x3e: {  	_ =	shalt  }
0x3f: {  	_ =	shalt  }
0x40: {  	_ =	shalt  }
0x41: {  	_ =	shalt  }
0x42: {  	_ =	shalt  }
0x43: {  	_ =	shalt  }
0x44: {  	_ =	shalt  }
0x45: {  	_ =	shalt  }
0x46: {  	_ =	shalt  }
0x47: {  	_ =	shalt  }
0x48: {  	_ =	shalt  }
0x49: {  	_ =	shalt  }
0x4a: {  	_ =	shalt  }
0x4b: {  	_ =	shalt  }
0x4c: {  	_ =	shalt  }
0x4d: {  	_ =	shalt  }
0x4e: {  	_ =	shalt  }
0x4f: {  	_ =	shalt  }
0x50: {  	_ =	shalt  }
0x51: {  	_ =	shalt  }
0x52: {  	_ =	shalt  }
0x53: {  	_ =	shalt  }
0x54: {  	_ =	shalt  }
0x55: {  	_ =	shalt  }
0x56: {  	_ =	shalt  }
0x57: {  	_ =	shalt  }
0x58: {  	_ =	shalt  }
0x59: {  	_ =	shalt  }
0x5a: {  	_ =	shalt  }
0x5b: {  	_ =	shalt  }
0x5c: {  	_ =	shalt  }
0x5d: {  	_ =	shalt  }
0x5e: {  	_ =	shalt  }
0x5f: {  	_ =	shalt  }
0x60: {  	_ =	shalt  }
0x61: {  	_ =	shalt  }
0x62: {  	_ =	shalt  }
0x63: {  	_ =	shalt  }
0x64: {  	_ =	shalt  }
0x65: {  	_ =	shalt  }
0x66: {  	_ =	shalt  }
0x67: {  	_ =	shalt  }
0x68: {  	_ =	shalt  }
0x69: {  	_ =	shalt  }
0x6a: {  	_ =	shalt  }
0x6b: {  	_ =	shalt  }
0x6c: {  	_ =	shalt  }
0x6d: {  	_ =	shalt  }
0x6e: {  	_ =	shalt  }
0x6f: {  	_ =	shalt  }
0x70: {  	_ =	shalt  }
0x71: {  	_ =	shalt  }
0x72: {  	_ =	shalt  }
0x73: {  	_ =	shalt  }
0x74: {  	_ =	shalt  }
0x75: {  	_ =	shalt  }
0x76: {  	_ =	shalt  }
0x77: {  	_ =	shalt  }
0x78: {  	_ =	shalt  }
0x79: {  	_ =	shalt  }
0x7a: {  	_ =	shalt  }
0x7b: {  	_ =	shalt  }
0x7c: {  	_ =	shalt  }
0x7d: {  	_ =	shalt  }
0x7e: {  	_ =	shalt  }
0x7f: {  	_ =	shalt  }
0x80: {  	_ =	shalt  }
0x81: {  	_ =	shalt  }
0x82: {  	_ =	shalt  }
0x83: {  	_ =	shalt  }
0x84: {  	_ =	shalt  }
0x85: {  	_ =	shalt  }
0x86: {  	_ =	shalt  }
0x87: {  	_ =	shalt  }
.Lfunc_end0:
.L_simem_size_0:
called_computation_lowered:
.L_overlay_start_0:
0x88: {  	s2 =	sld [smem:$0x3FD9]  }
0x89: {  	s3 =	sld [smem:$0x3FFE];
	_ =	sdelay $0x1  }
0x8a: {  	s1 =	srdreg.scid  }
0x8b: {  	s0 =	sand.u32 $0x1, s1  }
0x8c: {  	s17 =	sshll.u32 s0, $0xA;
	s2 =	sadd.s32 s3, s2  }
0x8d: {  	s2 =	sadd.s32 s2, s17  }
0x8e: {  	[smem:$0x3FC6] =	sst s2  }
0x8f: {  	_ = 	snop  }
0x90: {  	s2 =	sld [smem:$0x3FC9]  }
0x91: {  	s18 =	sld [smem:$0x3FC8];
	(tm) =	ssettm $0x1  }
0x92: {  	s4 =	sld [smem:$0x3FFB];
	_ =	sdelay $0x3  }
0x93: {  	_ =	strace s4  }
0x94: {  	s4 =	sld [smem:$0x3FFC];
	_ =	sdelay $0x3  }
0x95: {  	_ =	strace s4  }
0x96: {  	s4 =	sld [smem:$0x3FFD];
	_ =	sdelay $0x3  }
0x97: {  	_ =	strace s4  }
0x98: {  	_ =	strace $0x8FFFFFFF  }
0x99: {  	s19 =	sld [smem:$0x3FDB];
	_ =	sdelay $0x1  }
0x9a: {  	s5 =	simm.s32 $_scs_section_size  }
0x9b: {  	s6 =	simm.s32 $_size__tile_overlayer_lowered;
	s7 =	simm.s32 $_tile_overlayer_lowered  }
0x9c: {  	s22 =	simm.s32 $0x1BFF;
	s21 =	sshll.u32 s7, $0x1;
	s4 =	sadd.s32 s5, s19  }
0x9d: {  	s8 =	simm.s32 $0x0;
	s20 =	sshll.u32 s6, $0x1;
	s6 =	sadd.s32 s21, s4  }
0x9e: {  	[timem:s8], [sflag:s22] =	dma.local [hbm:s6], s20  }
0x9f: {  	_ =	swait.ge [sflag:s22], s20  }
0xa0: {  	s5 =	ssub.s32 $0x0, s20;
	[sflag:s22] =	ssyncset.done $0x0  }
0xa1: {  	[sflag:s22] =	ssyncadd.s32 s5;
	_ =	sdelay $0x1  }
0xa2: {  	s23 =	simm.s32 $0x1B8B  }
0xa3: {  	_ =	swait.ge [sflag:s23], $0x1  }
0xa4: {  	[sflag:s23] =	ssyncset.done $0x0  }
0xa5: {  	s25 =	simm.s32 $0x1B8E;
	s24 =	sld [smem:$0x3FFE];
	[sflag:s23] =	ssyncadd.s32 $0xFFFFFFFF  }
0xa6: {  	s26 =	simm.s32 $execute0_lowered;
	[smem:$0x3FD2] =	sst s25  }
0xa7: {  	s6 =	sshll.u32 s26, $0x1;
	_ =	strace $0x80000046;
	[dreg:$0x1] =	wrdreg $0xFFFFFFFF  }
0xa8: {  	s28 =	simm.s32 $_size_execute0_lowered;
	s4 =	sadd.s32 s4, s6;
	[dreg:$0x0] =	wrdreg $0x0  }
0xa9: {  	s6 =	sshll.u32 s28, $0x1;
	[dreg:$0x2] =	wrdreg s4  }
0xaa: {  	[dreg:$0x3] =	wrdreg s6  }
0xab: {  	[dreg:$0x4] =	wrdreg $0xC0  }
0xac: {  	_ =	task [dreg:s8], $0x5FFFF  }
0xad: {  	[dreg:$0x1] =	wrdreg $0xFFFFFFFF  }
0xae: {  	[dreg:$0x0] =	wrdreg $0x60  }
0xaf: {  	[dreg:$0x2] =	wrdreg s2  }
0xb0: {  	[dreg:$0x3] =	wrdreg s18  }
0xb1: {  	[dreg:$0x4] =	wrdreg s24  }
0xb2: {  	[dreg:$0x5] =	wrdreg $0x9  }
0xb3: {  	_ =	task.clear_ibuf [dreg:s8], $0x6FFFF;
	_ =	strace $0x90000046  }
0xb4: {  	s29 =	simm.s32 $0x9;
	_ =	strace $0x80000048  }
0xb5: {  	_ =	swait.ge [sflag:s29], $0x1  }
0xb6: {  	[sflag:s29] =	ssyncadd.s32 $0xFFFFFFFF  }
0xb7: {  	_ =	strace $0x90000048  }
0xb8: {  	_ =	sfence  }
0xb9: {  	s30 =	sld [smem:$0x0];
	_ =	sdelay $0x2  }
0xba: {  	s31 =	sshll.u32 s1, $0xD;
	s1 =	sshrl.u32 s1, $0x2  }
0xbb: {  	s3 =	sand.u32 $0x4000, s31;
	s1 =	sadd.s32 s1, s30  }
0xbc: {  	s0 =	sor.u32 s3, s0;
	s1 =	sshll.u32 s1, $0x11  }
0xbd: {  	s0 =	sor.u32 s1, s0  }
0xbe: {  	s0 =	sadd.s32 $0x8F2B, s0  }
0xbf: {  	[sflag:s0] =	ssyncadd.remote.s32 $0x1  }
0xc0: {  	_ =	sfence.sel $0xFFFF  }
0xc1: {  	[dreg:$0x0] =	wrdreg $0xFFFFFFFF;
	(pc) =	sbr.abs _section_cstart, $3  }
0xc2: {  	[dreg:$0x1] =	wrdreg $0xFFFFFFFF  }
0xc3: {  	_ =	task.clear_ibuf [dreg:s8], $0x2FFFF;
	_ =	strace $0x9FFFFFFF  }
0xc4: {  	(tm) =	ssettm $0x7FFFFFFF  }
0xc5: {  	_ =	shalt  }
tec
execute0_lowered:
.L_overlay_start_1:
0x0: {  	(tag) =	ssettag $0x1  }
0x1: {  	s1 =	rddreg [dreg:$0x0]  }
0x2: {  	s4 =	rddreg [dreg:$0x1]  }
0x3: {  	s5 =	rddreg [dreg:$0x2];
	s3 =	simm.s32 $0x0  }
0x4: {  	s21 =	simm.s32 $0x80;
	[smem:$0x7FF] =	sst s3  }
0x5: {  	s22 =	simm.s32 $0x480;
	_ =	strace $0x80000047;
	[dreg:$0x6] =	wrdreg s21  }
0x6: {  	s23 =	simm.s32 $0x880;
	[dreg:$0x7] =	wrdreg s22  }
0x7: {  	s24 =	simm.s32 $0xC80;
	[dreg:$0x8] =	wrdreg s23  }
0x8: {  	s25 =	simm.s32 $0x1080;
	[dreg:$0x9] =	wrdreg s24  }
0x9: {  	s26 =	simm.s32 $0x1480;
	[dreg:$0xa] =	wrdreg s25  }
0xa: {  	s28 =	simm.s32 $0x1880;
	[dreg:$0xb] =	wrdreg s26  }
0xb: {  	s29 =	simm.s32 $0x1C80;
	[dreg:$0xc] =	wrdreg s28  }
0xc: {  	s30 =	simm.s32 $0x2080;
	[dreg:$0xd] =	wrdreg s29  }
0xd: {  	s31 =	simm.s32 $0x2480;
	[dreg:$0xe] =	wrdreg s30  }
0xe: {  	s9 =	simm.s32 $0x3480;
	[dreg:$0xf] =	wrdreg s31  }
0xf: {  	s10 =	simm.s32 $0x3880;
	[dreg:$0x13] =	wrdreg s9  }
0x10: {  	s11 =	simm.s32 $0x3C80;
	[dreg:$0x14] =	wrdreg s10  }
0x11: {  	s12 =	simm.s32 $0x4080;
	[dreg:$0x15] =	wrdreg s11  }
0x12: {  	s13 =	simm.s32 $0x4480;
	[dreg:$0x16] =	wrdreg s12  }
0x13: {  	s14 =	simm.s32 $0x4880;
	[dreg:$0x17] =	wrdreg s13  }
0x14: {  	s15 =	simm.s32 $0x4C80;
	[dreg:$0x18] =	wrdreg s14  }
0x15: {  	s16 =	simm.s32 $0x5080;
	[dreg:$0x19] =	wrdreg s15  }
0x16: {  	s17 =	simm.s32 $0x5480;
	[dreg:$0x1a] =	wrdreg s16  }
0x17: {  	s0 =	srdreg.scid;
	s18 =	simm.s32 $0x5880;
	[dreg:$0x1b] =	wrdreg s17  }
0x18: {  	s8 =	stileid.u32;
	[dreg:$0x1c] =	wrdreg s18;
	s21 =	simm.s32 $0x6480  }
0x19: {  	s2 =	sand.u32 $0x1, s0;
	s23 =	simm.s32 $0x6880;
	[dreg:$0x1f] =	wrdreg s21  }
0x1a: {  	s19 =	sshll.u32 s8, $0x6;
	s24 =	simm.s32 $0x6C80;
	[smem:$0x7F7] =	sst s23  }
0x1b: {  	s6 =	sshll.u32 s2, $0x5;
	s25 =	simm.s32 $0x7080;
	[smem:$0x7F8] =	sst s24  }
0x1c: {  	s2 =	ssub.s32 $0x2, s2;
	s28 =	simm.s32 $0x7480;
	[smem:$0x7F9] =	sst s25  }
0x1d: {  	s26 =	sshll.u32 s8, $0x9;
	s29 =	simm.s32 $0x7880;
	[smem:$0x7FA] =	sst s28  }
0x1e: {  	s30 =	simm.s32 $0x7C80;
	s31 =	simm.s32 $0x8080;
	[smem:$0x7FB] =	sst s29  }
0x1f: {  	s0 =	sor.u32 s6, s19;
	s19 =	simm.s32 $0x5C80;
	[smem:$0x7FC] =	sst s30  }
0x20: {  	s22 =	sshrl.u32 s2, $0x1;
	[smem:$0x7FD] =	sst s31;
	s7 =	sshrl.u32 s0, $0x3  }
0x21: {  	s6 =	sshll.u32 s0, $0x4;
	[dreg:$0x1d] =	wrdreg s19;
	s4 =	sadd.s32 s4, s7  }
0x22: {  	s5 =	sadd.s32 s6, s5;
	s6 =	simm.s32 $0x2C80;
	[dreg:$0x4] =	wrdreg s4  }
0x23: {  	s2 =	ssub.s32 s2, s22;
	s7 =	simm.s32 $0x3080;
	[dreg:$0x11] =	wrdreg s6  }
0x24: {  	s0 =	sand.u32 $0x60, s0;
	s20 =	sadd.s32 $0x400, s5;
	[dreg:$0x12] =	wrdreg s7  }
0x25: {  	s0 =	sor.u32 $0x80, s0;
	s5 =	simm.s32 $0x2880;
	[dreg:$0x5] =	wrdreg s20  }
0x26: {  	s14 =	smax.u32 s2, $0x1;
	[dreg:$0x10] =	wrdreg s5;
	s20 =	simm.s32 $0x6080  }
0x27: {  	s4 =	sand.u32 $0x1C00, s26;
	s7 =	simm.s32 $0x1;
	v0 =	vmov s0;
	[dreg:$0x1e] =	wrdreg s20  }
.LBB2_1:
0x28: {  	s0 =	rddreg [dreg:$0x4];
	s31 =	simm.s32 $0x2  }
0x29: {  	[tilespmem:s3], [sflag:$0x2] =	stream.linear.gather [hbm4b:s0+s3], $0x20, $0x38;
	[tilespmem:$0x9080] =	vst v63  }
0x2a: {  	_ =	swait.ge [sflag:s31], $0x20  }
0x2b: {  	[sflag:s31] =	ssyncset.done $0x0  }
0x2c: {  	[sflag:s31] =	ssyncadd.s32 $0xFFFFFFE0  }
0x2d: {  	v1 =	vld [tilespmem:$0x0];
	_ =	sdelay $0x4  }
0x2e: {  	(v2sf) =	vpush v1, $0x0;
	_ =	sdelay $0x4  }
0x2f: {  	(v2sf) =	vpush v1, $0x1;
	_ =	sdelay $0x5  }
0x30: {  	(v2sf) =	vpush v1, $0x2;
	_ =	sdelay $0x3  }
0x31: {  	s2 =	spop (v2sf)  }
0x32: {  	s0 =	sshll.u32 s2, $0xA  }
0x33: {  	(v2sf) =	vpush v1, $0x3;
	s0 =	sand.u32 $0x7FFFE000, s0  }
0x34: {  	s0 =	sor.u32 s4, s0  }
0x35: {  	[smem:$0x7EF] =	sst s2;
	s0 =	sshrl.u32 s0, $0x3  }
0x36: {  	s2 =	rddreg [dreg:$0x6];
	s5 =	spop (v2sf);
	s0 =	sadd.s32 s1, s0  }
0x37: {  	[tilespmem:s2], [sflag:$0x1] =	stream.linear.gather [hbm4b:s0+s3], $0x400, $0x38;
	[tilespmem:$0x9080] =	vst v63  }
0x38: {  	s0 =	sshll.u32 s5, $0xA  }
0x39: {  	(v2sf) =	vpush v1, $0x4;
	s0 =	sand.u32 $0x7FFFE000, s0  }
0x3a: {  	s0 =	sor.u32 s4, s0  }
0x3b: {  	s0 =	sshrl.u32 s0, $0x3  }
0x3c: {  	s6 =	rddreg [dreg:$0x7];
	s8 =	spop (v2sf);
	s0 =	sadd.s32 s1, s0  }
0x3d: {  	[tilespmem:s6], [sflag:$0x1] =	stream.linear.gather [hbm4b:s0+s3], $0x400, $0x38;
	[tilespmem:$0x9080] =	vst v63  }
0x3e: {  	s0 =	sshll.u32 s8, $0xA  }
0x3f: {  	(v2sf) =	vpush v1, $0x5;
	s0 =	sand.u32 $0x7FFFE000, s0  }
0x40: {  	s0 =	sor.u32 s4, s0  }
0x41: {  	s0 =	sshrl.u32 s0, $0x3  }
0x42: {  	s9 =	rddreg [dreg:$0x8];
	s0 =	sadd.s32 s1, s0;
	s10 =	spop (v2sf)  }
0x43: {  	[tilespmem:s9], [sflag:$0x1] =	stream.linear.gather [hbm4b:s0+s3], $0x400, $0x38;
	[tilespmem:$0x9080] =	vst v63  }
0x44: {  	s0 =	sshll.u32 s10, $0xA  }
0x45: {  	(v2sf) =	vpush v1, $0x6;
	s0 =	sand.u32 $0x7FFFE000, s0  }
0x46: {  	s0 =	sor.u32 s4, s0  }
0x47: {  	s0 =	sshrl.u32 s0, $0x3  }
0x48: {  	s11 =	rddreg [dreg:$0x9];
	s12 =	spop (v2sf);
	s0 =	sadd.s32 s1, s0  }
0x49: {  	[tilespmem:s11], [sflag:$0x1] =	stream.linear.gather [hbm4b:s0+s3], $0x400, $0x38;
	[tilespmem:$0x9080] =	vst v63  }
0x4a: {  	s0 =	sshll.u32 s12, $0xA  }
0x4b: {  	(v2sf) =	vpush v1, $0x7;
	s0 =	sand.u32 $0x7FFFE000, s0  }
0x4c: {  	s0 =	sor.u32 s4, s0  }
0x4d: {  	s0 =	sshrl.u32 s0, $0x3  }
0x4e: {  	s13 =	rddreg [dreg:$0xa];
	s15 =	spop (v2sf);
	s0 =	sadd.s32 s1, s0  }
0x4f: {  	[tilespmem:s13], [sflag:$0x1] =	stream.linear.gather [hbm4b:s0+s3], $0x400, $0x38;
	[tilespmem:$0x9080] =	vst v63  }
0x50: {  	(v2sf) =	vpush v1, $0x8;
	s0 =	sshll.u32 s15, $0xA  }
0x51: {  	s0 =	sand.u32 $0x7FFFE000, s0  }
0x52: {  	s0 =	sor.u32 s4, s0  }
0x53: {  	s0 =	sshrl.u32 s0, $0x3  }
0x54: {  	s16 =	rddreg [dreg:$0xb];
	s0 =	sadd.s32 s1, s0;
	s17 =	spop (v2sf)  }
0x55: {  	[tilespmem:s16], [sflag:$0x1] =	stream.linear.gather [hbm4b:s0+s3], $0x400, $0x38;
	[tilespmem:$0x9080] =	vst v63  }
0x56: {  	s0 =	sshll.u32 s17, $0xA  }
0x57: {  	s0 =	sand.u32 $0x7FFFE000, s0  }
0x58: {  	(v2sf) =	vpush v1, $0x9;
	s0 =	sor.u32 s4, s0  }
0x59: {  	s0 =	sshrl.u32 s0, $0x3  }
0x5a: {  	s18 =	rddreg [dreg:$0xc];
	s19 =	spop (v2sf);
	s0 =	sadd.s32 s1, s0  }
0x5b: {  	[tilespmem:s18], [sflag:$0x1] =	stream.linear.gather [hbm4b:s0+s3], $0x400, $0x38;
	[tilespmem:$0x9080] =	vst v63  }
0x5c: {  	(v2sf) =	vpush v1, $0xA;
	s0 =	sshll.u32 s19, $0xA  }
0x5d: {  	s0 =	sand.u32 $0x7FFFE000, s0  }
0x5e: {  	s0 =	sor.u32 s4, s0  }
0x5f: {  	s16 =	spop (v2sf);
	s0 =	sshrl.u32 s0, $0x3  }
0x60: {  	s20 =	rddreg [dreg:$0xd];
	s21 =	sshll.u32 s16, $0xA;
	s0 =	sadd.s32 s1, s0  }
0x61: {  	(v2sf) =	vpush v1, $0xB;
	[tilespmem:s20], [sflag:$0x1] =	stream.linear.gather [hbm4b:s0+s3], $0x400, $0x38;
	[tilespmem:$0x9080] =	vst v63  }
0x62: {  	s0 =	sand.u32 $0x7FFFE000, s21  }
0x63: {  	s0 =	sor.u32 s4, s0  }
0x64: {  	s0 =	sshrl.u32 s0, $0x3  }
0x65: {  	s22 =	rddreg [dreg:$0xe];
	s0 =	sadd.s32 s1, s0  }
0x66: {  	[tilespmem:s22], [sflag:$0x1] =	stream.linear.gather [hbm4b:s0+s3], $0x400, $0x38;
	[tilespmem:$0x9080] =	vst v63  }
0x67: {  	[smem:$0x7F5] =	sst s17;
	s17 =	spop (v2sf)  }
0x68: {  	s23 =	sshll.u32 s17, $0xA  }
0x69: {  	(v2sf) =	vpush v1, $0xC;
	s0 =	sand.u32 $0x7FFFE000, s23  }
0x6a: {  	s0 =	sor.u32 s4, s0  }
0x6b: {  	s18 =	spop (v2sf);
	s0 =	sshrl.u32 s0, $0x3  }
0x6c: {  	s24 =	rddreg [dreg:$0xf];
	s25 =	sshll.u32 s18, $0xA;
	s0 =	sadd.s32 s1, s0  }
0x6d: {  	(v2sf) =	vpush v1, $0xD;
	[tilespmem:s24], [sflag:$0x1] =	stream.linear.gather [hbm4b:s0+s3], $0x400, $0x38;
	[tilespmem:$0x9080] =	vst v63  }
0x6e: {  	s0 =	sand.u32 $0x7FFFE000, s25  }
0x6f: {  	s0 =	sor.u32 s4, s0  }
0x70: {  	[smem:$0x7F6] =	sst s19;
	s19 =	spop (v2sf);
	s0 =	sshrl.u32 s0, $0x3  }
0x71: {  	s26 =	rddreg [dreg:$0x10];
	s28 =	sshll.u32 s19, $0xA;
	s0 =	sadd.s32 s1, s0  }
0x72: {  	(v2sf) =	vpush v1, $0xE;
	[tilespmem:s26], [sflag:$0x1] =	stream.linear.gather [hbm4b:s0+s3], $0x400, $0x38;
	[tilespmem:$0x9080] =	vst v63  }
0x73: {  	s0 =	sand.u32 $0x7FFFE000, s28  }
0x74: {  	s0 =	sor.u32 s4, s0  }
0x75: {  	s0 =	sshrl.u32 s0, $0x3  }
0x76: {  	s29 =	rddreg [dreg:$0x11];
	s0 =	sadd.s32 s1, s0  }
0x77: {  	[tilespmem:s29], [sflag:$0x1] =	stream.linear.gather [hbm4b:s0+s3], $0x400, $0x38;
	[tilespmem:$0x9080] =	vst v63  }
0x78: {  	s20 =	spop (v2sf)  }
0x79: {  	s30 =	sshll.u32 s20, $0xA  }
0x7a: {  	(v2sf) =	vpush v1, $0xF;
	s0 =	sand.u32 $0x7FFFE000, s30  }
0x7b: {  	s0 =	sor.u32 s4, s0  }
0x7c: {  	s31 =	rddreg [dreg:$0x12];
	s21 =	spop (v2sf);
	s0 =	sshrl.u32 s0, $0x3  }
0x7d: {  	[smem:$0x7F0] =	sst s5;
	s5 =	sshll.u32 s21, $0xA;
	s0 =	sadd.s32 s1, s0  }
0x7e: {  	[tilespmem:s31], [sflag:$0x1] =	stream.linear.gather [hbm4b:s0+s3], $0x400, $0x38;
	[tilespmem:$0x9080] =	vst v63  }
0x7f: {  	s0 =	sand.u32 $0x7FFFE000, s5  }
0x80: {  	s0 =	sor.u32 s4, s0  }
0x81: {  	[smem:$0x7F1] =	sst s8;
	s22 =	spop (v2sf);
	s0 =	sshrl.u32 s0, $0x3  }
0x82: {  	s6 =	rddreg [dreg:$0x13];
	s8 =	sshll.u32 s22, $0xA;
	s0 =	sadd.s32 s1, s0  }
0x83: {  	[tilespmem:s6], [sflag:$0x1] =	stream.linear.gather [hbm4b:s0+s3], $0x400, $0x38;
	[tilespmem:$0x9080] =	vst v63  }
0x84: {  	s0 =	sand.u32 $0x7FFFE000, s8  }
0x85: {  	s0 =	sor.u32 s4, s0  }
0x86: {  	s0 =	sshrl.u32 s0, $0x3  }
0x87: {  	s9 =	rddreg [dreg:$0x14];
	s0 =	sadd.s32 s1, s0  }
0x88: {  	[tilespmem:s9], [sflag:$0x1] =	stream.linear.gather [hbm4b:s0+s3], $0x400, $0x38;
	[tilespmem:$0x9080] =	vst v63  }
0x89: {  	s23 =	spop (v2sf)  }
0x8a: {  	[smem:$0x7F2] =	sst s10;
	s10 =	sshll.u32 s23, $0xA  }
0x8b: {  	s0 =	sand.u32 $0x7FFFE000, s10  }
0x8c: {  	s0 =	sor.u32 s4, s0  }
0x8d: {  	s0 =	sshrl.u32 s0, $0x3  }
0x8e: {  	s11 =	rddreg [dreg:$0x15];
	s0 =	sadd.s32 s1, s0  }
0x8f: {  	[tilespmem:s11], [sflag:$0x1] =	stream.linear.gather [hbm4b:s0+s3], $0x400, $0x38;
	[tilespmem:$0x9080] =	vst v63  }
0x90: {  	v1 =	vld [tilespmem:$0x10];
	_ =	sdelay $0x4  }
0x91: {  	(v2sf) =	vpush v1, $0x0;
	_ =	sdelay $0x3  }
0x92: {  	(v2sf) =	vpush v1, $0x1;
	_ =	sdelay $0x7  }
0x93: {  	(v2sf) =	vpush v1, $0x2;
	_ =	sdelay $0x2  }
0x94: {  	s24 =	spop (v2sf)  }
0x95: {  	[smem:$0x7F3] =	sst s12;
	s12 =	sshll.u32 s24, $0xA  }
0x96: {  	(v2sf) =	vpush v1, $0x3;
	s0 =	sand.u32 $0x7FFFE000, s12  }
0x97: {  	s0 =	sor.u32 s4, s0  }
0x98: {  	[smem:$0x7F4] =	sst s15;
	s25 =	spop (v2sf);
	s0 =	sshrl.u32 s0, $0x3  }
0x99: {  	s13 =	rddreg [dreg:$0x16];
	s15 =	sshll.u32 s25, $0xA;
	s0 =	sadd.s32 s1, s0  }
0x9a: {  	[tilespmem:s13], [sflag:$0x1] =	stream.linear.gather [hbm4b:s0+s3], $0x400, $0x38;
	[tilespmem:$0x9080] =	vst v63  }
0x9b: {  	(v2sf) =	vpush v1, $0x4;
	s0 =	sand.u32 $0x7FFFE000, s15  }
0x9c: {  	s0 =	sor.u32 s4, s0  }
0x9d: {  	s0 =	sshrl.u32 s0, $0x3  }
0x9e: {  	s26 =	rddreg [dreg:$0x17];
	s0 =	sadd.s32 s1, s0  }
0x9f: {  	[tilespmem:s26], [sflag:$0x1] =	stream.linear.gather [hbm4b:s0+s3], $0x400, $0x38;
	[tilespmem:$0x9080] =	vst v63  }
0xa0: {  	s26 =	spop (v2sf)  }
0xa1: {  	s28 =	sshll.u32 s26, $0xA  }
0xa2: {  	s0 =	sand.u32 $0x7FFFE000, s28  }
0xa3: {  	(v2sf) =	vpush v1, $0x5;
	s0 =	sor.u32 s4, s0  }
0xa4: {  	s0 =	sshrl.u32 s0, $0x3  }
0xa5: {  	s29 =	rddreg [dreg:$0x18];
	s0 =	sadd.s32 s1, s0;
	s28 =	spop (v2sf)  }
0xa6: {  	[tilespmem:s29], [sflag:$0x1] =	stream.linear.gather [hbm4b:s0+s3], $0x400, $0x38;
	[tilespmem:$0x9080] =	vst v63  }
0xa7: {  	s30 =	sshll.u32 s28, $0xA  }
0xa8: {  	(v2sf) =	vpush v1, $0x6;
	s0 =	sand.u32 $0x7FFFE000, s30  }
0xa9: {  	s0 =	sor.u32 s4, s0  }
0xaa: {  	s29 =	spop (v2sf);
	s0 =	sshrl.u32 s0, $0x3  }
0xab: {  	s31 =	rddreg [dreg:$0x19];
	s5 =	sshll.u32 s29, $0xA;
	s0 =	sadd.s32 s1, s0  }
0xac: {  	[tilespmem:s31], [sflag:$0x1] =	stream.linear.gather [hbm4b:s0+s3], $0x400, $0x38;
	[tilespmem:$0x9080] =	vst v63  }
0xad: {  	(v2sf) =	vpush v1, $0x7;
	s0 =	sand.u32 $0x7FFFE000, s5  }
0xae: {  	s0 =	sor.u32 s4, s0  }
0xaf: {  	s0 =	sshrl.u32 s0, $0x3  }
0xb0: {  	s6 =	rddreg [dreg:$0x1a];
	s0 =	sadd.s32 s1, s0  }
0xb1: {  	[tilespmem:s6], [sflag:$0x1] =	stream.linear.gather [hbm4b:s0+s3], $0x400, $0x38;
	[tilespmem:$0x9080] =	vst v63  }
0xb2: {  	s30 =	spop (v2sf)  }
0xb3: {  	s8 =	sshll.u32 s30, $0xA  }
0xb4: {  	s0 =	sand.u32 $0x7FFFE000, s8  }
0xb5: {  	(v2sf) =	vpush v1, $0x8;
	s0 =	sor.u32 s4, s0  }
0xb6: {  	s0 =	sshrl.u32 s0, $0x3  }
0xb7: {  	s9 =	rddreg [dreg:$0x1b];
	s0 =	sadd.s32 s1, s0;
	s31 =	spop (v2sf)  }
0xb8: {  	[tilespmem:s9], [sflag:$0x1] =	stream.linear.gather [hbm4b:s0+s3], $0x400, $0x38;
	[tilespmem:$0x9080] =	vst v63  }
0xb9: {  	s10 =	sshll.u32 s31, $0xA  }
0xba: {  	(v2sf) =	vpush v1, $0x9;
	s0 =	sand.u32 $0x7FFFE000, s10  }
0xbb: {  	s0 =	sor.u32 s4, s0  }
0xbc: {  	s15 =	spop (v2sf);
	s0 =	sshrl.u32 s0, $0x3  }
0xbd: {  	s11 =	rddreg [dreg:$0x1c];
	s12 =	sshll.u32 s15, $0xA;
	s0 =	sadd.s32 s1, s0  }
0xbe: {  	[tilespmem:s11], [sflag:$0x1] =	stream.linear.gather [hbm4b:s0+s3], $0x400, $0x38;
	[tilespmem:$0x9080] =	vst v63  }
0xbf: {  	(v2sf) =	vpush v1, $0xA;
	s0 =	sand.u32 $0x7FFFE000, s12  }
0xc0: {  	s0 =	sor.u32 s4, s0  }
0xc1: {  	s0 =	sshrl.u32 s0, $0x3  }
0xc2: {  	s13 =	rddreg [dreg:$0x1d];
	s0 =	sadd.s32 s1, s0  }
0xc3: {  	[tilespmem:s13], [sflag:$0x1] =	stream.linear.gather [hbm4b:s0+s3], $0x400, $0x38;
	[tilespmem:$0x9080] =	vst v63  }
0xc4: {  	s13 =	spop (v2sf)  }
0xc5: {  	s2 =	sshll.u32 s13, $0xA  }
0xc6: {  	s0 =	sand.u32 $0x7FFFE000, s2  }
0xc7: {  	(v2sf) =	vpush v1, $0xB;
	s0 =	sor.u32 s4, s0  }
0xc8: {  	s0 =	sshrl.u32 s0, $0x3  }
0xc9: {  	s5 =	rddreg [dreg:$0x1e];
	s0 =	sadd.s32 s1, s0;
	s12 =	spop (v2sf)  }
0xca: {  	[tilespmem:s5], [sflag:$0x1] =	stream.linear.gather [hbm4b:s0+s3], $0x400, $0x38;
	[tilespmem:$0x9080] =	vst v63  }
0xcb: {  	s6 =	sshll.u32 s12, $0xA  }
0xcc: {  	(v2sf) =	vpush v1, $0xC;
	s0 =	sand.u32 $0x7FFFE000, s6  }
0xcd: {  	s0 =	sor.u32 s4, s0  }
0xce: {  	s11 =	spop (v2sf);
	s0 =	sshrl.u32 s0, $0x3  }
0xcf: {  	s8 =	rddreg [dreg:$0x1f];
	s9 =	sshll.u32 s11, $0xA;
	s0 =	sadd.s32 s1, s0  }
0xd0: {  	[tilespmem:s8], [sflag:$0x1] =	stream.linear.gather [hbm4b:s0+s3], $0x400, $0x38;
	[tilespmem:$0x9080] =	vst v63  }
0xd1: {  	s0 =	sand.u32 $0x7FFFE000, s9  }
0xd2: {  	s10 =	sld [smem:$0x7F7];
	s0 =	sor.u32 s4, s0  }
0xd3: {  	s0 =	sshrl.u32 s0, $0x3  }
0xd4: {  	(v2sf) =	vpush v1, $0xD;
	s0 =	sadd.s32 s1, s0  }
0xd5: {  	[tilespmem:s10], [sflag:$0x1] =	stream.linear.gather [hbm4b:s0+s3], $0x400, $0x38;
	[tilespmem:$0x9080] =	vst v63  }
0xd6: {  	s10 =	spop (v2sf)  }
0xd7: {  	s2 =	sshll.u32 s10, $0xA  }
0xd8: {  	s0 =	sand.u32 $0x7FFFE000, s2  }
0xd9: {  	s5 =	sld [smem:$0x7F8];
	s0 =	sor.u32 s4, s0  }
0xda: {  	s0 =	sshrl.u32 s0, $0x3  }
0xdb: {  	(v2sf) =	vpush v1, $0xE;
	s0 =	sadd.s32 s1, s0;
	s9 =	spop (v2sf)  }
0xdc: {  	[tilespmem:s5], [sflag:$0x1] =	stream.linear.gather [hbm4b:s0+s3], $0x400, $0x38;
	[tilespmem:$0x9080] =	vst v63  }
0xdd: {  	s6 =	sshll.u32 s9, $0xA  }
0xde: {  	s0 =	sand.u32 $0x7FFFE000, s6  }
0xdf: {  	s8 =	sld [smem:$0x7F9];
	s0 =	sor.u32 s4, s0  }
0xe0: {  	(v2sf) =	vpush v1, $0xF;
	s0 =	sshrl.u32 s0, $0x3  }
0xe1: {  	s0 =	sadd.s32 s1, s0  }
0xe2: {  	[tilespmem:s8], [sflag:$0x1] =	stream.linear.gather [hbm4b:s0+s3], $0x400, $0x38;
	[tilespmem:$0x9080] =	vst v63  }
0xe3: {  	s8 =	spop (v2sf)  }
0xe4: {  	s5 =	sshll.u32 s8, $0xA  }
0xe5: {  	s0 =	sand.u32 $0x7FFFE000, s5  }
0xe6: {  	s6 =	sld [smem:$0x7FA];
	s0 =	sor.u32 s4, s0  }
0xe7: {  	s0 =	sshrl.u32 s0, $0x3  }
0xe8: {  	s0 =	sadd.s32 s1, s0  }
0xe9: {  	[tilespmem:s6], [sflag:$0x1] =	stream.linear.gather [hbm4b:s0+s3], $0x400, $0x38;
	[tilespmem:$0x9080] =	vst v63  }
0xea: {  	s6 =	spop (v2sf)  }
0xeb: {  	s5 =	sshll.u32 s6, $0xA  }
0xec: {  	s0 =	sand.u32 $0x7FFFE000, s5  }
0xed: {  	s5 =	sld [smem:$0x7FB];
	s0 =	sor.u32 s4, s0  }
0xee: {  	s0 =	sshrl.u32 s0, $0x3  }
0xef: {  	s2 =	spop (v2sf);
	s0 =	sadd.s32 s1, s0  }
0xf0: {  	[tilespmem:s5], [sflag:$0x1] =	stream.linear.gather [hbm4b:s0+s3], $0x400, $0x38;
	[tilespmem:$0x9080] =	vst v63  }
0xf1: {  	s0 =	sshll.u32 s2, $0xA  }
0xf2: {  	s5 =	sand.u32 $0x7FFFE000, s0  }
0xf3: {  	s0 =	sld [smem:$0x7FC];
	s5 =	sor.u32 s4, s5  }
0xf4: {  	s5 =	sshrl.u32 s5, $0x3  }
0xf5: {  	s5 =	sadd.s32 s1, s5  }
0xf6: {  	[tilespmem:s0], [sflag:$0x1] =	stream.linear.gather [hbm4b:s5+s3], $0x400, $0x38;
	[tilespmem:$0x9080] =	vst v63  }
0xf7: {  	_ =	swait.ge [sflag:s7], $0x400  }
0xf8: {  	[sflag:s7] =	ssyncset.done $0x0  }
0xf9: {  	[sflag:s7] =	ssyncadd.s32 $0xFFFFFC00  }
0xfa: {  	_ =	swait.ge [sflag:s7], $0x400  }
0xfb: {  	[sflag:s7] =	ssyncset.done $0x0  }
0xfc: {  	[sflag:s7] =	ssyncadd.s32 $0xFFFFFC00  }
0xfd: {  	_ =	swait.ge [sflag:s7], $0x400  }
0xfe: {  	[sflag:s7] =	ssyncset.done $0x0  }
0xff: {  	[sflag:s7] =	ssyncadd.s32 $0xFFFFFC00  }
0x100: {  	_ =	swait.ge [sflag:s7], $0x400  }
0x101: {  	[sflag:s7] =	ssyncset.done $0x0  }
0x102: {  	[sflag:s7] =	ssyncadd.s32 $0xFFFFFC00  }
0x103: {  	_ =	swait.ge [sflag:s7], $0x400  }
0x104: {  	[sflag:s7] =	ssyncset.done $0x0  }
0x105: {  	[sflag:s7] =	ssyncadd.s32 $0xFFFFFC00  }
0x106: {  	_ =	swait.ge [sflag:s7], $0x400  }
0x107: {  	[sflag:s7] =	ssyncset.done $0x0  }
0x108: {  	[sflag:s7] =	ssyncadd.s32 $0xFFFFFC00  }
0x109: {  	_ =	swait.ge [sflag:s7], $0x400  }
0x10a: {  	[sflag:s7] =	ssyncset.done $0x0  }
0x10b: {  	[sflag:s7] =	ssyncadd.s32 $0xFFFFFC00  }
0x10c: {  	_ =	swait.ge [sflag:s7], $0x400  }
0x10d: {  	[sflag:s7] =	ssyncset.done $0x0  }
0x10e: {  	[sflag:s7] =	ssyncadd.s32 $0xFFFFFC00  }
0x10f: {  	_ =	swait.ge [sflag:s7], $0x400  }
0x110: {  	[sflag:s7] =	ssyncset.done $0x0  }
0x111: {  	[sflag:s7] =	ssyncadd.s32 $0xFFFFFC00  }
0x112: {  	_ =	swait.ge [sflag:s7], $0x400  }
0x113: {  	[sflag:s7] =	ssyncset.done $0x0  }
0x114: {  	[sflag:s7] =	ssyncadd.s32 $0xFFFFFC00  }
0x115: {  	_ =	swait.ge [sflag:s7], $0x400  }
0x116: {  	[sflag:s7] =	ssyncset.done $0x0  }
0x117: {  	[sflag:s7] =	ssyncadd.s32 $0xFFFFFC00  }
0x118: {  	_ =	swait.ge [sflag:s7], $0x400  }
0x119: {  	[sflag:s7] =	ssyncset.done $0x0  }
0x11a: {  	[sflag:s7] =	ssyncadd.s32 $0xFFFFFC00  }
0x11b: {  	_ =	swait.ge [sflag:s7], $0x400  }
0x11c: {  	[sflag:s7] =	ssyncset.done $0x0  }
0x11d: {  	[sflag:s7] =	ssyncadd.s32 $0xFFFFFC00  }
0x11e: {  	_ =	swait.ge [sflag:s7], $0x400  }
0x11f: {  	[sflag:s7] =	ssyncset.done $0x0  }
0x120: {  	[sflag:s7] =	ssyncadd.s32 $0xFFFFFC00  }
0x121: {  	_ =	swait.ge [sflag:s7], $0x400  }
0x122: {  	[sflag:s7] =	ssyncset.done $0x0  }
0x123: {  	[sflag:s7] =	ssyncadd.s32 $0xFFFFFC00  }
0x124: {  	_ =	swait.ge [sflag:s7], $0x400  }
0x125: {  	[sflag:s7] =	ssyncset.done $0x0  }
0x126: {  	[sflag:s7] =	ssyncadd.s32 $0xFFFFFC00  }
0x127: {  	_ =	swait.ge [sflag:s7], $0x400  }
0x128: {  	[sflag:s7] =	ssyncset.done $0x0  }
0x129: {  	[sflag:s7] =	ssyncadd.s32 $0xFFFFFC00  }
0x12a: {  	_ =	swait.ge [sflag:s7], $0x400  }
0x12b: {  	[sflag:s7] =	ssyncset.done $0x0  }
0x12c: {  	[sflag:s7] =	ssyncadd.s32 $0xFFFFFC00  }
0x12d: {  	_ =	swait.ge [sflag:s7], $0x400  }
0x12e: {  	[sflag:s7] =	ssyncset.done $0x0  }
0x12f: {  	[sflag:s7] =	ssyncadd.s32 $0xFFFFFC00  }
0x130: {  	_ =	swait.ge [sflag:s7], $0x400  }
0x131: {  	[sflag:s7] =	ssyncset.done $0x0  }
0x132: {  	[sflag:s7] =	ssyncadd.s32 $0xFFFFFC00  }
0x133: {  	_ =	swait.ge [sflag:s7], $0x400  }
0x134: {  	[sflag:s7] =	ssyncset.done $0x0  }
0x135: {  	[sflag:s7] =	ssyncadd.s32 $0xFFFFFC00  }
0x136: {  	_ =	swait.ge [sflag:s7], $0x400  }
0x137: {  	[sflag:s7] =	ssyncset.done $0x0  }
0x138: {  	[sflag:s7] =	ssyncadd.s32 $0xFFFFFC00  }
0x139: {  	_ =	swait.ge [sflag:s7], $0x400  }
0x13a: {  	[sflag:s7] =	ssyncset.done $0x0  }
0x13b: {  	[sflag:s7] =	ssyncadd.s32 $0xFFFFFC00  }
0x13c: {  	_ =	swait.ge [sflag:s7], $0x400  }
0x13d: {  	[sflag:s7] =	ssyncset.done $0x0  }
0x13e: {  	[sflag:s7] =	ssyncadd.s32 $0xFFFFFC00  }
0x13f: {  	_ =	swait.ge [sflag:s7], $0x400  }
0x140: {  	[sflag:s7] =	ssyncset.done $0x0  }
0x141: {  	[sflag:s7] =	ssyncadd.s32 $0xFFFFFC00  }
0x142: {  	_ =	swait.ge [sflag:s7], $0x400  }
0x143: {  	[sflag:s7] =	ssyncset.done $0x0  }
0x144: {  	[sflag:s7] =	ssyncadd.s32 $0xFFFFFC00  }
0x145: {  	_ =	swait.ge [sflag:s7], $0x400  }
0x146: {  	[sflag:s7] =	ssyncset.done $0x0  }
0x147: {  	[sflag:s7] =	ssyncadd.s32 $0xFFFFFC00  }
0x148: {  	_ =	swait.ge [sflag:s7], $0x400  }
0x149: {  	[sflag:s7] =	ssyncset.done $0x0  }
0x14a: {  	[sflag:s7] =	ssyncadd.s32 $0xFFFFFC00  }
0x14b: {  	_ =	swait.ge [sflag:s7], $0x400  }
0x14c: {  	[sflag:s7] =	ssyncset.done $0x0  }
0x14d: {  	[sflag:s7] =	ssyncadd.s32 $0xFFFFFC00  }
0x14e: {  	_ =	swait.ge [sflag:s7], $0x400  }
0x14f: {  	[sflag:s7] =	ssyncset.done $0x0  }
0x150: {  	[sflag:s7] =	ssyncadd.s32 $0xFFFFFC00  }
0x151: {  	_ =	swait.ge [sflag:s7], $0x400  }
0x152: {  	[sflag:s7] =	ssyncset.done $0x0  }
0x153: {  	[sflag:s7] =	ssyncadd.s32 $0xFFFFFC00  }
0x154: {  	_ =	swait.ge [sflag:s7], $0x400  }
0x155: {  	s5 =	sld [smem:$0x7EF];
	_ =	sdelay $0x2  }
0x156: {  	[sflag:s7] =	ssyncset.done $0x0;
	s0 =	sshll.u32 s5, $0x7  }
0x157: {  	[sflag:s7] =	ssyncadd.s32 $0xFFFFFC00;
	s0 =	sand.u32 $0x380, s0  }
0x158: {  	v1 =	vld.idx.msk [tilespmem:v0+s0+$0x0 ss:$0x1], $0xffff  }
0x159: {  	s5 =	sld [smem:$0x7F0];
	_ =	sdelay $0x2  }
0x15a: {  	s0 =	sshll.u32 s5, $0x7  }
0x15b: {  	s0 =	sand.u32 $0x380, s0;
	[tilespmem:$0x8080] =	vst v1  }
0x15c: {  	v1 =	vld.idx.msk [tilespmem:v0+s0+$0x400 ss:$0x1], $0xffff  }
0x15d: {  	s5 =	sld [smem:$0x7F1];
	_ =	sdelay $0x2  }
0x15e: {  	s0 =	sshll.u32 s5, $0x7  }
0x15f: {  	s0 =	sand.u32 $0x380, s0;
	[tilespmem:$0x8100] =	vst v1  }
0x160: {  	v1 =	vld.idx.msk [tilespmem:v0+s0+$0x800 ss:$0x1], $0xffff  }
0x161: {  	s5 =	sld [smem:$0x7F2];
	_ =	sdelay $0x2  }
0x162: {  	s0 =	sshll.u32 s5, $0x7  }
0x163: {  	s0 =	sand.u32 $0x380, s0;
	[tilespmem:$0x8180] =	vst v1  }
0x164: {  	v1 =	vld.idx.msk [tilespmem:v0+s0+$0xC00 ss:$0x1], $0xffff  }
0x165: {  	s5 =	sld [smem:$0x7F3];
	_ =	sdelay $0x2  }
0x166: {  	s0 =	sshll.u32 s5, $0x7  }
0x167: {  	s0 =	sand.u32 $0x380, s0;
	[tilespmem:$0x8200] =	vst v1  }
0x168: {  	v1 =	vld.idx.msk [tilespmem:v0+s0+$0x1000 ss:$0x1], $0xffff  }
0x169: {  	s5 =	sld [smem:$0x7F4];
	_ =	sdelay $0x2  }
0x16a: {  	s0 =	sshll.u32 s5, $0x7  }
0x16b: {  	s0 =	sand.u32 $0x380, s0;
	[tilespmem:$0x8280] =	vst v1  }
0x16c: {  	v1 =	vld.idx.msk [tilespmem:v0+s0+$0x1400 ss:$0x1], $0xffff  }
0x16d: {  	s5 =	sld [smem:$0x7F5];
	_ =	sdelay $0x2  }
0x16e: {  	s0 =	sshll.u32 s5, $0x7  }
0x16f: {  	s0 =	sand.u32 $0x380, s0;
	[tilespmem:$0x8300] =	vst v1  }
0x170: {  	v1 =	vld.idx.msk [tilespmem:v0+s0+$0x1800 ss:$0x1], $0xffff  }
0x171: {  	s5 =	sld [smem:$0x7F6];
	_ =	sdelay $0x2  }
0x172: {  	s0 =	sshll.u32 s5, $0x7  }
0x173: {  	s0 =	sand.u32 $0x380, s0;
	[tilespmem:$0x8380] =	vst v1  }
0x174: {  	v1 =	vld.idx.msk [tilespmem:v0+s0+$0x1C00 ss:$0x1], $0xffff;
	_ =	sdelay $0x3  }
0x175: {  	s16 =	sshll.u32 s16, $0x7  }
0x176: {  	s0 =	sand.u32 $0x380, s16;
	[tilespmem:$0x8400] =	vst v1  }
0x177: {  	v1 =	vld.idx.msk [tilespmem:v0+s0+$0x2000 ss:$0x1], $0xffff;
	_ =	sdelay $0x3  }
0x178: {  	s17 =	sshll.u32 s17, $0x7  }
0x179: {  	s0 =	sand.u32 $0x380, s17;
	[tilespmem:$0x8480] =	vst v1  }
0x17a: {  	v1 =	vld.idx.msk [tilespmem:v0+s0+$0x2400 ss:$0x1], $0xffff;
	_ =	sdelay $0x3  }
0x17b: {  	s18 =	sshll.u32 s18, $0x7  }
0x17c: {  	s0 =	sand.u32 $0x380, s18;
	[tilespmem:$0x8500] =	vst v1  }
0x17d: {  	v1 =	vld.idx.msk [tilespmem:v0+s0+$0x2800 ss:$0x1], $0xffff;
	_ =	sdelay $0x3  }
0x17e: {  	s19 =	sshll.u32 s19, $0x7  }
0x17f: {  	s0 =	sand.u32 $0x380, s19;
	[tilespmem:$0x8580] =	vst v1  }
0x180: {  	v1 =	vld.idx.msk [tilespmem:v0+s0+$0x2C00 ss:$0x1], $0xffff;
	_ =	sdelay $0x3  }
0x181: {  	s20 =	sshll.u32 s20, $0x7  }
0x182: {  	s0 =	sand.u32 $0x380, s20;
	[tilespmem:$0x8600] =	vst v1  }
0x183: {  	v1 =	vld.idx.msk [tilespmem:v0+s0+$0x3000 ss:$0x1], $0xffff;
	_ =	sdelay $0x3  }
0x184: {  	s21 =	sshll.u32 s21, $0x7  }
0x185: {  	s0 =	sand.u32 $0x380, s21;
	[tilespmem:$0x8680] =	vst v1  }
0x186: {  	v1 =	vld.idx.msk [tilespmem:v0+s0+$0x3400 ss:$0x1], $0xffff;
	_ =	sdelay $0x3  }
0x187: {  	s22 =	sshll.u32 s22, $0x7  }
0x188: {  	s0 =	sand.u32 $0x380, s22;
	[tilespmem:$0x8700] =	vst v1  }
0x189: {  	v1 =	vld.idx.msk [tilespmem:v0+s0+$0x3800 ss:$0x1], $0xffff;
	_ =	sdelay $0x3  }
0x18a: {  	s23 =	sshll.u32 s23, $0x7  }
0x18b: {  	s0 =	sand.u32 $0x380, s23;
	[tilespmem:$0x8780] =	vst v1  }
0x18c: {  	v1 =	vld.idx.msk [tilespmem:v0+s0+$0x3C00 ss:$0x1], $0xffff;
	_ =	sdelay $0x3  }
0x18d: {  	s24 =	sshll.u32 s24, $0x7  }
0x18e: {  	s0 =	sand.u32 $0x380, s24;
	[tilespmem:$0x8800] =	vst v1  }
0x18f: {  	v1 =	vld.idx.msk [tilespmem:v0+s0+$0x4010 ss:$0x1], $0xffff;
	_ =	sdelay $0x3  }
0x190: {  	s25 =	sshll.u32 s25, $0x7  }
0x191: {  	s0 =	sand.u32 $0x380, s25;
	[tilespmem:$0x8880] =	vst v1  }
0x192: {  	v1 =	vld.idx.msk [tilespmem:v0+s0+$0x4410 ss:$0x1], $0xffff;
	_ =	sdelay $0x3  }
0x193: {  	s26 =	sshll.u32 s26, $0x7  }
0x194: {  	s0 =	sand.u32 $0x380, s26;
	[tilespmem:$0x8900] =	vst v1  }
0x195: {  	v1 =	vld.idx.msk [tilespmem:v0+s0+$0x4810 ss:$0x1], $0xffff;
	_ =	sdelay $0x3  }
0x196: {  	s28 =	sshll.u32 s28, $0x7  }
0x197: {  	s0 =	sand.u32 $0x380, s28;
	[tilespmem:$0x8980] =	vst v1  }
0x198: {  	v1 =	vld.idx.msk [tilespmem:v0+s0+$0x4C10 ss:$0x1], $0xffff;
	_ =	sdelay $0x3  }
0x199: {  	s5 =	sshll.u32 s29, $0x7  }
0x19a: {  	s0 =	sand.u32 $0x380, s5;
	[tilespmem:$0x8A00] =	vst v1  }
0x19b: {  	v1 =	vld.idx.msk [tilespmem:v0+s0+$0x5010 ss:$0x1], $0xffff;
	_ =	sdelay $0x3  }
0x19c: {  	s16 =	sshll.u32 s30, $0x7  }
0x19d: {  	s0 =	sand.u32 $0x380, s16;
	[tilespmem:$0x8A80] =	vst v1  }
0x19e: {  	v1 =	vld.idx.msk [tilespmem:v0+s0+$0x5410 ss:$0x1], $0xffff;
	_ =	sdelay $0x3  }
0x19f: {  	s17 =	sshll.u32 s31, $0x7  }
0x1a0: {  	s0 =	sand.u32 $0x380, s17;
	[tilespmem:$0x8B00] =	vst v1  }
0x1a1: {  	v1 =	vld.idx.msk [tilespmem:v0+s0+$0x5810 ss:$0x1], $0xffff;
	_ =	sdelay $0x3  }
0x1a2: {  	s18 =	sshll.u32 s15, $0x7  }
0x1a3: {  	s0 =	sand.u32 $0x380, s18;
	[tilespmem:$0x8B80] =	vst v1  }
0x1a4: {  	v1 =	vld.idx.msk [tilespmem:v0+s0+$0x5C10 ss:$0x1], $0xffff;
	_ =	sdelay $0x3  }
0x1a5: {  	s19 =	sshll.u32 s13, $0x7  }
0x1a6: {  	s0 =	sand.u32 $0x380, s19;
	[tilespmem:$0x8C00] =	vst v1  }
0x1a7: {  	v1 =	vld.idx.msk [tilespmem:v0+s0+$0x6010 ss:$0x1], $0xffff;
	_ =	sdelay $0x3  }
0x1a8: {  	s20 =	sshll.u32 s12, $0x7  }
0x1a9: {  	s0 =	sand.u32 $0x380, s20;
	[tilespmem:$0x8C80] =	vst v1  }
0x1aa: {  	v1 =	vld.idx.msk [tilespmem:v0+s0+$0x6410 ss:$0x1], $0xffff;
	_ =	sdelay $0x3  }
0x1ab: {  	s21 =	sshll.u32 s11, $0x7  }
0x1ac: {  	s0 =	sand.u32 $0x380, s21;
	[tilespmem:$0x8D00] =	vst v1  }
0x1ad: {  	v1 =	vld.idx.msk [tilespmem:v0+s0+$0x6810 ss:$0x1], $0xffff;
	_ =	sdelay $0x3  }
0x1ae: {  	s22 =	sshll.u32 s10, $0x7  }
0x1af: {  	s0 =	sand.u32 $0x380, s22;
	[tilespmem:$0x8D80] =	vst v1  }
0x1b0: {  	v1 =	vld.idx.msk [tilespmem:v0+s0+$0x6C10 ss:$0x1], $0xffff;
	_ =	sdelay $0x3  }
0x1b1: {  	s23 =	sshll.u32 s9, $0x7  }
0x1b2: {  	s0 =	sand.u32 $0x380, s23;
	[tilespmem:$0x8E00] =	vst v1  }
0x1b3: {  	v1 =	vld.idx.msk [tilespmem:v0+s0+$0x7010 ss:$0x1], $0xffff;
	_ =	sdelay $0x3  }
0x1b4: {  	s24 =	sshll.u32 s8, $0x7  }
0x1b5: {  	s0 =	sand.u32 $0x380, s24;
	[tilespmem:$0x8E80] =	vst v1  }
0x1b6: {  	v1 =	vld.idx.msk [tilespmem:v0+s0+$0x7410 ss:$0x1], $0xffff;
	_ =	sdelay $0x3  }
0x1b7: {  	s25 =	sshll.u32 s6, $0x7  }
0x1b8: {  	s0 =	sand.u32 $0x380, s25;
	[tilespmem:$0x8F00] =	vst v1  }
0x1b9: {  	v1 =	vld.idx.msk [tilespmem:v0+s0+$0x7810 ss:$0x1], $0xffff;
	_ =	sdelay $0x3  }
0x1ba: {  	s26 =	sshll.u32 s2, $0x7  }
0x1bb: {  	s0 =	sand.u32 $0x380, s26;
	[tilespmem:$0x8F80] =	vst v1  }
0x1bc: {  	v1 =	vld.idx.msk [tilespmem:v0+s0+$0x7C10 ss:$0x1], $0xffff;
	_ =	sdelay $0x2  }
0x1bd: {  	s29 =	sld [smem:$0x7FD]  }
0x1be: {  	p0 =	sne.s32 s14, $0x1  }
.Ltmp0:
0x1bf: {  	s30 =	simm.s32 $0x2;
	s28 =	rddreg [dreg:$0x5];
	[tilespmem:$0x9000] =	vst v1;
	(pc) =	sbr.rel @p0 .LBB2_1-.Ltmp0, $4  }
0x1c0: {  	[hbm4b:s28+s3] =	stream.linear.scatter [tilespmem:s29], [sflag:$0x2], $0x1000, $0x38;
	[tilespmem:$0x9080] =	vst v63  }
0x1c1: {  	_ =	swait.ge [sflag:s30], $0x1000  }
0x1c2: {  	s31 =	simm.s32 $0x2;
	[sflag:s30] =	ssyncset.done $0x0  }
0x1c3: {  	s14 =	sadd.s32 $0xFFFFFFFF, s14;
	[sflag:s31] =	ssyncadd.s32 $0xFFFFF000  }
0x1c4: {  	_ =	sfence.sel $0x180000  }
0x1c5: {  	[bflag:$0x0] =	sbarrier.arrive $0xFFFF  }
0x1c6: {  	_ =	strace $0x90000047  }
0x1c7: {  	s0 =	stileid.u32;
	[bflag:$0x2] =	sbarrier.arrive $0xFFFF  }
0x1c8: {  	p0 =	sne.s32 s0, $0x0;
	s0 =	rddreg [dreg:$0x3]  }
0x1c9: {  	s0 =	sadd.s32 @!p0 $0x100000, s0  }
0x1ca: {  	[sflag:s0] =	ssyncadd.tile.s32 @!p0 $0x1;
	_ =	shalt  }
.Lfunc_end2:
_tile_overlayer_lowered:
.L_overlay_start_2:
0x1cb: {  	(tag) =	ssettag $0x2  }
0x1cc: {  	s0 =	rddreg [dreg:$0x0];
	s2 =	stileid.u32  }
0x1cd: {  	s1 =	rddreg [dreg:$0x1];
	p0 =	sne.s32 s2, $0x0  }
0x1ce: {  	s3 =	rddreg [dreg:$0x2];
	[bflag:$0x3] =	sbarrier.arrive $0xFFFF;
	s2 =	simm.s32 @!p0 $0x1C02  }
0x1cf: {  	[timem:s3], [sflag:s2] =	dma.local @!p0 [hbm:s0], s1  }
0x1d0: {  	s0 =	simm.s32 @!p0 $0x2  }
0x1d1: {  	_ =	swait.ge @!p0 [sflag:s0], s1  }
0x1d2: {  	s1 =	ssub.s32 @!p0 $0x0, s1;
	[sflag:s0] =	ssyncset.done @!p0 $0x0  }
0x1d3: {  	[sflag:s0] =	ssyncadd.s32 @!p0 s1  }
0x1d4: {  	[bflag:$0x3] =	sbarrier.arrive $0xFFFF  }
0x1d5: {  	_ =	shalt  }

</sc_bundles>
